<compile_context>
chip_gen: v7x
topology: tpu7x:2x2x1
jax: 0.10.2.dev20260603
libtpu: 0.0.44.dev20260713+nightly
codegen_flags: <defaults>
</compile_context>

<pallas_src>
import jax
import jax.numpy as jnp
from jax import lax
from jax.experimental import pallas as pl
from jax.experimental.pallas import tpu as pltpu
from jax.experimental.pallas import tpu_sc as plsc

B = 4096
M = 50
EMB = 64
H1 = 64
H2 = 32
N_ROWS = 1000000

NC = 2
NS = 16
NW = NC * NS
U_PER_W = B // NW
R_PER_W = U_PER_W * M
CHUNK = 128
N_CHUNKS = R_PER_W // CHUNK

PCOL = 4096
PGRID = (N_ROWS + PCOL - 1) // PCOL

GB = 64
ROWS = GB * M

LANES = 16


def _sc_users_body(users_hbm, umlpT_hbm, umfT_hbm,
                   uml_out, umf_out,
                   uidx_v, blk_a, blk_b, row_v, sem_a, sem_b):
    wid = lax.axis_index("s") * NC + lax.axis_index("c")
    ubase = wid * U_PER_W
    pltpu.sync_copy(users_hbm.at[pl.ds(ubase, U_PER_W)], uidx_v)
    lane_iota = lax.broadcasted_iota(jnp.int32, (LANES,), 0)

    def group(gi, carry):
        gvec = uidx_v[pl.ds(gi * LANES, LANES)]
        for j in range(LANES):
            i = jnp.sum(jnp.where(lane_iota == j, gvec, 0))
            g = pl.multiple_of((i // 128) * 128, 128)
            c = i - g
            cp_a = pltpu.async_copy(
                umlpT_hbm.at[:, pl.ds(g, 128)], blk_a, sem_a)
            cp_b = pltpu.async_copy(
                umfT_hbm.at[:, pl.ds(g, 128)], blk_b, sem_b)
            cidx = jnp.full((LANES,), c, jnp.int32)
            k = ubase + gi * LANES + j
            cp_a.wait()
            for t in range(EMB // LANES):
                ridx = lane_iota + (LANES * t)
                row_v[pl.ds(LANES * t, LANES)] = plsc.load_gather(
                    blk_a, [ridx, cidx])
            pltpu.sync_copy(row_v, uml_out.at[pl.ds(k * EMB, EMB)])
            cp_b.wait()
            for t in range(EMB // LANES):
                ridx = lane_iota + (LANES * t)
                row_v[pl.ds(LANES * t, LANES)] = plsc.load_gather(
                    blk_b, [ridx, cidx])
            pltpu.sync_copy(row_v, umf_out.at[pl.ds(k * EMB, EMB)])
        return carry

    lax.fori_loop(0, U_PER_W // LANES, group, 0)


_sc_users = pl.kernel(
    _sc_users_body,
    out_type=(
        jax.ShapeDtypeStruct((B * EMB,), jnp.float32),
        jax.ShapeDtypeStruct((B * EMB,), jnp.float32),
    ),
    mesh=plsc.VectorSubcoreMesh(
        core_axis_name="c", subcore_axis_name="s",
        num_cores=NC, num_subcores=NS),
    scratch_types=[
        pltpu.VMEM((U_PER_W,), jnp.int32),
        pltpu.VMEM((EMB, 128), jnp.float32),
        pltpu.VMEM((EMB, 128), jnp.float32),
        pltpu.VMEM((EMB,), jnp.float32),
        pltpu.SemaphoreType.DMA,
        pltpu.SemaphoreType.DMA,
    ],
    compiler_params=pltpu.CompilerParams(needs_layout_passes=False),
)


_DN_T = (((0,), (0,)), ((), ()))


def _pack_body(imlp_ref, imf_ref, w1v_ref, ident_ref, pi_ref):
    pi_ref[:, 0:EMB] = lax.dot_general(
        imlp_ref[...], w1v_ref[...], _DN_T, preferred_element_type=jnp.float32)
    pi_ref[:, EMB:2 * EMB] = lax.dot_general(
        imf_ref[...], ident_ref[...], _DN_T,
        preferred_element_type=jnp.float32)


_pack = pl.pallas_call(
    _pack_body,
    grid=(PGRID,),
    in_specs=[
        pl.BlockSpec((EMB, PCOL), lambda i: (0, i)),
        pl.BlockSpec((EMB, PCOL), lambda i: (0, i)),
        pl.BlockSpec((EMB, H1), lambda i: (0, 0)),
        pl.BlockSpec((EMB, EMB), lambda i: (0, 0)),
    ],
    out_specs=pl.BlockSpec((PCOL, 2 * EMB), lambda i: (i, 0)),
    out_shape=jax.ShapeDtypeStruct((N_ROWS, 2 * EMB), jnp.float32),
)


def _sc_items_body(items_hbm, pi_hbm, v_out,
                   iidx_a, iidx_b, vrows_a, vrows_b, sem_a, sem_b):
    wid = lax.axis_index("s") * NC + lax.axis_index("c")
    rbase = wid * R_PER_W

    def chunk2(p, carry):
        r0 = rbase + p * (2 * CHUNK)
        r1 = r0 + CHUNK
        pltpu.sync_copy(items_hbm.at[pl.ds(r0, CHUNK)], iidx_a)
        pltpu.sync_copy(items_hbm.at[pl.ds(r1, CHUNK)], iidx_b)
        cp_a = pltpu.async_copy(pi_hbm.at[iidx_a], vrows_a, sem_a)
        cp_b = pltpu.async_copy(pi_hbm.at[iidx_b], vrows_b, sem_b)
        cp_a.wait()
        pltpu.sync_copy(vrows_a, v_out.at[pl.ds(r0, CHUNK)])
        cp_b.wait()
        pltpu.sync_copy(vrows_b, v_out.at[pl.ds(r1, CHUNK)])
        return carry

    lax.fori_loop(0, N_CHUNKS // 2, chunk2, 0)


_sc_items = pl.kernel(
    _sc_items_body,
    out_type=jax.ShapeDtypeStruct((B * M, 2 * EMB), jnp.float32),
    mesh=plsc.VectorSubcoreMesh(
        core_axis_name="c", subcore_axis_name="s",
        num_cores=NC, num_subcores=NS),
    scratch_types=[
        pltpu.VMEM((CHUNK,), jnp.int32),
        pltpu.VMEM((CHUNK,), jnp.int32),
        pltpu.VMEM((CHUNK, 2 * EMB), jnp.float32),
        pltpu.VMEM((CHUNK, 2 * EMB), jnp.float32),
        pltpu.SemaphoreType.DMA,
        pltpu.SemaphoreType.DMA,
    ],
)


def _tc_body(v_ref, uml_ref, umf_ref, s_ref, w1u_ref, b1_ref,
             w2_ref, b2_ref, out_mlp_ref, out_mf_ref):
    vp = v_ref[...]
    up = jnp.dot(uml_ref[...], w1u_ref[...],
                 preferred_element_type=jnp.float32) + b1_ref[...]
    u_cat = jnp.concatenate([up, umf_ref[...]], axis=1)
    z = jnp.dot(s_ref[...], u_cat,
                preferred_element_type=jnp.float32)
    zv = z + vp
    h = jnp.maximum(zv[:, 0:H1], 0.0)
    out_mlp_ref[...] = jnp.dot(h, w2_ref[...],
                               preferred_element_type=jnp.float32) + b2_ref[...]
    out_mf_ref[...] = z[:, EMB:2 * EMB] * vp[:, EMB:2 * EMB]


_tc_dense = pl.pallas_call(
    _tc_body,
    grid=(B // GB,),
    in_specs=[
        pl.BlockSpec((ROWS, 2 * EMB), lambda i: (i, 0)),
        pl.BlockSpec((GB, EMB), lambda i: (i, 0)),
        pl.BlockSpec((GB, EMB), lambda i: (i, 0)),
        pl.BlockSpec((ROWS, GB), lambda i: (0, 0)),
        pl.BlockSpec((EMB, H1), lambda i: (0, 0)),
        pl.BlockSpec((1, H1), lambda i: (0, 0)),
        pl.BlockSpec((H1, H2), lambda i: (0, 0)),
        pl.BlockSpec((1, H2), lambda i: (0, 0)),
    ],
    out_specs=[
        pl.BlockSpec((ROWS, H2), lambda i: (i, 0)),
        pl.BlockSpec((ROWS, EMB), lambda i: (i, 0)),
    ],
    out_shape=[
        jax.ShapeDtypeStruct((B * M, H2), jnp.float32),
        jax.ShapeDtypeStruct((B * M, EMB), jnp.float32),
    ],
)


def kernel(users, items, user_mlp_table, user_mf_table,
           item_mlp_table, item_mf_table, W1, b1, W2, b2):
    users = users.astype(jnp.int32)
    items_flat = items.reshape(-1).astype(jnp.int32)

    uml_flat, umf_flat = _sc_users(users, user_mlp_table.T, user_mf_table.T)

    packed_items = _pack(item_mlp_table.T, item_mf_table.T,
                         W1[EMB:], jnp.eye(EMB, dtype=jnp.float32))

    v_packed = _sc_items(items_flat, packed_items)

    s = (lax.broadcasted_iota(jnp.int32, (ROWS, GB), 0) // M
         == lax.broadcasted_iota(jnp.int32, (ROWS, GB), 1)).astype(jnp.float32)

    out_mlp, out_mf = _tc_dense(
        v_packed, uml_flat.reshape(B, EMB), umf_flat.reshape(B, EMB),
        s, W1[:EMB], b1.reshape(1, H1), W2, b2.reshape(1, H2))

    return out_mlp.reshape(B, M, H2), out_mf.reshape(B, M, EMB)

# --- scband reference (transcript-rebuilt; emitter-appended) ---
"""Pipeline reference for scband-neu-mf-49168785604708 (READ-ONLY COPY).

The authoritative reference and input builder live on the scoring server;
editing this copy changes nothing except your own understanding.
"""

import jax, jax.numpy as jnp
import numpy as np

NUM_USERS = 1000000
NUM_ITEMS = 1000000
EMB = 64
B = 4096
M = 50
H1 = 64
H2 = 32


def setup_inputs(seed: int = 0) -> dict:
    key = jax.random.key(seed)
    ks = jax.random.split(key, 10)
    users = jax.random.randint(ks[0], (B,), 0, NUM_USERS)
    items = jax.random.randint(ks[1], (B, M), 0, NUM_ITEMS)
    s = 0.05
    user_mlp_table = jax.random.normal(ks[2], (NUM_USERS, EMB), jnp.float32) * s
    user_mf_table = jax.random.normal(ks[3], (NUM_USERS, EMB), jnp.float32) * s
    item_mlp_table = jax.random.normal(ks[4], (NUM_ITEMS, EMB), jnp.float32) * s
    item_mf_table = jax.random.normal(ks[5], (NUM_ITEMS, EMB), jnp.float32) * s
    W1 = jax.random.normal(ks[6], (2 * EMB, H1), jnp.float32) * (1.0 / np.sqrt(2 * EMB))
    b1 = jnp.zeros((H1,), jnp.float32)
    W2 = jax.random.normal(ks[7], (H1, H2), jnp.float32) * (1.0 / np.sqrt(H1))
    b2 = jnp.zeros((H2,), jnp.float32)
    return {
        "users": users,
        "items": items,
        "user_mlp_table": user_mlp_table,
        "user_mf_table": user_mf_table,
        "item_mlp_table": item_mlp_table,
        "item_mf_table": item_mf_table,
        "W1": W1,
        "b1": b1,
        "W2": W2,
        "b2": b2,
    }


def reference(users, items, user_mlp_table, user_mf_table, item_mlp_table, item_mf_table, W1, b1, W2, b2):
    # my_index_select_embedding == gather rows, reshape to index shape + [-1]
    u_mlp = jnp.take(user_mlp_table, users, axis=0)          # [B, EMB]
    u_mf = jnp.take(user_mf_table, users, axis=0)            # [B, EMB]
    v_mlp = jnp.take(item_mlp_table, items.reshape(-1), axis=0).reshape(B, M, EMB)
    v_mf = jnp.take(item_mf_table, items.reshape(-1), axis=0).reshape(B, M, EMB)
    # eval path: expand user embeddings across candidate items
    u_mlp_b = jnp.broadcast_to(u_mlp[:, None, :], (B, M, EMB))
    u_mf_b = jnp.broadcast_to(u_mf[:, None, :], (B, M, EMB))
    mlp_vector = jnp.concatenate([u_mlp_b, v_mlp], axis=-1)  # [B, M, 2*EMB]
    mf_vector = u_mf_b * v_mf                                # [B, M, EMB]
    # MLP tower: Linear(2*EMB -> H1) + ReLU + Linear(H1 -> H2)
    h = jax.nn.relu(mlp_vector @ W1 + b1)
    mlp_vector = h @ W2 + b2                                 # [B, M, H2]
    return (mlp_vector, mf_vector)

if __name__ == "__main__":
    import jax
    _d = setup_inputs()
    print(jax.jit(kernel)(*tuple(_d.values())))

</pallas_src>

<mosaic_0001>
#map = affine_map<(d0, d1) -> (0)>
#map1 = affine_map<(d0, d1) -> (0, 0)>
module attributes {stable_mosaic.version = 14 : i64} {
  func.func @_sc_users_body(%arg0: i32, %arg1: i32, %arg2: memref<4096xi32, #tpu.memory_space<hbm>>, %arg3: memref<64x1000000xf32, #tpu.memory_space<hbm>>, %arg4: memref<64x1000000xf32, #tpu.memory_space<hbm>>, %arg5: memref<262144xf32, #tpu.memory_space<hbm>>, %arg6: memref<262144xf32, #tpu.memory_space<hbm>>, %arg7: memref<128xi32, #tpu.memory_space<vmem>>, %arg8: memref<64x128xf32, #tpu.memory_space<vmem>>, %arg9: memref<64x128xf32, #tpu.memory_space<vmem>>, %arg10: memref<64xf32, #tpu.memory_space<vmem>>, %arg11: memref<!tpu.dma_semaphore, #tpu.memory_space<semaphore_mem>>, %arg12: memref<!tpu.dma_semaphore, #tpu.memory_space<semaphore_mem>>) attributes {dimension_semantics = [#tpu.dimension_semantics<core_parallel>, #tpu.dimension_semantics<subcore_parallel>], iteration_bounds = array<i64: 2, 16>, scalar_prefetch = 0 : i64, scratch_operands = 6 : i64, tpu.core_type = #tpu.core_type<sc_vector_subcore>, window_params = [{transform_indices = #map}, {transform_indices = #map1}, {transform_indices = #map1}, {transform_indices = #map}, {transform_indices = #map}]} {
    %mul3A = arith.constant 2 : i32
    %mul3A_0 = arith.muli %arg1, %mul3A : i32
    %add3A = arith.addi %mul3A_0, %arg0 : i32
    %mul3A_1 = arith.constant 128 : i32
    %mul3A_2 = arith.muli %add3A, %mul3A_1 : i32
    "tpu.region"() ({
      %run_scoped3A = tpu.sem_alloc : memref<!tpu.dma_semaphore, #tpu.memory_space<semaphore_mem>>
      %dma_start3A = tpu.memref_slice %arg2[%mul3A_2] : memref<4096xi32, #tpu.memory_space<hbm>> -> memref<128xi32, #tpu.memory_space<hbm>>
      %dma_start3A_8 = tpu.memref_slice %arg2[%mul3A_2] : memref<4096xi32, #tpu.memory_space<hbm>> -> memref<128xi32, #tpu.memory_space<hbm>>
      tpu.enqueue_dma source(%dma_start3A_8 : memref<128xi32, #tpu.memory_space<hbm>>) target(%arg7 : memref<128xi32, #tpu.memory_space<vmem>>) target_semaphore(%run_scoped3A : memref<!tpu.dma_semaphore, #tpu.memory_space<semaphore_mem>>)
      %dma_wait3A = tpu.memref_slice %arg2[%mul3A_2] : memref<4096xi32, #tpu.memory_space<hbm>> -> memref<128xi32, #tpu.memory_space<hbm>>
      %dma_wait3A_9 = tpu.memref_slice %arg2[%mul3A_2] : memref<4096xi32, #tpu.memory_space<hbm>> -> memref<128xi32, #tpu.memory_space<hbm>>
      tpu.wait_dma2 semaphore(%run_scoped3A : memref<!tpu.dma_semaphore, #tpu.memory_space<semaphore_mem>>) src(%dma_wait3A_9 : memref<128xi32, #tpu.memory_space<hbm>>) dst(%arg7 : memref<128xi32, #tpu.memory_space<vmem>>)
      tpu.yield
    }) : () -> ()
    %iota3A = tpu.iota {dimensions = array<i32: 0>} : vector<16xi32>
    %scan3A = arith.constant 0 : i32
    %scan3A_3 = arith.constant 0 : i32
    %scan3A_4 = arith.constant 8 : i32
    %scan3A_5 = arith.addi %scan3A_3, %scan3A_4 : i32
    %scan3A_6 = arith.constant 1 : i32
    scf.for %scan3A_8 = %scan3A_3 to %scan3A_5 step %scan3A_6  : i32 {
      %mul3A_9 = arith.constant 16 : i32
      %mul3A_10 = arith.muli %scan3A_8, %mul3A_9 : i32
      %get3A = arith.index_cast %mul3A_10 : i32 to index
      %get3A_11 = tpu.vector_load %arg7[%get3A] {strides = array<i32>} : memref<128xi32, #tpu.memory_space<vmem>>, vector<16xi32>,
      %eq3A = arith.constant 0 : i32
      %eq3A_12 = vector.broadcast %eq3A : i32 to vector<16xi32>
      %eq3A_13 = arith.cmpi eq, %iota3A, %eq3A_12 : vector<16xi32>
      %jit3A = arith.constant 0 : i32
      %broadcast_in_dim3A = vector.broadcast %jit3A : i32 to vector<16xi32>
      %select_n3A = arith.select %eq3A_13, %get3A_11, %broadcast_in_dim3A : vector<16xi1>, vector<16xi32>
      %reduce_sum3A = arith.constant true
      %reduce_sum3A_14 = vector.broadcast %reduce_sum3A : i1 to vector<16xi1>
      %reduce_sum3A_15 = tpu.scan <sum>, %select_n3A masked %reduce_sum3A_14 : vector<16xi32>, vector<16xi1> -> vector<16xi32>
      %reduce_sum3A_16 = vector.extract %reduce_sum3A_15[15] : i32 from vector<16xi32>
      %jit3A_17 = arith.constant 128 : i32
      %div3A = arith.divsi %reduce_sum3A_16, %jit3A_17 : i32
      %sign3A = arith.constant 0 : i32
      %sign3A_18 = arith.cmpi sgt, %reduce_sum3A_16, %sign3A : i32
      %sign3A_19 = arith.extui %sign3A_18 : i1 to i32
      %sign3A_20 = arith.constant 0 : i32
      %sign3A_21 = arith.cmpi slt, %reduce_sum3A_16, %sign3A_20 : i32
      %sign3A_22 = arith.extui %sign3A_21 : i1 to i32
      %sign3A_23 = arith.subi %sign3A_19, %sign3A_22 : i32
      %sign3A_24 = arith.constant 0 : i32
      %sign3A_25 = arith.cmpi sgt, %jit3A_17, %sign3A_24 : i32
      %sign3A_26 = arith.extui %sign3A_25 : i1 to i32
      %sign3A_27 = arith.constant 0 : i32
      %sign3A_28 = arith.cmpi slt, %jit3A_17, %sign3A_27 : i32
      %sign3A_29 = arith.extui %sign3A_28 : i1 to i32
      %sign3A_30 = arith.subi %sign3A_26, %sign3A_29 : i32
      %ne3A = arith.cmpi ne, %sign3A_23, %sign3A_30 : i32
      %rem3A = arith.remsi %reduce_sum3A_16, %jit3A_17 : i32
      %ne3A_31 = arith.constant 0 : i32
      %ne3A_32 = arith.cmpi ne, %rem3A, %ne3A_31 : i32
      %and3A = arith.andi %ne3A, %ne3A_32 : i1
      %sub3A = arith.constant 1 : i32
      %sub3A_33 = arith.subi %div3A, %sub3A : i32
      %select_n3A_34 = arith.select %and3A, %sub3A_33, %div3A : i32
      %mul3A_35 = arith.constant 128 : i32
      %mul3A_36 = arith.muli %select_n3A_34, %mul3A_35 : i32
      %multiple_of3A = tpu.assume_multiple %mul3A_36, 128 : i32
      %sub3A_37 = arith.subi %reduce_sum3A_16, %multiple_of3A : i32
      %dma_start3A = arith.constant 0 : i32
      %dma_start3A_38 = tpu.memref_slice %arg3[%dma_start3A, %multiple_of3A] : memref<64x1000000xf32, #tpu.memory_space<hbm>> -> memref<64x128xf32, #tpu.memory_space<hbm>>
      %dma_start3A_39 = arith.constant 0 : i32
      %dma_start3A_40 = tpu.memref_slice %arg3[%dma_start3A_39, %multiple_of3A] : memref<64x1000000xf32, #tpu.memory_space<hbm>> -> memref<64x128xf32, #tpu.memory_space<hbm>>
      tpu.enqueue_dma source(%dma_start3A_40 : memref<64x128xf32, #tpu.memory_space<hbm>>) target(%arg8 : memref<64x128xf32, #tpu.memory_space<vmem>>) target_semaphore(%arg11 : memref<!tpu.dma_semaphore, #tpu.memory_space<semaphore_mem>>)
      %dma_start3A_41 = arith.constant 0 : i32
      %dma_start3A_42 = tpu.memref_slice %arg4[%dma_start3A_41, %multiple_of3A] : memref<64x1000000xf32, #tpu.memory_space<hbm>> -> memref<64x128xf32, #tpu.memory_space<hbm>>
      %dma_start3A_43 = arith.constant 0 : i32
      %dma_start3A_44 = tpu.memref_slice %arg4[%dma_start3A_43, %multiple_of3A] : memref<64x1000000xf32, #tpu.memory_space<hbm>> -> memref<64x128xf32, #tpu.memory_space<hbm>>
      tpu.enqueue_dma source(%dma_start3A_44 : memref<64x128xf32, #tpu.memory_space<hbm>>) target(%arg9 : memref<64x128xf32, #tpu.memory_space<vmem>>) target_semaphore(%arg12 : memref<!tpu.dma_semaphore, #tpu.memory_space<semaphore_mem>>)
      %broadcast_in_dim3A_45 = vector.broadcast %sub3A_37 : i32 to vector<16xi32>
      %mul3A_46 = arith.constant 16 : i32
      %mul3A_47 = arith.muli %scan3A_8, %mul3A_46 : i32
      %add3A_48 = arith.addi %mul3A_2, %mul3A_47 : i32
      %add3A_49 = arith.constant 0 : i32
      %add3A_50 = arith.addi %add3A_48, %add3A_49 : i32
      %dma_wait3A = arith.constant 0 : i32
      %dma_wait3A_51 = tpu.memref_slice %arg3[%dma_wait3A, %multiple_of3A] : memref<64x1000000xf32, #tpu.memory_space<hbm>> -> memref<64x128xf32, #tpu.memory_space<hbm>>
      %dma_wait3A_52 = arith.constant 0 : i32
      %dma_wait3A_53 = tpu.memref_slice %arg3[%dma_wait3A_52, %multiple_of3A] : memref<64x1000000xf32, #tpu.memory_space<hbm>> -> memref<64x128xf32, #tpu.memory_space<hbm>>
      tpu.wait_dma2 semaphore(%arg11 : memref<!tpu.dma_semaphore, #tpu.memory_space<semaphore_mem>>) src(%dma_wait3A_53 : memref<64x128xf32, #tpu.memory_space<hbm>>) dst(%arg8 : memref<64x128xf32, #tpu.memory_space<vmem>>)
      %add3A_54 = arith.constant 0 : i32
      %add3A_55 = vector.broadcast %add3A_54 : i32 to vector<16xi32>
      %add3A_56 = arith.addi %iota3A, %add3A_55 : vector<16xi32>
      %gather3A = tpu.vector_load_idx %arg8[%add3A_56, %broadcast_in_dim3A_45] : memref<64x128xf32, #tpu.memory_space<vmem>>[vector<16xi32>, vector<16xi32>], vector<16xf32>,
      %swap3A = arith.constant 0 : index
      %swap3A_57 = tpu.vector_load %arg10[%swap3A] {strides = array<i32>} : memref<64xf32, #tpu.memory_space<vmem>>, vector<16xf32>,
      tpu.vector_store %arg10[%swap3A], %gather3A {strides = array<i32>} : memref<64xf32, #tpu.memory_space<vmem>>, vector<16xf32>,
      %add3A_58 = arith.constant 16 : i32
      %add3A_59 = vector.broadcast %add3A_58 : i32 to vector<16xi32>
      %add3A_60 = arith.addi %iota3A, %add3A_59 : vector<16xi32>
      %gather3A_61 = tpu.vector_load_idx %arg8[%add3A_60, %broadcast_in_dim3A_45] : memref<64x128xf32, #tpu.memory_space<vmem>>[vector<16xi32>, vector<16xi32>], vector<16xf32>,
      %swap3A_62 = arith.constant 16 : index
      %swap3A_63 = tpu.vector_load %arg10[%swap3A_62] {strides = array<i32>} : memref<64xf32, #tpu.memory_space<vmem>>, vector<16xf32>,
      tpu.vector_store %arg10[%swap3A_62], %gather3A_61 {strides = array<i32>} : memref<64xf32, #tpu.memory_space<vmem>>, vector<16xf32>,
      %add3A_64 = arith.constant 32 : i32
      %add3A_65 = vector.broadcast %add3A_64 : i32 to vector<16xi32>
      %add3A_66 = arith.addi %iota3A, %add3A_65 : vector<16xi32>
      %gather3A_67 = tpu.vector_load_idx %arg8[%add3A_66, %broadcast_in_dim3A_45] : memref<64x128xf32, #tpu.memory_space<vmem>>[vector<16xi32>, vector<16xi32>], vector<16xf32>,
      %swap3A_68 = arith.constant 32 : index
      %swap3A_69 = tpu.vector_load %arg10[%swap3A_68] {strides = array<i32>} : memref<64xf32, #tpu.memory_space<vmem>>, vector<16xf32>,
      tpu.vector_store %arg10[%swap3A_68], %gather3A_67 {strides = array<i32>} : memref<64xf32, #tpu.memory_space<vmem>>, vector<16xf32>,
      %add3A_70 = arith.constant 48 : i32
      %add3A_71 = vector.broadcast %add3A_70 : i32 to vector<16xi32>
      %add3A_72 = arith.addi %iota3A, %add3A_71 : vector<16xi32>
      %gather3A_73 = tpu.vector_load_idx %arg8[%add3A_72, %broadcast_in_dim3A_45] : memref<64x128xf32, #tpu.memory_space<vmem>>[vector<16xi32>, vector<16xi32>], vector<16xf32>,
      %swap3A_74 = arith.constant 48 : index
      %swap3A_75 = tpu.vector_load %arg10[%swap3A_74] {strides = array<i32>} : memref<64xf32, #tpu.memory_space<vmem>>, vector<16xf32>,
      tpu.vector_store %arg10[%swap3A_74], %gather3A_73 {strides = array<i32>} : memref<64xf32, #tpu.memory_space<vmem>>, vector<16xf32>,
      %mul3A_76 = arith.constant 64 : i32
      %mul3A_77 = arith.muli %add3A_50, %mul3A_76 : i32
      "tpu.region"() ({
        %run_scoped3A = tpu.sem_alloc : memref<!tpu.dma_semaphore, #tpu.memory_space<semaphore_mem>>
        %dma_start3A_1788 = tpu.memref_slice %arg5[%mul3A_77] : memref<262144xf32, #tpu.memory_space<hbm>> -> memref<64xf32, #tpu.memory_space<hbm>>
        %dma_start3A_1789 = tpu.memref_slice %arg5[%mul3A_77] : memref<262144xf32, #tpu.memory_space<hbm>> -> memref<64xf32, #tpu.memory_space<hbm>>
        tpu.enqueue_dma source(%arg10 : memref<64xf32, #tpu.memory_space<vmem>>) target(%dma_start3A_1789 : memref<64xf32, #tpu.memory_space<hbm>>) target_semaphore(%run_scoped3A : memref<!tpu.dma_semaphore, #tpu.memory_space<semaphore_mem>>)
        %dma_wait3A_1790 = tpu.memref_slice %arg5[%mul3A_77] : memref<262144xf32, #tpu.memory_space<hbm>> -> memref<64xf32, #tpu.memory_space<hbm>>
        %dma_wait3A_1791 = tpu.memref_slice %arg5[%mul3A_77] : memref<262144xf32, #tpu.memory_space<hbm>> -> memref<64xf32, #tpu.memory_space<hbm>>
        tpu.wait_dma2 semaphore(%run_scoped3A : memref<!tpu.dma_semaphore, #tpu.memory_space<semaphore_mem>>) src(%arg10 : memref<64xf32, #tpu.memory_space<vmem>>) dst(%dma_wait3A_1791 : memref<64xf32, #tpu.memory_space<hbm>>)
        tpu.yield
      }) : () -> ()
      %dma_wait3A_78 = arith.constant 0 : i32
      %dma_wait3A_79 = tpu.memref_slice %arg4[%dma_wait3A_78, %multiple_of3A] : memref<64x1000000xf32, #tpu.memory_space<hbm>> -> memref<64x128xf32, #tpu.memory_space<hbm>>
      %dma_wait3A_80 = arith.constant 0 : i32
      %dma_wait3A_81 = tpu.memref_slice %arg4[%dma_wait3A_80, %multiple_of3A] : memref<64x1000000xf32, #tpu.memory_space<hbm>> -> memref<64x128xf32, #tpu.memory_space<hbm>>
      tpu.wait_dma2 semaphore(%arg12 : memref<!tpu.dma_semaphore, #tpu.memory_space<semaphore_mem>>) src(%dma_wait3A_81 : memref<64x128xf32, #tpu.memory_space<hbm>>) dst(%arg9 : memref<64x128xf32, #tpu.memory_space<vmem>>)
      %add3A_82 = arith.constant 0 : i32
      %add3A_83 = vector.broadcast %add3A_82 : i32 to vector<16xi32>
      %add3A_84 = arith.addi %iota3A, %add3A_83 : vector<16xi32>
      %gather3A_85 = tpu.vector_load_idx %arg9[%add3A_84, %broadcast_in_dim3A_45] : memref<64x128xf32, #tpu.memory_space<vmem>>[vector<16xi32>, vector<16xi32>], vector<16xf32>,
      %swap3A_86 = arith.constant 0 : index
      %swap3A_87 = tpu.vector_load %arg10[%swap3A_86] {strides = array<i32>} : memref<64xf32, #tpu.memory_space<vmem>>, vector<16xf32>,
      tpu.vector_store %arg10[%swap3A_86], %gather3A_85 {strides = array<i32>} : memref<64xf32, #tpu.memory_space<vmem>>, vector<16xf32>,
      %add3A_88 = arith.constant 16 : i32
      %add3A_89 = vector.broadcast %add3A_88 : i32 to vector<16xi32>
      %add3A_90 = arith.addi %iota3A, %add3A_89 : vector<16xi32>
      %gather3A_91 = tpu.vector_load_idx %arg9[%add3A_90, %broadcast_in_dim3A_45] : memref<64x128xf32, #tpu.memory_space<vmem>>[vector<16xi32>, vector<16xi32>], vector<16xf32>,
      %swap3A_92 = arith.constant 16 : index
      %swap3A_93 = tpu.vector_load %arg10[%swap3A_92] {strides = array<i32>} : memref<64xf32, #tpu.memory_space<vmem>>, vector<16xf32>,
      tpu.vector_store %arg10[%swap3A_92], %gather3A_91 {strides = array<i32>} : memref<64xf32, #tpu.memory_space<vmem>>, vector<16xf32>,
      %add3A_94 = arith.constant 32 : i32
      %add3A_95 = vector.broadcast %add3A_94 : i32 to vector<16xi32>
      %add3A_96 = arith.addi %iota3A, %add3A_95 : vector<16xi32>
      %gather3A_97 = tpu.vector_load_idx %arg9[%add3A_96, %broadcast_in_dim3A_45] : memref<64x128xf32, #tpu.memory_space<vmem>>[vector<16xi32>, vector<16xi32>], vector<16xf32>,
      %swap3A_98 = arith.constant 32 : index
      %swap3A_99 = tpu.vector_load %arg10[%swap3A_98] {strides = array<i32>} : memref<64xf32, #tpu.memory_space<vmem>>, vector<16xf32>,
      tpu.vector_store %arg10[%swap3A_98], %gather3A_97 {strides = array<i32>} : memref<64xf32, #tpu.memory_space<vmem>>, vector<16xf32>,
      %add3A_100 = arith.constant 48 : i32
      %add3A_101 = vector.broadcast %add3A_100 : i32 to vector<16xi32>
      %add3A_102 = arith.addi %iota3A, %add3A_101 : vector<16xi32>
      %gather3A_103 = tpu.vector_load_idx %arg9[%add3A_102, %broadcast_in_dim3A_45] : memref<64x128xf32, #tpu.memory_space<vmem>>[vector<16xi32>, vector<16xi32>], vector<16xf32>,
      %swap3A_104 = arith.constant 48 : index
      %swap3A_105 = tpu.vector_load %arg10[%swap3A_104] {strides = array<i32>} : memref<64xf32, #tpu.memory_space<vmem>>, vector<16xf32>,
      tpu.vector_store %arg10[%swap3A_104], %gather3A_103 {strides = array<i32>} : memref<64xf32, #tpu.memory_space<vmem>>, vector<16xf32>,
      %mul3A_106 = arith.constant 64 : i32
      %mul3A_107 = arith.muli %add3A_50, %mul3A_106 : i32
      "tpu.region"() ({
        %run_scoped3A = tpu.sem_alloc : memref<!tpu.dma_semaphore, #tpu.memory_space<semaphore_mem>>
        %dma_start3A_1788 = tpu.memref_slice %arg6[%mul3A_107] : memref<262144xf32, #tpu.memory_space<hbm>> -> memref<64xf32, #tpu.memory_space<hbm>>
        %dma_start3A_1789 = tpu.memref_slice %arg6[%mul3A_107] : memref<262144xf32, #tpu.memory_space<hbm>> -> memref<64xf32, #tpu.memory_space<hbm>>
        tpu.enqueue_dma source(%arg10 : memref<64xf32, #tpu.memory_space<vmem>>) target(%dma_start3A_1789 : memref<64xf32, #tpu.memory_space<hbm>>) target_semaphore(%run_scoped3A : memref<!tpu.dma_semaphore, #tpu.memory_space<semaphore_mem>>)
        %dma_wait3A_1790 = tpu.memref_slice %arg6[%mul3A_107] : memref<262144xf32, #tpu.memory_space<hbm>> -> memref<64xf32, #tpu.memory_space<hbm>>
        %dma_wait3A_1791 = tpu.memref_slice %arg6[%mul3A_107] : memref<262144xf32, #tpu.memory_space<hbm>> -> memref<64xf32, #tpu.memory_space<hbm>>
        tpu.wait_dma2 semaphore(%run_scoped3A : memref<!tpu.dma_semaphore, #tpu.memory_space<semaphore_mem>>) src(%arg10 : memref<64xf32, #tpu.memory_space<vmem>>) dst(%dma_wait3A_1791 : memref<64xf32, #tpu.memory_space<hbm>>)
        tpu.yield
      }) : () -> ()
      %eq3A_108 = arith.constant 1 : i32
      %eq3A_109 = vector.broadcast %eq3A_108 : i32 to vector<16xi32>
      %eq3A_110 = arith.cmpi eq, %iota3A, %eq3A_109 : vector<16xi32>
      %jit3A_111 = arith.constant 0 : i32
      %broadcast_in_dim3A_112 = vector.broadcast %jit3A_111 : i32 to vector<16xi32>
      %select_n3A_113 = arith.select %eq3A_110, %get3A_11, %broadcast_in_dim3A_112 : vector<16xi1>, vector<16xi32>
      %reduce_sum3A_114 = arith.constant true
      %reduce_sum3A_115 = vector.broadcast %reduce_sum3A_114 : i1 to vector<16xi1>
      %reduce_sum3A_116 = tpu.scan <sum>, %select_n3A_113 masked %reduce_sum3A_115 : vector<16xi32>, vector<16xi1> -> vector<16xi32>
      %reduce_sum3A_117 = vector.extract %reduce_sum3A_116[15] : i32 from vector<16xi32>
      %jit3A_118 = arith.constant 128 : i32
      %div3A_119 = arith.divsi %reduce_sum3A_117, %jit3A_118 : i32
      %sign3A_120 = arith.constant 0 : i32
      %sign3A_121 = arith.cmpi sgt, %reduce_sum3A_117, %sign3A_120 : i32
      %sign3A_122 = arith.extui %sign3A_121 : i1 to i32
      %sign3A_123 = arith.constant 0 : i32
      %sign3A_124 = arith.cmpi slt, %reduce_sum3A_117, %sign3A_123 : i32
      %sign3A_125 = arith.extui %sign3A_124 : i1 to i32
      %sign3A_126 = arith.subi %sign3A_122, %sign3A_125 : i32
      %sign3A_127 = arith.constant 0 : i32
      %sign3A_128 = arith.cmpi sgt, %jit3A_118, %sign3A_127 : i32
      %sign3A_129 = arith.extui %sign3A_128 : i1 to i32
      %sign3A_130 = arith.constant 0 : i32
      %sign3A_131 = arith.cmpi slt, %jit3A_118, %sign3A_130 : i32
      %sign3A_132 = arith.extui %sign3A_131 : i1 to i32
      %sign3A_133 = arith.subi %sign3A_129, %sign3A_132 : i32
      %ne3A_134 = arith.cmpi ne, %sign3A_126, %sign3A_133 : i32
      %rem3A_135 = arith.remsi %reduce_sum3A_117, %jit3A_118 : i32
      %ne3A_136 = arith.constant 0 : i32
      %ne3A_137 = arith.cmpi ne, %rem3A_135, %ne3A_136 : i32
      %and3A_138 = arith.andi %ne3A_134, %ne3A_137 : i1
      %sub3A_139 = arith.constant 1 : i32
      %sub3A_140 = arith.subi %div3A_119, %sub3A_139 : i32
      %select_n3A_141 = arith.select %and3A_138, %sub3A_140, %div3A_119 : i32
      %mul3A_142 = arith.constant 128 : i32
      %mul3A_143 = arith.muli %select_n3A_141, %mul3A_142 : i32
      %multiple_of3A_144 = tpu.assume_multiple %mul3A_143, 128 : i32
      %sub3A_145 = arith.subi %reduce_sum3A_117, %multiple_of3A_144 : i32
      %dma_start3A_146 = arith.constant 0 : i32
      %dma_start3A_147 = tpu.memref_slice %arg3[%dma_start3A_146, %multiple_of3A_144] : memref<64x1000000xf32, #tpu.memory_space<hbm>> -> memref<64x128xf32, #tpu.memory_space<hbm>>
      %dma_start3A_148 = arith.constant 0 : i32
      %dma_start3A_149 = tpu.memref_slice %arg3[%dma_start3A_148, %multiple_of3A_144] : memref<64x1000000xf32, #tpu.memory_space<hbm>> -> memref<64x128xf32, #tpu.memory_space<hbm>>
      tpu.enqueue_dma source(%dma_start3A_149 : memref<64x128xf32, #tpu.memory_space<hbm>>) target(%arg8 : memref<64x128xf32, #tpu.memory_space<vmem>>) target_semaphore(%arg11 : memref<!tpu.dma_semaphore, #tpu.memory_space<semaphore_mem>>)
      %dma_start3A_150 = arith.constant 0 : i32
      %dma_start3A_151 = tpu.memref_slice %arg4[%dma_start3A_150, %multiple_of3A_144] : memref<64x1000000xf32, #tpu.memory_space<hbm>> -> memref<64x128xf32, #tpu.memory_space<hbm>>
      %dma_start3A_152 = arith.constant 0 : i32
      %dma_start3A_153 = tpu.memref_slice %arg4[%dma_start3A_152, %multiple_of3A_144] : memref<64x1000000xf32, #tpu.memory_space<hbm>> -> memref<64x128xf32, #tpu.memory_space<hbm>>
      tpu.enqueue_dma source(%dma_start3A_153 : memref<64x128xf32, #tpu.memory_space<hbm>>) target(%arg9 : memref<64x128xf32, #tpu.memory_space<vmem>>) target_semaphore(%arg12 : memref<!tpu.dma_semaphore, #tpu.memory_space<semaphore_mem>>)
      %broadcast_in_dim3A_154 = vector.broadcast %sub3A_145 : i32 to vector<16xi32>
      %mul3A_155 = arith.constant 16 : i32
      %mul3A_156 = arith.muli %scan3A_8, %mul3A_155 : i32
      %add3A_157 = arith.addi %mul3A_2, %mul3A_156 : i32
      %add3A_158 = arith.constant 1 : i32
      %add3A_159 = arith.addi %add3A_157, %add3A_158 : i32
      %dma_wait3A_160 = arith.constant 0 : i32
      %dma_wait3A_161 = tpu.memref_slice %arg3[%dma_wait3A_160, %multiple_of3A_144] : memref<64x1000000xf32, #tpu.memory_space<hbm>> -> memref<64x128xf32, #tpu.memory_space<hbm>>
      %dma_wait3A_162 = arith.constant 0 : i32
      %dma_wait3A_163 = tpu.memref_slice %arg3[%dma_wait3A_162, %multiple_of3A_144] : memref<64x1000000xf32, #tpu.memory_space<hbm>> -> memref<64x128xf32, #tpu.memory_space<hbm>>
      tpu.wait_dma2 semaphore(%arg11 : memref<!tpu.dma_semaphore, #tpu.memory_space<semaphore_mem>>) src(%dma_wait3A_163 : memref<64x128xf32, #tpu.memory_space<hbm>>) dst(%arg8 : memref<64x128xf32, #tpu.memory_space<vmem>>)
      %add3A_164 = arith.constant 0 : i32
      %add3A_165 = vector.broadcast %add3A_164 : i32 to vector<16xi32>
      %add3A_166 = arith.addi %iota3A, %add3A_165 : vector<16xi32>
      %gather3A_167 = tpu.vector_load_idx %arg8[%add3A_166, %broadcast_in_dim3A_154] : memref<64x128xf32, #tpu.memory_space<vmem>>[vector<16xi32>, vector<16xi32>], vector<16xf32>,
      %swap3A_168 = arith.constant 0 : index
      %swap3A_169 = tpu.vector_load %arg10[%swap3A_168] {strides = array<i32>} : memref<64xf32, #tpu.memory_space<vmem>>, vector<16xf32>,
      tpu.vector_store %arg10[%swap3A_168], %gather3A_167 {strides = array<i32>} : memref<64xf32, #tpu.memory_space<vmem>>, vector<16xf32>,
      %add3A_170 = arith.constant 16 : i32
      %add3A_171 = vector.broadcast %add3A_170 : i32 to vector<16xi32>
      %add3A_172 = arith.addi %iota3A, %add3A_171 : vector<16xi32>
      %gather3A_173 = tpu.vector_load_idx %arg8[%add3A_172, %broadcast_in_dim3A_154] : memref<64x128xf32, #tpu.memory_space<vmem>>[vector<16xi32>, vector<16xi32>], vector<16xf32>,
      %swap3A_174 = arith.constant 16 : index
      %swap3A_175 = tpu.vector_load %arg10[%swap3A_174] {strides = array<i32>} : memref<64xf32, #tpu.memory_space<vmem>>, vector<16xf32>,
      tpu.vector_store %arg10[%swap3A_174], %gather3A_173 {strides = array<i32>} : memref<64xf32, #tpu.memory_space<vmem>>, vector<16xf32>,
      %add3A_176 = arith.constant 32 : i32
      %add3A_177 = vector.broadcast %add3A_176 : i32 to vector<16xi32>
      %add3A_178 = arith.addi %iota3A, %add3A_177 : vector<16xi32>
      %gather3A_179 = tpu.vector_load_idx %arg8[%add3A_178, %broadcast_in_dim3A_154] : memref<64x128xf32, #tpu.memory_space<vmem>>[vector<16xi32>, vector<16xi32>], vector<16xf32>,
      %swap3A_180 = arith.constant 32 : index
      %swap3A_181 = tpu.vector_load %arg10[%swap3A_180] {strides = array<i32>} : memref<64xf32, #tpu.memory_space<vmem>>, vector<16xf32>,
      tpu.vector_store %arg10[%swap3A_180], %gather3A_179 {strides = array<i32>} : memref<64xf32, #tpu.memory_space<vmem>>, vector<16xf32>,
      %add3A_182 = arith.constant 48 : i32
      %add3A_183 = vector.broadcast %add3A_182 : i32 to vector<16xi32>
      %add3A_184 = arith.addi %iota3A, %add3A_183 : vector<16xi32>
      %gather3A_185 = tpu.vector_load_idx %arg8[%add3A_184, %broadcast_in_dim3A_154] : memref<64x128xf32, #tpu.memory_space<vmem>>[vector<16xi32>, vector<16xi32>], vector<16xf32>,
      %swap3A_186 = arith.constant 48 : index
      %swap3A_187 = tpu.vector_load %arg10[%swap3A_186] {strides = array<i32>} : memref<64xf32, #tpu.memory_space<vmem>>, vector<16xf32>,
      tpu.vector_store %arg10[%swap3A_186], %gather3A_185 {strides = array<i32>} : memref<64xf32, #tpu.memory_space<vmem>>, vector<16xf32>,
      %mul3A_188 = arith.constant 64 : i32
      %mul3A_189 = arith.muli %add3A_159, %mul3A_188 : i32
      "tpu.region"() ({
        %run_scoped3A = tpu.sem_alloc : memref<!tpu.dma_semaphore, #tpu.memory_space<semaphore_mem>>
        %dma_start3A_1788 = tpu.memref_slice %arg5[%mul3A_189] : memref<262144xf32, #tpu.memory_space<hbm>> -> memref<64xf32, #tpu.memory_space<hbm>>
        %dma_start3A_1789 = tpu.memref_slice %arg5[%mul3A_189] : memref<262144xf32, #tpu.memory_space<hbm>> -> memref<64xf32, #tpu.memory_space<hbm>>
        tpu.enqueue_dma source(%arg10 : memref<64xf32, #tpu.memory_space<vmem>>) target(%dma_start3A_1789 : memref<64xf32, #tpu.memory_space<hbm>>) target_semaphore(%run_scoped3A : memref<!tpu.dma_semaphore, #tpu.memory_space<semaphore_mem>>)
        %dma_wait3A_1790 = tpu.memref_slice %arg5[%mul3A_189] : memref<262144xf32, #tpu.memory_space<hbm>> -> memref<64xf32, #tpu.memory_space<hbm>>
        %dma_wait3A_1791 = tpu.memref_slice %arg5[%mul3A_189] : memref<262144xf32, #tpu.memory_space<hbm>> -> memref<64xf32, #tpu.memory_space<hbm>>
        tpu.wait_dma2 semaphore(%run_scoped3A : memref<!tpu.dma_semaphore, #tpu.memory_space<semaphore_mem>>) src(%arg10 : memref<64xf32, #tpu.memory_space<vmem>>) dst(%dma_wait3A_1791 : memref<64xf32, #tpu.memory_space<hbm>>)
        tpu.yield
      }) : () -> ()
      %dma_wait3A_190 = arith.constant 0 : i32
      %dma_wait3A_191 = tpu.memref_slice %arg4[%dma_wait3A_190, %multiple_of3A_144] : memref<64x1000000xf32, #tpu.memory_space<hbm>> -> memref<64x128xf32, #tpu.memory_space<hbm>>
      %dma_wait3A_192 = arith.constant 0 : i32
      %dma_wait3A_193 = tpu.memref_slice %arg4[%dma_wait3A_192, %multiple_of3A_144] : memref<64x1000000xf32, #tpu.memory_space<hbm>> -> memref<64x128xf32, #tpu.memory_space<hbm>>
      tpu.wait_dma2 semaphore(%arg12 : memref<!tpu.dma_semaphore, #tpu.memory_space<semaphore_mem>>) src(%dma_wait3A_193 : memref<64x128xf32, #tpu.memory_space<hbm>>) dst(%arg9 : memref<64x128xf32, #tpu.memory_space<vmem>>)
      %add3A_194 = arith.constant 0 : i32
      %add3A_195 = vector.broadcast %add3A_194 : i32 to vector<16xi32>
      %add3A_196 = arith.addi %iota3A, %add3A_195 : vector<16xi32>
      %gather3A_197 = tpu.vector_load_idx %arg9[%add3A_196, %broadcast_in_dim3A_154] : memref<64x128xf32, #tpu.memory_space<vmem>>[vector<16xi32>, vector<16xi32>], vector<16xf32>,
      %swap3A_198 = arith.constant 0 : index
      %swap3A_199 = tpu.vector_load %arg10[%swap3A_198] {strides = array<i32>} : memref<64xf32, #tpu.memory_space<vmem>>, vector<16xf32>,
      tpu.vector_store %arg10[%swap3A_198], %gather3A_197 {strides = array<i32>} : memref<64xf32, #tpu.memory_space<vmem>>, vector<16xf32>,
      %add3A_200 = arith.constant 16 : i32
      %add3A_201 = vector.broadcast %add3A_200 : i32 to vector<16xi32>
      %add3A_202 = arith.addi %iota3A, %add3A_201 : vector<16xi32>
      %gather3A_203 = tpu.vector_load_idx %arg9[%add3A_202, %broadcast_in_dim3A_154] : memref<64x128xf32, #tpu.memory_space<vmem>>[vector<16xi32>, vector<16xi32>], vector<16xf32>,
      %swap3A_204 = arith.constant 16 : index
      %swap3A_205 = tpu.vector_load %arg10[%swap3A_204] {strides = array<i32>} : memref<64xf32, #tpu.memory_space<vmem>>, vector<16xf32>,
      tpu.vector_store %arg10[%swap3A_204], %gather3A_203 {strides = array<i32>} : memref<64xf32, #tpu.memory_space<vmem>>, vector<16xf32>,
      %add3A_206 = arith.constant 32 : i32
      %add3A_207 = vector.broadcast %add3A_206 : i32 to vector<16xi32>
      %add3A_208 = arith.addi %iota3A, %add3A_207 : vector<16xi32>
      %gather3A_209 = tpu.vector_load_idx %arg9[%add3A_208, %broadcast_in_dim3A_154] : memref<64x128xf32, #tpu.memory_space<vmem>>[vector<16xi32>, vector<16xi32>], vector<16xf32>,
      %swap3A_210 = arith.constant 32 : index
      %swap3A_211 = tpu.vector_load %arg10[%swap3A_210] {strides = array<i32>} : memref<64xf32, #tpu.memory_space<vmem>>, vector<16xf32>,
      tpu.vector_store %arg10[%swap3A_210], %gather3A_209 {strides = array<i32>} : memref<64xf32, #tpu.memory_space<vmem>>, vector<16xf32>,
      %add3A_212 = arith.constant 48 : i32
      %add3A_213 = vector.broadcast %add3A_212 : i32 to vector<16xi32>
      %add3A_214 = arith.addi %iota3A, %add3A_213 : vector<16xi32>
      %gather3A_215 = tpu.vector_load_idx %arg9[%add3A_214, %broadcast_in_dim3A_154] : memref<64x128xf32, #tpu.memory_space<vmem>>[vector<16xi32>, vector<16xi32>], vector<16xf32>,
      %swap3A_216 = arith.constant 48 : index
      %swap3A_217 = tpu.vector_load %arg10[%swap3A_216] {strides = array<i32>} : memref<64xf32, #tpu.memory_space<vmem>>, vector<16xf32>,
      tpu.vector_store %arg10[%swap3A_216], %gather3A_215 {strides = array<i32>} : memref<64xf32, #tpu.memory_space<vmem>>, vector<16xf32>,
      %mul3A_218 = arith.constant 64 : i32
      %mul3A_219 = arith.muli %add3A_159, %mul3A_218 : i32
      "tpu.region"() ({
        %run_scoped3A = tpu.sem_alloc : memref<!tpu.dma_semaphore, #tpu.memory_space<semaphore_mem>>
        %dma_start3A_1788 = tpu.memref_slice %arg6[%mul3A_219] : memref<262144xf32, #tpu.memory_space<hbm>> -> memref<64xf32, #tpu.memory_space<hbm>>
        %dma_start3A_1789 = tpu.memref_slice %arg6[%mul3A_219] : memref<262144xf32, #tpu.memory_space<hbm>> -> memref<64xf32, #tpu.memory_space<hbm>>
        tpu.enqueue_dma source(%arg10 : memref<64xf32, #tpu.memory_space<vmem>>) target(%dma_start3A_1789 : memref<64xf32, #tpu.memory_space<hbm>>) target_semaphore(%run_scoped3A : memref<!tpu.dma_semaphore, #tpu.memory_space<semaphore_mem>>)
        %dma_wait3A_1790 = tpu.memref_slice %arg6[%mul3A_219] : memref<262144xf32, #tpu.memory_space<hbm>> -> memref<64xf32, #tpu.memory_space<hbm>>
        %dma_wait3A_1791 = tpu.memref_slice %arg6[%mul3A_219] : memref<262144xf32, #tpu.memory_space<hbm>> -> memref<64xf32, #tpu.memory_space<hbm>>
        tpu.wait_dma2 semaphore(%run_scoped3A : memref<!tpu.dma_semaphore, #tpu.memory_space<semaphore_mem>>) src(%arg10 : memref<64xf32, #tpu.memory_space<vmem>>) dst(%dma_wait3A_1791 : memref<64xf32, #tpu.memory_space<hbm>>)
        tpu.yield
      }) : () -> ()
      %eq3A_220 = arith.constant 2 : i32
      %eq3A_221 = vector.broadcast %eq3A_220 : i32 to vector<16xi32>
      %eq3A_222 = arith.cmpi eq, %iota3A, %eq3A_221 : vector<16xi32>
      %jit3A_223 = arith.constant 0 : i32
      %broadcast_in_dim3A_224 = vector.broadcast %jit3A_223 : i32 to vector<16xi32>
      %select_n3A_225 = arith.select %eq3A_222, %get3A_11, %broadcast_in_dim3A_224 : vector<16xi1>, vector<16xi32>
      %reduce_sum3A_226 = arith.constant true
      %reduce_sum3A_227 = vector.broadcast %reduce_sum3A_226 : i1 to vector<16xi1>
      %reduce_sum3A_228 = tpu.scan <sum>, %select_n3A_225 masked %reduce_sum3A_227 : vector<16xi32>, vector<16xi1> -> vector<16xi32>
      %reduce_sum3A_229 = vector.extract %reduce_sum3A_228[15] : i32 from vector<16xi32>
      %jit3A_230 = arith.constant 128 : i32
      %div3A_231 = arith.divsi %reduce_sum3A_229, %jit3A_230 : i32
      %sign3A_232 = arith.constant 0 : i32
      %sign3A_233 = arith.cmpi sgt, %reduce_sum3A_229, %sign3A_232 : i32
      %sign3A_234 = arith.extui %sign3A_233 : i1 to i32
      %sign3A_235 = arith.constant 0 : i32
      %sign3A_236 = arith.cmpi slt, %reduce_sum3A_229, %sign3A_235 : i32
      %sign3A_237 = arith.extui %sign3A_236 : i1 to i32
      %sign3A_238 = arith.subi %sign3A_234, %sign3A_237 : i32
      %sign3A_239 = arith.constant 0 : i32
      %sign3A_240 = arith.cmpi sgt, %jit3A_230, %sign3A_239 : i32
      %sign3A_241 = arith.extui %sign3A_240 : i1 to i32
      %sign3A_242 = arith.constant 0 : i32
      %sign3A_243 = arith.cmpi slt, %jit3A_230, %sign3A_242 : i32
      %sign3A_244 = arith.extui %sign3A_243 : i1 to i32
      %sign3A_245 = arith.subi %sign3A_241, %sign3A_244 : i32
      %ne3A_246 = arith.cmpi ne, %sign3A_238, %sign3A_245 : i32
      %rem3A_247 = arith.remsi %reduce_sum3A_229, %jit3A_230 : i32
      %ne3A_248 = arith.constant 0 : i32
      %ne3A_249 = arith.cmpi ne, %rem3A_247, %ne3A_248 : i32
      %and3A_250 = arith.andi %ne3A_246, %ne3A_249 : i1
      %sub3A_251 = arith.constant 1 : i32
      %sub3A_252 = arith.subi %div3A_231, %sub3A_251 : i32
      %select_n3A_253 = arith.select %and3A_250, %sub3A_252, %div3A_231 : i32
      %mul3A_254 = arith.constant 128 : i32
      %mul3A_255 = arith.muli %select_n3A_253, %mul3A_254 : i32
      %multiple_of3A_256 = tpu.assume_multiple %mul3A_255, 128 : i32
      %sub3A_257 = arith.subi %reduce_sum3A_229, %multiple_of3A_256 : i32
      %dma_start3A_258 = arith.constant 0 : i32
      %dma_start3A_259 = tpu.memref_slice %arg3[%dma_start3A_258, %multiple_of3A_256] : memref<64x1000000xf32, #tpu.memory_space<hbm>> -> memref<64x128xf32, #tpu.memory_space<hbm>>
      %dma_start3A_260 = arith.constant 0 : i32
      %dma_start3A_261 = tpu.memref_slice %arg3[%dma_start3A_260, %multiple_of3A_256] : memref<64x1000000xf32, #tpu.memory_space<hbm>> -> memref<64x128xf32, #tpu.memory_space<hbm>>
      tpu.enqueue_dma source(%dma_start3A_261 : memref<64x128xf32, #tpu.memory_space<hbm>>) target(%arg8 : memref<64x128xf32, #tpu.memory_space<vmem>>) target_semaphore(%arg11 : memref<!tpu.dma_semaphore, #tpu.memory_space<semaphore_mem>>)
      %dma_start3A_262 = arith.constant 0 : i32
      %dma_start3A_263 = tpu.memref_slice %arg4[%dma_start3A_262, %multiple_of3A_256] : memref<64x1000000xf32, #tpu.memory_space<hbm>> -> memref<64x128xf32, #tpu.memory_space<hbm>>
      %dma_start3A_264 = arith.constant 0 : i32
      %dma_start3A_265 = tpu.memref_slice %arg4[%dma_start3A_264, %multiple_of3A_256] : memref<64x1000000xf32, #tpu.memory_space<hbm>> -> memref<64x128xf32, #tpu.memory_space<hbm>>
      tpu.enqueue_dma source(%dma_start3A_265 : memref<64x128xf32, #tpu.memory_space<hbm>>) target(%arg9 : memref<64x128xf32, #tpu.memory_space<vmem>>) target_semaphore(%arg12 : memref<!tpu.dma_semaphore, #tpu.memory_space<semaphore_mem>>)
      %broadcast_in_dim3A_266 = vector.broadcast %sub3A_257 : i32 to vector<16xi32>
      %mul3A_267 = arith.constant 16 : i32
      %mul3A_268 = arith.muli %scan3A_8, %mul3A_267 : i32
      %add3A_269 = arith.addi %mul3A_2, %mul3A_268 : i32
      %add3A_270 = arith.constant 2 : i32
      %add3A_271 = arith.addi %add3A_269, %add3A_270 : i32
      %dma_wait3A_272 = arith.constant 0 : i32
      %dma_wait3A_273 = tpu.memref_slice %arg3[%dma_wait3A_272, %multiple_of3A_256] : memref<64x1000000xf32, #tpu.memory_space<hbm>> -> memref<64x128xf32, #tpu.memory_space<hbm>>
      %dma_wait3A_274 = arith.constant 0 : i32
      %dma_wait3A_275 = tpu.memref_slice %arg3[%dma_wait3A_274, %multiple_of3A_256] : memref<64x1000000xf32, #tpu.memory_space<hbm>> -> memref<64x128xf32, #tpu.memory_space<hbm>>
      tpu.wait_dma2 semaphore(%arg11 : memref<!tpu.dma_semaphore, #tpu.memory_space<semaphore_mem>>) src(%dma_wait3A_275 : memref<64x128xf32, #tpu.memory_space<hbm>>) dst(%arg8 : memref<64x128xf32, #tpu.memory_space<vmem>>)
      %add3A_276 = arith.constant 0 : i32
      %add3A_277 = vector.broadcast %add3A_276 : i32 to vector<16xi32>
      %add3A_278 = arith.addi %iota3A, %add3A_277 : vector<16xi32>
      %gather3A_279 = tpu.vector_load_idx %arg8[%add3A_278, %broadcast_in_dim3A_266] : memref<64x128xf32, #tpu.memory_space<vmem>>[vector<16xi32>, vector<16xi32>], vector<16xf32>,
      %swap3A_280 = arith.constant 0 : index
      %swap3A_281 = tpu.vector_load %arg10[%swap3A_280] {strides = array<i32>} : memref<64xf32, #tpu.memory_space<vmem>>, vector<16xf32>,
      tpu.vector_store %arg10[%swap3A_280], %gather3A_279 {strides = array<i32>} : memref<64xf32, #tpu.memory_space<vmem>>, vector<16xf32>,
      %add3A_282 = arith.constant 16 : i32
      %add3A_283 = vector.broadcast %add3A_282 : i32 to vector<16xi32>
      %add3A_284 = arith.addi %iota3A, %add3A_283 : vector<16xi32>
      %gather3A_285 = tpu.vector_load_idx %arg8[%add3A_284, %broadcast_in_dim3A_266] : memref<64x128xf32, #tpu.memory_space<vmem>>[vector<16xi32>, vector<16xi32>], vector<16xf32>,
      %swap3A_286 = arith.constant 16 : index
      %swap3A_287 = tpu.vector_load %arg10[%swap3A_286] {strides = array<i32>} : memref<64xf32, #tpu.memory_space<vmem>>, vector<16xf32>,
      tpu.vector_store %arg10[%swap3A_286], %gather3A_285 {strides = array<i32>} : memref<64xf32, #tpu.memory_space<vmem>>, vector<16xf32>,
      %add3A_288 = arith.constant 32 : i32
      %add3A_289 = vector.broadcast %add3A_288 : i32 to vector<16xi32>
      %add3A_290 = arith.addi %iota3A, %add3A_289 : vector<16xi32>
      %gather3A_291 = tpu.vector_load_idx %arg8[%add3A_290, %broadcast_in_dim3A_266] : memref<64x128xf32, #tpu.memory_space<vmem>>[vector<16xi32>, vector<16xi32>], vector<16xf32>,
      %swap3A_292 = arith.constant 32 : index
      %swap3A_293 = tpu.vector_load %arg10[%swap3A_292] {strides = array<i32>} : memref<64xf32, #tpu.memory_space<vmem>>, vector<16xf32>,
      tpu.vector_store %arg10[%swap3A_292], %gather3A_291 {strides = array<i32>} : memref<64xf32, #tpu.memory_space<vmem>>, vector<16xf32>,
      %add3A_294 = arith.constant 48 : i32
      %add3A_295 = vector.broadcast %add3A_294 : i32 to vector<16xi32>
      %add3A_296 = arith.addi %iota3A, %add3A_295 : vector<16xi32>
      %gather3A_297 = tpu.vector_load_idx %arg8[%add3A_296, %broadcast_in_dim3A_266] : memref<64x128xf32, #tpu.memory_space<vmem>>[vector<16xi32>, vector<16xi32>], vector<16xf32>,
      %swap3A_298 = arith.constant 48 : index
      %swap3A_299 = tpu.vector_load %arg10[%swap3A_298] {strides = array<i32>} : memref<64xf32, #tpu.memory_space<vmem>>, vector<16xf32>,
      tpu.vector_store %arg10[%swap3A_298], %gather3A_297 {strides = array<i32>} : memref<64xf32, #tpu.memory_space<vmem>>, vector<16xf32>,
      %mul3A_300 = arith.constant 64 : i32
      %mul3A_301 = arith.muli %add3A_271, %mul3A_300 : i32
      "tpu.region"() ({
        %run_scoped3A = tpu.sem_alloc : memref<!tpu.dma_semaphore, #tpu.memory_space<semaphore_mem>>
        %dma_start3A_1788 = tpu.memref_slice %arg5[%mul3A_301] : memref<262144xf32, #tpu.memory_space<hbm>> -> memref<64xf32, #tpu.memory_space<hbm>>
        %dma_start3A_1789 = tpu.memref_slice %arg5[%mul3A_301] : memref<262144xf32, #tpu.memory_space<hbm>> -> memref<64xf32, #tpu.memory_space<hbm>>
        tpu.enqueue_dma source(%arg10 : memref<64xf32, #tpu.memory_space<vmem>>) target(%dma_start3A_1789 : memref<64xf32, #tpu.memory_space<hbm>>) target_semaphore(%run_scoped3A : memref<!tpu.dma_semaphore, #tpu.memory_space<semaphore_mem>>)
        %dma_wait3A_1790 = tpu.memref_slice %arg5[%mul3A_301] : memref<262144xf32, #tpu.memory_space<hbm>> -> memref<64xf32, #tpu.memory_space<hbm>>
        %dma_wait3A_1791 = tpu.memref_slice %arg5[%mul3A_301] : memref<262144xf32, #tpu.memory_space<hbm>> -> memref<64xf32, #tpu.memory_space<hbm>>
        tpu.wait_dma2 semaphore(%run_scoped3A : memref<!tpu.dma_semaphore, #tpu.memory_space<semaphore_mem>>) src(%arg10 : memref<64xf32, #tpu.memory_space<vmem>>) dst(%dma_wait3A_1791 : memref<64xf32, #tpu.memory_space<hbm>>)
        tpu.yield
      }) : () -> ()
      %dma_wait3A_302 = arith.constant 0 : i32
      %dma_wait3A_303 = tpu.memref_slice %arg4[%dma_wait3A_302, %multiple_of3A_256] : memref<64x1000000xf32, #tpu.memory_space<hbm>> -> memref<64x128xf32, #tpu.memory_space<hbm>>
      %dma_wait3A_304 = arith.constant 0 : i32
      %dma_wait3A_305 = tpu.memref_slice %arg4[%dma_wait3A_304, %multiple_of3A_256] : memref<64x1000000xf32, #tpu.memory_space<hbm>> -> memref<64x128xf32, #tpu.memory_space<hbm>>
      tpu.wait_dma2 semaphore(%arg12 : memref<!tpu.dma_semaphore, #tpu.memory_space<semaphore_mem>>) src(%dma_wait3A_305 : memref<64x128xf32, #tpu.memory_space<hbm>>) dst(%arg9 : memref<64x128xf32, #tpu.memory_space<vmem>>)
      %add3A_306 = arith.constant 0 : i32
      %add3A_307 = vector.broadcast %add3A_306 : i32 to vector<16xi32>
      %add3A_308 = arith.addi %iota3A, %add3A_307 : vector<16xi32>
      %gather3A_309 = tpu.vector_load_idx %arg9[%add3A_308, %broadcast_in_dim3A_266] : memref<64x128xf32, #tpu.memory_space<vmem>>[vector<16xi32>, vector<16xi32>], vector<16xf32>,
      %swap3A_310 = arith.constant 0 : index
      %swap3A_311 = tpu.vector_load %arg10[%swap3A_310] {strides = array<i32>} : memref<64xf32, #tpu.memory_space<vmem>>, vector<16xf32>,
      tpu.vector_store %arg10[%swap3A_310], %gather3A_309 {strides = array<i32>} : memref<64xf32, #tpu.memory_space<vmem>>, vector<16xf32>,
      %add3A_312 = arith.constant 16 : i32
      %add3A_313 = vector.broadcast %add3A_312 : i32 to vector<16xi32>
      %add3A_314 = arith.addi %iota3A, %add3A_313 : vector<16xi32>
      %gather3A_315 = tpu.vector_load_idx %arg9[%add3A_314, %broadcast_in_dim3A_266] : memref<64x128xf32, #tpu.memory_space<vmem>>[vector<16xi32>, vector<16xi32>], vector<16xf32>,
      %swap3A_316 = arith.constant 16 : index
      %swap3A_317 = tpu.vector_load %arg10[%swap3A_316] {strides = array<i32>} : memref<64xf32, #tpu.memory_space<vmem>>, vector<16xf32>,
      tpu.vector_store %arg10[%swap3A_316], %gather3A_315 {strides = array<i32>} : memref<64xf32, #tpu.memory_space<vmem>>, vector<16xf32>,
      %add3A_318 = arith.constant 32 : i32
      %add3A_319 = vector.broadcast %add3A_318 : i32 to vector<16xi32>
      %add3A_320 = arith.addi %iota3A, %add3A_319 : vector<16xi32>
      %gather3A_321 = tpu.vector_load_idx %arg9[%add3A_320, %broadcast_in_dim3A_266] : memref<64x128xf32, #tpu.memory_space<vmem>>[vector<16xi32>, vector<16xi32>], vector<16xf32>,
      %swap3A_322 = arith.constant 32 : index
      %swap3A_323 = tpu.vector_load %arg10[%swap3A_322] {strides = array<i32>} : memref<64xf32, #tpu.memory_space<vmem>>, vector<16xf32>,
      tpu.vector_store %arg10[%swap3A_322], %gather3A_321 {strides = array<i32>} : memref<64xf32, #tpu.memory_space<vmem>>, vector<16xf32>,
      %add3A_324 = arith.constant 48 : i32
      %add3A_325 = vector.broadcast %add3A_324 : i32 to vector<16xi32>
      %add3A_326 = arith.addi %iota3A, %add3A_325 : vector<16xi32>
      %gather3A_327 = tpu.vector_load_idx %arg9[%add3A_326, %broadcast_in_dim3A_266] : memref<64x128xf32, #tpu.memory_space<vmem>>[vector<16xi32>, vector<16xi32>], vector<16xf32>,
      %swap3A_328 = arith.constant 48 : index
      %swap3A_329 = tpu.vector_load %arg10[%swap3A_328] {strides = array<i32>} : memref<64xf32, #tpu.memory_space<vmem>>, vector<16xf32>,
      tpu.vector_store %arg10[%swap3A_328], %gather3A_327 {strides = array<i32>} : memref<64xf32, #tpu.memory_space<vmem>>, vector<16xf32>,
      %mul3A_330 = arith.constant 64 : i32
      %mul3A_331 = arith.muli %add3A_271, %mul3A_330 : i32
      "tpu.region"() ({
        %run_scoped3A = tpu.sem_alloc : memref<!tpu.dma_semaphore, #tpu.memory_space<semaphore_mem>>
        %dma_start3A_1788 = tpu.memref_slice %arg6[%mul3A_331] : memref<262144xf32, #tpu.memory_space<hbm>> -> memref<64xf32, #tpu.memory_space<hbm>>
        %dma_start3A_1789 = tpu.memref_slice %arg6[%mul3A_331] : memref<262144xf32, #tpu.memory_space<hbm>> -> memref<64xf32, #tpu.memory_space<hbm>>
        tpu.enqueue_dma source(%arg10 : memref<64xf32, #tpu.memory_space<vmem>>) target(%dma_start3A_1789 : memref<64xf32, #tpu.memory_space<hbm>>) target_semaphore(%run_scoped3A : memref<!tpu.dma_semaphore, #tpu.memory_space<semaphore_mem>>)
        %dma_wait3A_1790 = tpu.memref_slice %arg6[%mul3A_331] : memref<262144xf32, #tpu.memory_space<hbm>> -> memref<64xf32, #tpu.memory_space<hbm>>
        %dma_wait3A_1791 = tpu.memref_slice %arg6[%mul3A_331] : memref<262144xf32, #tpu.memory_space<hbm>> -> memref<64xf32, #tpu.memory_space<hbm>>
        tpu.wait_dma2 semaphore(%run_scoped3A : memref<!tpu.dma_semaphore, #tpu.memory_space<semaphore_mem>>) src(%arg10 : memref<64xf32, #tpu.memory_space<vmem>>) dst(%dma_wait3A_1791 : memref<64xf32, #tpu.memory_space<hbm>>)
        tpu.yield
      }) : () -> ()
      %eq3A_332 = arith.constant 3 : i32
      %eq3A_333 = vector.broadcast %eq3A_332 : i32 to vector<16xi32>
      %eq3A_334 = arith.cmpi eq, %iota3A, %eq3A_333 : vector<16xi32>
      %jit3A_335 = arith.constant 0 : i32
      %broadcast_in_dim3A_336 = vector.broadcast %jit3A_335 : i32 to vector<16xi32>
      %select_n3A_337 = arith.select %eq3A_334, %get3A_11, %broadcast_in_dim3A_336 : vector<16xi1>, vector<16xi32>
      %reduce_sum3A_338 = arith.constant true
      %reduce_sum3A_339 = vector.broadcast %reduce_sum3A_338 : i1 to vector<16xi1>
      %reduce_sum3A_340 = tpu.scan <sum>, %select_n3A_337 masked %reduce_sum3A_339 : vector<16xi32>, vector<16xi1> -> vector<16xi32>
      %reduce_sum3A_341 = vector.extract %reduce_sum3A_340[15] : i32 from vector<16xi32>
      %jit3A_342 = arith.constant 128 : i32
      %div3A_343 = arith.divsi %reduce_sum3A_341, %jit3A_342 : i32
      %sign3A_344 = arith.constant 0 : i32
      %sign3A_345 = arith.cmpi sgt, %reduce_sum3A_341, %sign3A_344 : i32
      %sign3A_346 = arith.extui %sign3A_345 : i1 to i32
      %sign3A_347 = arith.constant 0 : i32
      %sign3A_348 = arith.cmpi slt, %reduce_sum3A_341, %sign3A_347 : i32
      %sign3A_349 = arith.extui %sign3A_348 : i1 to i32
      %sign3A_350 = arith.subi %sign3A_346, %sign3A_349 : i32
      %sign3A_351 = arith.constant 0 : i32
      %sign3A_352 = arith.cmpi sgt, %jit3A_342, %sign3A_351 : i32
      %sign3A_353 = arith.extui %sign3A_352 : i1 to i32
      %sign3A_354 = arith.constant 0 : i32
      %sign3A_355 = arith.cmpi slt, %jit3A_342, %sign3A_354 : i32
      %sign3A_356 = arith.extui %sign3A_355 : i1 to i32
      %sign3A_357 = arith.subi %sign3A_353, %sign3A_356 : i32
      %ne3A_358 = arith.cmpi ne, %sign3A_350, %sign3A_357 : i32
      %rem3A_359 = arith.remsi %reduce_sum3A_341, %jit3A_342 : i32
      %ne3A_360 = arith.constant 0 : i32
      %ne3A_361 = arith.cmpi ne, %rem3A_359, %ne3A_360 : i32
      %and3A_362 = arith.andi %ne3A_358, %ne3A_361 : i1
      %sub3A_363 = arith.constant 1 : i32
      %sub3A_364 = arith.subi %div3A_343, %sub3A_363 : i32
      %select_n3A_365 = arith.select %and3A_362, %sub3A_364, %div3A_343 : i32
      %mul3A_366 = arith.constant 128 : i32
      %mul3A_367 = arith.muli %select_n3A_365, %mul3A_366 : i32
      %multiple_of3A_368 = tpu.assume_multiple %mul3A_367, 128 : i32
      %sub3A_369 = arith.subi %reduce_sum3A_341, %multiple_of3A_368 : i32
      %dma_start3A_370 = arith.constant 0 : i32
      %dma_start3A_371 = tpu.memref_slice %arg3[%dma_start3A_370, %multiple_of3A_368] : memref<64x1000000xf32, #tpu.memory_space<hbm>> -> memref<64x128xf32, #tpu.memory_space<hbm>>
      %dma_start3A_372 = arith.constant 0 : i32
      %dma_start3A_373 = tpu.memref_slice %arg3[%dma_start3A_372, %multiple_of3A_368] : memref<64x1000000xf32, #tpu.memory_space<hbm>> -> memref<64x128xf32, #tpu.memory_space<hbm>>
      tpu.enqueue_dma source(%dma_start3A_373 : memref<64x128xf32, #tpu.memory_space<hbm>>) target(%arg8 : memref<64x128xf32, #tpu.memory_space<vmem>>) target_semaphore(%arg11 : memref<!tpu.dma_semaphore, #tpu.memory_space<semaphore_mem>>)
      %dma_start3A_374 = arith.constant 0 : i32
      %dma_start3A_375 = tpu.memref_slice %arg4[%dma_start3A_374, %multiple_of3A_368] : memref<64x1000000xf32, #tpu.memory_space<hbm>> -> memref<64x128xf32, #tpu.memory_space<hbm>>
      %dma_start3A_376 = arith.constant 0 : i32
      %dma_start3A_377 = tpu.memref_slice %arg4[%dma_start3A_376, %multiple_of3A_368] : memref<64x1000000xf32, #tpu.memory_space<hbm>> -> memref<64x128xf32, #tpu.memory_space<hbm>>
      tpu.enqueue_dma source(%dma_start3A_377 : memref<64x128xf32, #tpu.memory_space<hbm>>) target(%arg9 : memref<64x128xf32, #tpu.memory_space<vmem>>) target_semaphore(%arg12 : memref<!tpu.dma_semaphore, #tpu.memory_space<semaphore_mem>>)
      %broadcast_in_dim3A_378 = vector.broadcast %sub3A_369 : i32 to vector<16xi32>
      %mul3A_379 = arith.constant 16 : i32
      %mul3A_380 = arith.muli %scan3A_8, %mul3A_379 : i32
      %add3A_381 = arith.addi %mul3A_2, %mul3A_380 : i32
      %add3A_382 = arith.constant 3 : i32
      %add3A_383 = arith.addi %add3A_381, %add3A_382 : i32
      %dma_wait3A_384 = arith.constant 0 : i32
      %dma_wait3A_385 = tpu.memref_slice %arg3[%dma_wait3A_384, %multiple_of3A_368] : memref<64x1000000xf32, #tpu.memory_space<hbm>> -> memref<64x128xf32, #tpu.memory_space<hbm>>
      %dma_wait3A_386 = arith.constant 0 : i32
      %dma_wait3A_387 = tpu.memref_slice %arg3[%dma_wait3A_386, %multiple_of3A_368] : memref<64x1000000xf32, #tpu.memory_space<hbm>> -> memref<64x128xf32, #tpu.memory_space<hbm>>
      tpu.wait_dma2 semaphore(%arg11 : memref<!tpu.dma_semaphore, #tpu.memory_space<semaphore_mem>>) src(%dma_wait3A_387 : memref<64x128xf32, #tpu.memory_space<hbm>>) dst(%arg8 : memref<64x128xf32, #tpu.memory_space<vmem>>)
      %add3A_388 = arith.constant 0 : i32
      %add3A_389 = vector.broadcast %add3A_388 : i32 to vector<16xi32>
      %add3A_390 = arith.addi %iota3A, %add3A_389 : vector<16xi32>
      %gather3A_391 = tpu.vector_load_idx %arg8[%add3A_390, %broadcast_in_dim3A_378] : memref<64x128xf32, #tpu.memory_space<vmem>>[vector<16xi32>, vector<16xi32>], vector<16xf32>,
      %swap3A_392 = arith.constant 0 : index
      %swap3A_393 = tpu.vector_load %arg10[%swap3A_392] {strides = array<i32>} : memref<64xf32, #tpu.memory_space<vmem>>, vector<16xf32>,
      tpu.vector_store %arg10[%swap3A_392], %gather3A_391 {strides = array<i32>} : memref<64xf32, #tpu.memory_space<vmem>>, vector<16xf32>,
      %add3A_394 = arith.constant 16 : i32
      %add3A_395 = vector.broadcast %add3A_394 : i32 to vector<16xi32>
      %add3A_396 = arith.addi %iota3A, %add3A_395 : vector<16xi32>
      %gather3A_397 = tpu.vector_load_idx %arg8[%add3A_396, %broadcast_in_dim3A_378] : memref<64x128xf32, #tpu.memory_space<vmem>>[vector<16xi32>, vector<16xi32>], vector<16xf32>,
      %swap3A_398 = arith.constant 16 : index
      %swap3A_399 = tpu.vector_load %arg10[%swap3A_398] {strides = array<i32>} : memref<64xf32, #tpu.memory_space<vmem>>, vector<16xf32>,
      tpu.vector_store %arg10[%swap3A_398], %gather3A_397 {strides = array<i32>} : memref<64xf32, #tpu.memory_space<vmem>>, vector<16xf32>,
      %add3A_400 = arith.constant 32 : i32
      %add3A_401 = vector.broadcast %add3A_400 : i32 to vector<16xi32>
      %add3A_402 = arith.addi %iota3A, %add3A_401 : vector<16xi32>
      %gather3A_403 = tpu.vector_load_idx %arg8[%add3A_402, %broadcast_in_dim3A_378] : memref<64x128xf32, #tpu.memory_space<vmem>>[vector<16xi32>, vector<16xi32>], vector<16xf32>,
      %swap3A_404 = arith.constant 32 : index
      %swap3A_405 = tpu.vector_load %arg10[%swap3A_404] {strides = array<i32>} : memref<64xf32, #tpu.memory_space<vmem>>, vector<16xf32>,
      tpu.vector_store %arg10[%swap3A_404], %gather3A_403 {strides = array<i32>} : memref<64xf32, #tpu.memory_space<vmem>>, vector<16xf32>,
      %add3A_406 = arith.constant 48 : i32
      %add3A_407 = vector.broadcast %add3A_406 : i32 to vector<16xi32>
      %add3A_408 = arith.addi %iota3A, %add3A_407 : vector<16xi32>
      %gather3A_409 = tpu.vector_load_idx %arg8[%add3A_408, %broadcast_in_dim3A_378] : memref<64x128xf32, #tpu.memory_space<vmem>>[vector<16xi32>, vector<16xi32>], vector<16xf32>,
      %swap3A_410 = arith.constant 48 : index
      %swap3A_411 = tpu.vector_load %arg10[%swap3A_410] {strides = array<i32>} : memref<64xf32, #tpu.memory_space<vmem>>, vector<16xf32>,
      tpu.vector_store %arg10[%swap3A_410], %gather3A_409 {strides = array<i32>} : memref<64xf32, #tpu.memory_space<vmem>>, vector<16xf32>,
      %mul3A_412 = arith.constant 64 : i32
      %mul3A_413 = arith.muli %add3A_383, %mul3A_412 : i32
      "tpu.region"() ({
        %run_scoped3A = tpu.sem_alloc : memref<!tpu.dma_semaphore, #tpu.memory_space<semaphore_mem>>
        %dma_start3A_1788 = tpu.memref_slice %arg5[%mul3A_413] : memref<262144xf32, #tpu.memory_space<hbm>> -> memref<64xf32, #tpu.memory_space<hbm>>
        %dma_start3A_1789 = tpu.memref_slice %arg5[%mul3A_413] : memref<262144xf32, #tpu.memory_space<hbm>> -> memref<64xf32, #tpu.memory_space<hbm>>
        tpu.enqueue_dma source(%arg10 : memref<64xf32, #tpu.memory_space<vmem>>) target(%dma_start3A_1789 : memref<64xf32, #tpu.memory_space<hbm>>) target_semaphore(%run_scoped3A : memref<!tpu.dma_semaphore, #tpu.memory_space<semaphore_mem>>)
        %dma_wait3A_1790 = tpu.memref_slice %arg5[%mul3A_413] : memref<262144xf32, #tpu.memory_space<hbm>> -> memref<64xf32, #tpu.memory_space<hbm>>
        %dma_wait3A_1791 = tpu.memref_slice %arg5[%mul3A_413] : memref<262144xf32, #tpu.memory_space<hbm>> -> memref<64xf32, #tpu.memory_space<hbm>>
        tpu.wait_dma2 semaphore(%run_scoped3A : memref<!tpu.dma_semaphore, #tpu.memory_space<semaphore_mem>>) src(%arg10 : memref<64xf32, #tpu.memory_space<vmem>>) dst(%dma_wait3A_1791 : memref<64xf32, #tpu.memory_space<hbm>>)
        tpu.yield
      }) : () -> ()
      %dma_wait3A_414 = arith.constant 0 : i32
      %dma_wait3A_415 = tpu.memref_slice %arg4[%dma_wait3A_414, %multiple_of3A_368] : memref<64x1000000xf32, #tpu.memory_space<hbm>> -> memref<64x128xf32, #tpu.memory_space<hbm>>
      %dma_wait3A_416 = arith.constant 0 : i32
      %dma_wait3A_417 = tpu.memref_slice %arg4[%dma_wait3A_416, %multiple_of3A_368] : memref<64x1000000xf32, #tpu.memory_space<hbm>> -> memref<64x128xf32, #tpu.memory_space<hbm>>
      tpu.wait_dma2 semaphore(%arg12 : memref<!tpu.dma_semaphore, #tpu.memory_space<semaphore_mem>>) src(%dma_wait3A_417 : memref<64x128xf32, #tpu.memory_space<hbm>>) dst(%arg9 : memref<64x128xf32, #tpu.memory_space<vmem>>)
      %add3A_418 = arith.constant 0 : i32
      %add3A_419 = vector.broadcast %add3A_418 : i32 to vector<16xi32>
      %add3A_420 = arith.addi %iota3A, %add3A_419 : vector<16xi32>
      %gather3A_421 = tpu.vector_load_idx %arg9[%add3A_420, %broadcast_in_dim3A_378] : memref<64x128xf32, #tpu.memory_space<vmem>>[vector<16xi32>, vector<16xi32>], vector<16xf32>,
      %swap3A_422 = arith.constant 0 : index
      %swap3A_423 = tpu.vector_load %arg10[%swap3A_422] {strides = array<i32>} : memref<64xf32, #tpu.memory_space<vmem>>, vector<16xf32>,
      tpu.vector_store %arg10[%swap3A_422], %gather3A_421 {strides = array<i32>} : memref<64xf32, #tpu.memory_space<vmem>>, vector<16xf32>,
      %add3A_424 = arith.constant 16 : i32
      %add3A_425 = vector.broadcast %add3A_424 : i32 to vector<16xi32>
      %add3A_426 = arith.addi %iota3A, %add3A_425 : vector<16xi32>
      %gather3A_427 = tpu.vector_load_idx %arg9[%add3A_426, %broadcast_in_dim3A_378] : memref<64x128xf32, #tpu.memory_space<vmem>>[vector<16xi32>, vector<16xi32>], vector<16xf32>,
      %swap3A_428 = arith.constant 16 : index
      %swap3A_429 = tpu.vector_load %arg10[%swap3A_428] {strides = array<i32>} : memref<64xf32, #tpu.memory_space<vmem>>, vector<16xf32>,
      tpu.vector_store %arg10[%swap3A_428], %gather3A_427 {strides = array<i32>} : memref<64xf32, #tpu.memory_space<vmem>>, vector<16xf32>,
      %add3A_430 = arith.constant 32 : i32
      %add3A_431 = vector.broadcast %add3A_430 : i32 to vector<16xi32>
      %add3A_432 = arith.addi %iota3A, %add3A_431 : vector<16xi32>
      %gather3A_433 = tpu.vector_load_idx %arg9[%add3A_432, %broadcast_in_dim3A_378] : memref<64x128xf32, #tpu.memory_space<vmem>>[vector<16xi32>, vector<16xi32>], vector<16xf32>,
      %swap3A_434 = arith.constant 32 : index
      %swap3A_435 = tpu.vector_load %arg10[%swap3A_434] {strides = array<i32>} : memref<64xf32, #tpu.memory_space<vmem>>, vector<16xf32>,
      tpu.vector_store %arg10[%swap3A_434], %gather3A_433 {strides = array<i32>} : memref<64xf32, #tpu.memory_space<vmem>>, vector<16xf32>,
      %add3A_436 = arith.constant 48 : i32
      %add3A_437 = vector.broadcast %add3A_436 : i32 to vector<16xi32>
      %add3A_438 = arith.addi %iota3A, %add3A_437 : vector<16xi32>
      %gather3A_439 = tpu.vector_load_idx %arg9[%add3A_438, %broadcast_in_dim3A_378] : memref<64x128xf32, #tpu.memory_space<vmem>>[vector<16xi32>, vector<16xi32>], vector<16xf32>,
      %swap3A_440 = arith.constant 48 : index
      %swap3A_441 = tpu.vector_load %arg10[%swap3A_440] {strides = array<i32>} : memref<64xf32, #tpu.memory_space<vmem>>, vector<16xf32>,
      tpu.vector_store %arg10[%swap3A_440], %gather3A_439 {strides = array<i32>} : memref<64xf32, #tpu.memory_space<vmem>>, vector<16xf32>,
      %mul3A_442 = arith.constant 64 : i32
      %mul3A_443 = arith.muli %add3A_383, %mul3A_442 : i32
      "tpu.region"() ({
        %run_scoped3A = tpu.sem_alloc : memref<!tpu.dma_semaphore, #tpu.memory_space<semaphore_mem>>
        %dma_start3A_1788 = tpu.memref_slice %arg6[%mul3A_443] : memref<262144xf32, #tpu.memory_space<hbm>> -> memref<64xf32, #tpu.memory_space<hbm>>
        %dma_start3A_1789 = tpu.memref_slice %arg6[%mul3A_443] : memref<262144xf32, #tpu.memory_space<hbm>> -> memref<64xf32, #tpu.memory_space<hbm>>
        tpu.enqueue_dma source(%arg10 : memref<64xf32, #tpu.memory_space<vmem>>) target(%dma_start3A_1789 : memref<64xf32, #tpu.memory_space<hbm>>) target_semaphore(%run_scoped3A : memref<!tpu.dma_semaphore, #tpu.memory_space<semaphore_mem>>)
        %dma_wait3A_1790 = tpu.memref_slice %arg6[%mul3A_443] : memref<262144xf32, #tpu.memory_space<hbm>> -> memref<64xf32, #tpu.memory_space<hbm>>
        %dma_wait3A_1791 = tpu.memref_slice %arg6[%mul3A_443] : memref<262144xf32, #tpu.memory_space<hbm>> -> memref<64xf32, #tpu.memory_space<hbm>>
        tpu.wait_dma2 semaphore(%run_scoped3A : memref<!tpu.dma_semaphore, #tpu.memory_space<semaphore_mem>>) src(%arg10 : memref<64xf32, #tpu.memory_space<vmem>>) dst(%dma_wait3A_1791 : memref<64xf32, #tpu.memory_space<hbm>>)
        tpu.yield
      }) : () -> ()
      %eq3A_444 = arith.constant 4 : i32
      %eq3A_445 = vector.broadcast %eq3A_444 : i32 to vector<16xi32>
      %eq3A_446 = arith.cmpi eq, %iota3A, %eq3A_445 : vector<16xi32>
      %jit3A_447 = arith.constant 0 : i32
      %broadcast_in_dim3A_448 = vector.broadcast %jit3A_447 : i32 to vector<16xi32>
      %select_n3A_449 = arith.select %eq3A_446, %get3A_11, %broadcast_in_dim3A_448 : vector<16xi1>, vector<16xi32>
      %reduce_sum3A_450 = arith.constant true
      %reduce_sum3A_451 = vector.broadcast %reduce_sum3A_450 : i1 to vector<16xi1>
      %reduce_sum3A_452 = tpu.scan <sum>, %select_n3A_449 masked %reduce_sum3A_451 : vector<16xi32>, vector<16xi1> -> vector<16xi32>
      %reduce_sum3A_453 = vector.extract %reduce_sum3A_452[15] : i32 from vector<16xi32>
      %jit3A_454 = arith.constant 128 : i32
      %div3A_455 = arith.divsi %reduce_sum3A_453, %jit3A_454 : i32
      %sign3A_456 = arith.constant 0 : i32
      %sign3A_457 = arith.cmpi sgt, %reduce_sum3A_453, %sign3A_456 : i32
      %sign3A_458 = arith.extui %sign3A_457 : i1 to i32
      %sign3A_459 = arith.constant 0 : i32
      %sign3A_460 = arith.cmpi slt, %reduce_sum3A_453, %sign3A_459 : i32
      %sign3A_461 = arith.extui %sign3A_460 : i1 to i32
      %sign3A_462 = arith.subi %sign3A_458, %sign3A_461 : i32
      %sign3A_463 = arith.constant 0 : i32
      %sign3A_464 = arith.cmpi sgt, %jit3A_454, %sign3A_463 : i32
      %sign3A_465 = arith.extui %sign3A_464 : i1 to i32
      %sign3A_466 = arith.constant 0 : i32
      %sign3A_467 = arith.cmpi slt, %jit3A_454, %sign3A_466 : i32
      %sign3A_468 = arith.extui %sign3A_467 : i1 to i32
      %sign3A_469 = arith.subi %sign3A_465, %sign3A_468 : i32
      %ne3A_470 = arith.cmpi ne, %sign3A_462, %sign3A_469 : i32
      %rem3A_471 = arith.remsi %reduce_sum3A_453, %jit3A_454 : i32
      %ne3A_472 = arith.constant 0 : i32
      %ne3A_473 = arith.cmpi ne, %rem3A_471, %ne3A_472 : i32
      %and3A_474 = arith.andi %ne3A_470, %ne3A_473 : i1
      %sub3A_475 = arith.constant 1 : i32
      %sub3A_476 = arith.subi %div3A_455, %sub3A_475 : i32
      %select_n3A_477 = arith.select %and3A_474, %sub3A_476, %div3A_455 : i32
      %mul3A_478 = arith.constant 128 : i32
      %mul3A_479 = arith.muli %select_n3A_477, %mul3A_478 : i32
      %multiple_of3A_480 = tpu.assume_multiple %mul3A_479, 128 : i32
      %sub3A_481 = arith.subi %reduce_sum3A_453, %multiple_of3A_480 : i32
      %dma_start3A_482 = arith.constant 0 : i32
      %dma_start3A_483 = tpu.memref_slice %arg3[%dma_start3A_482, %multiple_of3A_480] : memref<64x1000000xf32, #tpu.memory_space<hbm>> -> memref<64x128xf32, #tpu.memory_space<hbm>>
      %dma_start3A_484 = arith.constant 0 : i32
      %dma_start3A_485 = tpu.memref_slice %arg3[%dma_start3A_484, %multiple_of3A_480] : memref<64x1000000xf32, #tpu.memory_space<hbm>> -> memref<64x128xf32, #tpu.memory_space<hbm>>
      tpu.enqueue_dma source(%dma_start3A_485 : memref<64x128xf32, #tpu.memory_space<hbm>>) target(%arg8 : memref<64x128xf32, #tpu.memory_space<vmem>>) target_semaphore(%arg11 : memref<!tpu.dma_semaphore, #tpu.memory_space<semaphore_mem>>)
      %dma_start3A_486 = arith.constant 0 : i32
      %dma_start3A_487 = tpu.memref_slice %arg4[%dma_start3A_486, %multiple_of3A_480] : memref<64x1000000xf32, #tpu.memory_space<hbm>> -> memref<64x128xf32, #tpu.memory_space<hbm>>
      %dma_start3A_488 = arith.constant 0 : i32
      %dma_start3A_489 = tpu.memref_slice %arg4[%dma_start3A_488, %multiple_of3A_480] : memref<64x1000000xf32, #tpu.memory_space<hbm>> -> memref<64x128xf32, #tpu.memory_space<hbm>>
      tpu.enqueue_dma source(%dma_start3A_489 : memref<64x128xf32, #tpu.memory_space<hbm>>) target(%arg9 : memref<64x128xf32, #tpu.memory_space<vmem>>) target_semaphore(%arg12 : memref<!tpu.dma_semaphore, #tpu.memory_space<semaphore_mem>>)
      %broadcast_in_dim3A_490 = vector.broadcast %sub3A_481 : i32 to vector<16xi32>
      %mul3A_491 = arith.constant 16 : i32
      %mul3A_492 = arith.muli %scan3A_8, %mul3A_491 : i32
      %add3A_493 = arith.addi %mul3A_2, %mul3A_492 : i32
      %add3A_494 = arith.constant 4 : i32
      %add3A_495 = arith.addi %add3A_493, %add3A_494 : i32
      %dma_wait3A_496 = arith.constant 0 : i32
      %dma_wait3A_497 = tpu.memref_slice %arg3[%dma_wait3A_496, %multiple_of3A_480] : memref<64x1000000xf32, #tpu.memory_space<hbm>> -> memref<64x128xf32, #tpu.memory_space<hbm>>
      %dma_wait3A_498 = arith.constant 0 : i32
      %dma_wait3A_499 = tpu.memref_slice %arg3[%dma_wait3A_498, %multiple_of3A_480] : memref<64x1000000xf32, #tpu.memory_space<hbm>> -> memref<64x128xf32, #tpu.memory_space<hbm>>
      tpu.wait_dma2 semaphore(%arg11 : memref<!tpu.dma_semaphore, #tpu.memory_space<semaphore_mem>>) src(%dma_wait3A_499 : memref<64x128xf32, #tpu.memory_space<hbm>>) dst(%arg8 : memref<64x128xf32, #tpu.memory_space<vmem>>)
      %add3A_500 = arith.constant 0 : i32
      %add3A_501 = vector.broadcast %add3A_500 : i32 to vector<16xi32>
      %add3A_502 = arith.addi %iota3A, %add3A_501 : vector<16xi32>
      %gather3A_503 = tpu.vector_load_idx %arg8[%add3A_502, %broadcast_in_dim3A_490] : memref<64x128xf32, #tpu.memory_space<vmem>>[vector<16xi32>, vector<16xi32>], vector<16xf32>,
      %swap3A_504 = arith.constant 0 : index
      %swap3A_505 = tpu.vector_load %arg10[%swap3A_504] {strides = array<i32>} : memref<64xf32, #tpu.memory_space<vmem>>, vector<16xf32>,
      tpu.vector_store %arg10[%swap3A_504], %gather3A_503 {strides = array<i32>} : memref<64xf32, #tpu.memory_space<vmem>>, vector<16xf32>,
      %add3A_506 = arith.constant 16 : i32
      %add3A_507 = vector.broadcast %add3A_506 : i32 to vector<16xi32>
      %add3A_508 = arith.addi %iota3A, %add3A_507 : vector<16xi32>
      %gather3A_509 = tpu.vector_load_idx %arg8[%add3A_508, %broadcast_in_dim3A_490] : memref<64x128xf32, #tpu.memory_space<vmem>>[vector<16xi32>, vector<16xi32>], vector<16xf32>,
      %swap3A_510 = arith.constant 16 : index
      %swap3A_511 = tpu.vector_load %arg10[%swap3A_510] {strides = array<i32>} : memref<64xf32, #tpu.memory_space<vmem>>, vector<16xf32>,
      tpu.vector_store %arg10[%swap3A_510], %gather3A_509 {strides = array<i32>} : memref<64xf32, #tpu.memory_space<vmem>>, vector<16xf32>,
      %add3A_512 = arith.constant 32 : i32
      %add3A_513 = vector.broadcast %add3A_512 : i32 to vector<16xi32>
      %add3A_514 = arith.addi %iota3A, %add3A_513 : vector<16xi32>
      %gather3A_515 = tpu.vector_load_idx %arg8[%add3A_514, %broadcast_in_dim3A_490] : memref<64x128xf32, #tpu.memory_space<vmem>>[vector<16xi32>, vector<16xi32>], vector<16xf32>,
      %swap3A_516 = arith.constant 32 : index
      %swap3A_517 = tpu.vector_load %arg10[%swap3A_516] {strides = array<i32>} : memref<64xf32, #tpu.memory_space<vmem>>, vector<16xf32>,
      tpu.vector_store %arg10[%swap3A_516], %gather3A_515 {strides = array<i32>} : memref<64xf32, #tpu.memory_space<vmem>>, vector<16xf32>,
      %add3A_518 = arith.constant 48 : i32
      %add3A_519 = vector.broadcast %add3A_518 : i32 to vector<16xi32>
      %add3A_520 = arith.addi %iota3A, %add3A_519 : vector<16xi32>
      %gather3A_521 = tpu.vector_load_idx %arg8[%add3A_520, %broadcast_in_dim3A_490] : memref<64x128xf32, #tpu.memory_space<vmem>>[vector<16xi32>, vector<16xi32>], vector<16xf32>,
      %swap3A_522 = arith.constant 48 : index
      %swap3A_523 = tpu.vector_load %arg10[%swap3A_522] {strides = array<i32>} : memref<64xf32, #tpu.memory_space<vmem>>, vector<16xf32>,
      tpu.vector_store %arg10[%swap3A_522], %gather3A_521 {strides = array<i32>} : memref<64xf32, #tpu.memory_space<vmem>>, vector<16xf32>,
      %mul3A_524 = arith.constant 64 : i32
      %mul3A_525 = arith.muli %add3A_495, %mul3A_524 : i32
      "tpu.region"() ({
        %run_scoped3A = tpu.sem_alloc : memref<!tpu.dma_semaphore, #tpu.memory_space<semaphore_mem>>
        %dma_start3A_1788 = tpu.memref_slice %arg5[%mul3A_525] : memref<262144xf32, #tpu.memory_space<hbm>> -> memref<64xf32, #tpu.memory_space<hbm>>
        %dma_start3A_1789 = tpu.memref_slice %arg5[%mul3A_525] : memref<262144xf32, #tpu.memory_space<hbm>> -> memref<64xf32, #tpu.memory_space<hbm>>
        tpu.enqueue_dma source(%arg10 : memref<64xf32, #tpu.memory_space<vmem>>) target(%dma_start3A_1789 : memref<64xf32, #tpu.memory_space<hbm>>) target_semaphore(%run_scoped3A : memref<!tpu.dma_semaphore, #tpu.memory_space<semaphore_mem>>)
        %dma_wait3A_1790 = tpu.memref_slice %arg5[%mul3A_525] : memref<262144xf32, #tpu.memory_space<hbm>> -> memref<64xf32, #tpu.memory_space<hbm>>
        %dma_wait3A_1791 = tpu.memref_slice %arg5[%mul3A_525] : memref<262144xf32, #tpu.memory_space<hbm>> -> memref<64xf32, #tpu.memory_space<hbm>>
        tpu.wait_dma2 semaphore(%run_scoped3A : memref<!tpu.dma_semaphore, #tpu.memory_space<semaphore_mem>>) src(%arg10 : memref<64xf32, #tpu.memory_space<vmem>>) dst(%dma_wait3A_1791 : memref<64xf32, #tpu.memory_space<hbm>>)
        tpu.yield
      }) : () -> ()
      %dma_wait3A_526 = arith.constant 0 : i32
      %dma_wait3A_527 = tpu.memref_slice %arg4[%dma_wait3A_526, %multiple_of3A_480] : memref<64x1000000xf32, #tpu.memory_space<hbm>> -> memref<64x128xf32, #tpu.memory_space<hbm>>
      %dma_wait3A_528 = arith.constant 0 : i32
      %dma_wait3A_529 = tpu.memref_slice %arg4[%dma_wait3A_528, %multiple_of3A_480] : memref<64x1000000xf32, #tpu.memory_space<hbm>> -> memref<64x128xf32, #tpu.memory_space<hbm>>
      tpu.wait_dma2 semaphore(%arg12 : memref<!tpu.dma_semaphore, #tpu.memory_space<semaphore_mem>>) src(%dma_wait3A_529 : memref<64x128xf32, #tpu.memory_space<hbm>>) dst(%arg9 : memref<64x128xf32, #tpu.memory_space<vmem>>)
      %add3A_530 = arith.constant 0 : i32
      %add3A_531 = vector.broadcast %add3A_530 : i32 to vector<16xi32>
      %add3A_532 = arith.addi %iota3A, %add3A_531 : vector<16xi32>
      %gather3A_533 = tpu.vector_load_idx %arg9[%add3A_532, %broadcast_in_dim3A_490] : memref<64x128xf32, #tpu.memory_space<vmem>>[vector<16xi32>, vector<16xi32>], vector<16xf32>,
      %swap3A_534 = arith.constant 0 : index
      %swap3A_535 = tpu.vector_load %arg10[%swap3A_534] {strides = array<i32>} : memref<64xf32, #tpu.memory_space<vmem>>, vector<16xf32>,
      tpu.vector_store %arg10[%swap3A_534], %gather3A_533 {strides = array<i32>} : memref<64xf32, #tpu.memory_space<vmem>>, vector<16xf32>,
      %add3A_536 = arith.constant 16 : i32
      %add3A_537 = vector.broadcast %add3A_536 : i32 to vector<16xi32>
      %add3A_538 = arith.addi %iota3A, %add3A_537 : vector<16xi32>
      %gather3A_539 = tpu.vector_load_idx %arg9[%add3A_538, %broadcast_in_dim3A_490] : memref<64x128xf32, #tpu.memory_space<vmem>>[vector<16xi32>, vector<16xi32>], vector<16xf32>,
      %swap3A_540 = arith.constant 16 : index
      %swap3A_541 = tpu.vector_load %arg10[%swap3A_540] {strides = array<i32>} : memref<64xf32, #tpu.memory_space<vmem>>, vector<16xf32>,
      tpu.vector_store %arg10[%swap3A_540], %gather3A_539 {strides = array<i32>} : memref<64xf32, #tpu.memory_space<vmem>>, vector<16xf32>,
      %add3A_542 = arith.constant 32 : i32
      %add3A_543 = vector.broadcast %add3A_542 : i32 to vector<16xi32>
      %add3A_544 = arith.addi %iota3A, %add3A_543 : vector<16xi32>
      %gather3A_545 = tpu.vector_load_idx %arg9[%add3A_544, %broadcast_in_dim3A_490] : memref<64x128xf32, #tpu.memory_space<vmem>>[vector<16xi32>, vector<16xi32>], vector<16xf32>,
      %swap3A_546 = arith.constant 32 : index
      %swap3A_547 = tpu.vector_load %arg10[%swap3A_546] {strides = array<i32>} : memref<64xf32, #tpu.memory_space<vmem>>, vector<16xf32>,
      tpu.vector_store %arg10[%swap3A_546], %gather3A_545 {strides = array<i32>} : memref<64xf32, #tpu.memory_space<vmem>>, vector<16xf32>,
      %add3A_548 = arith.constant 48 : i32
      %add3A_549 = vector.broadcast %add3A_548 : i32 to vector<16xi32>
      %add3A_550 = arith.addi %iota3A, %add3A_549 : vector<16xi32>
      %gather3A_551 = tpu.vector_load_idx %arg9[%add3A_550, %broadcast_in_dim3A_490] : memref<64x128xf32, #tpu.memory_space<vmem>>[vector<16xi32>, vector<16xi32>], vector<16xf32>,
      %swap3A_552 = arith.constant 48 : index
      %swap3A_553 = tpu.vector_load %arg10[%swap3A_552] {strides = array<i32>} : memref<64xf32, #tpu.memory_space<vmem>>, vector<16xf32>,
      tpu.vector_store %arg10[%swap3A_552], %gather3A_551 {strides = array<i32>} : memref<64xf32, #tpu.memory_space<vmem>>, vector<16xf32>,
      %mul3A_554 = arith.constant 64 : i32
      %mul3A_555 = arith.muli %add3A_495, %mul3A_554 : i32
      "tpu.region"() ({
        %run_scoped3A = tpu.sem_alloc : memref<!tpu.dma_semaphore, #tpu.memory_space<semaphore_mem>>
        %dma_start3A_1788 = tpu.memref_slice %arg6[%mul3A_555] : memref<262144xf32, #tpu.memory_space<hbm>> -> memref<64xf32, #tpu.memory_space<hbm>>
        %dma_start3A_1789 = tpu.memref_slice %arg6[%mul3A_555] : memref<262144xf32, #tpu.memory_space<hbm>> -> memref<64xf32, #tpu.memory_space<hbm>>
        tpu.enqueue_dma source(%arg10 : memref<64xf32, #tpu.memory_space<vmem>>) target(%dma_start3A_1789 : memref<64xf32, #tpu.memory_space<hbm>>) target_semaphore(%run_scoped3A : memref<!tpu.dma_semaphore, #tpu.memory_space<semaphore_mem>>)
        %dma_wait3A_1790 = tpu.memref_slice %arg6[%mul3A_555] : memref<262144xf32, #tpu.memory_space<hbm>> -> memref<64xf32, #tpu.memory_space<hbm>>
        %dma_wait3A_1791 = tpu.memref_slice %arg6[%mul3A_555] : memref<262144xf32, #tpu.memory_space<hbm>> -> memref<64xf32, #tpu.memory_space<hbm>>
        tpu.wait_dma2 semaphore(%run_scoped3A : memref<!tpu.dma_semaphore, #tpu.memory_space<semaphore_mem>>) src(%arg10 : memref<64xf32, #tpu.memory_space<vmem>>) dst(%dma_wait3A_1791 : memref<64xf32, #tpu.memory_space<hbm>>)
        tpu.yield
      }) : () -> ()
      %eq3A_556 = arith.constant 5 : i32
      %eq3A_557 = vector.broadcast %eq3A_556 : i32 to vector<16xi32>
      %eq3A_558 = arith.cmpi eq, %iota3A, %eq3A_557 : vector<16xi32>
      %jit3A_559 = arith.constant 0 : i32
      %broadcast_in_dim3A_560 = vector.broadcast %jit3A_559 : i32 to vector<16xi32>
      %select_n3A_561 = arith.select %eq3A_558, %get3A_11, %broadcast_in_dim3A_560 : vector<16xi1>, vector<16xi32>
      %reduce_sum3A_562 = arith.constant true
      %reduce_sum3A_563 = vector.broadcast %reduce_sum3A_562 : i1 to vector<16xi1>
      %reduce_sum3A_564 = tpu.scan <sum>, %select_n3A_561 masked %reduce_sum3A_563 : vector<16xi32>, vector<16xi1> -> vector<16xi32>
      %reduce_sum3A_565 = vector.extract %reduce_sum3A_564[15] : i32 from vector<16xi32>
      %jit3A_566 = arith.constant 128 : i32
      %div3A_567 = arith.divsi %reduce_sum3A_565, %jit3A_566 : i32
      %sign3A_568 = arith.constant 0 : i32
      %sign3A_569 = arith.cmpi sgt, %reduce_sum3A_565, %sign3A_568 : i32
      %sign3A_570 = arith.extui %sign3A_569 : i1 to i32
      %sign3A_571 = arith.constant 0 : i32
      %sign3A_572 = arith.cmpi slt, %reduce_sum3A_565, %sign3A_571 : i32
      %sign3A_573 = arith.extui %sign3A_572 : i1 to i32
      %sign3A_574 = arith.subi %sign3A_570, %sign3A_573 : i32
      %sign3A_575 = arith.constant 0 : i32
      %sign3A_576 = arith.cmpi sgt, %jit3A_566, %sign3A_575 : i32
      %sign3A_577 = arith.extui %sign3A_576 : i1 to i32
      %sign3A_578 = arith.constant 0 : i32
      %sign3A_579 = arith.cmpi slt, %jit3A_566, %sign3A_578 : i32
      %sign3A_580 = arith.extui %sign3A_579 : i1 to i32
      %sign3A_581 = arith.subi %sign3A_577, %sign3A_580 : i32
      %ne3A_582 = arith.cmpi ne, %sign3A_574, %sign3A_581 : i32
      %rem3A_583 = arith.remsi %reduce_sum3A_565, %jit3A_566 : i32
      %ne3A_584 = arith.constant 0 : i32
      %ne3A_585 = arith.cmpi ne, %rem3A_583, %ne3A_584 : i32
      %and3A_586 = arith.andi %ne3A_582, %ne3A_585 : i1
      %sub3A_587 = arith.constant 1 : i32
      %sub3A_588 = arith.subi %div3A_567, %sub3A_587 : i32
      %select_n3A_589 = arith.select %and3A_586, %sub3A_588, %div3A_567 : i32
      %mul3A_590 = arith.constant 128 : i32
      %mul3A_591 = arith.muli %select_n3A_589, %mul3A_590 : i32
      %multiple_of3A_592 = tpu.assume_multiple %mul3A_591, 128 : i32
      %sub3A_593 = arith.subi %reduce_sum3A_565, %multiple_of3A_592 : i32
      %dma_start3A_594 = arith.constant 0 : i32
      %dma_start3A_595 = tpu.memref_slice %arg3[%dma_start3A_594, %multiple_of3A_592] : memref<64x1000000xf32, #tpu.memory_space<hbm>> -> memref<64x128xf32, #tpu.memory_space<hbm>>
      %dma_start3A_596 = arith.constant 0 : i32
      %dma_start3A_597 = tpu.memref_slice %arg3[%dma_start3A_596, %multiple_of3A_592] : memref<64x1000000xf32, #tpu.memory_space<hbm>> -> memref<64x128xf32, #tpu.memory_space<hbm>>
      tpu.enqueue_dma source(%dma_start3A_597 : memref<64x128xf32, #tpu.memory_space<hbm>>) target(%arg8 : memref<64x128xf32, #tpu.memory_space<vmem>>) target_semaphore(%arg11 : memref<!tpu.dma_semaphore, #tpu.memory_space<semaphore_mem>>)
      %dma_start3A_598 = arith.constant 0 : i32
      %dma_start3A_599 = tpu.memref_slice %arg4[%dma_start3A_598, %multiple_of3A_592] : memref<64x1000000xf32, #tpu.memory_space<hbm>> -> memref<64x128xf32, #tpu.memory_space<hbm>>
      %dma_start3A_600 = arith.constant 0 : i32
      %dma_start3A_601 = tpu.memref_slice %arg4[%dma_start3A_600, %multiple_of3A_592] : memref<64x1000000xf32, #tpu.memory_space<hbm>> -> memref<64x128xf32, #tpu.memory_space<hbm>>
      tpu.enqueue_dma source(%dma_start3A_601 : memref<64x128xf32, #tpu.memory_space<hbm>>) target(%arg9 : memref<64x128xf32, #tpu.memory_space<vmem>>) target_semaphore(%arg12 : memref<!tpu.dma_semaphore, #tpu.memory_space<semaphore_mem>>)
      %broadcast_in_dim3A_602 = vector.broadcast %sub3A_593 : i32 to vector<16xi32>
      %mul3A_603 = arith.constant 16 : i32
      %mul3A_604 = arith.muli %scan3A_8, %mul3A_603 : i32
      %add3A_605 = arith.addi %mul3A_2, %mul3A_604 : i32
      %add3A_606 = arith.constant 5 : i32
      %add3A_607 = arith.addi %add3A_605, %add3A_606 : i32
      %dma_wait3A_608 = arith.constant 0 : i32
      %dma_wait3A_609 = tpu.memref_slice %arg3[%dma_wait3A_608, %multiple_of3A_592] : memref<64x1000000xf32, #tpu.memory_space<hbm>> -> memref<64x128xf32, #tpu.memory_space<hbm>>
      %dma_wait3A_610 = arith.constant 0 : i32
      %dma_wait3A_611 = tpu.memref_slice %arg3[%dma_wait3A_610, %multiple_of3A_592] : memref<64x1000000xf32, #tpu.memory_space<hbm>> -> memref<64x128xf32, #tpu.memory_space<hbm>>
      tpu.wait_dma2 semaphore(%arg11 : memref<!tpu.dma_semaphore, #tpu.memory_space<semaphore_mem>>) src(%dma_wait3A_611 : memref<64x128xf32, #tpu.memory_space<hbm>>) dst(%arg8 : memref<64x128xf32, #tpu.memory_space<vmem>>)
      %add3A_612 = arith.constant 0 : i32
      %add3A_613 = vector.broadcast %add3A_612 : i32 to vector<16xi32>
      %add3A_614 = arith.addi %iota3A, %add3A_613 : vector<16xi32>
      %gather3A_615 = tpu.vector_load_idx %arg8[%add3A_614, %broadcast_in_dim3A_602] : memref<64x128xf32, #tpu.memory_space<vmem>>[vector<16xi32>, vector<16xi32>], vector<16xf32>,
      %swap3A_616 = arith.constant 0 : index
      %swap3A_617 = tpu.vector_load %arg10[%swap3A_616] {strides = array<i32>} : memref<64xf32, #tpu.memory_space<vmem>>, vector<16xf32>,
      tpu.vector_store %arg10[%swap3A_616], %gather3A_615 {strides = array<i32>} : memref<64xf32, #tpu.memory_space<vmem>>, vector<16xf32>,
      %add3A_618 = arith.constant 16 : i32
      %add3A_619 = vector.broadcast %add3A_618 : i32 to vector<16xi32>
      %add3A_620 = arith.addi %iota3A, %add3A_619 : vector<16xi32>
      %gather3A_621 = tpu.vector_load_idx %arg8[%add3A_620, %broadcast_in_dim3A_602] : memref<64x128xf32, #tpu.memory_space<vmem>>[vector<16xi32>, vector<16xi32>], vector<16xf32>,
      %swap3A_622 = arith.constant 16 : index
      %swap3A_623 = tpu.vector_load %arg10[%swap3A_622] {strides = array<i32>} : memref<64xf32, #tpu.memory_space<vmem>>, vector<16xf32>,
      tpu.vector_store %arg10[%swap3A_622], %gather3A_621 {strides = array<i32>} : memref<64xf32, #tpu.memory_space<vmem>>, vector<16xf32>,
      %add3A_624 = arith.constant 32 : i32
      %add3A_625 = vector.broadcast %add3A_624 : i32 to vector<16xi32>
      %add3A_626 = arith.addi %iota3A, %add3A_625 : vector<16xi32>
      %gather3A_627 = tpu.vector_load_idx %arg8[%add3A_626, %broadcast_in_dim3A_602] : memref<64x128xf32, #tpu.memory_space<vmem>>[vector<16xi32>, vector<16xi32>], vector<16xf32>,
      %swap3A_628 = arith.constant 32 : index
      %swap3A_629 = tpu.vector_load %arg10[%swap3A_628] {strides = array<i32>} : memref<64xf32, #tpu.memory_space<vmem>>, vector<16xf32>,
      tpu.vector_store %arg10[%swap3A_628], %gather3A_627 {strides = array<i32>} : memref<64xf32, #tpu.memory_space<vmem>>, vector<16xf32>,
      %add3A_630 = arith.constant 48 : i32
      %add3A_631 = vector.broadcast %add3A_630 : i32 to vector<16xi32>
      %add3A_632 = arith.addi %iota3A, %add3A_631 : vector<16xi32>
      %gather3A_633 = tpu.vector_load_idx %arg8[%add3A_632, %broadcast_in_dim3A_602] : memref<64x128xf32, #tpu.memory_space<vmem>>[vector<16xi32>, vector<16xi32>], vector<16xf32>,
      %swap3A_634 = arith.constant 48 : index
      %swap3A_635 = tpu.vector_load %arg10[%swap3A_634] {strides = array<i32>} : memref<64xf32, #tpu.memory_space<vmem>>, vector<16xf32>,
      tpu.vector_store %arg10[%swap3A_634], %gather3A_633 {strides = array<i32>} : memref<64xf32, #tpu.memory_space<vmem>>, vector<16xf32>,
      %mul3A_636 = arith.constant 64 : i32
      %mul3A_637 = arith.muli %add3A_607, %mul3A_636 : i32
      "tpu.region"() ({
        %run_scoped3A = tpu.sem_alloc : memref<!tpu.dma_semaphore, #tpu.memory_space<semaphore_mem>>
        %dma_start3A_1788 = tpu.memref_slice %arg5[%mul3A_637] : memref<262144xf32, #tpu.memory_space<hbm>> -> memref<64xf32, #tpu.memory_space<hbm>>
        %dma_start3A_1789 = tpu.memref_slice %arg5[%mul3A_637] : memref<262144xf32, #tpu.memory_space<hbm>> -> memref<64xf32, #tpu.memory_space<hbm>>
        tpu.enqueue_dma source(%arg10 : memref<64xf32, #tpu.memory_space<vmem>>) target(%dma_start3A_1789 : memref<64xf32, #tpu.memory_space<hbm>>) target_semaphore(%run_scoped3A : memref<!tpu.dma_semaphore, #tpu.memory_space<semaphore_mem>>)
        %dma_wait3A_1790 = tpu.memref_slice %arg5[%mul3A_637] : memref<262144xf32, #tpu.memory_space<hbm>> -> memref<64xf32, #tpu.memory_space<hbm>>
        %dma_wait3A_1791 = tpu.memref_slice %arg5[%mul3A_637] : memref<262144xf32, #tpu.memory_space<hbm>> -> memref<64xf32, #tpu.memory_space<hbm>>
        tpu.wait_dma2 semaphore(%run_scoped3A : memref<!tpu.dma_semaphore, #tpu.memory_space<semaphore_mem>>) src(%arg10 : memref<64xf32, #tpu.memory_space<vmem>>) dst(%dma_wait3A_1791 : memref<64xf32, #tpu.memory_space<hbm>>)
        tpu.yield
      }) : () -> ()
      %dma_wait3A_638 = arith.constant 0 : i32
      %dma_wait3A_639 = tpu.memref_slice %arg4[%dma_wait3A_638, %multiple_of3A_592] : memref<64x1000000xf32, #tpu.memory_space<hbm>> -> memref<64x128xf32, #tpu.memory_space<hbm>>
      %dma_wait3A_640 = arith.constant 0 : i32
      %dma_wait3A_641 = tpu.memref_slice %arg4[%dma_wait3A_640, %multiple_of3A_592] : memref<64x1000000xf32, #tpu.memory_space<hbm>> -> memref<64x128xf32, #tpu.memory_space<hbm>>
      tpu.wait_dma2 semaphore(%arg12 : memref<!tpu.dma_semaphore, #tpu.memory_space<semaphore_mem>>) src(%dma_wait3A_641 : memref<64x128xf32, #tpu.memory_space<hbm>>) dst(%arg9 : memref<64x128xf32, #tpu.memory_space<vmem>>)
      %add3A_642 = arith.constant 0 : i32
      %add3A_643 = vector.broadcast %add3A_642 : i32 to vector<16xi32>
      %add3A_644 = arith.addi %iota3A, %add3A_643 : vector<16xi32>
      %gather3A_645 = tpu.vector_load_idx %arg9[%add3A_644, %broadcast_in_dim3A_602] : memref<64x128xf32, #tpu.memory_space<vmem>>[vector<16xi32>, vector<16xi32>], vector<16xf32>,
      %swap3A_646 = arith.constant 0 : index
      %swap3A_647 = tpu.vector_load %arg10[%swap3A_646] {strides = array<i32>} : memref<64xf32, #tpu.memory_space<vmem>>, vector<16xf32>,
      tpu.vector_store %arg10[%swap3A_646], %gather3A_645 {strides = array<i32>} : memref<64xf32, #tpu.memory_space<vmem>>, vector<16xf32>,
      %add3A_648 = arith.constant 16 : i32
      %add3A_649 = vector.broadcast %add3A_648 : i32 to vector<16xi32>
      %add3A_650 = arith.addi %iota3A, %add3A_649 : vector<16xi32>
      %gather3A_651 = tpu.vector_load_idx %arg9[%add3A_650, %broadcast_in_dim3A_602] : memref<64x128xf32, #tpu.memory_space<vmem>>[vector<16xi32>, vector<16xi32>], vector<16xf32>,
      %swap3A_652 = arith.constant 16 : index
      %swap3A_653 = tpu.vector_load %arg10[%swap3A_652] {strides = array<i32>} : memref<64xf32, #tpu.memory_space<vmem>>, vector<16xf32>,
      tpu.vector_store %arg10[%swap3A_652], %gather3A_651 {strides = array<i32>} : memref<64xf32, #tpu.memory_space<vmem>>, vector<16xf32>,
      %add3A_654 = arith.constant 32 : i32
      %add3A_655 = vector.broadcast %add3A_654 : i32 to vector<16xi32>
      %add3A_656 = arith.addi %iota3A, %add3A_655 : vector<16xi32>
      %gather3A_657 = tpu.vector_load_idx %arg9[%add3A_656, %broadcast_in_dim3A_602] : memref<64x128xf32, #tpu.memory_space<vmem>>[vector<16xi32>, vector<16xi32>], vector<16xf32>,
      %swap3A_658 = arith.constant 32 : index
      %swap3A_659 = tpu.vector_load %arg10[%swap3A_658] {strides = array<i32>} : memref<64xf32, #tpu.memory_space<vmem>>, vector<16xf32>,
      tpu.vector_store %arg10[%swap3A_658], %gather3A_657 {strides = array<i32>} : memref<64xf32, #tpu.memory_space<vmem>>, vector<16xf32>,
      %add3A_660 = arith.constant 48 : i32
      %add3A_661 = vector.broadcast %add3A_660 : i32 to vector<16xi32>
      %add3A_662 = arith.addi %iota3A, %add3A_661 : vector<16xi32>
      %gather3A_663 = tpu.vector_load_idx %arg9[%add3A_662, %broadcast_in_dim3A_602] : memref<64x128xf32, #tpu.memory_space<vmem>>[vector<16xi32>, vector<16xi32>], vector<16xf32>,
      %swap3A_664 = arith.constant 48 : index
      %swap3A_665 = tpu.vector_load %arg10[%swap3A_664] {strides = array<i32>} : memref<64xf32, #tpu.memory_space<vmem>>, vector<16xf32>,
      tpu.vector_store %arg10[%swap3A_664], %gather3A_663 {strides = array<i32>} : memref<64xf32, #tpu.memory_space<vmem>>, vector<16xf32>,
      %mul3A_666 = arith.constant 64 : i32
      %mul3A_667 = arith.muli %add3A_607, %mul3A_666 : i32
      "tpu.region"() ({
        %run_scoped3A = tpu.sem_alloc : memref<!tpu.dma_semaphore, #tpu.memory_space<semaphore_mem>>
        %dma_start3A_1788 = tpu.memref_slice %arg6[%mul3A_667] : memref<262144xf32, #tpu.memory_space<hbm>> -> memref<64xf32, #tpu.memory_space<hbm>>
        %dma_start3A_1789 = tpu.memref_slice %arg6[%mul3A_667] : memref<262144xf32, #tpu.memory_space<hbm>> -> memref<64xf32, #tpu.memory_space<hbm>>
        tpu.enqueue_dma source(%arg10 : memref<64xf32, #tpu.memory_space<vmem>>) target(%dma_start3A_1789 : memref<64xf32, #tpu.memory_space<hbm>>) target_semaphore(%run_scoped3A : memref<!tpu.dma_semaphore, #tpu.memory_space<semaphore_mem>>)
        %dma_wait3A_1790 = tpu.memref_slice %arg6[%mul3A_667] : memref<262144xf32, #tpu.memory_space<hbm>> -> memref<64xf32, #tpu.memory_space<hbm>>
        %dma_wait3A_1791 = tpu.memref_slice %arg6[%mul3A_667] : memref<262144xf32, #tpu.memory_space<hbm>> -> memref<64xf32, #tpu.memory_space<hbm>>
        tpu.wait_dma2 semaphore(%run_scoped3A : memref<!tpu.dma_semaphore, #tpu.memory_space<semaphore_mem>>) src(%arg10 : memref<64xf32, #tpu.memory_space<vmem>>) dst(%dma_wait3A_1791 : memref<64xf32, #tpu.memory_space<hbm>>)
        tpu.yield
      }) : () -> ()
      %eq3A_668 = arith.constant 6 : i32
      %eq3A_669 = vector.broadcast %eq3A_668 : i32 to vector<16xi32>
      %eq3A_670 = arith.cmpi eq, %iota3A, %eq3A_669 : vector<16xi32>
      %jit3A_671 = arith.constant 0 : i32
      %broadcast_in_dim3A_672 = vector.broadcast %jit3A_671 : i32 to vector<16xi32>
      %select_n3A_673 = arith.select %eq3A_670, %get3A_11, %broadcast_in_dim3A_672 : vector<16xi1>, vector<16xi32>
      %reduce_sum3A_674 = arith.constant true
      %reduce_sum3A_675 = vector.broadcast %reduce_sum3A_674 : i1 to vector<16xi1>
      %reduce_sum3A_676 = tpu.scan <sum>, %select_n3A_673 masked %reduce_sum3A_675 : vector<16xi32>, vector<16xi1> -> vector<16xi32>
      %reduce_sum3A_677 = vector.extract %reduce_sum3A_676[15] : i32 from vector<16xi32>
      %jit3A_678 = arith.constant 128 : i32
      %div3A_679 = arith.divsi %reduce_sum3A_677, %jit3A_678 : i32
      %sign3A_680 = arith.constant 0 : i32
      %sign3A_681 = arith.cmpi sgt, %reduce_sum3A_677, %sign3A_680 : i32
      %sign3A_682 = arith.extui %sign3A_681 : i1 to i32
      %sign3A_683 = arith.constant 0 : i32
      %sign3A_684 = arith.cmpi slt, %reduce_sum3A_677, %sign3A_683 : i32
      %sign3A_685 = arith.extui %sign3A_684 : i1 to i32
      %sign3A_686 = arith.subi %sign3A_682, %sign3A_685 : i32
      %sign3A_687 = arith.constant 0 : i32
      %sign3A_688 = arith.cmpi sgt, %jit3A_678, %sign3A_687 : i32
      %sign3A_689 = arith.extui %sign3A_688 : i1 to i32
      %sign3A_690 = arith.constant 0 : i32
      %sign3A_691 = arith.cmpi slt, %jit3A_678, %sign3A_690 : i32
      %sign3A_692 = arith.extui %sign3A_691 : i1 to i32
      %sign3A_693 = arith.subi %sign3A_689, %sign3A_692 : i32
      %ne3A_694 = arith.cmpi ne, %sign3A_686, %sign3A_693 : i32
      %rem3A_695 = arith.remsi %reduce_sum3A_677, %jit3A_678 : i32
      %ne3A_696 = arith.constant 0 : i32
      %ne3A_697 = arith.cmpi ne, %rem3A_695, %ne3A_696 : i32
      %and3A_698 = arith.andi %ne3A_694, %ne3A_697 : i1
      %sub3A_699 = arith.constant 1 : i32
      %sub3A_700 = arith.subi %div3A_679, %sub3A_699 : i32
      %select_n3A_701 = arith.select %and3A_698, %sub3A_700, %div3A_679 : i32
      %mul3A_702 = arith.constant 128 : i32
      %mul3A_703 = arith.muli %select_n3A_701, %mul3A_702 : i32
      %multiple_of3A_704 = tpu.assume_multiple %mul3A_703, 128 : i32
      %sub3A_705 = arith.subi %reduce_sum3A_677, %multiple_of3A_704 : i32
      %dma_start3A_706 = arith.constant 0 : i32
      %dma_start3A_707 = tpu.memref_slice %arg3[%dma_start3A_706, %multiple_of3A_704] : memref<64x1000000xf32, #tpu.memory_space<hbm>> -> memref<64x128xf32, #tpu.memory_space<hbm>>
      %dma_start3A_708 = arith.constant 0 : i32
      %dma_start3A_709 = tpu.memref_slice %arg3[%dma_start3A_708, %multiple_of3A_704] : memref<64x1000000xf32, #tpu.memory_space<hbm>> -> memref<64x128xf32, #tpu.memory_space<hbm>>
      tpu.enqueue_dma source(%dma_start3A_709 : memref<64x128xf32, #tpu.memory_space<hbm>>) target(%arg8 : memref<64x128xf32, #tpu.memory_space<vmem>>) target_semaphore(%arg11 : memref<!tpu.dma_semaphore, #tpu.memory_space<semaphore_mem>>)
      %dma_start3A_710 = arith.constant 0 : i32
      %dma_start3A_711 = tpu.memref_slice %arg4[%dma_start3A_710, %multiple_of3A_704] : memref<64x1000000xf32, #tpu.memory_space<hbm>> -> memref<64x128xf32, #tpu.memory_space<hbm>>
      %dma_start3A_712 = arith.constant 0 : i32
      %dma_start3A_713 = tpu.memref_slice %arg4[%dma_start3A_712, %multiple_of3A_704] : memref<64x1000000xf32, #tpu.memory_space<hbm>> -> memref<64x128xf32, #tpu.memory_space<hbm>>
      tpu.enqueue_dma source(%dma_start3A_713 : memref<64x128xf32, #tpu.memory_space<hbm>>) target(%arg9 : memref<64x128xf32, #tpu.memory_space<vmem>>) target_semaphore(%arg12 : memref<!tpu.dma_semaphore, #tpu.memory_space<semaphore_mem>>)
      %broadcast_in_dim3A_714 = vector.broadcast %sub3A_705 : i32 to vector<16xi32>
      %mul3A_715 = arith.constant 16 : i32
      %mul3A_716 = arith.muli %scan3A_8, %mul3A_715 : i32
      %add3A_717 = arith.addi %mul3A_2, %mul3A_716 : i32
      %add3A_718 = arith.constant 6 : i32
      %add3A_719 = arith.addi %add3A_717, %add3A_718 : i32
      %dma_wait3A_720 = arith.constant 0 : i32
      %dma_wait3A_721 = tpu.memref_slice %arg3[%dma_wait3A_720, %multiple_of3A_704] : memref<64x1000000xf32, #tpu.memory_space<hbm>> -> memref<64x128xf32, #tpu.memory_space<hbm>>
      %dma_wait3A_722 = arith.constant 0 : i32
      %dma_wait3A_723 = tpu.memref_slice %arg3[%dma_wait3A_722, %multiple_of3A_704] : memref<64x1000000xf32, #tpu.memory_space<hbm>> -> memref<64x128xf32, #tpu.memory_space<hbm>>
      tpu.wait_dma2 semaphore(%arg11 : memref<!tpu.dma_semaphore, #tpu.memory_space<semaphore_mem>>) src(%dma_wait3A_723 : memref<64x128xf32, #tpu.memory_space<hbm>>) dst(%arg8 : memref<64x128xf32, #tpu.memory_space<vmem>>)
      %add3A_724 = arith.constant 0 : i32
      %add3A_725 = vector.broadcast %add3A_724 : i32 to vector<16xi32>
      %add3A_726 = arith.addi %iota3A, %add3A_725 : vector<16xi32>
      %gather3A_727 = tpu.vector_load_idx %arg8[%add3A_726, %broadcast_in_dim3A_714] : memref<64x128xf32, #tpu.memory_space<vmem>>[vector<16xi32>, vector<16xi32>], vector<16xf32>,
      %swap3A_728 = arith.constant 0 : index
      %swap3A_729 = tpu.vector_load %arg10[%swap3A_728] {strides = array<i32>} : memref<64xf32, #tpu.memory_space<vmem>>, vector<16xf32>,
      tpu.vector_store %arg10[%swap3A_728], %gather3A_727 {strides = array<i32>} : memref<64xf32, #tpu.memory_space<vmem>>, vector<16xf32>,
      %add3A_730 = arith.constant 16 : i32
      %add3A_731 = vector.broadcast %add3A_730 : i32 to vector<16xi32>
      %add3A_732 = arith.addi %iota3A, %add3A_731 : vector<16xi32>
      %gather3A_733 = tpu.vector_load_idx %arg8[%add3A_732, %broadcast_in_dim3A_714] : memref<64x128xf32, #tpu.memory_space<vmem>>[vector<16xi32>, vector<16xi32>], vector<16xf32>,
      %swap3A_734 = arith.constant 16 : index
      %swap3A_735 = tpu.vector_load %arg10[%swap3A_734] {strides = array<i32>} : memref<64xf32, #tpu.memory_space<vmem>>, vector<16xf32>,
      tpu.vector_store %arg10[%swap3A_734], %gather3A_733 {strides = array<i32>} : memref<64xf32, #tpu.memory_space<vmem>>, vector<16xf32>,
      %add3A_736 = arith.constant 32 : i32
      %add3A_737 = vector.broadcast %add3A_736 : i32 to vector<16xi32>
      %add3A_738 = arith.addi %iota3A, %add3A_737 : vector<16xi32>
      %gather3A_739 = tpu.vector_load_idx %arg8[%add3A_738, %broadcast_in_dim3A_714] : memref<64x128xf32, #tpu.memory_space<vmem>>[vector<16xi32>, vector<16xi32>], vector<16xf32>,
      %swap3A_740 = arith.constant 32 : index
      %swap3A_741 = tpu.vector_load %arg10[%swap3A_740] {strides = array<i32>} : memref<64xf32, #tpu.memory_space<vmem>>, vector<16xf32>,
      tpu.vector_store %arg10[%swap3A_740], %gather3A_739 {strides = array<i32>} : memref<64xf32, #tpu.memory_space<vmem>>, vector<16xf32>,
      %add3A_742 = arith.constant 48 : i32
      %add3A_743 = vector.broadcast %add3A_742 : i32 to vector<16xi32>
      %add3A_744 = arith.addi %iota3A, %add3A_743 : vector<16xi32>
      %gather3A_745 = tpu.vector_load_idx %arg8[%add3A_744, %broadcast_in_dim3A_714] : memref<64x128xf32, #tpu.memory_space<vmem>>[vector<16xi32>, vector<16xi32>], vector<16xf32>,
      %swap3A_746 = arith.constant 48 : index
      %swap3A_747 = tpu.vector_load %arg10[%swap3A_746] {strides = array<i32>} : memref<64xf32, #tpu.memory_space<vmem>>, vector<16xf32>,
      tpu.vector_store %arg10[%swap3A_746], %gather3A_745 {strides = array<i32>} : memref<64xf32, #tpu.memory_space<vmem>>, vector<16xf32>,
      %mul3A_748 = arith.constant 64 : i32
      %mul3A_749 = arith.muli %add3A_719, %mul3A_748 : i32
      "tpu.region"() ({
        %run_scoped3A = tpu.sem_alloc : memref<!tpu.dma_semaphore, #tpu.memory_space<semaphore_mem>>
        %dma_start3A_1788 = tpu.memref_slice %arg5[%mul3A_749] : memref<262144xf32, #tpu.memory_space<hbm>> -> memref<64xf32, #tpu.memory_space<hbm>>
        %dma_start3A_1789 = tpu.memref_slice %arg5[%mul3A_749] : memref<262144xf32, #tpu.memory_space<hbm>> -> memref<64xf32, #tpu.memory_space<hbm>>
        tpu.enqueue_dma source(%arg10 : memref<64xf32, #tpu.memory_space<vmem>>) target(%dma_start3A_1789 : memref<64xf32, #tpu.memory_space<hbm>>) target_semaphore(%run_scoped3A : memref<!tpu.dma_semaphore, #tpu.memory_space<semaphore_mem>>)
        %dma_wait3A_1790 = tpu.memref_slice %arg5[%mul3A_749] : memref<262144xf32, #tpu.memory_space<hbm>> -> memref<64xf32, #tpu.memory_space<hbm>>
        %dma_wait3A_1791 = tpu.memref_slice %arg5[%mul3A_749] : memref<262144xf32, #tpu.memory_space<hbm>> -> memref<64xf32, #tpu.memory_space<hbm>>
        tpu.wait_dma2 semaphore(%run_scoped3A : memref<!tpu.dma_semaphore, #tpu.memory_space<semaphore_mem>>) src(%arg10 : memref<64xf32, #tpu.memory_space<vmem>>) dst(%dma_wait3A_1791 : memref<64xf32, #tpu.memory_space<hbm>>)
        tpu.yield
      }) : () -> ()
      %dma_wait3A_750 = arith.constant 0 : i32
      %dma_wait3A_751 = tpu.memref_slice %arg4[%dma_wait3A_750, %multiple_of3A_704] : memref<64x1000000xf32, #tpu.memory_space<hbm>> -> memref<64x128xf32, #tpu.memory_space<hbm>>
      %dma_wait3A_752 = arith.constant 0 : i32
      %dma_wait3A_753 = tpu.memref_slice %arg4[%dma_wait3A_752, %multiple_of3A_704] : memref<64x1000000xf32, #tpu.memory_space<hbm>> -> memref<64x128xf32, #tpu.memory_space<hbm>>
      tpu.wait_dma2 semaphore(%arg12 : memref<!tpu.dma_semaphore, #tpu.memory_space<semaphore_mem>>) src(%dma_wait3A_753 : memref<64x128xf32, #tpu.memory_space<hbm>>) dst(%arg9 : memref<64x128xf32, #tpu.memory_space<vmem>>)
      %add3A_754 = arith.constant 0 : i32
      %add3A_755 = vector.broadcast %add3A_754 : i32 to vector<16xi32>
      %add3A_756 = arith.addi %iota3A, %add3A_755 : vector<16xi32>
      %gather3A_757 = tpu.vector_load_idx %arg9[%add3A_756, %broadcast_in_dim3A_714] : memref<64x128xf32, #tpu.memory_space<vmem>>[vector<16xi32>, vector<16xi32>], vector<16xf32>,
      %swap3A_758 = arith.constant 0 : index
      %swap3A_759 = tpu.vector_load %arg10[%swap3A_758] {strides = array<i32>} : memref<64xf32, #tpu.memory_space<vmem>>, vector<16xf32>,
      tpu.vector_store %arg10[%swap3A_758], %gather3A_757 {strides = array<i32>} : memref<64xf32, #tpu.memory_space<vmem>>, vector<16xf32>,
      %add3A_760 = arith.constant 16 : i32
      %add3A_761 = vector.broadcast %add3A_760 : i32 to vector<16xi32>
      %add3A_762 = arith.addi %iota3A, %add3A_761 : vector<16xi32>
      %gather3A_763 = tpu.vector_load_idx %arg9[%add3A_762, %broadcast_in_dim3A_714] : memref<64x128xf32, #tpu.memory_space<vmem>>[vector<16xi32>, vector<16xi32>], vector<16xf32>,
      %swap3A_764 = arith.constant 16 : index
      %swap3A_765 = tpu.vector_load %arg10[%swap3A_764] {strides = array<i32>} : memref<64xf32, #tpu.memory_space<vmem>>, vector<16xf32>,
      tpu.vector_store %arg10[%swap3A_764], %gather3A_763 {strides = array<i32>} : memref<64xf32, #tpu.memory_space<vmem>>, vector<16xf32>,
      %add3A_766 = arith.constant 32 : i32
      %add3A_767 = vector.broadcast %add3A_766 : i32 to vector<16xi32>
      %add3A_768 = arith.addi %iota3A, %add3A_767 : vector<16xi32>
      %gather3A_769 = tpu.vector_load_idx %arg9[%add3A_768, %broadcast_in_dim3A_714] : memref<64x128xf32, #tpu.memory_space<vmem>>[vector<16xi32>, vector<16xi32>], vector<16xf32>,
      %swap3A_770 = arith.constant 32 : index
      %swap3A_771 = tpu.vector_load %arg10[%swap3A_770] {strides = array<i32>} : memref<64xf32, #tpu.memory_space<vmem>>, vector<16xf32>,
      tpu.vector_store %arg10[%swap3A_770], %gather3A_769 {strides = array<i32>} : memref<64xf32, #tpu.memory_space<vmem>>, vector<16xf32>,
      %add3A_772 = arith.constant 48 : i32
      %add3A_773 = vector.broadcast %add3A_772 : i32 to vector<16xi32>
      %add3A_774 = arith.addi %iota3A, %add3A_773 : vector<16xi32>
      %gather3A_775 = tpu.vector_load_idx %arg9[%add3A_774, %broadcast_in_dim3A_714] : memref<64x128xf32, #tpu.memory_space<vmem>>[vector<16xi32>, vector<16xi32>], vector<16xf32>,
      %swap3A_776 = arith.constant 48 : index
      %swap3A_777 = tpu.vector_load %arg10[%swap3A_776] {strides = array<i32>} : memref<64xf32, #tpu.memory_space<vmem>>, vector<16xf32>,
      tpu.vector_store %arg10[%swap3A_776], %gather3A_775 {strides = array<i32>} : memref<64xf32, #tpu.memory_space<vmem>>, vector<16xf32>,
      %mul3A_778 = arith.constant 64 : i32
      %mul3A_779 = arith.muli %add3A_719, %mul3A_778 : i32
      "tpu.region"() ({
        %run_scoped3A = tpu.sem_alloc : memref<!tpu.dma_semaphore, #tpu.memory_space<semaphore_mem>>
        %dma_start3A_1788 = tpu.memref_slice %arg6[%mul3A_779] : memref<262144xf32, #tpu.memory_space<hbm>> -> memref<64xf32, #tpu.memory_space<hbm>>
        %dma_start3A_1789 = tpu.memref_slice %arg6[%mul3A_779] : memref<262144xf32, #tpu.memory_space<hbm>> -> memref<64xf32, #tpu.memory_space<hbm>>
        tpu.enqueue_dma source(%arg10 : memref<64xf32, #tpu.memory_space<vmem>>) target(%dma_start3A_1789 : memref<64xf32, #tpu.memory_space<hbm>>) target_semaphore(%run_scoped3A : memref<!tpu.dma_semaphore, #tpu.memory_space<semaphore_mem>>)
        %dma_wait3A_1790 = tpu.memref_slice %arg6[%mul3A_779] : memref<262144xf32, #tpu.memory_space<hbm>> -> memref<64xf32, #tpu.memory_space<hbm>>
        %dma_wait3A_1791 = tpu.memref_slice %arg6[%mul3A_779] : memref<262144xf32, #tpu.memory_space<hbm>> -> memref<64xf32, #tpu.memory_space<hbm>>
        tpu.wait_dma2 semaphore(%run_scoped3A : memref<!tpu.dma_semaphore, #tpu.memory_space<semaphore_mem>>) src(%arg10 : memref<64xf32, #tpu.memory_space<vmem>>) dst(%dma_wait3A_1791 : memref<64xf32, #tpu.memory_space<hbm>>)
        tpu.yield
      }) : () -> ()
      %eq3A_780 = arith.constant 7 : i32
      %eq3A_781 = vector.broadcast %eq3A_780 : i32 to vector<16xi32>
      %eq3A_782 = arith.cmpi eq, %iota3A, %eq3A_781 : vector<16xi32>
      %jit3A_783 = arith.constant 0 : i32
      %broadcast_in_dim3A_784 = vector.broadcast %jit3A_783 : i32 to vector<16xi32>
      %select_n3A_785 = arith.select %eq3A_782, %get3A_11, %broadcast_in_dim3A_784 : vector<16xi1>, vector<16xi32>
      %reduce_sum3A_786 = arith.constant true
      %reduce_sum3A_787 = vector.broadcast %reduce_sum3A_786 : i1 to vector<16xi1>
      %reduce_sum3A_788 = tpu.scan <sum>, %select_n3A_785 masked %reduce_sum3A_787 : vector<16xi32>, vector<16xi1> -> vector<16xi32>
      %reduce_sum3A_789 = vector.extract %reduce_sum3A_788[15] : i32 from vector<16xi32>
      %jit3A_790 = arith.constant 128 : i32
      %div3A_791 = arith.divsi %reduce_sum3A_789, %jit3A_790 : i32
      %sign3A_792 = arith.constant 0 : i32
      %sign3A_793 = arith.cmpi sgt, %reduce_sum3A_789, %sign3A_792 : i32
      %sign3A_794 = arith.extui %sign3A_793 : i1 to i32
      %sign3A_795 = arith.constant 0 : i32
      %sign3A_796 = arith.cmpi slt, %reduce_sum3A_789, %sign3A_795 : i32
      %sign3A_797 = arith.extui %sign3A_796 : i1 to i32
      %sign3A_798 = arith.subi %sign3A_794, %sign3A_797 : i32
      %sign3A_799 = arith.constant 0 : i32
      %sign3A_800 = arith.cmpi sgt, %jit3A_790, %sign3A_799 : i32
      %sign3A_801 = arith.extui %sign3A_800 : i1 to i32
      %sign3A_802 = arith.constant 0 : i32
      %sign3A_803 = arith.cmpi slt, %jit3A_790, %sign3A_802 : i32
      %sign3A_804 = arith.extui %sign3A_803 : i1 to i32
      %sign3A_805 = arith.subi %sign3A_801, %sign3A_804 : i32
      %ne3A_806 = arith.cmpi ne, %sign3A_798, %sign3A_805 : i32
      %rem3A_807 = arith.remsi %reduce_sum3A_789, %jit3A_790 : i32
      %ne3A_808 = arith.constant 0 : i32
      %ne3A_809 = arith.cmpi ne, %rem3A_807, %ne3A_808 : i32
      %and3A_810 = arith.andi %ne3A_806, %ne3A_809 : i1
      %sub3A_811 = arith.constant 1 : i32
      %sub3A_812 = arith.subi %div3A_791, %sub3A_811 : i32
      %select_n3A_813 = arith.select %and3A_810, %sub3A_812, %div3A_791 : i32
      %mul3A_814 = arith.constant 128 : i32
      %mul3A_815 = arith.muli %select_n3A_813, %mul3A_814 : i32
      %multiple_of3A_816 = tpu.assume_multiple %mul3A_815, 128 : i32
      %sub3A_817 = arith.subi %reduce_sum3A_789, %multiple_of3A_816 : i32
      %dma_start3A_818 = arith.constant 0 : i32
      %dma_start3A_819 = tpu.memref_slice %arg3[%dma_start3A_818, %multiple_of3A_816] : memref<64x1000000xf32, #tpu.memory_space<hbm>> -> memref<64x128xf32, #tpu.memory_space<hbm>>
      %dma_start3A_820 = arith.constant 0 : i32
      %dma_start3A_821 = tpu.memref_slice %arg3[%dma_start3A_820, %multiple_of3A_816] : memref<64x1000000xf32, #tpu.memory_space<hbm>> -> memref<64x128xf32, #tpu.memory_space<hbm>>
      tpu.enqueue_dma source(%dma_start3A_821 : memref<64x128xf32, #tpu.memory_space<hbm>>) target(%arg8 : memref<64x128xf32, #tpu.memory_space<vmem>>) target_semaphore(%arg11 : memref<!tpu.dma_semaphore, #tpu.memory_space<semaphore_mem>>)
      %dma_start3A_822 = arith.constant 0 : i32
      %dma_start3A_823 = tpu.memref_slice %arg4[%dma_start3A_822, %multiple_of3A_816] : memref<64x1000000xf32, #tpu.memory_space<hbm>> -> memref<64x128xf32, #tpu.memory_space<hbm>>
      %dma_start3A_824 = arith.constant 0 : i32
      %dma_start3A_825 = tpu.memref_slice %arg4[%dma_start3A_824, %multiple_of3A_816] : memref<64x1000000xf32, #tpu.memory_space<hbm>> -> memref<64x128xf32, #tpu.memory_space<hbm>>
      tpu.enqueue_dma source(%dma_start3A_825 : memref<64x128xf32, #tpu.memory_space<hbm>>) target(%arg9 : memref<64x128xf32, #tpu.memory_space<vmem>>) target_semaphore(%arg12 : memref<!tpu.dma_semaphore, #tpu.memory_space<semaphore_mem>>)
      %broadcast_in_dim3A_826 = vector.broadcast %sub3A_817 : i32 to vector<16xi32>
      %mul3A_827 = arith.constant 16 : i32
      %mul3A_828 = arith.muli %scan3A_8, %mul3A_827 : i32
      %add3A_829 = arith.addi %mul3A_2, %mul3A_828 : i32
      %add3A_830 = arith.constant 7 : i32
      %add3A_831 = arith.addi %add3A_829, %add3A_830 : i32
      %dma_wait3A_832 = arith.constant 0 : i32
      %dma_wait3A_833 = tpu.memref_slice %arg3[%dma_wait3A_832, %multiple_of3A_816] : memref<64x1000000xf32, #tpu.memory_space<hbm>> -> memref<64x128xf32, #tpu.memory_space<hbm>>
      %dma_wait3A_834 = arith.constant 0 : i32
      %dma_wait3A_835 = tpu.memref_slice %arg3[%dma_wait3A_834, %multiple_of3A_816] : memref<64x1000000xf32, #tpu.memory_space<hbm>> -> memref<64x128xf32, #tpu.memory_space<hbm>>
      tpu.wait_dma2 semaphore(%arg11 : memref<!tpu.dma_semaphore, #tpu.memory_space<semaphore_mem>>) src(%dma_wait3A_835 : memref<64x128xf32, #tpu.memory_space<hbm>>) dst(%arg8 : memref<64x128xf32, #tpu.memory_space<vmem>>)
      %add3A_836 = arith.constant 0 : i32
      %add3A_837 = vector.broadcast %add3A_836 : i32 to vector<16xi32>
      %add3A_838 = arith.addi %iota3A, %add3A_837 : vector<16xi32>
      %gather3A_839 = tpu.vector_load_idx %arg8[%add3A_838, %broadcast_in_dim3A_826] : memref<64x128xf32, #tpu.memory_space<vmem>>[vector<16xi32>, vector<16xi32>], vector<16xf32>,
      %swap3A_840 = arith.constant 0 : index
      %swap3A_841 = tpu.vector_load %arg10[%swap3A_840] {strides = array<i32>} : memref<64xf32, #tpu.memory_space<vmem>>, vector<16xf32>,
      tpu.vector_store %arg10[%swap3A_840], %gather3A_839 {strides = array<i32>} : memref<64xf32, #tpu.memory_space<vmem>>, vector<16xf32>,
      %add3A_842 = arith.constant 16 : i32
      %add3A_843 = vector.broadcast %add3A_842 : i32 to vector<16xi32>
      %add3A_844 = arith.addi %iota3A, %add3A_843 : vector<16xi32>
      %gather3A_845 = tpu.vector_load_idx %arg8[%add3A_844, %broadcast_in_dim3A_826] : memref<64x128xf32, #tpu.memory_space<vmem>>[vector<16xi32>, vector<16xi32>], vector<16xf32>,
      %swap3A_846 = arith.constant 16 : index
      %swap3A_847 = tpu.vector_load %arg10[%swap3A_846] {strides = array<i32>} : memref<64xf32, #tpu.memory_space<vmem>>, vector<16xf32>,
      tpu.vector_store %arg10[%swap3A_846], %gather3A_845 {strides = array<i32>} : memref<64xf32, #tpu.memory_space<vmem>>, vector<16xf32>,
      %add3A_848 = arith.constant 32 : i32
      %add3A_849 = vector.broadcast %add3A_848 : i32 to vector<16xi32>
      %add3A_850 = arith.addi %iota3A, %add3A_849 : vector<16xi32>
      %gather3A_851 = tpu.vector_load_idx %arg8[%add3A_850, %broadcast_in_dim3A_826] : memref<64x128xf32, #tpu.memory_space<vmem>>[vector<16xi32>, vector<16xi32>], vector<16xf32>,
      %swap3A_852 = arith.constant 32 : index
      %swap3A_853 = tpu.vector_load %arg10[%swap3A_852] {strides = array<i32>} : memref<64xf32, #tpu.memory_space<vmem>>, vector<16xf32>,
      tpu.vector_store %arg10[%swap3A_852], %gather3A_851 {strides = array<i32>} : memref<64xf32, #tpu.memory_space<vmem>>, vector<16xf32>,
      %add3A_854 = arith.constant 48 : i32
      %add3A_855 = vector.broadcast %add3A_854 : i32 to vector<16xi32>
      %add3A_856 = arith.addi %iota3A, %add3A_855 : vector<16xi32>
      %gather3A_857 = tpu.vector_load_idx %arg8[%add3A_856, %broadcast_in_dim3A_826] : memref<64x128xf32, #tpu.memory_space<vmem>>[vector<16xi32>, vector<16xi32>], vector<16xf32>,
      %swap3A_858 = arith.constant 48 : index
      %swap3A_859 = tpu.vector_load %arg10[%swap3A_858] {strides = array<i32>} : memref<64xf32, #tpu.memory_space<vmem>>, vector<16xf32>,
      tpu.vector_store %arg10[%swap3A_858], %gather3A_857 {strides = array<i32>} : memref<64xf32, #tpu.memory_space<vmem>>, vector<16xf32>,
      %mul3A_860 = arith.constant 64 : i32
      %mul3A_861 = arith.muli %add3A_831, %mul3A_860 : i32
      "tpu.region"() ({
        %run_scoped3A = tpu.sem_alloc : memref<!tpu.dma_semaphore, #tpu.memory_space<semaphore_mem>>
        %dma_start3A_1788 = tpu.memref_slice %arg5[%mul3A_861] : memref<262144xf32, #tpu.memory_space<hbm>> -> memref<64xf32, #tpu.memory_space<hbm>>
        %dma_start3A_1789 = tpu.memref_slice %arg5[%mul3A_861] : memref<262144xf32, #tpu.memory_space<hbm>> -> memref<64xf32, #tpu.memory_space<hbm>>
        tpu.enqueue_dma source(%arg10 : memref<64xf32, #tpu.memory_space<vmem>>) target(%dma_start3A_1789 : memref<64xf32, #tpu.memory_space<hbm>>) target_semaphore(%run_scoped3A : memref<!tpu.dma_semaphore, #tpu.memory_space<semaphore_mem>>)
        %dma_wait3A_1790 = tpu.memref_slice %arg5[%mul3A_861] : memref<262144xf32, #tpu.memory_space<hbm>> -> memref<64xf32, #tpu.memory_space<hbm>>
        %dma_wait3A_1791 = tpu.memref_slice %arg5[%mul3A_861] : memref<262144xf32, #tpu.memory_space<hbm>> -> memref<64xf32, #tpu.memory_space<hbm>>
        tpu.wait_dma2 semaphore(%run_scoped3A : memref<!tpu.dma_semaphore, #tpu.memory_space<semaphore_mem>>) src(%arg10 : memref<64xf32, #tpu.memory_space<vmem>>) dst(%dma_wait3A_1791 : memref<64xf32, #tpu.memory_space<hbm>>)
        tpu.yield
      }) : () -> ()
      %dma_wait3A_862 = arith.constant 0 : i32
      %dma_wait3A_863 = tpu.memref_slice %arg4[%dma_wait3A_862, %multiple_of3A_816] : memref<64x1000000xf32, #tpu.memory_space<hbm>> -> memref<64x128xf32, #tpu.memory_space<hbm>>
      %dma_wait3A_864 = arith.constant 0 : i32
      %dma_wait3A_865 = tpu.memref_slice %arg4[%dma_wait3A_864, %multiple_of3A_816] : memref<64x1000000xf32, #tpu.memory_space<hbm>> -> memref<64x128xf32, #tpu.memory_space<hbm>>
      tpu.wait_dma2 semaphore(%arg12 : memref<!tpu.dma_semaphore, #tpu.memory_space<semaphore_mem>>) src(%dma_wait3A_865 : memref<64x128xf32, #tpu.memory_space<hbm>>) dst(%arg9 : memref<64x128xf32, #tpu.memory_space<vmem>>)
      %add3A_866 = arith.constant 0 : i32
      %add3A_867 = vector.broadcast %add3A_866 : i32 to vector<16xi32>
      %add3A_868 = arith.addi %iota3A, %add3A_867 : vector<16xi32>
      %gather3A_869 = tpu.vector_load_idx %arg9[%add3A_868, %broadcast_in_dim3A_826] : memref<64x128xf32, #tpu.memory_space<vmem>>[vector<16xi32>, vector<16xi32>], vector<16xf32>,
      %swap3A_870 = arith.constant 0 : index
      %swap3A_871 = tpu.vector_load %arg10[%swap3A_870] {strides = array<i32>} : memref<64xf32, #tpu.memory_space<vmem>>, vector<16xf32>,
      tpu.vector_store %arg10[%swap3A_870], %gather3A_869 {strides = array<i32>} : memref<64xf32, #tpu.memory_space<vmem>>, vector<16xf32>,
      %add3A_872 = arith.constant 16 : i32
      %add3A_873 = vector.broadcast %add3A_872 : i32 to vector<16xi32>
      %add3A_874 = arith.addi %iota3A, %add3A_873 : vector<16xi32>
      %gather3A_875 = tpu.vector_load_idx %arg9[%add3A_874, %broadcast_in_dim3A_826] : memref<64x128xf32, #tpu.memory_space<vmem>>[vector<16xi32>, vector<16xi32>], vector<16xf32>,
      %swap3A_876 = arith.constant 16 : index
      %swap3A_877 = tpu.vector_load %arg10[%swap3A_876] {strides = array<i32>} : memref<64xf32, #tpu.memory_space<vmem>>, vector<16xf32>,
      tpu.vector_store %arg10[%swap3A_876], %gather3A_875 {strides = array<i32>} : memref<64xf32, #tpu.memory_space<vmem>>, vector<16xf32>,
      %add3A_878 = arith.constant 32 : i32
      %add3A_879 = vector.broadcast %add3A_878 : i32 to vector<16xi32>
      %add3A_880 = arith.addi %iota3A, %add3A_879 : vector<16xi32>
      %gather3A_881 = tpu.vector_load_idx %arg9[%add3A_880, %broadcast_in_dim3A_826] : memref<64x128xf32, #tpu.memory_space<vmem>>[vector<16xi32>, vector<16xi32>], vector<16xf32>,
      %swap3A_882 = arith.constant 32 : index
      %swap3A_883 = tpu.vector_load %arg10[%swap3A_882] {strides = array<i32>} : memref<64xf32, #tpu.memory_space<vmem>>, vector<16xf32>,
      tpu.vector_store %arg10[%swap3A_882], %gather3A_881 {strides = array<i32>} : memref<64xf32, #tpu.memory_space<vmem>>, vector<16xf32>,
      %add3A_884 = arith.constant 48 : i32
      %add3A_885 = vector.broadcast %add3A_884 : i32 to vector<16xi32>
      %add3A_886 = arith.addi %iota3A, %add3A_885 : vector<16xi32>
      %gather3A_887 = tpu.vector_load_idx %arg9[%add3A_886, %broadcast_in_dim3A_826] : memref<64x128xf32, #tpu.memory_space<vmem>>[vector<16xi32>, vector<16xi32>], vector<16xf32>,
      %swap3A_888 = arith.constant 48 : index
      %swap3A_889 = tpu.vector_load %arg10[%swap3A_888] {strides = array<i32>} : memref<64xf32, #tpu.memory_space<vmem>>, vector<16xf32>,
      tpu.vector_store %arg10[%swap3A_888], %gather3A_887 {strides = array<i32>} : memref<64xf32, #tpu.memory_space<vmem>>, vector<16xf32>,
      %mul3A_890 = arith.constant 64 : i32
      %mul3A_891 = arith.muli %add3A_831, %mul3A_890 : i32
      "tpu.region"() ({
        %run_scoped3A = tpu.sem_alloc : memref<!tpu.dma_semaphore, #tpu.memory_space<semaphore_mem>>
        %dma_start3A_1788 = tpu.memref_slice %arg6[%mul3A_891] : memref<262144xf32, #tpu.memory_space<hbm>> -> memref<64xf32, #tpu.memory_space<hbm>>
        %dma_start3A_1789 = tpu.memref_slice %arg6[%mul3A_891] : memref<262144xf32, #tpu.memory_space<hbm>> -> memref<64xf32, #tpu.memory_space<hbm>>
        tpu.enqueue_dma source(%arg10 : memref<64xf32, #tpu.memory_space<vmem>>) target(%dma_start3A_1789 : memref<64xf32, #tpu.memory_space<hbm>>) target_semaphore(%run_scoped3A : memref<!tpu.dma_semaphore, #tpu.memory_space<semaphore_mem>>)
        %dma_wait3A_1790 = tpu.memref_slice %arg6[%mul3A_891] : memref<262144xf32, #tpu.memory_space<hbm>> -> memref<64xf32, #tpu.memory_space<hbm>>
        %dma_wait3A_1791 = tpu.memref_slice %arg6[%mul3A_891] : memref<262144xf32, #tpu.memory_space<hbm>> -> memref<64xf32, #tpu.memory_space<hbm>>
        tpu.wait_dma2 semaphore(%run_scoped3A : memref<!tpu.dma_semaphore, #tpu.memory_space<semaphore_mem>>) src(%arg10 : memref<64xf32, #tpu.memory_space<vmem>>) dst(%dma_wait3A_1791 : memref<64xf32, #tpu.memory_space<hbm>>)
        tpu.yield
      }) : () -> ()
      %eq3A_892 = arith.constant 8 : i32
      %eq3A_893 = vector.broadcast %eq3A_892 : i32 to vector<16xi32>
      %eq3A_894 = arith.cmpi eq, %iota3A, %eq3A_893 : vector<16xi32>
      %jit3A_895 = arith.constant 0 : i32
      %broadcast_in_dim3A_896 = vector.broadcast %jit3A_895 : i32 to vector<16xi32>
      %select_n3A_897 = arith.select %eq3A_894, %get3A_11, %broadcast_in_dim3A_896 : vector<16xi1>, vector<16xi32>
      %reduce_sum3A_898 = arith.constant true
      %reduce_sum3A_899 = vector.broadcast %reduce_sum3A_898 : i1 to vector<16xi1>
      %reduce_sum3A_900 = tpu.scan <sum>, %select_n3A_897 masked %reduce_sum3A_899 : vector<16xi32>, vector<16xi1> -> vector<16xi32>
      %reduce_sum3A_901 = vector.extract %reduce_sum3A_900[15] : i32 from vector<16xi32>
      %jit3A_902 = arith.constant 128 : i32
      %div3A_903 = arith.divsi %reduce_sum3A_901, %jit3A_902 : i32
      %sign3A_904 = arith.constant 0 : i32
      %sign3A_905 = arith.cmpi sgt, %reduce_sum3A_901, %sign3A_904 : i32
      %sign3A_906 = arith.extui %sign3A_905 : i1 to i32
      %sign3A_907 = arith.constant 0 : i32
      %sign3A_908 = arith.cmpi slt, %reduce_sum3A_901, %sign3A_907 : i32
      %sign3A_909 = arith.extui %sign3A_908 : i1 to i32
      %sign3A_910 = arith.subi %sign3A_906, %sign3A_909 : i32
      %sign3A_911 = arith.constant 0 : i32
      %sign3A_912 = arith.cmpi sgt, %jit3A_902, %sign3A_911 : i32
      %sign3A_913 = arith.extui %sign3A_912 : i1 to i32
      %sign3A_914 = arith.constant 0 : i32
      %sign3A_915 = arith.cmpi slt, %jit3A_902, %sign3A_914 : i32
      %sign3A_916 = arith.extui %sign3A_915 : i1 to i32
      %sign3A_917 = arith.subi %sign3A_913, %sign3A_916 : i32
      %ne3A_918 = arith.cmpi ne, %sign3A_910, %sign3A_917 : i32
      %rem3A_919 = arith.remsi %reduce_sum3A_901, %jit3A_902 : i32
      %ne3A_920 = arith.constant 0 : i32
      %ne3A_921 = arith.cmpi ne, %rem3A_919, %ne3A_920 : i32
      %and3A_922 = arith.andi %ne3A_918, %ne3A_921 : i1
      %sub3A_923 = arith.constant 1 : i32
      %sub3A_924 = arith.subi %div3A_903, %sub3A_923 : i32
      %select_n3A_925 = arith.select %and3A_922, %sub3A_924, %div3A_903 : i32
      %mul3A_926 = arith.constant 128 : i32
      %mul3A_927 = arith.muli %select_n3A_925, %mul3A_926 : i32
      %multiple_of3A_928 = tpu.assume_multiple %mul3A_927, 128 : i32
      %sub3A_929 = arith.subi %reduce_sum3A_901, %multiple_of3A_928 : i32
      %dma_start3A_930 = arith.constant 0 : i32
      %dma_start3A_931 = tpu.memref_slice %arg3[%dma_start3A_930, %multiple_of3A_928] : memref<64x1000000xf32, #tpu.memory_space<hbm>> -> memref<64x128xf32, #tpu.memory_space<hbm>>
      %dma_start3A_932 = arith.constant 0 : i32
      %dma_start3A_933 = tpu.memref_slice %arg3[%dma_start3A_932, %multiple_of3A_928] : memref<64x1000000xf32, #tpu.memory_space<hbm>> -> memref<64x128xf32, #tpu.memory_space<hbm>>
      tpu.enqueue_dma source(%dma_start3A_933 : memref<64x128xf32, #tpu.memory_space<hbm>>) target(%arg8 : memref<64x128xf32, #tpu.memory_space<vmem>>) target_semaphore(%arg11 : memref<!tpu.dma_semaphore, #tpu.memory_space<semaphore_mem>>)
      %dma_start3A_934 = arith.constant 0 : i32
      %dma_start3A_935 = tpu.memref_slice %arg4[%dma_start3A_934, %multiple_of3A_928] : memref<64x1000000xf32, #tpu.memory_space<hbm>> -> memref<64x128xf32, #tpu.memory_space<hbm>>
      %dma_start3A_936 = arith.constant 0 : i32
      %dma_start3A_937 = tpu.memref_slice %arg4[%dma_start3A_936, %multiple_of3A_928] : memref<64x1000000xf32, #tpu.memory_space<hbm>> -> memref<64x128xf32, #tpu.memory_space<hbm>>
      tpu.enqueue_dma source(%dma_start3A_937 : memref<64x128xf32, #tpu.memory_space<hbm>>) target(%arg9 : memref<64x128xf32, #tpu.memory_space<vmem>>) target_semaphore(%arg12 : memref<!tpu.dma_semaphore, #tpu.memory_space<semaphore_mem>>)
      %broadcast_in_dim3A_938 = vector.broadcast %sub3A_929 : i32 to vector<16xi32>
      %mul3A_939 = arith.constant 16 : i32
      %mul3A_940 = arith.muli %scan3A_8, %mul3A_939 : i32
      %add3A_941 = arith.addi %mul3A_2, %mul3A_940 : i32
      %add3A_942 = arith.constant 8 : i32
      %add3A_943 = arith.addi %add3A_941, %add3A_942 : i32
      %dma_wait3A_944 = arith.constant 0 : i32
      %dma_wait3A_945 = tpu.memref_slice %arg3[%dma_wait3A_944, %multiple_of3A_928] : memref<64x1000000xf32, #tpu.memory_space<hbm>> -> memref<64x128xf32, #tpu.memory_space<hbm>>
      %dma_wait3A_946 = arith.constant 0 : i32
      %dma_wait3A_947 = tpu.memref_slice %arg3[%dma_wait3A_946, %multiple_of3A_928] : memref<64x1000000xf32, #tpu.memory_space<hbm>> -> memref<64x128xf32, #tpu.memory_space<hbm>>
      tpu.wait_dma2 semaphore(%arg11 : memref<!tpu.dma_semaphore, #tpu.memory_space<semaphore_mem>>) src(%dma_wait3A_947 : memref<64x128xf32, #tpu.memory_space<hbm>>) dst(%arg8 : memref<64x128xf32, #tpu.memory_space<vmem>>)
      %add3A_948 = arith.constant 0 : i32
      %add3A_949 = vector.broadcast %add3A_948 : i32 to vector<16xi32>
      %add3A_950 = arith.addi %iota3A, %add3A_949 : vector<16xi32>
      %gather3A_951 = tpu.vector_load_idx %arg8[%add3A_950, %broadcast_in_dim3A_938] : memref<64x128xf32, #tpu.memory_space<vmem>>[vector<16xi32>, vector<16xi32>], vector<16xf32>,
      %swap3A_952 = arith.constant 0 : index
      %swap3A_953 = tpu.vector_load %arg10[%swap3A_952] {strides = array<i32>} : memref<64xf32, #tpu.memory_space<vmem>>, vector<16xf32>,
      tpu.vector_store %arg10[%swap3A_952], %gather3A_951 {strides = array<i32>} : memref<64xf32, #tpu.memory_space<vmem>>, vector<16xf32>,
      %add3A_954 = arith.constant 16 : i32
      %add3A_955 = vector.broadcast %add3A_954 : i32 to vector<16xi32>
      %add3A_956 = arith.addi %iota3A, %add3A_955 : vector<16xi32>
      %gather3A_957 = tpu.vector_load_idx %arg8[%add3A_956, %broadcast_in_dim3A_938] : memref<64x128xf32, #tpu.memory_space<vmem>>[vector<16xi32>, vector<16xi32>], vector<16xf32>,
      %swap3A_958 = arith.constant 16 : index
      %swap3A_959 = tpu.vector_load %arg10[%swap3A_958] {strides = array<i32>} : memref<64xf32, #tpu.memory_space<vmem>>, vector<16xf32>,
      tpu.vector_store %arg10[%swap3A_958], %gather3A_957 {strides = array<i32>} : memref<64xf32, #tpu.memory_space<vmem>>, vector<16xf32>,
      %add3A_960 = arith.constant 32 : i32
      %add3A_961 = vector.broadcast %add3A_960 : i32 to vector<16xi32>
      %add3A_962 = arith.addi %iota3A, %add3A_961 : vector<16xi32>
      %gather3A_963 = tpu.vector_load_idx %arg8[%add3A_962, %broadcast_in_dim3A_938] : memref<64x128xf32, #tpu.memory_space<vmem>>[vector<16xi32>, vector<16xi32>], vector<16xf32>,
      %swap3A_964 = arith.constant 32 : index
      %swap3A_965 = tpu.vector_load %arg10[%swap3A_964] {strides = array<i32>} : memref<64xf32, #tpu.memory_space<vmem>>, vector<16xf32>,
      tpu.vector_store %arg10[%swap3A_964], %gather3A_963 {strides = array<i32>} : memref<64xf32, #tpu.memory_space<vmem>>, vector<16xf32>,
      %add3A_966 = arith.constant 48 : i32
      %add3A_967 = vector.broadcast %add3A_966 : i32 to vector<16xi32>
      %add3A_968 = arith.addi %iota3A, %add3A_967 : vector<16xi32>
      %gather3A_969 = tpu.vector_load_idx %arg8[%add3A_968, %broadcast_in_dim3A_938] : memref<64x128xf32, #tpu.memory_space<vmem>>[vector<16xi32>, vector<16xi32>], vector<16xf32>,
      %swap3A_970 = arith.constant 48 : index
      %swap3A_971 = tpu.vector_load %arg10[%swap3A_970] {strides = array<i32>} : memref<64xf32, #tpu.memory_space<vmem>>, vector<16xf32>,
      tpu.vector_store %arg10[%swap3A_970], %gather3A_969 {strides = array<i32>} : memref<64xf32, #tpu.memory_space<vmem>>, vector<16xf32>,
      %mul3A_972 = arith.constant 64 : i32
      %mul3A_973 = arith.muli %add3A_943, %mul3A_972 : i32
      "tpu.region"() ({
        %run_scoped3A = tpu.sem_alloc : memref<!tpu.dma_semaphore, #tpu.memory_space<semaphore_mem>>
        %dma_start3A_1788 = tpu.memref_slice %arg5[%mul3A_973] : memref<262144xf32, #tpu.memory_space<hbm>> -> memref<64xf32, #tpu.memory_space<hbm>>
        %dma_start3A_1789 = tpu.memref_slice %arg5[%mul3A_973] : memref<262144xf32, #tpu.memory_space<hbm>> -> memref<64xf32, #tpu.memory_space<hbm>>
        tpu.enqueue_dma source(%arg10 : memref<64xf32, #tpu.memory_space<vmem>>) target(%dma_start3A_1789 : memref<64xf32, #tpu.memory_space<hbm>>) target_semaphore(%run_scoped3A : memref<!tpu.dma_semaphore, #tpu.memory_space<semaphore_mem>>)
        %dma_wait3A_1790 = tpu.memref_slice %arg5[%mul3A_973] : memref<262144xf32, #tpu.memory_space<hbm>> -> memref<64xf32, #tpu.memory_space<hbm>>
        %dma_wait3A_1791 = tpu.memref_slice %arg5[%mul3A_973] : memref<262144xf32, #tpu.memory_space<hbm>> -> memref<64xf32, #tpu.memory_space<hbm>>
        tpu.wait_dma2 semaphore(%run_scoped3A : memref<!tpu.dma_semaphore, #tpu.memory_space<semaphore_mem>>) src(%arg10 : memref<64xf32, #tpu.memory_space<vmem>>) dst(%dma_wait3A_1791 : memref<64xf32, #tpu.memory_space<hbm>>)
        tpu.yield
      }) : () -> ()
      %dma_wait3A_974 = arith.constant 0 : i32
      %dma_wait3A_975 = tpu.memref_slice %arg4[%dma_wait3A_974, %multiple_of3A_928] : memref<64x1000000xf32, #tpu.memory_space<hbm>> -> memref<64x128xf32, #tpu.memory_space<hbm>>
      %dma_wait3A_976 = arith.constant 0 : i32
      %dma_wait3A_977 = tpu.memref_slice %arg4[%dma_wait3A_976, %multiple_of3A_928] : memref<64x1000000xf32, #tpu.memory_space<hbm>> -> memref<64x128xf32, #tpu.memory_space<hbm>>
      tpu.wait_dma2 semaphore(%arg12 : memref<!tpu.dma_semaphore, #tpu.memory_space<semaphore_mem>>) src(%dma_wait3A_977 : memref<64x128xf32, #tpu.memory_space<hbm>>) dst(%arg9 : memref<64x128xf32, #tpu.memory_space<vmem>>)
      %add3A_978 = arith.constant 0 : i32
      %add3A_979 = vector.broadcast %add3A_978 : i32 to vector<16xi32>
      %add3A_980 = arith.addi %iota3A, %add3A_979 : vector<16xi32>
      %gather3A_981 = tpu.vector_load_idx %arg9[%add3A_980, %broadcast_in_dim3A_938] : memref<64x128xf32, #tpu.memory_space<vmem>>[vector<16xi32>, vector<16xi32>], vector<16xf32>,
      %swap3A_982 = arith.constant 0 : index
      %swap3A_983 = tpu.vector_load %arg10[%swap3A_982] {strides = array<i32>} : memref<64xf32, #tpu.memory_space<vmem>>, vector<16xf32>,
      tpu.vector_store %arg10[%swap3A_982], %gather3A_981 {strides = array<i32>} : memref<64xf32, #tpu.memory_space<vmem>>, vector<16xf32>,
      %add3A_984 = arith.constant 16 : i32
      %add3A_985 = vector.broadcast %add3A_984 : i32 to vector<16xi32>
      %add3A_986 = arith.addi %iota3A, %add3A_985 : vector<16xi32>
      %gather3A_987 = tpu.vector_load_idx %arg9[%add3A_986, %broadcast_in_dim3A_938] : memref<64x128xf32, #tpu.memory_space<vmem>>[vector<16xi32>, vector<16xi32>], vector<16xf32>,
      %swap3A_988 = arith.constant 16 : index
      %swap3A_989 = tpu.vector_load %arg10[%swap3A_988] {strides = array<i32>} : memref<64xf32, #tpu.memory_space<vmem>>, vector<16xf32>,
      tpu.vector_store %arg10[%swap3A_988], %gather3A_987 {strides = array<i32>} : memref<64xf32, #tpu.memory_space<vmem>>, vector<16xf32>,
      %add3A_990 = arith.constant 32 : i32
      %add3A_991 = vector.broadcast %add3A_990 : i32 to vector<16xi32>
      %add3A_992 = arith.addi %iota3A, %add3A_991 : vector<16xi32>
      %gather3A_993 = tpu.vector_load_idx %arg9[%add3A_992, %broadcast_in_dim3A_938] : memref<64x128xf32, #tpu.memory_space<vmem>>[vector<16xi32>, vector<16xi32>], vector<16xf32>,
      %swap3A_994 = arith.constant 32 : index
      %swap3A_995 = tpu.vector_load %arg10[%swap3A_994] {strides = array<i32>} : memref<64xf32, #tpu.memory_space<vmem>>, vector<16xf32>,
      tpu.vector_store %arg10[%swap3A_994], %gather3A_993 {strides = array<i32>} : memref<64xf32, #tpu.memory_space<vmem>>, vector<16xf32>,
      %add3A_996 = arith.constant 48 : i32
      %add3A_997 = vector.broadcast %add3A_996 : i32 to vector<16xi32>
      %add3A_998 = arith.addi %iota3A, %add3A_997 : vector<16xi32>
      %gather3A_999 = tpu.vector_load_idx %arg9[%add3A_998, %broadcast_in_dim3A_938] : memref<64x128xf32, #tpu.memory_space<vmem>>[vector<16xi32>, vector<16xi32>], vector<16xf32>,
      %swap3A_1000 = arith.constant 48 : index
      %swap3A_1001 = tpu.vector_load %arg10[%swap3A_1000] {strides = array<i32>} : memref<64xf32, #tpu.memory_space<vmem>>, vector<16xf32>,
      tpu.vector_store %arg10[%swap3A_1000], %gather3A_999 {strides = array<i32>} : memref<64xf32, #tpu.memory_space<vmem>>, vector<16xf32>,
      %mul3A_1002 = arith.constant 64 : i32
      %mul3A_1003 = arith.muli %add3A_943, %mul3A_1002 : i32
      "tpu.region"() ({
        %run_scoped3A = tpu.sem_alloc : memref<!tpu.dma_semaphore, #tpu.memory_space<semaphore_mem>>
        %dma_start3A_1788 = tpu.memref_slice %arg6[%mul3A_1003] : memref<262144xf32, #tpu.memory_space<hbm>> -> memref<64xf32, #tpu.memory_space<hbm>>
        %dma_start3A_1789 = tpu.memref_slice %arg6[%mul3A_1003] : memref<262144xf32, #tpu.memory_space<hbm>> -> memref<64xf32, #tpu.memory_space<hbm>>
        tpu.enqueue_dma source(%arg10 : memref<64xf32, #tpu.memory_space<vmem>>) target(%dma_start3A_1789 : memref<64xf32, #tpu.memory_space<hbm>>) target_semaphore(%run_scoped3A : memref<!tpu.dma_semaphore, #tpu.memory_space<semaphore_mem>>)
        %dma_wait3A_1790 = tpu.memref_slice %arg6[%mul3A_1003] : memref<262144xf32, #tpu.memory_space<hbm>> -> memref<64xf32, #tpu.memory_space<hbm>>
        %dma_wait3A_1791 = tpu.memref_slice %arg6[%mul3A_1003] : memref<262144xf32, #tpu.memory_space<hbm>> -> memref<64xf32, #tpu.memory_space<hbm>>
        tpu.wait_dma2 semaphore(%run_scoped3A : memref<!tpu.dma_semaphore, #tpu.memory_space<semaphore_mem>>) src(%arg10 : memref<64xf32, #tpu.memory_space<vmem>>) dst(%dma_wait3A_1791 : memref<64xf32, #tpu.memory_space<hbm>>)
        tpu.yield
      }) : () -> ()
      %eq3A_1004 = arith.constant 9 : i32
      %eq3A_1005 = vector.broadcast %eq3A_1004 : i32 to vector<16xi32>
      %eq3A_1006 = arith.cmpi eq, %iota3A, %eq3A_1005 : vector<16xi32>
      %jit3A_1007 = arith.constant 0 : i32
      %broadcast_in_dim3A_1008 = vector.broadcast %jit3A_1007 : i32 to vector<16xi32>
      %select_n3A_1009 = arith.select %eq3A_1006, %get3A_11, %broadcast_in_dim3A_1008 : vector<16xi1>, vector<16xi32>
      %reduce_sum3A_1010 = arith.constant true
      %reduce_sum3A_1011 = vector.broadcast %reduce_sum3A_1010 : i1 to vector<16xi1>
      %reduce_sum3A_1012 = tpu.scan <sum>, %select_n3A_1009 masked %reduce_sum3A_1011 : vector<16xi32>, vector<16xi1> -> vector<16xi32>
      %reduce_sum3A_1013 = vector.extract %reduce_sum3A_1012[15] : i32 from vector<16xi32>
      %jit3A_1014 = arith.constant 128 : i32
      %div3A_1015 = arith.divsi %reduce_sum3A_1013, %jit3A_1014 : i32
      %sign3A_1016 = arith.constant 0 : i32
      %sign3A_1017 = arith.cmpi sgt, %reduce_sum3A_1013, %sign3A_1016 : i32
      %sign3A_1018 = arith.extui %sign3A_1017 : i1 to i32
      %sign3A_1019 = arith.constant 0 : i32
      %sign3A_1020 = arith.cmpi slt, %reduce_sum3A_1013, %sign3A_1019 : i32
      %sign3A_1021 = arith.extui %sign3A_1020 : i1 to i32
      %sign3A_1022 = arith.subi %sign3A_1018, %sign3A_1021 : i32
      %sign3A_1023 = arith.constant 0 : i32
      %sign3A_1024 = arith.cmpi sgt, %jit3A_1014, %sign3A_1023 : i32
      %sign3A_1025 = arith.extui %sign3A_1024 : i1 to i32
      %sign3A_1026 = arith.constant 0 : i32
      %sign3A_1027 = arith.cmpi slt, %jit3A_1014, %sign3A_1026 : i32
      %sign3A_1028 = arith.extui %sign3A_1027 : i1 to i32
      %sign3A_1029 = arith.subi %sign3A_1025, %sign3A_1028 : i32
      %ne3A_1030 = arith.cmpi ne, %sign3A_1022, %sign3A_1029 : i32
      %rem3A_1031 = arith.remsi %reduce_sum3A_1013, %jit3A_1014 : i32
      %ne3A_1032 = arith.constant 0 : i32
      %ne3A_1033 = arith.cmpi ne, %rem3A_1031, %ne3A_1032 : i32
      %and3A_1034 = arith.andi %ne3A_1030, %ne3A_1033 : i1
      %sub3A_1035 = arith.constant 1 : i32
      %sub3A_1036 = arith.subi %div3A_1015, %sub3A_1035 : i32
      %select_n3A_1037 = arith.select %and3A_1034, %sub3A_1036, %div3A_1015 : i32
      %mul3A_1038 = arith.constant 128 : i32
      %mul3A_1039 = arith.muli %select_n3A_1037, %mul3A_1038 : i32
      %multiple_of3A_1040 = tpu.assume_multiple %mul3A_1039, 128 : i32
      %sub3A_1041 = arith.subi %reduce_sum3A_1013, %multiple_of3A_1040 : i32
      %dma_start3A_1042 = arith.constant 0 : i32
      %dma_start3A_1043 = tpu.memref_slice %arg3[%dma_start3A_1042, %multiple_of3A_1040] : memref<64x1000000xf32, #tpu.memory_space<hbm>> -> memref<64x128xf32, #tpu.memory_space<hbm>>
      %dma_start3A_1044 = arith.constant 0 : i32
      %dma_start3A_1045 = tpu.memref_slice %arg3[%dma_start3A_1044, %multiple_of3A_1040] : memref<64x1000000xf32, #tpu.memory_space<hbm>> -> memref<64x128xf32, #tpu.memory_space<hbm>>
      tpu.enqueue_dma source(%dma_start3A_1045 : memref<64x128xf32, #tpu.memory_space<hbm>>) target(%arg8 : memref<64x128xf32, #tpu.memory_space<vmem>>) target_semaphore(%arg11 : memref<!tpu.dma_semaphore, #tpu.memory_space<semaphore_mem>>)
      %dma_start3A_1046 = arith.constant 0 : i32
      %dma_start3A_1047 = tpu.memref_slice %arg4[%dma_start3A_1046, %multiple_of3A_1040] : memref<64x1000000xf32, #tpu.memory_space<hbm>> -> memref<64x128xf32, #tpu.memory_space<hbm>>
      %dma_start3A_1048 = arith.constant 0 : i32
      %dma_start3A_1049 = tpu.memref_slice %arg4[%dma_start3A_1048, %multiple_of3A_1040] : memref<64x1000000xf32, #tpu.memory_space<hbm>> -> memref<64x128xf32, #tpu.memory_space<hbm>>
      tpu.enqueue_dma source(%dma_start3A_1049 : memref<64x128xf32, #tpu.memory_space<hbm>>) target(%arg9 : memref<64x128xf32, #tpu.memory_space<vmem>>) target_semaphore(%arg12 : memref<!tpu.dma_semaphore, #tpu.memory_space<semaphore_mem>>)
      %broadcast_in_dim3A_1050 = vector.broadcast %sub3A_1041 : i32 to vector<16xi32>
      %mul3A_1051 = arith.constant 16 : i32
      %mul3A_1052 = arith.muli %scan3A_8, %mul3A_1051 : i32
      %add3A_1053 = arith.addi %mul3A_2, %mul3A_1052 : i32
      %add3A_1054 = arith.constant 9 : i32
      %add3A_1055 = arith.addi %add3A_1053, %add3A_1054 : i32
      %dma_wait3A_1056 = arith.constant 0 : i32
      %dma_wait3A_1057 = tpu.memref_slice %arg3[%dma_wait3A_1056, %multiple_of3A_1040] : memref<64x1000000xf32, #tpu.memory_space<hbm>> -> memref<64x128xf32, #tpu.memory_space<hbm>>
      %dma_wait3A_1058 = arith.constant 0 : i32
      %dma_wait3A_1059 = tpu.memref_slice %arg3[%dma_wait3A_1058, %multiple_of3A_1040] : memref<64x1000000xf32, #tpu.memory_space<hbm>> -> memref<64x128xf32, #tpu.memory_space<hbm>>
      tpu.wait_dma2 semaphore(%arg11 : memref<!tpu.dma_semaphore, #tpu.memory_space<semaphore_mem>>) src(%dma_wait3A_1059 : memref<64x128xf32, #tpu.memory_space<hbm>>) dst(%arg8 : memref<64x128xf32, #tpu.memory_space<vmem>>)
      %add3A_1060 = arith.constant 0 : i32
      %add3A_1061 = vector.broadcast %add3A_1060 : i32 to vector<16xi32>
      %add3A_1062 = arith.addi %iota3A, %add3A_1061 : vector<16xi32>
      %gather3A_1063 = tpu.vector_load_idx %arg8[%add3A_1062, %broadcast_in_dim3A_1050] : memref<64x128xf32, #tpu.memory_space<vmem>>[vector<16xi32>, vector<16xi32>], vector<16xf32>,
      %swap3A_1064 = arith.constant 0 : index
      %swap3A_1065 = tpu.vector_load %arg10[%swap3A_1064] {strides = array<i32>} : memref<64xf32, #tpu.memory_space<vmem>>, vector<16xf32>,
      tpu.vector_store %arg10[%swap3A_1064], %gather3A_1063 {strides = array<i32>} : memref<64xf32, #tpu.memory_space<vmem>>, vector<16xf32>,
      %add3A_1066 = arith.constant 16 : i32
      %add3A_1067 = vector.broadcast %add3A_1066 : i32 to vector<16xi32>
      %add3A_1068 = arith.addi %iota3A, %add3A_1067 : vector<16xi32>
      %gather3A_1069 = tpu.vector_load_idx %arg8[%add3A_1068, %broadcast_in_dim3A_1050] : memref<64x128xf32, #tpu.memory_space<vmem>>[vector<16xi32>, vector<16xi32>], vector<16xf32>,
      %swap3A_1070 = arith.constant 16 : index
      %swap3A_1071 = tpu.vector_load %arg10[%swap3A_1070] {strides = array<i32>} : memref<64xf32, #tpu.memory_space<vmem>>, vector<16xf32>,
      tpu.vector_store %arg10[%swap3A_1070], %gather3A_1069 {strides = array<i32>} : memref<64xf32, #tpu.memory_space<vmem>>, vector<16xf32>,
      %add3A_1072 = arith.constant 32 : i32
      %add3A_1073 = vector.broadcast %add3A_1072 : i32 to vector<16xi32>
      %add3A_1074 = arith.addi %iota3A, %add3A_1073 : vector<16xi32>
      %gather3A_1075 = tpu.vector_load_idx %arg8[%add3A_1074, %broadcast_in_dim3A_1050] : memref<64x128xf32, #tpu.memory_space<vmem>>[vector<16xi32>, vector<16xi32>], vector<16xf32>,
      %swap3A_1076 = arith.constant 32 : index
      %swap3A_1077 = tpu.vector_load %arg10[%swap3A_1076] {strides = array<i32>} : memref<64xf32, #tpu.memory_space<vmem>>, vector<16xf32>,
      tpu.vector_store %arg10[%swap3A_1076], %gather3A_1075 {strides = array<i32>} : memref<64xf32, #tpu.memory_space<vmem>>, vector<16xf32>,
      %add3A_1078 = arith.constant 48 : i32
      %add3A_1079 = vector.broadcast %add3A_1078 : i32 to vector<16xi32>
      %add3A_1080 = arith.addi %iota3A, %add3A_1079 : vector<16xi32>
      %gather3A_1081 = tpu.vector_load_idx %arg8[%add3A_1080, %broadcast_in_dim3A_1050] : memref<64x128xf32, #tpu.memory_space<vmem>>[vector<16xi32>, vector<16xi32>], vector<16xf32>,
      %swap3A_1082 = arith.constant 48 : index
      %swap3A_1083 = tpu.vector_load %arg10[%swap3A_1082] {strides = array<i32>} : memref<64xf32, #tpu.memory_space<vmem>>, vector<16xf32>,
      tpu.vector_store %arg10[%swap3A_1082], %gather3A_1081 {strides = array<i32>} : memref<64xf32, #tpu.memory_space<vmem>>, vector<16xf32>,
      %mul3A_1084 = arith.constant 64 : i32
      %mul3A_1085 = arith.muli %add3A_1055, %mul3A_1084 : i32
      "tpu.region"() ({
        %run_scoped3A = tpu.sem_alloc : memref<!tpu.dma_semaphore, #tpu.memory_space<semaphore_mem>>
        %dma_start3A_1788 = tpu.memref_slice %arg5[%mul3A_1085] : memref<262144xf32, #tpu.memory_space<hbm>> -> memref<64xf32, #tpu.memory_space<hbm>>
        %dma_start3A_1789 = tpu.memref_slice %arg5[%mul3A_1085] : memref<262144xf32, #tpu.memory_space<hbm>> -> memref<64xf32, #tpu.memory_space<hbm>>
        tpu.enqueue_dma source(%arg10 : memref<64xf32, #tpu.memory_space<vmem>>) target(%dma_start3A_1789 : memref<64xf32, #tpu.memory_space<hbm>>) target_semaphore(%run_scoped3A : memref<!tpu.dma_semaphore, #tpu.memory_space<semaphore_mem>>)
        %dma_wait3A_1790 = tpu.memref_slice %arg5[%mul3A_1085] : memref<262144xf32, #tpu.memory_space<hbm>> -> memref<64xf32, #tpu.memory_space<hbm>>
        %dma_wait3A_1791 = tpu.memref_slice %arg5[%mul3A_1085] : memref<262144xf32, #tpu.memory_space<hbm>> -> memref<64xf32, #tpu.memory_space<hbm>>
        tpu.wait_dma2 semaphore(%run_scoped3A : memref<!tpu.dma_semaphore, #tpu.memory_space<semaphore_mem>>) src(%arg10 : memref<64xf32, #tpu.memory_space<vmem>>) dst(%dma_wait3A_1791 : memref<64xf32, #tpu.memory_space<hbm>>)
        tpu.yield
      }) : () -> ()
      %dma_wait3A_1086 = arith.constant 0 : i32
      %dma_wait3A_1087 = tpu.memref_slice %arg4[%dma_wait3A_1086, %multiple_of3A_1040] : memref<64x1000000xf32, #tpu.memory_space<hbm>> -> memref<64x128xf32, #tpu.memory_space<hbm>>
      %dma_wait3A_1088 = arith.constant 0 : i32
      %dma_wait3A_1089 = tpu.memref_slice %arg4[%dma_wait3A_1088, %multiple_of3A_1040] : memref<64x1000000xf32, #tpu.memory_space<hbm>> -> memref<64x128xf32, #tpu.memory_space<hbm>>
      tpu.wait_dma2 semaphore(%arg12 : memref<!tpu.dma_semaphore, #tpu.memory_space<semaphore_mem>>) src(%dma_wait3A_1089 : memref<64x128xf32, #tpu.memory_space<hbm>>) dst(%arg9 : memref<64x128xf32, #tpu.memory_space<vmem>>)
      %add3A_1090 = arith.constant 0 : i32
      %add3A_1091 = vector.broadcast %add3A_1090 : i32 to vector<16xi32>
      %add3A_1092 = arith.addi %iota3A, %add3A_1091 : vector<16xi32>
      %gather3A_1093 = tpu.vector_load_idx %arg9[%add3A_1092, %broadcast_in_dim3A_1050] : memref<64x128xf32, #tpu.memory_space<vmem>>[vector<16xi32>, vector<16xi32>], vector<16xf32>,
      %swap3A_1094 = arith.constant 0 : index
      %swap3A_1095 = tpu.vector_load %arg10[%swap3A_1094] {strides = array<i32>} : memref<64xf32, #tpu.memory_space<vmem>>, vector<16xf32>,
      tpu.vector_store %arg10[%swap3A_1094], %gather3A_1093 {strides = array<i32>} : memref<64xf32, #tpu.memory_space<vmem>>, vector<16xf32>,
      %add3A_1096 = arith.constant 16 : i32
      %add3A_1097 = vector.broadcast %add3A_1096 : i32 to vector<16xi32>
      %add3A_1098 = arith.addi %iota3A, %add3A_1097 : vector<16xi32>
      %gather3A_1099 = tpu.vector_load_idx %arg9[%add3A_1098, %broadcast_in_dim3A_1050] : memref<64x128xf32, #tpu.memory_space<vmem>>[vector<16xi32>, vector<16xi32>], vector<16xf32>,
      %swap3A_1100 = arith.constant 16 : index
      %swap3A_1101 = tpu.vector_load %arg10[%swap3A_1100] {strides = array<i32>} : memref<64xf32, #tpu.memory_space<vmem>>, vector<16xf32>,
      tpu.vector_store %arg10[%swap3A_1100], %gather3A_1099 {strides = array<i32>} : memref<64xf32, #tpu.memory_space<vmem>>, vector<16xf32>,
      %add3A_1102 = arith.constant 32 : i32
      %add3A_1103 = vector.broadcast %add3A_1102 : i32 to vector<16xi32>
      %add3A_1104 = arith.addi %iota3A, %add3A_1103 : vector<16xi32>
      %gather3A_1105 = tpu.vector_load_idx %arg9[%add3A_1104, %broadcast_in_dim3A_1050] : memref<64x128xf32, #tpu.memory_space<vmem>>[vector<16xi32>, vector<16xi32>], vector<16xf32>,
      %swap3A_1106 = arith.constant 32 : index
      %swap3A_1107 = tpu.vector_load %arg10[%swap3A_1106] {strides = array<i32>} : memref<64xf32, #tpu.memory_space<vmem>>, vector<16xf32>,
      tpu.vector_store %arg10[%swap3A_1106], %gather3A_1105 {strides = array<i32>} : memref<64xf32, #tpu.memory_space<vmem>>, vector<16xf32>,
      %add3A_1108 = arith.constant 48 : i32
      %add3A_1109 = vector.broadcast %add3A_1108 : i32 to vector<16xi32>
      %add3A_1110 = arith.addi %iota3A, %add3A_1109 : vector<16xi32>
      %gather3A_1111 = tpu.vector_load_idx %arg9[%add3A_1110, %broadcast_in_dim3A_1050] : memref<64x128xf32, #tpu.memory_space<vmem>>[vector<16xi32>, vector<16xi32>], vector<16xf32>,
      %swap3A_1112 = arith.constant 48 : index
      %swap3A_1113 = tpu.vector_load %arg10[%swap3A_1112] {strides = array<i32>} : memref<64xf32, #tpu.memory_space<vmem>>, vector<16xf32>,
      tpu.vector_store %arg10[%swap3A_1112], %gather3A_1111 {strides = array<i32>} : memref<64xf32, #tpu.memory_space<vmem>>, vector<16xf32>,
      %mul3A_1114 = arith.constant 64 : i32
      %mul3A_1115 = arith.muli %add3A_1055, %mul3A_1114 : i32
      "tpu.region"() ({
        %run_scoped3A = tpu.sem_alloc : memref<!tpu.dma_semaphore, #tpu.memory_space<semaphore_mem>>
        %dma_start3A_1788 = tpu.memref_slice %arg6[%mul3A_1115] : memref<262144xf32, #tpu.memory_space<hbm>> -> memref<64xf32, #tpu.memory_space<hbm>>
        %dma_start3A_1789 = tpu.memref_slice %arg6[%mul3A_1115] : memref<262144xf32, #tpu.memory_space<hbm>> -> memref<64xf32, #tpu.memory_space<hbm>>
        tpu.enqueue_dma source(%arg10 : memref<64xf32, #tpu.memory_space<vmem>>) target(%dma_start3A_1789 : memref<64xf32, #tpu.memory_space<hbm>>) target_semaphore(%run_scoped3A : memref<!tpu.dma_semaphore, #tpu.memory_space<semaphore_mem>>)
        %dma_wait3A_1790 = tpu.memref_slice %arg6[%mul3A_1115] : memref<262144xf32, #tpu.memory_space<hbm>> -> memref<64xf32, #tpu.memory_space<hbm>>
        %dma_wait3A_1791 = tpu.memref_slice %arg6[%mul3A_1115] : memref<262144xf32, #tpu.memory_space<hbm>> -> memref<64xf32, #tpu.memory_space<hbm>>
        tpu.wait_dma2 semaphore(%run_scoped3A : memref<!tpu.dma_semaphore, #tpu.memory_space<semaphore_mem>>) src(%arg10 : memref<64xf32, #tpu.memory_space<vmem>>) dst(%dma_wait3A_1791 : memref<64xf32, #tpu.memory_space<hbm>>)
        tpu.yield
      }) : () -> ()
      %eq3A_1116 = arith.constant 10 : i32
      %eq3A_1117 = vector.broadcast %eq3A_1116 : i32 to vector<16xi32>
      %eq3A_1118 = arith.cmpi eq, %iota3A, %eq3A_1117 : vector<16xi32>
      %jit3A_1119 = arith.constant 0 : i32
      %broadcast_in_dim3A_1120 = vector.broadcast %jit3A_1119 : i32 to vector<16xi32>
      %select_n3A_1121 = arith.select %eq3A_1118, %get3A_11, %broadcast_in_dim3A_1120 : vector<16xi1>, vector<16xi32>
      %reduce_sum3A_1122 = arith.constant true
      %reduce_sum3A_1123 = vector.broadcast %reduce_sum3A_1122 : i1 to vector<16xi1>
      %reduce_sum3A_1124 = tpu.scan <sum>, %select_n3A_1121 masked %reduce_sum3A_1123 : vector<16xi32>, vector<16xi1> -> vector<16xi32>
      %reduce_sum3A_1125 = vector.extract %reduce_sum3A_1124[15] : i32 from vector<16xi32>
      %jit3A_1126 = arith.constant 128 : i32
      %div3A_1127 = arith.divsi %reduce_sum3A_1125, %jit3A_1126 : i32
      %sign3A_1128 = arith.constant 0 : i32
      %sign3A_1129 = arith.cmpi sgt, %reduce_sum3A_1125, %sign3A_1128 : i32
      %sign3A_1130 = arith.extui %sign3A_1129 : i1 to i32
      %sign3A_1131 = arith.constant 0 : i32
      %sign3A_1132 = arith.cmpi slt, %reduce_sum3A_1125, %sign3A_1131 : i32
      %sign3A_1133 = arith.extui %sign3A_1132 : i1 to i32
      %sign3A_1134 = arith.subi %sign3A_1130, %sign3A_1133 : i32
      %sign3A_1135 = arith.constant 0 : i32
      %sign3A_1136 = arith.cmpi sgt, %jit3A_1126, %sign3A_1135 : i32
      %sign3A_1137 = arith.extui %sign3A_1136 : i1 to i32
      %sign3A_1138 = arith.constant 0 : i32
      %sign3A_1139 = arith.cmpi slt, %jit3A_1126, %sign3A_1138 : i32
      %sign3A_1140 = arith.extui %sign3A_1139 : i1 to i32
      %sign3A_1141 = arith.subi %sign3A_1137, %sign3A_1140 : i32
      %ne3A_1142 = arith.cmpi ne, %sign3A_1134, %sign3A_1141 : i32
      %rem3A_1143 = arith.remsi %reduce_sum3A_1125, %jit3A_1126 : i32
      %ne3A_1144 = arith.constant 0 : i32
      %ne3A_1145 = arith.cmpi ne, %rem3A_1143, %ne3A_1144 : i32
      %and3A_1146 = arith.andi %ne3A_1142, %ne3A_1145 : i1
      %sub3A_1147 = arith.constant 1 : i32
      %sub3A_1148 = arith.subi %div3A_1127, %sub3A_1147 : i32
      %select_n3A_1149 = arith.select %and3A_1146, %sub3A_1148, %div3A_1127 : i32
      %mul3A_1150 = arith.constant 128 : i32
      %mul3A_1151 = arith.muli %select_n3A_1149, %mul3A_1150 : i32
      %multiple_of3A_1152 = tpu.assume_multiple %mul3A_1151, 128 : i32
      %sub3A_1153 = arith.subi %reduce_sum3A_1125, %multiple_of3A_1152 : i32
      %dma_start3A_1154 = arith.constant 0 : i32
      %dma_start3A_1155 = tpu.memref_slice %arg3[%dma_start3A_1154, %multiple_of3A_1152] : memref<64x1000000xf32, #tpu.memory_space<hbm>> -> memref<64x128xf32, #tpu.memory_space<hbm>>
      %dma_start3A_1156 = arith.constant 0 : i32
      %dma_start3A_1157 = tpu.memref_slice %arg3[%dma_start3A_1156, %multiple_of3A_1152] : memref<64x1000000xf32, #tpu.memory_space<hbm>> -> memref<64x128xf32, #tpu.memory_space<hbm>>
      tpu.enqueue_dma source(%dma_start3A_1157 : memref<64x128xf32, #tpu.memory_space<hbm>>) target(%arg8 : memref<64x128xf32, #tpu.memory_space<vmem>>) target_semaphore(%arg11 : memref<!tpu.dma_semaphore, #tpu.memory_space<semaphore_mem>>)
      %dma_start3A_1158 = arith.constant 0 : i32
      %dma_start3A_1159 = tpu.memref_slice %arg4[%dma_start3A_1158, %multiple_of3A_1152] : memref<64x1000000xf32, #tpu.memory_space<hbm>> -> memref<64x128xf32, #tpu.memory_space<hbm>>
      %dma_start3A_1160 = arith.constant 0 : i32
      %dma_start3A_1161 = tpu.memref_slice %arg4[%dma_start3A_1160, %multiple_of3A_1152] : memref<64x1000000xf32, #tpu.memory_space<hbm>> -> memref<64x128xf32, #tpu.memory_space<hbm>>
      tpu.enqueue_dma source(%dma_start3A_1161 : memref<64x128xf32, #tpu.memory_space<hbm>>) target(%arg9 : memref<64x128xf32, #tpu.memory_space<vmem>>) target_semaphore(%arg12 : memref<!tpu.dma_semaphore, #tpu.memory_space<semaphore_mem>>)
      %broadcast_in_dim3A_1162 = vector.broadcast %sub3A_1153 : i32 to vector<16xi32>
      %mul3A_1163 = arith.constant 16 : i32
      %mul3A_1164 = arith.muli %scan3A_8, %mul3A_1163 : i32
      %add3A_1165 = arith.addi %mul3A_2, %mul3A_1164 : i32
      %add3A_1166 = arith.constant 10 : i32
      %add3A_1167 = arith.addi %add3A_1165, %add3A_1166 : i32
      %dma_wait3A_1168 = arith.constant 0 : i32
      %dma_wait3A_1169 = tpu.memref_slice %arg3[%dma_wait3A_1168, %multiple_of3A_1152] : memref<64x1000000xf32, #tpu.memory_space<hbm>> -> memref<64x128xf32, #tpu.memory_space<hbm>>
      %dma_wait3A_1170 = arith.constant 0 : i32
      %dma_wait3A_1171 = tpu.memref_slice %arg3[%dma_wait3A_1170, %multiple_of3A_1152] : memref<64x1000000xf32, #tpu.memory_space<hbm>> -> memref<64x128xf32, #tpu.memory_space<hbm>>
      tpu.wait_dma2 semaphore(%arg11 : memref<!tpu.dma_semaphore, #tpu.memory_space<semaphore_mem>>) src(%dma_wait3A_1171 : memref<64x128xf32, #tpu.memory_space<hbm>>) dst(%arg8 : memref<64x128xf32, #tpu.memory_space<vmem>>)
      %add3A_1172 = arith.constant 0 : i32
      %add3A_1173 = vector.broadcast %add3A_1172 : i32 to vector<16xi32>
      %add3A_1174 = arith.addi %iota3A, %add3A_1173 : vector<16xi32>
      %gather3A_1175 = tpu.vector_load_idx %arg8[%add3A_1174, %broadcast_in_dim3A_1162] : memref<64x128xf32, #tpu.memory_space<vmem>>[vector<16xi32>, vector<16xi32>], vector<16xf32>,
      %swap3A_1176 = arith.constant 0 : index
      %swap3A_1177 = tpu.vector_load %arg10[%swap3A_1176] {strides = array<i32>} : memref<64xf32, #tpu.memory_space<vmem>>, vector<16xf32>,
      tpu.vector_store %arg10[%swap3A_1176], %gather3A_1175 {strides = array<i32>} : memref<64xf32, #tpu.memory_space<vmem>>, vector<16xf32>,
      %add3A_1178 = arith.constant 16 : i32
      %add3A_1179 = vector.broadcast %add3A_1178 : i32 to vector<16xi32>
      %add3A_1180 = arith.addi %iota3A, %add3A_1179 : vector<16xi32>
      %gather3A_1181 = tpu.vector_load_idx %arg8[%add3A_1180, %broadcast_in_dim3A_1162] : memref<64x128xf32, #tpu.memory_space<vmem>>[vector<16xi32>, vector<16xi32>], vector<16xf32>,
      %swap3A_1182 = arith.constant 16 : index
      %swap3A_1183 = tpu.vector_load %arg10[%swap3A_1182] {strides = array<i32>} : memref<64xf32, #tpu.memory_space<vmem>>, vector<16xf32>,
      tpu.vector_store %arg10[%swap3A_1182], %gather3A_1181 {strides = array<i32>} : memref<64xf32, #tpu.memory_space<vmem>>, vector<16xf32>,
      %add3A_1184 = arith.constant 32 : i32
      %add3A_1185 = vector.broadcast %add3A_1184 : i32 to vector<16xi32>
      %add3A_1186 = arith.addi %iota3A, %add3A_1185 : vector<16xi32>
      %gather3A_1187 = tpu.vector_load_idx %arg8[%add3A_1186, %broadcast_in_dim3A_1162] : memref<64x128xf32, #tpu.memory_space<vmem>>[vector<16xi32>, vector<16xi32>], vector<16xf32>,
      %swap3A_1188 = arith.constant 32 : index
      %swap3A_1189 = tpu.vector_load %arg10[%swap3A_1188] {strides = array<i32>} : memref<64xf32, #tpu.memory_space<vmem>>, vector<16xf32>,
      tpu.vector_store %arg10[%swap3A_1188], %gather3A_1187 {strides = array<i32>} : memref<64xf32, #tpu.memory_space<vmem>>, vector<16xf32>,
      %add3A_1190 = arith.constant 48 : i32
      %add3A_1191 = vector.broadcast %add3A_1190 : i32 to vector<16xi32>
      %add3A_1192 = arith.addi %iota3A, %add3A_1191 : vector<16xi32>
      %gather3A_1193 = tpu.vector_load_idx %arg8[%add3A_1192, %broadcast_in_dim3A_1162] : memref<64x128xf32, #tpu.memory_space<vmem>>[vector<16xi32>, vector<16xi32>], vector<16xf32>,
      %swap3A_1194 = arith.constant 48 : index
      %swap3A_1195 = tpu.vector_load %arg10[%swap3A_1194] {strides = array<i32>} : memref<64xf32, #tpu.memory_space<vmem>>, vector<16xf32>,
      tpu.vector_store %arg10[%swap3A_1194], %gather3A_1193 {strides = array<i32>} : memref<64xf32, #tpu.memory_space<vmem>>, vector<16xf32>,
      %mul3A_1196 = arith.constant 64 : i32
      %mul3A_1197 = arith.muli %add3A_1167, %mul3A_1196 : i32
      "tpu.region"() ({
        %run_scoped3A = tpu.sem_alloc : memref<!tpu.dma_semaphore, #tpu.memory_space<semaphore_mem>>
        %dma_start3A_1788 = tpu.memref_slice %arg5[%mul3A_1197] : memref<262144xf32, #tpu.memory_space<hbm>> -> memref<64xf32, #tpu.memory_space<hbm>>
        %dma_start3A_1789 = tpu.memref_slice %arg5[%mul3A_1197] : memref<262144xf32, #tpu.memory_space<hbm>> -> memref<64xf32, #tpu.memory_space<hbm>>
        tpu.enqueue_dma source(%arg10 : memref<64xf32, #tpu.memory_space<vmem>>) target(%dma_start3A_1789 : memref<64xf32, #tpu.memory_space<hbm>>) target_semaphore(%run_scoped3A : memref<!tpu.dma_semaphore, #tpu.memory_space<semaphore_mem>>)
        %dma_wait3A_1790 = tpu.memref_slice %arg5[%mul3A_1197] : memref<262144xf32, #tpu.memory_space<hbm>> -> memref<64xf32, #tpu.memory_space<hbm>>
        %dma_wait3A_1791 = tpu.memref_slice %arg5[%mul3A_1197] : memref<262144xf32, #tpu.memory_space<hbm>> -> memref<64xf32, #tpu.memory_space<hbm>>
        tpu.wait_dma2 semaphore(%run_scoped3A : memref<!tpu.dma_semaphore, #tpu.memory_space<semaphore_mem>>) src(%arg10 : memref<64xf32, #tpu.memory_space<vmem>>) dst(%dma_wait3A_1791 : memref<64xf32, #tpu.memory_space<hbm>>)
        tpu.yield
      }) : () -> ()
      %dma_wait3A_1198 = arith.constant 0 : i32
      %dma_wait3A_1199 = tpu.memref_slice %arg4[%dma_wait3A_1198, %multiple_of3A_1152] : memref<64x1000000xf32, #tpu.memory_space<hbm>> -> memref<64x128xf32, #tpu.memory_space<hbm>>
      %dma_wait3A_1200 = arith.constant 0 : i32
      %dma_wait3A_1201 = tpu.memref_slice %arg4[%dma_wait3A_1200, %multiple_of3A_1152] : memref<64x1000000xf32, #tpu.memory_space<hbm>> -> memref<64x128xf32, #tpu.memory_space<hbm>>
      tpu.wait_dma2 semaphore(%arg12 : memref<!tpu.dma_semaphore, #tpu.memory_space<semaphore_mem>>) src(%dma_wait3A_1201 : memref<64x128xf32, #tpu.memory_space<hbm>>) dst(%arg9 : memref<64x128xf32, #tpu.memory_space<vmem>>)
      %add3A_1202 = arith.constant 0 : i32
      %add3A_1203 = vector.broadcast %add3A_1202 : i32 to vector<16xi32>
      %add3A_1204 = arith.addi %iota3A, %add3A_1203 : vector<16xi32>
      %gather3A_1205 = tpu.vector_load_idx %arg9[%add3A_1204, %broadcast_in_dim3A_1162] : memref<64x128xf32, #tpu.memory_space<vmem>>[vector<16xi32>, vector<16xi32>], vector<16xf32>,
      %swap3A_1206 = arith.constant 0 : index
      %swap3A_1207 = tpu.vector_load %arg10[%swap3A_1206] {strides = array<i32>} : memref<64xf32, #tpu.memory_space<vmem>>, vector<16xf32>,
      tpu.vector_store %arg10[%swap3A_1206], %gather3A_1205 {strides = array<i32>} : memref<64xf32, #tpu.memory_space<vmem>>, vector<16xf32>,
      %add3A_1208 = arith.constant 16 : i32
      %add3A_1209 = vector.broadcast %add3A_1208 : i32 to vector<16xi32>
      %add3A_1210 = arith.addi %iota3A, %add3A_1209 : vector<16xi32>
      %gather3A_1211 = tpu.vector_load_idx %arg9[%add3A_1210, %broadcast_in_dim3A_1162] : memref<64x128xf32, #tpu.memory_space<vmem>>[vector<16xi32>, vector<16xi32>], vector<16xf32>,
      %swap3A_1212 = arith.constant 16 : index
      %swap3A_1213 = tpu.vector_load %arg10[%swap3A_1212] {strides = array<i32>} : memref<64xf32, #tpu.memory_space<vmem>>, vector<16xf32>,
      tpu.vector_store %arg10[%swap3A_1212], %gather3A_1211 {strides = array<i32>} : memref<64xf32, #tpu.memory_space<vmem>>, vector<16xf32>,
      %add3A_1214 = arith.constant 32 : i32
      %add3A_1215 = vector.broadcast %add3A_1214 : i32 to vector<16xi32>
      %add3A_1216 = arith.addi %iota3A, %add3A_1215 : vector<16xi32>
      %gather3A_1217 = tpu.vector_load_idx %arg9[%add3A_1216, %broadcast_in_dim3A_1162] : memref<64x128xf32, #tpu.memory_space<vmem>>[vector<16xi32>, vector<16xi32>], vector<16xf32>,
      %swap3A_1218 = arith.constant 32 : index
      %swap3A_1219 = tpu.vector_load %arg10[%swap3A_1218] {strides = array<i32>} : memref<64xf32, #tpu.memory_space<vmem>>, vector<16xf32>,
      tpu.vector_store %arg10[%swap3A_1218], %gather3A_1217 {strides = array<i32>} : memref<64xf32, #tpu.memory_space<vmem>>, vector<16xf32>,
      %add3A_1220 = arith.constant 48 : i32
      %add3A_1221 = vector.broadcast %add3A_1220 : i32 to vector<16xi32>
      %add3A_1222 = arith.addi %iota3A, %add3A_1221 : vector<16xi32>
      %gather3A_1223 = tpu.vector_load_idx %arg9[%add3A_1222, %broadcast_in_dim3A_1162] : memref<64x128xf32, #tpu.memory_space<vmem>>[vector<16xi32>, vector<16xi32>], vector<16xf32>,
      %swap3A_1224 = arith.constant 48 : index
      %swap3A_1225 = tpu.vector_load %arg10[%swap3A_1224] {strides = array<i32>} : memref<64xf32, #tpu.memory_space<vmem>>, vector<16xf32>,
      tpu.vector_store %arg10[%swap3A_1224], %gather3A_1223 {strides = array<i32>} : memref<64xf32, #tpu.memory_space<vmem>>, vector<16xf32>,
      %mul3A_1226 = arith.constant 64 : i32
      %mul3A_1227 = arith.muli %add3A_1167, %mul3A_1226 : i32
      "tpu.region"() ({
        %run_scoped3A = tpu.sem_alloc : memref<!tpu.dma_semaphore, #tpu.memory_space<semaphore_mem>>
        %dma_start3A_1788 = tpu.memref_slice %arg6[%mul3A_1227] : memref<262144xf32, #tpu.memory_space<hbm>> -> memref<64xf32, #tpu.memory_space<hbm>>
        %dma_start3A_1789 = tpu.memref_slice %arg6[%mul3A_1227] : memref<262144xf32, #tpu.memory_space<hbm>> -> memref<64xf32, #tpu.memory_space<hbm>>
        tpu.enqueue_dma source(%arg10 : memref<64xf32, #tpu.memory_space<vmem>>) target(%dma_start3A_1789 : memref<64xf32, #tpu.memory_space<hbm>>) target_semaphore(%run_scoped3A : memref<!tpu.dma_semaphore, #tpu.memory_space<semaphore_mem>>)
        %dma_wait3A_1790 = tpu.memref_slice %arg6[%mul3A_1227] : memref<262144xf32, #tpu.memory_space<hbm>> -> memref<64xf32, #tpu.memory_space<hbm>>
        %dma_wait3A_1791 = tpu.memref_slice %arg6[%mul3A_1227] : memref<262144xf32, #tpu.memory_space<hbm>> -> memref<64xf32, #tpu.memory_space<hbm>>
        tpu.wait_dma2 semaphore(%run_scoped3A : memref<!tpu.dma_semaphore, #tpu.memory_space<semaphore_mem>>) src(%arg10 : memref<64xf32, #tpu.memory_space<vmem>>) dst(%dma_wait3A_1791 : memref<64xf32, #tpu.memory_space<hbm>>)
        tpu.yield
      }) : () -> ()
      %eq3A_1228 = arith.constant 11 : i32
      %eq3A_1229 = vector.broadcast %eq3A_1228 : i32 to vector<16xi32>
      %eq3A_1230 = arith.cmpi eq, %iota3A, %eq3A_1229 : vector<16xi32>
      %jit3A_1231 = arith.constant 0 : i32
      %broadcast_in_dim3A_1232 = vector.broadcast %jit3A_1231 : i32 to vector<16xi32>
      %select_n3A_1233 = arith.select %eq3A_1230, %get3A_11, %broadcast_in_dim3A_1232 : vector<16xi1>, vector<16xi32>
      %reduce_sum3A_1234 = arith.constant true
      %reduce_sum3A_1235 = vector.broadcast %reduce_sum3A_1234 : i1 to vector<16xi1>
      %reduce_sum3A_1236 = tpu.scan <sum>, %select_n3A_1233 masked %reduce_sum3A_1235 : vector<16xi32>, vector<16xi1> -> vector<16xi32>
      %reduce_sum3A_1237 = vector.extract %reduce_sum3A_1236[15] : i32 from vector<16xi32>
      %jit3A_1238 = arith.constant 128 : i32
      %div3A_1239 = arith.divsi %reduce_sum3A_1237, %jit3A_1238 : i32
      %sign3A_1240 = arith.constant 0 : i32
      %sign3A_1241 = arith.cmpi sgt, %reduce_sum3A_1237, %sign3A_1240 : i32
      %sign3A_1242 = arith.extui %sign3A_1241 : i1 to i32
      %sign3A_1243 = arith.constant 0 : i32
      %sign3A_1244 = arith.cmpi slt, %reduce_sum3A_1237, %sign3A_1243 : i32
      %sign3A_1245 = arith.extui %sign3A_1244 : i1 to i32
      %sign3A_1246 = arith.subi %sign3A_1242, %sign3A_1245 : i32
      %sign3A_1247 = arith.constant 0 : i32
      %sign3A_1248 = arith.cmpi sgt, %jit3A_1238, %sign3A_1247 : i32
      %sign3A_1249 = arith.extui %sign3A_1248 : i1 to i32
      %sign3A_1250 = arith.constant 0 : i32
      %sign3A_1251 = arith.cmpi slt, %jit3A_1238, %sign3A_1250 : i32
      %sign3A_1252 = arith.extui %sign3A_1251 : i1 to i32
      %sign3A_1253 = arith.subi %sign3A_1249, %sign3A_1252 : i32
      %ne3A_1254 = arith.cmpi ne, %sign3A_1246, %sign3A_1253 : i32
      %rem3A_1255 = arith.remsi %reduce_sum3A_1237, %jit3A_1238 : i32
      %ne3A_1256 = arith.constant 0 : i32
      %ne3A_1257 = arith.cmpi ne, %rem3A_1255, %ne3A_1256 : i32
      %and3A_1258 = arith.andi %ne3A_1254, %ne3A_1257 : i1
      %sub3A_1259 = arith.constant 1 : i32
      %sub3A_1260 = arith.subi %div3A_1239, %sub3A_1259 : i32
      %select_n3A_1261 = arith.select %and3A_1258, %sub3A_1260, %div3A_1239 : i32
      %mul3A_1262 = arith.constant 128 : i32
      %mul3A_1263 = arith.muli %select_n3A_1261, %mul3A_1262 : i32
      %multiple_of3A_1264 = tpu.assume_multiple %mul3A_1263, 128 : i32
      %sub3A_1265 = arith.subi %reduce_sum3A_1237, %multiple_of3A_1264 : i32
      %dma_start3A_1266 = arith.constant 0 : i32
      %dma_start3A_1267 = tpu.memref_slice %arg3[%dma_start3A_1266, %multiple_of3A_1264] : memref<64x1000000xf32, #tpu.memory_space<hbm>> -> memref<64x128xf32, #tpu.memory_space<hbm>>
      %dma_start3A_1268 = arith.constant 0 : i32
      %dma_start3A_1269 = tpu.memref_slice %arg3[%dma_start3A_1268, %multiple_of3A_1264] : memref<64x1000000xf32, #tpu.memory_space<hbm>> -> memref<64x128xf32, #tpu.memory_space<hbm>>
      tpu.enqueue_dma source(%dma_start3A_1269 : memref<64x128xf32, #tpu.memory_space<hbm>>) target(%arg8 : memref<64x128xf32, #tpu.memory_space<vmem>>) target_semaphore(%arg11 : memref<!tpu.dma_semaphore, #tpu.memory_space<semaphore_mem>>)
      %dma_start3A_1270 = arith.constant 0 : i32
      %dma_start3A_1271 = tpu.memref_slice %arg4[%dma_start3A_1270, %multiple_of3A_1264] : memref<64x1000000xf32, #tpu.memory_space<hbm>> -> memref<64x128xf32, #tpu.memory_space<hbm>>
      %dma_start3A_1272 = arith.constant 0 : i32
      %dma_start3A_1273 = tpu.memref_slice %arg4[%dma_start3A_1272, %multiple_of3A_1264] : memref<64x1000000xf32, #tpu.memory_space<hbm>> -> memref<64x128xf32, #tpu.memory_space<hbm>>
      tpu.enqueue_dma source(%dma_start3A_1273 : memref<64x128xf32, #tpu.memory_space<hbm>>) target(%arg9 : memref<64x128xf32, #tpu.memory_space<vmem>>) target_semaphore(%arg12 : memref<!tpu.dma_semaphore, #tpu.memory_space<semaphore_mem>>)
      %broadcast_in_dim3A_1274 = vector.broadcast %sub3A_1265 : i32 to vector<16xi32>
      %mul3A_1275 = arith.constant 16 : i32
      %mul3A_1276 = arith.muli %scan3A_8, %mul3A_1275 : i32
      %add3A_1277 = arith.addi %mul3A_2, %mul3A_1276 : i32
      %add3A_1278 = arith.constant 11 : i32
      %add3A_1279 = arith.addi %add3A_1277, %add3A_1278 : i32
      %dma_wait3A_1280 = arith.constant 0 : i32
      %dma_wait3A_1281 = tpu.memref_slice %arg3[%dma_wait3A_1280, %multiple_of3A_1264] : memref<64x1000000xf32, #tpu.memory_space<hbm>> -> memref<64x128xf32, #tpu.memory_space<hbm>>
      %dma_wait3A_1282 = arith.constant 0 : i32
      %dma_wait3A_1283 = tpu.memref_slice %arg3[%dma_wait3A_1282, %multiple_of3A_1264] : memref<64x1000000xf32, #tpu.memory_space<hbm>> -> memref<64x128xf32, #tpu.memory_space<hbm>>
      tpu.wait_dma2 semaphore(%arg11 : memref<!tpu.dma_semaphore, #tpu.memory_space<semaphore_mem>>) src(%dma_wait3A_1283 : memref<64x128xf32, #tpu.memory_space<hbm>>) dst(%arg8 : memref<64x128xf32, #tpu.memory_space<vmem>>)
      %add3A_1284 = arith.constant 0 : i32
      %add3A_1285 = vector.broadcast %add3A_1284 : i32 to vector<16xi32>
      %add3A_1286 = arith.addi %iota3A, %add3A_1285 : vector<16xi32>
      %gather3A_1287 = tpu.vector_load_idx %arg8[%add3A_1286, %broadcast_in_dim3A_1274] : memref<64x128xf32, #tpu.memory_space<vmem>>[vector<16xi32>, vector<16xi32>], vector<16xf32>,
      %swap3A_1288 = arith.constant 0 : index
      %swap3A_1289 = tpu.vector_load %arg10[%swap3A_1288] {strides = array<i32>} : memref<64xf32, #tpu.memory_space<vmem>>, vector<16xf32>,
      tpu.vector_store %arg10[%swap3A_1288], %gather3A_1287 {strides = array<i32>} : memref<64xf32, #tpu.memory_space<vmem>>, vector<16xf32>,
      %add3A_1290 = arith.constant 16 : i32
      %add3A_1291 = vector.broadcast %add3A_1290 : i32 to vector<16xi32>
      %add3A_1292 = arith.addi %iota3A, %add3A_1291 : vector<16xi32>
      %gather3A_1293 = tpu.vector_load_idx %arg8[%add3A_1292, %broadcast_in_dim3A_1274] : memref<64x128xf32, #tpu.memory_space<vmem>>[vector<16xi32>, vector<16xi32>], vector<16xf32>,
      %swap3A_1294 = arith.constant 16 : index
      %swap3A_1295 = tpu.vector_load %arg10[%swap3A_1294] {strides = array<i32>} : memref<64xf32, #tpu.memory_space<vmem>>, vector<16xf32>,
      tpu.vector_store %arg10[%swap3A_1294], %gather3A_1293 {strides = array<i32>} : memref<64xf32, #tpu.memory_space<vmem>>, vector<16xf32>,
      %add3A_1296 = arith.constant 32 : i32
      %add3A_1297 = vector.broadcast %add3A_1296 : i32 to vector<16xi32>
      %add3A_1298 = arith.addi %iota3A, %add3A_1297 : vector<16xi32>
      %gather3A_1299 = tpu.vector_load_idx %arg8[%add3A_1298, %broadcast_in_dim3A_1274] : memref<64x128xf32, #tpu.memory_space<vmem>>[vector<16xi32>, vector<16xi32>], vector<16xf32>,
      %swap3A_1300 = arith.constant 32 : index
      %swap3A_1301 = tpu.vector_load %arg10[%swap3A_1300] {strides = array<i32>} : memref<64xf32, #tpu.memory_space<vmem>>, vector<16xf32>,
      tpu.vector_store %arg10[%swap3A_1300], %gather3A_1299 {strides = array<i32>} : memref<64xf32, #tpu.memory_space<vmem>>, vector<16xf32>,
      %add3A_1302 = arith.constant 48 : i32
      %add3A_1303 = vector.broadcast %add3A_1302 : i32 to vector<16xi32>
      %add3A_1304 = arith.addi %iota3A, %add3A_1303 : vector<16xi32>
      %gather3A_1305 = tpu.vector_load_idx %arg8[%add3A_1304, %broadcast_in_dim3A_1274] : memref<64x128xf32, #tpu.memory_space<vmem>>[vector<16xi32>, vector<16xi32>], vector<16xf32>,
      %swap3A_1306 = arith.constant 48 : index
      %swap3A_1307 = tpu.vector_load %arg10[%swap3A_1306] {strides = array<i32>} : memref<64xf32, #tpu.memory_space<vmem>>, vector<16xf32>,
      tpu.vector_store %arg10[%swap3A_1306], %gather3A_1305 {strides = array<i32>} : memref<64xf32, #tpu.memory_space<vmem>>, vector<16xf32>,
      %mul3A_1308 = arith.constant 64 : i32
      %mul3A_1309 = arith.muli %add3A_1279, %mul3A_1308 : i32
      "tpu.region"() ({
        %run_scoped3A = tpu.sem_alloc : memref<!tpu.dma_semaphore, #tpu.memory_space<semaphore_mem>>
        %dma_start3A_1788 = tpu.memref_slice %arg5[%mul3A_1309] : memref<262144xf32, #tpu.memory_space<hbm>> -> memref<64xf32, #tpu.memory_space<hbm>>
        %dma_start3A_1789 = tpu.memref_slice %arg5[%mul3A_1309] : memref<262144xf32, #tpu.memory_space<hbm>> -> memref<64xf32, #tpu.memory_space<hbm>>
        tpu.enqueue_dma source(%arg10 : memref<64xf32, #tpu.memory_space<vmem>>) target(%dma_start3A_1789 : memref<64xf32, #tpu.memory_space<hbm>>) target_semaphore(%run_scoped3A : memref<!tpu.dma_semaphore, #tpu.memory_space<semaphore_mem>>)
        %dma_wait3A_1790 = tpu.memref_slice %arg5[%mul3A_1309] : memref<262144xf32, #tpu.memory_space<hbm>> -> memref<64xf32, #tpu.memory_space<hbm>>
        %dma_wait3A_1791 = tpu.memref_slice %arg5[%mul3A_1309] : memref<262144xf32, #tpu.memory_space<hbm>> -> memref<64xf32, #tpu.memory_space<hbm>>
        tpu.wait_dma2 semaphore(%run_scoped3A : memref<!tpu.dma_semaphore, #tpu.memory_space<semaphore_mem>>) src(%arg10 : memref<64xf32, #tpu.memory_space<vmem>>) dst(%dma_wait3A_1791 : memref<64xf32, #tpu.memory_space<hbm>>)
        tpu.yield
      }) : () -> ()
      %dma_wait3A_1310 = arith.constant 0 : i32
      %dma_wait3A_1311 = tpu.memref_slice %arg4[%dma_wait3A_1310, %multiple_of3A_1264] : memref<64x1000000xf32, #tpu.memory_space<hbm>> -> memref<64x128xf32, #tpu.memory_space<hbm>>
      %dma_wait3A_1312 = arith.constant 0 : i32
      %dma_wait3A_1313 = tpu.memref_slice %arg4[%dma_wait3A_1312, %multiple_of3A_1264] : memref<64x1000000xf32, #tpu.memory_space<hbm>> -> memref<64x128xf32, #tpu.memory_space<hbm>>
      tpu.wait_dma2 semaphore(%arg12 : memref<!tpu.dma_semaphore, #tpu.memory_space<semaphore_mem>>) src(%dma_wait3A_1313 : memref<64x128xf32, #tpu.memory_space<hbm>>) dst(%arg9 : memref<64x128xf32, #tpu.memory_space<vmem>>)
      %add3A_1314 = arith.constant 0 : i32
      %add3A_1315 = vector.broadcast %add3A_1314 : i32 to vector<16xi32>
      %add3A_1316 = arith.addi %iota3A, %add3A_1315 : vector<16xi32>
      %gather3A_1317 = tpu.vector_load_idx %arg9[%add3A_1316, %broadcast_in_dim3A_1274] : memref<64x128xf32, #tpu.memory_space<vmem>>[vector<16xi32>, vector<16xi32>], vector<16xf32>,
      %swap3A_1318 = arith.constant 0 : index
      %swap3A_1319 = tpu.vector_load %arg10[%swap3A_1318] {strides = array<i32>} : memref<64xf32, #tpu.memory_space<vmem>>, vector<16xf32>,
      tpu.vector_store %arg10[%swap3A_1318], %gather3A_1317 {strides = array<i32>} : memref<64xf32, #tpu.memory_space<vmem>>, vector<16xf32>,
      %add3A_1320 = arith.constant 16 : i32
      %add3A_1321 = vector.broadcast %add3A_1320 : i32 to vector<16xi32>
      %add3A_1322 = arith.addi %iota3A, %add3A_1321 : vector<16xi32>
      %gather3A_1323 = tpu.vector_load_idx %arg9[%add3A_1322, %broadcast_in_dim3A_1274] : memref<64x128xf32, #tpu.memory_space<vmem>>[vector<16xi32>, vector<16xi32>], vector<16xf32>,
      %swap3A_1324 = arith.constant 16 : index
      %swap3A_1325 = tpu.vector_load %arg10[%swap3A_1324] {strides = array<i32>} : memref<64xf32, #tpu.memory_space<vmem>>, vector<16xf32>,
      tpu.vector_store %arg10[%swap3A_1324], %gather3A_1323 {strides = array<i32>} : memref<64xf32, #tpu.memory_space<vmem>>, vector<16xf32>,
      %add3A_1326 = arith.constant 32 : i32
      %add3A_1327 = vector.broadcast %add3A_1326 : i32 to vector<16xi32>
      %add3A_1328 = arith.addi %iota3A, %add3A_1327 : vector<16xi32>
      %gather3A_1329 = tpu.vector_load_idx %arg9[%add3A_1328, %broadcast_in_dim3A_1274] : memref<64x128xf32, #tpu.memory_space<vmem>>[vector<16xi32>, vector<16xi32>], vector<16xf32>,
      %swap3A_1330 = arith.constant 32 : index
      %swap3A_1331 = tpu.vector_load %arg10[%swap3A_1330] {strides = array<i32>} : memref<64xf32, #tpu.memory_space<vmem>>, vector<16xf32>,
      tpu.vector_store %arg10[%swap3A_1330], %gather3A_1329 {strides = array<i32>} : memref<64xf32, #tpu.memory_space<vmem>>, vector<16xf32>,
      %add3A_1332 = arith.constant 48 : i32
      %add3A_1333 = vector.broadcast %add3A_1332 : i32 to vector<16xi32>
      %add3A_1334 = arith.addi %iota3A, %add3A_1333 : vector<16xi32>
      %gather3A_1335 = tpu.vector_load_idx %arg9[%add3A_1334, %broadcast_in_dim3A_1274] : memref<64x128xf32, #tpu.memory_space<vmem>>[vector<16xi32>, vector<16xi32>], vector<16xf32>,
      %swap3A_1336 = arith.constant 48 : index
      %swap3A_1337 = tpu.vector_load %arg10[%swap3A_1336] {strides = array<i32>} : memref<64xf32, #tpu.memory_space<vmem>>, vector<16xf32>,
      tpu.vector_store %arg10[%swap3A_1336], %gather3A_1335 {strides = array<i32>} : memref<64xf32, #tpu.memory_space<vmem>>, vector<16xf32>,
      %mul3A_1338 = arith.constant 64 : i32
      %mul3A_1339 = arith.muli %add3A_1279, %mul3A_1338 : i32
      "tpu.region"() ({
        %run_scoped3A = tpu.sem_alloc : memref<!tpu.dma_semaphore, #tpu.memory_space<semaphore_mem>>
        %dma_start3A_1788 = tpu.memref_slice %arg6[%mul3A_1339] : memref<262144xf32, #tpu.memory_space<hbm>> -> memref<64xf32, #tpu.memory_space<hbm>>
        %dma_start3A_1789 = tpu.memref_slice %arg6[%mul3A_1339] : memref<262144xf32, #tpu.memory_space<hbm>> -> memref<64xf32, #tpu.memory_space<hbm>>
        tpu.enqueue_dma source(%arg10 : memref<64xf32, #tpu.memory_space<vmem>>) target(%dma_start3A_1789 : memref<64xf32, #tpu.memory_space<hbm>>) target_semaphore(%run_scoped3A : memref<!tpu.dma_semaphore, #tpu.memory_space<semaphore_mem>>)
        %dma_wait3A_1790 = tpu.memref_slice %arg6[%mul3A_1339] : memref<262144xf32, #tpu.memory_space<hbm>> -> memref<64xf32, #tpu.memory_space<hbm>>
        %dma_wait3A_1791 = tpu.memref_slice %arg6[%mul3A_1339] : memref<262144xf32, #tpu.memory_space<hbm>> -> memref<64xf32, #tpu.memory_space<hbm>>
        tpu.wait_dma2 semaphore(%run_scoped3A : memref<!tpu.dma_semaphore, #tpu.memory_space<semaphore_mem>>) src(%arg10 : memref<64xf32, #tpu.memory_space<vmem>>) dst(%dma_wait3A_1791 : memref<64xf32, #tpu.memory_space<hbm>>)
        tpu.yield
      }) : () -> ()
      %eq3A_1340 = arith.constant 12 : i32
      %eq3A_1341 = vector.broadcast %eq3A_1340 : i32 to vector<16xi32>
      %eq3A_1342 = arith.cmpi eq, %iota3A, %eq3A_1341 : vector<16xi32>
      %jit3A_1343 = arith.constant 0 : i32
      %broadcast_in_dim3A_1344 = vector.broadcast %jit3A_1343 : i32 to vector<16xi32>
      %select_n3A_1345 = arith.select %eq3A_1342, %get3A_11, %broadcast_in_dim3A_1344 : vector<16xi1>, vector<16xi32>
      %reduce_sum3A_1346 = arith.constant true
      %reduce_sum3A_1347 = vector.broadcast %reduce_sum3A_1346 : i1 to vector<16xi1>
      %reduce_sum3A_1348 = tpu.scan <sum>, %select_n3A_1345 masked %reduce_sum3A_1347 : vector<16xi32>, vector<16xi1> -> vector<16xi32>
      %reduce_sum3A_1349 = vector.extract %reduce_sum3A_1348[15] : i32 from vector<16xi32>
      %jit3A_1350 = arith.constant 128 : i32
      %div3A_1351 = arith.divsi %reduce_sum3A_1349, %jit3A_1350 : i32
      %sign3A_1352 = arith.constant 0 : i32
      %sign3A_1353 = arith.cmpi sgt, %reduce_sum3A_1349, %sign3A_1352 : i32
      %sign3A_1354 = arith.extui %sign3A_1353 : i1 to i32
      %sign3A_1355 = arith.constant 0 : i32
      %sign3A_1356 = arith.cmpi slt, %reduce_sum3A_1349, %sign3A_1355 : i32
      %sign3A_1357 = arith.extui %sign3A_1356 : i1 to i32
      %sign3A_1358 = arith.subi %sign3A_1354, %sign3A_1357 : i32
      %sign3A_1359 = arith.constant 0 : i32
      %sign3A_1360 = arith.cmpi sgt, %jit3A_1350, %sign3A_1359 : i32
      %sign3A_1361 = arith.extui %sign3A_1360 : i1 to i32
      %sign3A_1362 = arith.constant 0 : i32
      %sign3A_1363 = arith.cmpi slt, %jit3A_1350, %sign3A_1362 : i32
      %sign3A_1364 = arith.extui %sign3A_1363 : i1 to i32
      %sign3A_1365 = arith.subi %sign3A_1361, %sign3A_1364 : i32
      %ne3A_1366 = arith.cmpi ne, %sign3A_1358, %sign3A_1365 : i32
      %rem3A_1367 = arith.remsi %reduce_sum3A_1349, %jit3A_1350 : i32
      %ne3A_1368 = arith.constant 0 : i32
      %ne3A_1369 = arith.cmpi ne, %rem3A_1367, %ne3A_1368 : i32
      %and3A_1370 = arith.andi %ne3A_1366, %ne3A_1369 : i1
      %sub3A_1371 = arith.constant 1 : i32
      %sub3A_1372 = arith.subi %div3A_1351, %sub3A_1371 : i32
      %select_n3A_1373 = arith.select %and3A_1370, %sub3A_1372, %div3A_1351 : i32
      %mul3A_1374 = arith.constant 128 : i32
      %mul3A_1375 = arith.muli %select_n3A_1373, %mul3A_1374 : i32
      %multiple_of3A_1376 = tpu.assume_multiple %mul3A_1375, 128 : i32
      %sub3A_1377 = arith.subi %reduce_sum3A_1349, %multiple_of3A_1376 : i32
      %dma_start3A_1378 = arith.constant 0 : i32
      %dma_start3A_1379 = tpu.memref_slice %arg3[%dma_start3A_1378, %multiple_of3A_1376] : memref<64x1000000xf32, #tpu.memory_space<hbm>> -> memref<64x128xf32, #tpu.memory_space<hbm>>
      %dma_start3A_1380 = arith.constant 0 : i32
      %dma_start3A_1381 = tpu.memref_slice %arg3[%dma_start3A_1380, %multiple_of3A_1376] : memref<64x1000000xf32, #tpu.memory_space<hbm>> -> memref<64x128xf32, #tpu.memory_space<hbm>>
      tpu.enqueue_dma source(%dma_start3A_1381 : memref<64x128xf32, #tpu.memory_space<hbm>>) target(%arg8 : memref<64x128xf32, #tpu.memory_space<vmem>>) target_semaphore(%arg11 : memref<!tpu.dma_semaphore, #tpu.memory_space<semaphore_mem>>)
      %dma_start3A_1382 = arith.constant 0 : i32
      %dma_start3A_1383 = tpu.memref_slice %arg4[%dma_start3A_1382, %multiple_of3A_1376] : memref<64x1000000xf32, #tpu.memory_space<hbm>> -> memref<64x128xf32, #tpu.memory_space<hbm>>
      %dma_start3A_1384 = arith.constant 0 : i32
      %dma_start3A_1385 = tpu.memref_slice %arg4[%dma_start3A_1384, %multiple_of3A_1376] : memref<64x1000000xf32, #tpu.memory_space<hbm>> -> memref<64x128xf32, #tpu.memory_space<hbm>>
      tpu.enqueue_dma source(%dma_start3A_1385 : memref<64x128xf32, #tpu.memory_space<hbm>>) target(%arg9 : memref<64x128xf32, #tpu.memory_space<vmem>>) target_semaphore(%arg12 : memref<!tpu.dma_semaphore, #tpu.memory_space<semaphore_mem>>)
      %broadcast_in_dim3A_1386 = vector.broadcast %sub3A_1377 : i32 to vector<16xi32>
      %mul3A_1387 = arith.constant 16 : i32
      %mul3A_1388 = arith.muli %scan3A_8, %mul3A_1387 : i32
      %add3A_1389 = arith.addi %mul3A_2, %mul3A_1388 : i32
      %add3A_1390 = arith.constant 12 : i32
      %add3A_1391 = arith.addi %add3A_1389, %add3A_1390 : i32
      %dma_wait3A_1392 = arith.constant 0 : i32
      %dma_wait3A_1393 = tpu.memref_slice %arg3[%dma_wait3A_1392, %multiple_of3A_1376] : memref<64x1000000xf32, #tpu.memory_space<hbm>> -> memref<64x128xf32, #tpu.memory_space<hbm>>
      %dma_wait3A_1394 = arith.constant 0 : i32
      %dma_wait3A_1395 = tpu.memref_slice %arg3[%dma_wait3A_1394, %multiple_of3A_1376] : memref<64x1000000xf32, #tpu.memory_space<hbm>> -> memref<64x128xf32, #tpu.memory_space<hbm>>
      tpu.wait_dma2 semaphore(%arg11 : memref<!tpu.dma_semaphore, #tpu.memory_space<semaphore_mem>>) src(%dma_wait3A_1395 : memref<64x128xf32, #tpu.memory_space<hbm>>) dst(%arg8 : memref<64x128xf32, #tpu.memory_space<vmem>>)
      %add3A_1396 = arith.constant 0 : i32
      %add3A_1397 = vector.broadcast %add3A_1396 : i32 to vector<16xi32>
      %add3A_1398 = arith.addi %iota3A, %add3A_1397 : vector<16xi32>
      %gather3A_1399 = tpu.vector_load_idx %arg8[%add3A_1398, %broadcast_in_dim3A_1386] : memref<64x128xf32, #tpu.memory_space<vmem>>[vector<16xi32>, vector<16xi32>], vector<16xf32>,
      %swap3A_1400 = arith.constant 0 : index
      %swap3A_1401 = tpu.vector_load %arg10[%swap3A_1400] {strides = array<i32>} : memref<64xf32, #tpu.memory_space<vmem>>, vector<16xf32>,
      tpu.vector_store %arg10[%swap3A_1400], %gather3A_1399 {strides = array<i32>} : memref<64xf32, #tpu.memory_space<vmem>>, vector<16xf32>,
      %add3A_1402 = arith.constant 16 : i32
      %add3A_1403 = vector.broadcast %add3A_1402 : i32 to vector<16xi32>
      %add3A_1404 = arith.addi %iota3A, %add3A_1403 : vector<16xi32>
      %gather3A_1405 = tpu.vector_load_idx %arg8[%add3A_1404, %broadcast_in_dim3A_1386] : memref<64x128xf32, #tpu.memory_space<vmem>>[vector<16xi32>, vector<16xi32>], vector<16xf32>,
      %swap3A_1406 = arith.constant 16 : index
      %swap3A_1407 = tpu.vector_load %arg10[%swap3A_1406] {strides = array<i32>} : memref<64xf32, #tpu.memory_space<vmem>>, vector<16xf32>,
      tpu.vector_store %arg10[%swap3A_1406], %gather3A_1405 {strides = array<i32>} : memref<64xf32, #tpu.memory_space<vmem>>, vector<16xf32>,
      %add3A_1408 = arith.constant 32 : i32
      %add3A_1409 = vector.broadcast %add3A_1408 : i32 to vector<16xi32>
      %add3A_1410 = arith.addi %iota3A, %add3A_1409 : vector<16xi32>
      %gather3A_1411 = tpu.vector_load_idx %arg8[%add3A_1410, %broadcast_in_dim3A_1386] : memref<64x128xf32, #tpu.memory_space<vmem>>[vector<16xi32>, vector<16xi32>], vector<16xf32>,
      %swap3A_1412 = arith.constant 32 : index
      %swap3A_1413 = tpu.vector_load %arg10[%swap3A_1412] {strides = array<i32>} : memref<64xf32, #tpu.memory_space<vmem>>, vector<16xf32>,
      tpu.vector_store %arg10[%swap3A_1412], %gather3A_1411 {strides = array<i32>} : memref<64xf32, #tpu.memory_space<vmem>>, vector<16xf32>,
      %add3A_1414 = arith.constant 48 : i32
      %add3A_1415 = vector.broadcast %add3A_1414 : i32 to vector<16xi32>
      %add3A_1416 = arith.addi %iota3A, %add3A_1415 : vector<16xi32>
      %gather3A_1417 = tpu.vector_load_idx %arg8[%add3A_1416, %broadcast_in_dim3A_1386] : memref<64x128xf32, #tpu.memory_space<vmem>>[vector<16xi32>, vector<16xi32>], vector<16xf32>,
      %swap3A_1418 = arith.constant 48 : index
      %swap3A_1419 = tpu.vector_load %arg10[%swap3A_1418] {strides = array<i32>} : memref<64xf32, #tpu.memory_space<vmem>>, vector<16xf32>,
      tpu.vector_store %arg10[%swap3A_1418], %gather3A_1417 {strides = array<i32>} : memref<64xf32, #tpu.memory_space<vmem>>, vector<16xf32>,
      %mul3A_1420 = arith.constant 64 : i32
      %mul3A_1421 = arith.muli %add3A_1391, %mul3A_1420 : i32
      "tpu.region"() ({
        %run_scoped3A = tpu.sem_alloc : memref<!tpu.dma_semaphore, #tpu.memory_space<semaphore_mem>>
        %dma_start3A_1788 = tpu.memref_slice %arg5[%mul3A_1421] : memref<262144xf32, #tpu.memory_space<hbm>> -> memref<64xf32, #tpu.memory_space<hbm>>
        %dma_start3A_1789 = tpu.memref_slice %arg5[%mul3A_1421] : memref<262144xf32, #tpu.memory_space<hbm>> -> memref<64xf32, #tpu.memory_space<hbm>>
        tpu.enqueue_dma source(%arg10 : memref<64xf32, #tpu.memory_space<vmem>>) target(%dma_start3A_1789 : memref<64xf32, #tpu.memory_space<hbm>>) target_semaphore(%run_scoped3A : memref<!tpu.dma_semaphore, #tpu.memory_space<semaphore_mem>>)
        %dma_wait3A_1790 = tpu.memref_slice %arg5[%mul3A_1421] : memref<262144xf32, #tpu.memory_space<hbm>> -> memref<64xf32, #tpu.memory_space<hbm>>
        %dma_wait3A_1791 = tpu.memref_slice %arg5[%mul3A_1421] : memref<262144xf32, #tpu.memory_space<hbm>> -> memref<64xf32, #tpu.memory_space<hbm>>
        tpu.wait_dma2 semaphore(%run_scoped3A : memref<!tpu.dma_semaphore, #tpu.memory_space<semaphore_mem>>) src(%arg10 : memref<64xf32, #tpu.memory_space<vmem>>) dst(%dma_wait3A_1791 : memref<64xf32, #tpu.memory_space<hbm>>)
        tpu.yield
      }) : () -> ()
      %dma_wait3A_1422 = arith.constant 0 : i32
      %dma_wait3A_1423 = tpu.memref_slice %arg4[%dma_wait3A_1422, %multiple_of3A_1376] : memref<64x1000000xf32, #tpu.memory_space<hbm>> -> memref<64x128xf32, #tpu.memory_space<hbm>>
      %dma_wait3A_1424 = arith.constant 0 : i32
      %dma_wait3A_1425 = tpu.memref_slice %arg4[%dma_wait3A_1424, %multiple_of3A_1376] : memref<64x1000000xf32, #tpu.memory_space<hbm>> -> memref<64x128xf32, #tpu.memory_space<hbm>>
      tpu.wait_dma2 semaphore(%arg12 : memref<!tpu.dma_semaphore, #tpu.memory_space<semaphore_mem>>) src(%dma_wait3A_1425 : memref<64x128xf32, #tpu.memory_space<hbm>>) dst(%arg9 : memref<64x128xf32, #tpu.memory_space<vmem>>)
      %add3A_1426 = arith.constant 0 : i32
      %add3A_1427 = vector.broadcast %add3A_1426 : i32 to vector<16xi32>
      %add3A_1428 = arith.addi %iota3A, %add3A_1427 : vector<16xi32>
      %gather3A_1429 = tpu.vector_load_idx %arg9[%add3A_1428, %broadcast_in_dim3A_1386] : memref<64x128xf32, #tpu.memory_space<vmem>>[vector<16xi32>, vector<16xi32>], vector<16xf32>,
      %swap3A_1430 = arith.constant 0 : index
      %swap3A_1431 = tpu.vector_load %arg10[%swap3A_1430] {strides = array<i32>} : memref<64xf32, #tpu.memory_space<vmem>>, vector<16xf32>,
      tpu.vector_store %arg10[%swap3A_1430], %gather3A_1429 {strides = array<i32>} : memref<64xf32, #tpu.memory_space<vmem>>, vector<16xf32>,
      %add3A_1432 = arith.constant 16 : i32
      %add3A_1433 = vector.broadcast %add3A_1432 : i32 to vector<16xi32>
      %add3A_1434 = arith.addi %iota3A, %add3A_1433 : vector<16xi32>
      %gather3A_1435 = tpu.vector_load_idx %arg9[%add3A_1434, %broadcast_in_dim3A_1386] : memref<64x128xf32, #tpu.memory_space<vmem>>[vector<16xi32>, vector<16xi32>], vector<16xf32>,
      %swap3A_1436 = arith.constant 16 : index
      %swap3A_1437 = tpu.vector_load %arg10[%swap3A_1436] {strides = array<i32>} : memref<64xf32, #tpu.memory_space<vmem>>, vector<16xf32>,
      tpu.vector_store %arg10[%swap3A_1436], %gather3A_1435 {strides = array<i32>} : memref<64xf32, #tpu.memory_space<vmem>>, vector<16xf32>,
      %add3A_1438 = arith.constant 32 : i32
      %add3A_1439 = vector.broadcast %add3A_1438 : i32 to vector<16xi32>
      %add3A_1440 = arith.addi %iota3A, %add3A_1439 : vector<16xi32>
      %gather3A_1441 = tpu.vector_load_idx %arg9[%add3A_1440, %broadcast_in_dim3A_1386] : memref<64x128xf32, #tpu.memory_space<vmem>>[vector<16xi32>, vector<16xi32>], vector<16xf32>,
      %swap3A_1442 = arith.constant 32 : index
      %swap3A_1443 = tpu.vector_load %arg10[%swap3A_1442] {strides = array<i32>} : memref<64xf32, #tpu.memory_space<vmem>>, vector<16xf32>,
      tpu.vector_store %arg10[%swap3A_1442], %gather3A_1441 {strides = array<i32>} : memref<64xf32, #tpu.memory_space<vmem>>, vector<16xf32>,
      %add3A_1444 = arith.constant 48 : i32
      %add3A_1445 = vector.broadcast %add3A_1444 : i32 to vector<16xi32>
      %add3A_1446 = arith.addi %iota3A, %add3A_1445 : vector<16xi32>
      %gather3A_1447 = tpu.vector_load_idx %arg9[%add3A_1446, %broadcast_in_dim3A_1386] : memref<64x128xf32, #tpu.memory_space<vmem>>[vector<16xi32>, vector<16xi32>], vector<16xf32>,
      %swap3A_1448 = arith.constant 48 : index
      %swap3A_1449 = tpu.vector_load %arg10[%swap3A_1448] {strides = array<i32>} : memref<64xf32, #tpu.memory_space<vmem>>, vector<16xf32>,
      tpu.vector_store %arg10[%swap3A_1448], %gather3A_1447 {strides = array<i32>} : memref<64xf32, #tpu.memory_space<vmem>>, vector<16xf32>,
      %mul3A_1450 = arith.constant 64 : i32
      %mul3A_1451 = arith.muli %add3A_1391, %mul3A_1450 : i32
      "tpu.region"() ({
        %run_scoped3A = tpu.sem_alloc : memref<!tpu.dma_semaphore, #tpu.memory_space<semaphore_mem>>
        %dma_start3A_1788 = tpu.memref_slice %arg6[%mul3A_1451] : memref<262144xf32, #tpu.memory_space<hbm>> -> memref<64xf32, #tpu.memory_space<hbm>>
        %dma_start3A_1789 = tpu.memref_slice %arg6[%mul3A_1451] : memref<262144xf32, #tpu.memory_space<hbm>> -> memref<64xf32, #tpu.memory_space<hbm>>
        tpu.enqueue_dma source(%arg10 : memref<64xf32, #tpu.memory_space<vmem>>) target(%dma_start3A_1789 : memref<64xf32, #tpu.memory_space<hbm>>) target_semaphore(%run_scoped3A : memref<!tpu.dma_semaphore, #tpu.memory_space<semaphore_mem>>)
        %dma_wait3A_1790 = tpu.memref_slice %arg6[%mul3A_1451] : memref<262144xf32, #tpu.memory_space<hbm>> -> memref<64xf32, #tpu.memory_space<hbm>>
        %dma_wait3A_1791 = tpu.memref_slice %arg6[%mul3A_1451] : memref<262144xf32, #tpu.memory_space<hbm>> -> memref<64xf32, #tpu.memory_space<hbm>>
        tpu.wait_dma2 semaphore(%run_scoped3A : memref<!tpu.dma_semaphore, #tpu.memory_space<semaphore_mem>>) src(%arg10 : memref<64xf32, #tpu.memory_space<vmem>>) dst(%dma_wait3A_1791 : memref<64xf32, #tpu.memory_space<hbm>>)
        tpu.yield
      }) : () -> ()
      %eq3A_1452 = arith.constant 13 : i32
      %eq3A_1453 = vector.broadcast %eq3A_1452 : i32 to vector<16xi32>
      %eq3A_1454 = arith.cmpi eq, %iota3A, %eq3A_1453 : vector<16xi32>
      %jit3A_1455 = arith.constant 0 : i32
      %broadcast_in_dim3A_1456 = vector.broadcast %jit3A_1455 : i32 to vector<16xi32>
      %select_n3A_1457 = arith.select %eq3A_1454, %get3A_11, %broadcast_in_dim3A_1456 : vector<16xi1>, vector<16xi32>
      %reduce_sum3A_1458 = arith.constant true
      %reduce_sum3A_1459 = vector.broadcast %reduce_sum3A_1458 : i1 to vector<16xi1>
      %reduce_sum3A_1460 = tpu.scan <sum>, %select_n3A_1457 masked %reduce_sum3A_1459 : vector<16xi32>, vector<16xi1> -> vector<16xi32>
      %reduce_sum3A_1461 = vector.extract %reduce_sum3A_1460[15] : i32 from vector<16xi32>
      %jit3A_1462 = arith.constant 128 : i32
      %div3A_1463 = arith.divsi %reduce_sum3A_1461, %jit3A_1462 : i32
      %sign3A_1464 = arith.constant 0 : i32
      %sign3A_1465 = arith.cmpi sgt, %reduce_sum3A_1461, %sign3A_1464 : i32
      %sign3A_1466 = arith.extui %sign3A_1465 : i1 to i32
      %sign3A_1467 = arith.constant 0 : i32
      %sign3A_1468 = arith.cmpi slt, %reduce_sum3A_1461, %sign3A_1467 : i32
      %sign3A_1469 = arith.extui %sign3A_1468 : i1 to i32
      %sign3A_1470 = arith.subi %sign3A_1466, %sign3A_1469 : i32
      %sign3A_1471 = arith.constant 0 : i32
      %sign3A_1472 = arith.cmpi sgt, %jit3A_1462, %sign3A_1471 : i32
      %sign3A_1473 = arith.extui %sign3A_1472 : i1 to i32
      %sign3A_1474 = arith.constant 0 : i32
      %sign3A_1475 = arith.cmpi slt, %jit3A_1462, %sign3A_1474 : i32
      %sign3A_1476 = arith.extui %sign3A_1475 : i1 to i32
      %sign3A_1477 = arith.subi %sign3A_1473, %sign3A_1476 : i32
      %ne3A_1478 = arith.cmpi ne, %sign3A_1470, %sign3A_1477 : i32
      %rem3A_1479 = arith.remsi %reduce_sum3A_1461, %jit3A_1462 : i32
      %ne3A_1480 = arith.constant 0 : i32
      %ne3A_1481 = arith.cmpi ne, %rem3A_1479, %ne3A_1480 : i32
      %and3A_1482 = arith.andi %ne3A_1478, %ne3A_1481 : i1
      %sub3A_1483 = arith.constant 1 : i32
      %sub3A_1484 = arith.subi %div3A_1463, %sub3A_1483 : i32
      %select_n3A_1485 = arith.select %and3A_1482, %sub3A_1484, %div3A_1463 : i32
      %mul3A_1486 = arith.constant 128 : i32
      %mul3A_1487 = arith.muli %select_n3A_1485, %mul3A_1486 : i32
      %multiple_of3A_1488 = tpu.assume_multiple %mul3A_1487, 128 : i32
      %sub3A_1489 = arith.subi %reduce_sum3A_1461, %multiple_of3A_1488 : i32
      %dma_start3A_1490 = arith.constant 0 : i32
      %dma_start3A_1491 = tpu.memref_slice %arg3[%dma_start3A_1490, %multiple_of3A_1488] : memref<64x1000000xf32, #tpu.memory_space<hbm>> -> memref<64x128xf32, #tpu.memory_space<hbm>>
      %dma_start3A_1492 = arith.constant 0 : i32
      %dma_start3A_1493 = tpu.memref_slice %arg3[%dma_start3A_1492, %multiple_of3A_1488] : memref<64x1000000xf32, #tpu.memory_space<hbm>> -> memref<64x128xf32, #tpu.memory_space<hbm>>
      tpu.enqueue_dma source(%dma_start3A_1493 : memref<64x128xf32, #tpu.memory_space<hbm>>) target(%arg8 : memref<64x128xf32, #tpu.memory_space<vmem>>) target_semaphore(%arg11 : memref<!tpu.dma_semaphore, #tpu.memory_space<semaphore_mem>>)
      %dma_start3A_1494 = arith.constant 0 : i32
      %dma_start3A_1495 = tpu.memref_slice %arg4[%dma_start3A_1494, %multiple_of3A_1488] : memref<64x1000000xf32, #tpu.memory_space<hbm>> -> memref<64x128xf32, #tpu.memory_space<hbm>>
      %dma_start3A_1496 = arith.constant 0 : i32
      %dma_start3A_1497 = tpu.memref_slice %arg4[%dma_start3A_1496, %multiple_of3A_1488] : memref<64x1000000xf32, #tpu.memory_space<hbm>> -> memref<64x128xf32, #tpu.memory_space<hbm>>
      tpu.enqueue_dma source(%dma_start3A_1497 : memref<64x128xf32, #tpu.memory_space<hbm>>) target(%arg9 : memref<64x128xf32, #tpu.memory_space<vmem>>) target_semaphore(%arg12 : memref<!tpu.dma_semaphore, #tpu.memory_space<semaphore_mem>>)
      %broadcast_in_dim3A_1498 = vector.broadcast %sub3A_1489 : i32 to vector<16xi32>
      %mul3A_1499 = arith.constant 16 : i32
      %mul3A_1500 = arith.muli %scan3A_8, %mul3A_1499 : i32
      %add3A_1501 = arith.addi %mul3A_2, %mul3A_1500 : i32
      %add3A_1502 = arith.constant 13 : i32
      %add3A_1503 = arith.addi %add3A_1501, %add3A_1502 : i32
      %dma_wait3A_1504 = arith.constant 0 : i32
      %dma_wait3A_1505 = tpu.memref_slice %arg3[%dma_wait3A_1504, %multiple_of3A_1488] : memref<64x1000000xf32, #tpu.memory_space<hbm>> -> memref<64x128xf32, #tpu.memory_space<hbm>>
      %dma_wait3A_1506 = arith.constant 0 : i32
      %dma_wait3A_1507 = tpu.memref_slice %arg3[%dma_wait3A_1506, %multiple_of3A_1488] : memref<64x1000000xf32, #tpu.memory_space<hbm>> -> memref<64x128xf32, #tpu.memory_space<hbm>>
      tpu.wait_dma2 semaphore(%arg11 : memref<!tpu.dma_semaphore, #tpu.memory_space<semaphore_mem>>) src(%dma_wait3A_1507 : memref<64x128xf32, #tpu.memory_space<hbm>>) dst(%arg8 : memref<64x128xf32, #tpu.memory_space<vmem>>)
      %add3A_1508 = arith.constant 0 : i32
      %add3A_1509 = vector.broadcast %add3A_1508 : i32 to vector<16xi32>
      %add3A_1510 = arith.addi %iota3A, %add3A_1509 : vector<16xi32>
      %gather3A_1511 = tpu.vector_load_idx %arg8[%add3A_1510, %broadcast_in_dim3A_1498] : memref<64x128xf32, #tpu.memory_space<vmem>>[vector<16xi32>, vector<16xi32>], vector<16xf32>,
      %swap3A_1512 = arith.constant 0 : index
      %swap3A_1513 = tpu.vector_load %arg10[%swap3A_1512] {strides = array<i32>} : memref<64xf32, #tpu.memory_space<vmem>>, vector<16xf32>,
      tpu.vector_store %arg10[%swap3A_1512], %gather3A_1511 {strides = array<i32>} : memref<64xf32, #tpu.memory_space<vmem>>, vector<16xf32>,
      %add3A_1514 = arith.constant 16 : i32
      %add3A_1515 = vector.broadcast %add3A_1514 : i32 to vector<16xi32>
      %add3A_1516 = arith.addi %iota3A, %add3A_1515 : vector<16xi32>
      %gather3A_1517 = tpu.vector_load_idx %arg8[%add3A_1516, %broadcast_in_dim3A_1498] : memref<64x128xf32, #tpu.memory_space<vmem>>[vector<16xi32>, vector<16xi32>], vector<16xf32>,
      %swap3A_1518 = arith.constant 16 : index
      %swap3A_1519 = tpu.vector_load %arg10[%swap3A_1518] {strides = array<i32>} : memref<64xf32, #tpu.memory_space<vmem>>, vector<16xf32>,
      tpu.vector_store %arg10[%swap3A_1518], %gather3A_1517 {strides = array<i32>} : memref<64xf32, #tpu.memory_space<vmem>>, vector<16xf32>,
      %add3A_1520 = arith.constant 32 : i32
      %add3A_1521 = vector.broadcast %add3A_1520 : i32 to vector<16xi32>
      %add3A_1522 = arith.addi %iota3A, %add3A_1521 : vector<16xi32>
      %gather3A_1523 = tpu.vector_load_idx %arg8[%add3A_1522, %broadcast_in_dim3A_1498] : memref<64x128xf32, #tpu.memory_space<vmem>>[vector<16xi32>, vector<16xi32>], vector<16xf32>,
      %swap3A_1524 = arith.constant 32 : index
      %swap3A_1525 = tpu.vector_load %arg10[%swap3A_1524] {strides = array<i32>} : memref<64xf32, #tpu.memory_space<vmem>>, vector<16xf32>,
      tpu.vector_store %arg10[%swap3A_1524], %gather3A_1523 {strides = array<i32>} : memref<64xf32, #tpu.memory_space<vmem>>, vector<16xf32>,
      %add3A_1526 = arith.constant 48 : i32
      %add3A_1527 = vector.broadcast %add3A_1526 : i32 to vector<16xi32>
      %add3A_1528 = arith.addi %iota3A, %add3A_1527 : vector<16xi32>
      %gather3A_1529 = tpu.vector_load_idx %arg8[%add3A_1528, %broadcast_in_dim3A_1498] : memref<64x128xf32, #tpu.memory_space<vmem>>[vector<16xi32>, vector<16xi32>], vector<16xf32>,
      %swap3A_1530 = arith.constant 48 : index
      %swap3A_1531 = tpu.vector_load %arg10[%swap3A_1530] {strides = array<i32>} : memref<64xf32, #tpu.memory_space<vmem>>, vector<16xf32>,
      tpu.vector_store %arg10[%swap3A_1530], %gather3A_1529 {strides = array<i32>} : memref<64xf32, #tpu.memory_space<vmem>>, vector<16xf32>,
      %mul3A_1532 = arith.constant 64 : i32
      %mul3A_1533 = arith.muli %add3A_1503, %mul3A_1532 : i32
      "tpu.region"() ({
        %run_scoped3A = tpu.sem_alloc : memref<!tpu.dma_semaphore, #tpu.memory_space<semaphore_mem>>
        %dma_start3A_1788 = tpu.memref_slice %arg5[%mul3A_1533] : memref<262144xf32, #tpu.memory_space<hbm>> -> memref<64xf32, #tpu.memory_space<hbm>>
        %dma_start3A_1789 = tpu.memref_slice %arg5[%mul3A_1533] : memref<262144xf32, #tpu.memory_space<hbm>> -> memref<64xf32, #tpu.memory_space<hbm>>
        tpu.enqueue_dma source(%arg10 : memref<64xf32, #tpu.memory_space<vmem>>) target(%dma_start3A_1789 : memref<64xf32, #tpu.memory_space<hbm>>) target_semaphore(%run_scoped3A : memref<!tpu.dma_semaphore, #tpu.memory_space<semaphore_mem>>)
        %dma_wait3A_1790 = tpu.memref_slice %arg5[%mul3A_1533] : memref<262144xf32, #tpu.memory_space<hbm>> -> memref<64xf32, #tpu.memory_space<hbm>>
        %dma_wait3A_1791 = tpu.memref_slice %arg5[%mul3A_1533] : memref<262144xf32, #tpu.memory_space<hbm>> -> memref<64xf32, #tpu.memory_space<hbm>>
        tpu.wait_dma2 semaphore(%run_scoped3A : memref<!tpu.dma_semaphore, #tpu.memory_space<semaphore_mem>>) src(%arg10 : memref<64xf32, #tpu.memory_space<vmem>>) dst(%dma_wait3A_1791 : memref<64xf32, #tpu.memory_space<hbm>>)
        tpu.yield
      }) : () -> ()
      %dma_wait3A_1534 = arith.constant 0 : i32
      %dma_wait3A_1535 = tpu.memref_slice %arg4[%dma_wait3A_1534, %multiple_of3A_1488] : memref<64x1000000xf32, #tpu.memory_space<hbm>> -> memref<64x128xf32, #tpu.memory_space<hbm>>
      %dma_wait3A_1536 = arith.constant 0 : i32
      %dma_wait3A_1537 = tpu.memref_slice %arg4[%dma_wait3A_1536, %multiple_of3A_1488] : memref<64x1000000xf32, #tpu.memory_space<hbm>> -> memref<64x128xf32, #tpu.memory_space<hbm>>
      tpu.wait_dma2 semaphore(%arg12 : memref<!tpu.dma_semaphore, #tpu.memory_space<semaphore_mem>>) src(%dma_wait3A_1537 : memref<64x128xf32, #tpu.memory_space<hbm>>) dst(%arg9 : memref<64x128xf32, #tpu.memory_space<vmem>>)
      %add3A_1538 = arith.constant 0 : i32
      %add3A_1539 = vector.broadcast %add3A_1538 : i32 to vector<16xi32>
      %add3A_1540 = arith.addi %iota3A, %add3A_1539 : vector<16xi32>
      %gather3A_1541 = tpu.vector_load_idx %arg9[%add3A_1540, %broadcast_in_dim3A_1498] : memref<64x128xf32, #tpu.memory_space<vmem>>[vector<16xi32>, vector<16xi32>], vector<16xf32>,
      %swap3A_1542 = arith.constant 0 : index
      %swap3A_1543 = tpu.vector_load %arg10[%swap3A_1542] {strides = array<i32>} : memref<64xf32, #tpu.memory_space<vmem>>, vector<16xf32>,
      tpu.vector_store %arg10[%swap3A_1542], %gather3A_1541 {strides = array<i32>} : memref<64xf32, #tpu.memory_space<vmem>>, vector<16xf32>,
      %add3A_1544 = arith.constant 16 : i32
      %add3A_1545 = vector.broadcast %add3A_1544 : i32 to vector<16xi32>
      %add3A_1546 = arith.addi %iota3A, %add3A_1545 : vector<16xi32>
      %gather3A_1547 = tpu.vector_load_idx %arg9[%add3A_1546, %broadcast_in_dim3A_1498] : memref<64x128xf32, #tpu.memory_space<vmem>>[vector<16xi32>, vector<16xi32>], vector<16xf32>,
      %swap3A_1548 = arith.constant 16 : index
      %swap3A_1549 = tpu.vector_load %arg10[%swap3A_1548] {strides = array<i32>} : memref<64xf32, #tpu.memory_space<vmem>>, vector<16xf32>,
      tpu.vector_store %arg10[%swap3A_1548], %gather3A_1547 {strides = array<i32>} : memref<64xf32, #tpu.memory_space<vmem>>, vector<16xf32>,
      %add3A_1550 = arith.constant 32 : i32
      %add3A_1551 = vector.broadcast %add3A_1550 : i32 to vector<16xi32>
      %add3A_1552 = arith.addi %iota3A, %add3A_1551 : vector<16xi32>
      %gather3A_1553 = tpu.vector_load_idx %arg9[%add3A_1552, %broadcast_in_dim3A_1498] : memref<64x128xf32, #tpu.memory_space<vmem>>[vector<16xi32>, vector<16xi32>], vector<16xf32>,
      %swap3A_1554 = arith.constant 32 : index
      %swap3A_1555 = tpu.vector_load %arg10[%swap3A_1554] {strides = array<i32>} : memref<64xf32, #tpu.memory_space<vmem>>, vector<16xf32>,
      tpu.vector_store %arg10[%swap3A_1554], %gather3A_1553 {strides = array<i32>} : memref<64xf32, #tpu.memory_space<vmem>>, vector<16xf32>,
      %add3A_1556 = arith.constant 48 : i32
      %add3A_1557 = vector.broadcast %add3A_1556 : i32 to vector<16xi32>
      %add3A_1558 = arith.addi %iota3A, %add3A_1557 : vector<16xi32>
      %gather3A_1559 = tpu.vector_load_idx %arg9[%add3A_1558, %broadcast_in_dim3A_1498] : memref<64x128xf32, #tpu.memory_space<vmem>>[vector<16xi32>, vector<16xi32>], vector<16xf32>,
      %swap3A_1560 = arith.constant 48 : index
      %swap3A_1561 = tpu.vector_load %arg10[%swap3A_1560] {strides = array<i32>} : memref<64xf32, #tpu.memory_space<vmem>>, vector<16xf32>,
      tpu.vector_store %arg10[%swap3A_1560], %gather3A_1559 {strides = array<i32>} : memref<64xf32, #tpu.memory_space<vmem>>, vector<16xf32>,
      %mul3A_1562 = arith.constant 64 : i32
      %mul3A_1563 = arith.muli %add3A_1503, %mul3A_1562 : i32
      "tpu.region"() ({
        %run_scoped3A = tpu.sem_alloc : memref<!tpu.dma_semaphore, #tpu.memory_space<semaphore_mem>>
        %dma_start3A_1788 = tpu.memref_slice %arg6[%mul3A_1563] : memref<262144xf32, #tpu.memory_space<hbm>> -> memref<64xf32, #tpu.memory_space<hbm>>
        %dma_start3A_1789 = tpu.memref_slice %arg6[%mul3A_1563] : memref<262144xf32, #tpu.memory_space<hbm>> -> memref<64xf32, #tpu.memory_space<hbm>>
        tpu.enqueue_dma source(%arg10 : memref<64xf32, #tpu.memory_space<vmem>>) target(%dma_start3A_1789 : memref<64xf32, #tpu.memory_space<hbm>>) target_semaphore(%run_scoped3A : memref<!tpu.dma_semaphore, #tpu.memory_space<semaphore_mem>>)
        %dma_wait3A_1790 = tpu.memref_slice %arg6[%mul3A_1563] : memref<262144xf32, #tpu.memory_space<hbm>> -> memref<64xf32, #tpu.memory_space<hbm>>
        %dma_wait3A_1791 = tpu.memref_slice %arg6[%mul3A_1563] : memref<262144xf32, #tpu.memory_space<hbm>> -> memref<64xf32, #tpu.memory_space<hbm>>
        tpu.wait_dma2 semaphore(%run_scoped3A : memref<!tpu.dma_semaphore, #tpu.memory_space<semaphore_mem>>) src(%arg10 : memref<64xf32, #tpu.memory_space<vmem>>) dst(%dma_wait3A_1791 : memref<64xf32, #tpu.memory_space<hbm>>)
        tpu.yield
      }) : () -> ()
      %eq3A_1564 = arith.constant 14 : i32
      %eq3A_1565 = vector.broadcast %eq3A_1564 : i32 to vector<16xi32>
      %eq3A_1566 = arith.cmpi eq, %iota3A, %eq3A_1565 : vector<16xi32>
      %jit3A_1567 = arith.constant 0 : i32
      %broadcast_in_dim3A_1568 = vector.broadcast %jit3A_1567 : i32 to vector<16xi32>
      %select_n3A_1569 = arith.select %eq3A_1566, %get3A_11, %broadcast_in_dim3A_1568 : vector<16xi1>, vector<16xi32>
      %reduce_sum3A_1570 = arith.constant true
      %reduce_sum3A_1571 = vector.broadcast %reduce_sum3A_1570 : i1 to vector<16xi1>
      %reduce_sum3A_1572 = tpu.scan <sum>, %select_n3A_1569 masked %reduce_sum3A_1571 : vector<16xi32>, vector<16xi1> -> vector<16xi32>
      %reduce_sum3A_1573 = vector.extract %reduce_sum3A_1572[15] : i32 from vector<16xi32>
      %jit3A_1574 = arith.constant 128 : i32
      %div3A_1575 = arith.divsi %reduce_sum3A_1573, %jit3A_1574 : i32
      %sign3A_1576 = arith.constant 0 : i32
      %sign3A_1577 = arith.cmpi sgt, %reduce_sum3A_1573, %sign3A_1576 : i32
      %sign3A_1578 = arith.extui %sign3A_1577 : i1 to i32
      %sign3A_1579 = arith.constant 0 : i32
      %sign3A_1580 = arith.cmpi slt, %reduce_sum3A_1573, %sign3A_1579 : i32
      %sign3A_1581 = arith.extui %sign3A_1580 : i1 to i32
      %sign3A_1582 = arith.subi %sign3A_1578, %sign3A_1581 : i32
      %sign3A_1583 = arith.constant 0 : i32
      %sign3A_1584 = arith.cmpi sgt, %jit3A_1574, %sign3A_1583 : i32
      %sign3A_1585 = arith.extui %sign3A_1584 : i1 to i32
      %sign3A_1586 = arith.constant 0 : i32
      %sign3A_1587 = arith.cmpi slt, %jit3A_1574, %sign3A_1586 : i32
      %sign3A_1588 = arith.extui %sign3A_1587 : i1 to i32
      %sign3A_1589 = arith.subi %sign3A_1585, %sign3A_1588 : i32
      %ne3A_1590 = arith.cmpi ne, %sign3A_1582, %sign3A_1589 : i32
      %rem3A_1591 = arith.remsi %reduce_sum3A_1573, %jit3A_1574 : i32
      %ne3A_1592 = arith.constant 0 : i32
      %ne3A_1593 = arith.cmpi ne, %rem3A_1591, %ne3A_1592 : i32
      %and3A_1594 = arith.andi %ne3A_1590, %ne3A_1593 : i1
      %sub3A_1595 = arith.constant 1 : i32
      %sub3A_1596 = arith.subi %div3A_1575, %sub3A_1595 : i32
      %select_n3A_1597 = arith.select %and3A_1594, %sub3A_1596, %div3A_1575 : i32
      %mul3A_1598 = arith.constant 128 : i32
      %mul3A_1599 = arith.muli %select_n3A_1597, %mul3A_1598 : i32
      %multiple_of3A_1600 = tpu.assume_multiple %mul3A_1599, 128 : i32
      %sub3A_1601 = arith.subi %reduce_sum3A_1573, %multiple_of3A_1600 : i32
      %dma_start3A_1602 = arith.constant 0 : i32
      %dma_start3A_1603 = tpu.memref_slice %arg3[%dma_start3A_1602, %multiple_of3A_1600] : memref<64x1000000xf32, #tpu.memory_space<hbm>> -> memref<64x128xf32, #tpu.memory_space<hbm>>
      %dma_start3A_1604 = arith.constant 0 : i32
      %dma_start3A_1605 = tpu.memref_slice %arg3[%dma_start3A_1604, %multiple_of3A_1600] : memref<64x1000000xf32, #tpu.memory_space<hbm>> -> memref<64x128xf32, #tpu.memory_space<hbm>>
      tpu.enqueue_dma source(%dma_start3A_1605 : memref<64x128xf32, #tpu.memory_space<hbm>>) target(%arg8 : memref<64x128xf32, #tpu.memory_space<vmem>>) target_semaphore(%arg11 : memref<!tpu.dma_semaphore, #tpu.memory_space<semaphore_mem>>)
      %dma_start3A_1606 = arith.constant 0 : i32
      %dma_start3A_1607 = tpu.memref_slice %arg4[%dma_start3A_1606, %multiple_of3A_1600] : memref<64x1000000xf32, #tpu.memory_space<hbm>> -> memref<64x128xf32, #tpu.memory_space<hbm>>
      %dma_start3A_1608 = arith.constant 0 : i32
      %dma_start3A_1609 = tpu.memref_slice %arg4[%dma_start3A_1608, %multiple_of3A_1600] : memref<64x1000000xf32, #tpu.memory_space<hbm>> -> memref<64x128xf32, #tpu.memory_space<hbm>>
      tpu.enqueue_dma source(%dma_start3A_1609 : memref<64x128xf32, #tpu.memory_space<hbm>>) target(%arg9 : memref<64x128xf32, #tpu.memory_space<vmem>>) target_semaphore(%arg12 : memref<!tpu.dma_semaphore, #tpu.memory_space<semaphore_mem>>)
      %broadcast_in_dim3A_1610 = vector.broadcast %sub3A_1601 : i32 to vector<16xi32>
      %mul3A_1611 = arith.constant 16 : i32
      %mul3A_1612 = arith.muli %scan3A_8, %mul3A_1611 : i32
      %add3A_1613 = arith.addi %mul3A_2, %mul3A_1612 : i32
      %add3A_1614 = arith.constant 14 : i32
      %add3A_1615 = arith.addi %add3A_1613, %add3A_1614 : i32
      %dma_wait3A_1616 = arith.constant 0 : i32
      %dma_wait3A_1617 = tpu.memref_slice %arg3[%dma_wait3A_1616, %multiple_of3A_1600] : memref<64x1000000xf32, #tpu.memory_space<hbm>> -> memref<64x128xf32, #tpu.memory_space<hbm>>
      %dma_wait3A_1618 = arith.constant 0 : i32
      %dma_wait3A_1619 = tpu.memref_slice %arg3[%dma_wait3A_1618, %multiple_of3A_1600] : memref<64x1000000xf32, #tpu.memory_space<hbm>> -> memref<64x128xf32, #tpu.memory_space<hbm>>
      tpu.wait_dma2 semaphore(%arg11 : memref<!tpu.dma_semaphore, #tpu.memory_space<semaphore_mem>>) src(%dma_wait3A_1619 : memref<64x128xf32, #tpu.memory_space<hbm>>) dst(%arg8 : memref<64x128xf32, #tpu.memory_space<vmem>>)
      %add3A_1620 = arith.constant 0 : i32
      %add3A_1621 = vector.broadcast %add3A_1620 : i32 to vector<16xi32>
      %add3A_1622 = arith.addi %iota3A, %add3A_1621 : vector<16xi32>
      %gather3A_1623 = tpu.vector_load_idx %arg8[%add3A_1622, %broadcast_in_dim3A_1610] : memref<64x128xf32, #tpu.memory_space<vmem>>[vector<16xi32>, vector<16xi32>], vector<16xf32>,
      %swap3A_1624 = arith.constant 0 : index
      %swap3A_1625 = tpu.vector_load %arg10[%swap3A_1624] {strides = array<i32>} : memref<64xf32, #tpu.memory_space<vmem>>, vector<16xf32>,
      tpu.vector_store %arg10[%swap3A_1624], %gather3A_1623 {strides = array<i32>} : memref<64xf32, #tpu.memory_space<vmem>>, vector<16xf32>,
      %add3A_1626 = arith.constant 16 : i32
      %add3A_1627 = vector.broadcast %add3A_1626 : i32 to vector<16xi32>
      %add3A_1628 = arith.addi %iota3A, %add3A_1627 : vector<16xi32>
      %gather3A_1629 = tpu.vector_load_idx %arg8[%add3A_1628, %broadcast_in_dim3A_1610] : memref<64x128xf32, #tpu.memory_space<vmem>>[vector<16xi32>, vector<16xi32>], vector<16xf32>,
      %swap3A_1630 = arith.constant 16 : index
      %swap3A_1631 = tpu.vector_load %arg10[%swap3A_1630] {strides = array<i32>} : memref<64xf32, #tpu.memory_space<vmem>>, vector<16xf32>,
      tpu.vector_store %arg10[%swap3A_1630], %gather3A_1629 {strides = array<i32>} : memref<64xf32, #tpu.memory_space<vmem>>, vector<16xf32>,
      %add3A_1632 = arith.constant 32 : i32
      %add3A_1633 = vector.broadcast %add3A_1632 : i32 to vector<16xi32>
      %add3A_1634 = arith.addi %iota3A, %add3A_1633 : vector<16xi32>
      %gather3A_1635 = tpu.vector_load_idx %arg8[%add3A_1634, %broadcast_in_dim3A_1610] : memref<64x128xf32, #tpu.memory_space<vmem>>[vector<16xi32>, vector<16xi32>], vector<16xf32>,
      %swap3A_1636 = arith.constant 32 : index
      %swap3A_1637 = tpu.vector_load %arg10[%swap3A_1636] {strides = array<i32>} : memref<64xf32, #tpu.memory_space<vmem>>, vector<16xf32>,
      tpu.vector_store %arg10[%swap3A_1636], %gather3A_1635 {strides = array<i32>} : memref<64xf32, #tpu.memory_space<vmem>>, vector<16xf32>,
      %add3A_1638 = arith.constant 48 : i32
      %add3A_1639 = vector.broadcast %add3A_1638 : i32 to vector<16xi32>
      %add3A_1640 = arith.addi %iota3A, %add3A_1639 : vector<16xi32>
      %gather3A_1641 = tpu.vector_load_idx %arg8[%add3A_1640, %broadcast_in_dim3A_1610] : memref<64x128xf32, #tpu.memory_space<vmem>>[vector<16xi32>, vector<16xi32>], vector<16xf32>,
      %swap3A_1642 = arith.constant 48 : index
      %swap3A_1643 = tpu.vector_load %arg10[%swap3A_1642] {strides = array<i32>} : memref<64xf32, #tpu.memory_space<vmem>>, vector<16xf32>,
      tpu.vector_store %arg10[%swap3A_1642], %gather3A_1641 {strides = array<i32>} : memref<64xf32, #tpu.memory_space<vmem>>, vector<16xf32>,
      %mul3A_1644 = arith.constant 64 : i32
      %mul3A_1645 = arith.muli %add3A_1615, %mul3A_1644 : i32
      "tpu.region"() ({
        %run_scoped3A = tpu.sem_alloc : memref<!tpu.dma_semaphore, #tpu.memory_space<semaphore_mem>>
        %dma_start3A_1788 = tpu.memref_slice %arg5[%mul3A_1645] : memref<262144xf32, #tpu.memory_space<hbm>> -> memref<64xf32, #tpu.memory_space<hbm>>
        %dma_start3A_1789 = tpu.memref_slice %arg5[%mul3A_1645] : memref<262144xf32, #tpu.memory_space<hbm>> -> memref<64xf32, #tpu.memory_space<hbm>>
        tpu.enqueue_dma source(%arg10 : memref<64xf32, #tpu.memory_space<vmem>>) target(%dma_start3A_1789 : memref<64xf32, #tpu.memory_space<hbm>>) target_semaphore(%run_scoped3A : memref<!tpu.dma_semaphore, #tpu.memory_space<semaphore_mem>>)
        %dma_wait3A_1790 = tpu.memref_slice %arg5[%mul3A_1645] : memref<262144xf32, #tpu.memory_space<hbm>> -> memref<64xf32, #tpu.memory_space<hbm>>
        %dma_wait3A_1791 = tpu.memref_slice %arg5[%mul3A_1645] : memref<262144xf32, #tpu.memory_space<hbm>> -> memref<64xf32, #tpu.memory_space<hbm>>
        tpu.wait_dma2 semaphore(%run_scoped3A : memref<!tpu.dma_semaphore, #tpu.memory_space<semaphore_mem>>) src(%arg10 : memref<64xf32, #tpu.memory_space<vmem>>) dst(%dma_wait3A_1791 : memref<64xf32, #tpu.memory_space<hbm>>)
        tpu.yield
      }) : () -> ()
      %dma_wait3A_1646 = arith.constant 0 : i32
      %dma_wait3A_1647 = tpu.memref_slice %arg4[%dma_wait3A_1646, %multiple_of3A_1600] : memref<64x1000000xf32, #tpu.memory_space<hbm>> -> memref<64x128xf32, #tpu.memory_space<hbm>>
      %dma_wait3A_1648 = arith.constant 0 : i32
      %dma_wait3A_1649 = tpu.memref_slice %arg4[%dma_wait3A_1648, %multiple_of3A_1600] : memref<64x1000000xf32, #tpu.memory_space<hbm>> -> memref<64x128xf32, #tpu.memory_space<hbm>>
      tpu.wait_dma2 semaphore(%arg12 : memref<!tpu.dma_semaphore, #tpu.memory_space<semaphore_mem>>) src(%dma_wait3A_1649 : memref<64x128xf32, #tpu.memory_space<hbm>>) dst(%arg9 : memref<64x128xf32, #tpu.memory_space<vmem>>)
      %add3A_1650 = arith.constant 0 : i32
      %add3A_1651 = vector.broadcast %add3A_1650 : i32 to vector<16xi32>
      %add3A_1652 = arith.addi %iota3A, %add3A_1651 : vector<16xi32>
      %gather3A_1653 = tpu.vector_load_idx %arg9[%add3A_1652, %broadcast_in_dim3A_1610] : memref<64x128xf32, #tpu.memory_space<vmem>>[vector<16xi32>, vector<16xi32>], vector<16xf32>,
      %swap3A_1654 = arith.constant 0 : index
      %swap3A_1655 = tpu.vector_load %arg10[%swap3A_1654] {strides = array<i32>} : memref<64xf32, #tpu.memory_space<vmem>>, vector<16xf32>,
      tpu.vector_store %arg10[%swap3A_1654], %gather3A_1653 {strides = array<i32>} : memref<64xf32, #tpu.memory_space<vmem>>, vector<16xf32>,
      %add3A_1656 = arith.constant 16 : i32
      %add3A_1657 = vector.broadcast %add3A_1656 : i32 to vector<16xi32>
      %add3A_1658 = arith.addi %iota3A, %add3A_1657 : vector<16xi32>
      %gather3A_1659 = tpu.vector_load_idx %arg9[%add3A_1658, %broadcast_in_dim3A_1610] : memref<64x128xf32, #tpu.memory_space<vmem>>[vector<16xi32>, vector<16xi32>], vector<16xf32>,
      %swap3A_1660 = arith.constant 16 : index
      %swap3A_1661 = tpu.vector_load %arg10[%swap3A_1660] {strides = array<i32>} : memref<64xf32, #tpu.memory_space<vmem>>, vector<16xf32>,
      tpu.vector_store %arg10[%swap3A_1660], %gather3A_1659 {strides = array<i32>} : memref<64xf32, #tpu.memory_space<vmem>>, vector<16xf32>,
      %add3A_1662 = arith.constant 32 : i32
      %add3A_1663 = vector.broadcast %add3A_1662 : i32 to vector<16xi32>
      %add3A_1664 = arith.addi %iota3A, %add3A_1663 : vector<16xi32>
      %gather3A_1665 = tpu.vector_load_idx %arg9[%add3A_1664, %broadcast_in_dim3A_1610] : memref<64x128xf32, #tpu.memory_space<vmem>>[vector<16xi32>, vector<16xi32>], vector<16xf32>,
      %swap3A_1666 = arith.constant 32 : index
      %swap3A_1667 = tpu.vector_load %arg10[%swap3A_1666] {strides = array<i32>} : memref<64xf32, #tpu.memory_space<vmem>>, vector<16xf32>,
      tpu.vector_store %arg10[%swap3A_1666], %gather3A_1665 {strides = array<i32>} : memref<64xf32, #tpu.memory_space<vmem>>, vector<16xf32>,
      %add3A_1668 = arith.constant 48 : i32
      %add3A_1669 = vector.broadcast %add3A_1668 : i32 to vector<16xi32>
      %add3A_1670 = arith.addi %iota3A, %add3A_1669 : vector<16xi32>
      %gather3A_1671 = tpu.vector_load_idx %arg9[%add3A_1670, %broadcast_in_dim3A_1610] : memref<64x128xf32, #tpu.memory_space<vmem>>[vector<16xi32>, vector<16xi32>], vector<16xf32>,
      %swap3A_1672 = arith.constant 48 : index
      %swap3A_1673 = tpu.vector_load %arg10[%swap3A_1672] {strides = array<i32>} : memref<64xf32, #tpu.memory_space<vmem>>, vector<16xf32>,
      tpu.vector_store %arg10[%swap3A_1672], %gather3A_1671 {strides = array<i32>} : memref<64xf32, #tpu.memory_space<vmem>>, vector<16xf32>,
      %mul3A_1674 = arith.constant 64 : i32
      %mul3A_1675 = arith.muli %add3A_1615, %mul3A_1674 : i32
      "tpu.region"() ({
        %run_scoped3A = tpu.sem_alloc : memref<!tpu.dma_semaphore, #tpu.memory_space<semaphore_mem>>
        %dma_start3A_1788 = tpu.memref_slice %arg6[%mul3A_1675] : memref<262144xf32, #tpu.memory_space<hbm>> -> memref<64xf32, #tpu.memory_space<hbm>>
        %dma_start3A_1789 = tpu.memref_slice %arg6[%mul3A_1675] : memref<262144xf32, #tpu.memory_space<hbm>> -> memref<64xf32, #tpu.memory_space<hbm>>
        tpu.enqueue_dma source(%arg10 : memref<64xf32, #tpu.memory_space<vmem>>) target(%dma_start3A_1789 : memref<64xf32, #tpu.memory_space<hbm>>) target_semaphore(%run_scoped3A : memref<!tpu.dma_semaphore, #tpu.memory_space<semaphore_mem>>)
        %dma_wait3A_1790 = tpu.memref_slice %arg6[%mul3A_1675] : memref<262144xf32, #tpu.memory_space<hbm>> -> memref<64xf32, #tpu.memory_space<hbm>>
        %dma_wait3A_1791 = tpu.memref_slice %arg6[%mul3A_1675] : memref<262144xf32, #tpu.memory_space<hbm>> -> memref<64xf32, #tpu.memory_space<hbm>>
        tpu.wait_dma2 semaphore(%run_scoped3A : memref<!tpu.dma_semaphore, #tpu.memory_space<semaphore_mem>>) src(%arg10 : memref<64xf32, #tpu.memory_space<vmem>>) dst(%dma_wait3A_1791 : memref<64xf32, #tpu.memory_space<hbm>>)
        tpu.yield
      }) : () -> ()
      %eq3A_1676 = arith.constant 15 : i32
      %eq3A_1677 = vector.broadcast %eq3A_1676 : i32 to vector<16xi32>
      %eq3A_1678 = arith.cmpi eq, %iota3A, %eq3A_1677 : vector<16xi32>
      %jit3A_1679 = arith.constant 0 : i32
      %broadcast_in_dim3A_1680 = vector.broadcast %jit3A_1679 : i32 to vector<16xi32>
      %select_n3A_1681 = arith.select %eq3A_1678, %get3A_11, %broadcast_in_dim3A_1680 : vector<16xi1>, vector<16xi32>
      %reduce_sum3A_1682 = arith.constant true
      %reduce_sum3A_1683 = vector.broadcast %reduce_sum3A_1682 : i1 to vector<16xi1>
      %reduce_sum3A_1684 = tpu.scan <sum>, %select_n3A_1681 masked %reduce_sum3A_1683 : vector<16xi32>, vector<16xi1> -> vector<16xi32>
      %reduce_sum3A_1685 = vector.extract %reduce_sum3A_1684[15] : i32 from vector<16xi32>
      %jit3A_1686 = arith.constant 128 : i32
      %div3A_1687 = arith.divsi %reduce_sum3A_1685, %jit3A_1686 : i32
      %sign3A_1688 = arith.constant 0 : i32
      %sign3A_1689 = arith.cmpi sgt, %reduce_sum3A_1685, %sign3A_1688 : i32
      %sign3A_1690 = arith.extui %sign3A_1689 : i1 to i32
      %sign3A_1691 = arith.constant 0 : i32
      %sign3A_1692 = arith.cmpi slt, %reduce_sum3A_1685, %sign3A_1691 : i32
      %sign3A_1693 = arith.extui %sign3A_1692 : i1 to i32
      %sign3A_1694 = arith.subi %sign3A_1690, %sign3A_1693 : i32
      %sign3A_1695 = arith.constant 0 : i32
      %sign3A_1696 = arith.cmpi sgt, %jit3A_1686, %sign3A_1695 : i32
      %sign3A_1697 = arith.extui %sign3A_1696 : i1 to i32
      %sign3A_1698 = arith.constant 0 : i32
      %sign3A_1699 = arith.cmpi slt, %jit3A_1686, %sign3A_1698 : i32
      %sign3A_1700 = arith.extui %sign3A_1699 : i1 to i32
      %sign3A_1701 = arith.subi %sign3A_1697, %sign3A_1700 : i32
      %ne3A_1702 = arith.cmpi ne, %sign3A_1694, %sign3A_1701 : i32
      %rem3A_1703 = arith.remsi %reduce_sum3A_1685, %jit3A_1686 : i32
      %ne3A_1704 = arith.constant 0 : i32
      %ne3A_1705 = arith.cmpi ne, %rem3A_1703, %ne3A_1704 : i32
      %and3A_1706 = arith.andi %ne3A_1702, %ne3A_1705 : i1
      %sub3A_1707 = arith.constant 1 : i32
      %sub3A_1708 = arith.subi %div3A_1687, %sub3A_1707 : i32
      %select_n3A_1709 = arith.select %and3A_1706, %sub3A_1708, %div3A_1687 : i32
      %mul3A_1710 = arith.constant 128 : i32
      %mul3A_1711 = arith.muli %select_n3A_1709, %mul3A_1710 : i32
      %multiple_of3A_1712 = tpu.assume_multiple %mul3A_1711, 128 : i32
      %sub3A_1713 = arith.subi %reduce_sum3A_1685, %multiple_of3A_1712 : i32
      %dma_start3A_1714 = arith.constant 0 : i32
      %dma_start3A_1715 = tpu.memref_slice %arg3[%dma_start3A_1714, %multiple_of3A_1712] : memref<64x1000000xf32, #tpu.memory_space<hbm>> -> memref<64x128xf32, #tpu.memory_space<hbm>>
      %dma_start3A_1716 = arith.constant 0 : i32
      %dma_start3A_1717 = tpu.memref_slice %arg3[%dma_start3A_1716, %multiple_of3A_1712] : memref<64x1000000xf32, #tpu.memory_space<hbm>> -> memref<64x128xf32, #tpu.memory_space<hbm>>
      tpu.enqueue_dma source(%dma_start3A_1717 : memref<64x128xf32, #tpu.memory_space<hbm>>) target(%arg8 : memref<64x128xf32, #tpu.memory_space<vmem>>) target_semaphore(%arg11 : memref<!tpu.dma_semaphore, #tpu.memory_space<semaphore_mem>>)
      %dma_start3A_1718 = arith.constant 0 : i32
      %dma_start3A_1719 = tpu.memref_slice %arg4[%dma_start3A_1718, %multiple_of3A_1712] : memref<64x1000000xf32, #tpu.memory_space<hbm>> -> memref<64x128xf32, #tpu.memory_space<hbm>>
      %dma_start3A_1720 = arith.constant 0 : i32
      %dma_start3A_1721 = tpu.memref_slice %arg4[%dma_start3A_1720, %multiple_of3A_1712] : memref<64x1000000xf32, #tpu.memory_space<hbm>> -> memref<64x128xf32, #tpu.memory_space<hbm>>
      tpu.enqueue_dma source(%dma_start3A_1721 : memref<64x128xf32, #tpu.memory_space<hbm>>) target(%arg9 : memref<64x128xf32, #tpu.memory_space<vmem>>) target_semaphore(%arg12 : memref<!tpu.dma_semaphore, #tpu.memory_space<semaphore_mem>>)
      %broadcast_in_dim3A_1722 = vector.broadcast %sub3A_1713 : i32 to vector<16xi32>
      %mul3A_1723 = arith.constant 16 : i32
      %mul3A_1724 = arith.muli %scan3A_8, %mul3A_1723 : i32
      %add3A_1725 = arith.addi %mul3A_2, %mul3A_1724 : i32
      %add3A_1726 = arith.constant 15 : i32
      %add3A_1727 = arith.addi %add3A_1725, %add3A_1726 : i32
      %dma_wait3A_1728 = arith.constant 0 : i32
      %dma_wait3A_1729 = tpu.memref_slice %arg3[%dma_wait3A_1728, %multiple_of3A_1712] : memref<64x1000000xf32, #tpu.memory_space<hbm>> -> memref<64x128xf32, #tpu.memory_space<hbm>>
      %dma_wait3A_1730 = arith.constant 0 : i32
      %dma_wait3A_1731 = tpu.memref_slice %arg3[%dma_wait3A_1730, %multiple_of3A_1712] : memref<64x1000000xf32, #tpu.memory_space<hbm>> -> memref<64x128xf32, #tpu.memory_space<hbm>>
      tpu.wait_dma2 semaphore(%arg11 : memref<!tpu.dma_semaphore, #tpu.memory_space<semaphore_mem>>) src(%dma_wait3A_1731 : memref<64x128xf32, #tpu.memory_space<hbm>>) dst(%arg8 : memref<64x128xf32, #tpu.memory_space<vmem>>)
      %add3A_1732 = arith.constant 0 : i32
      %add3A_1733 = vector.broadcast %add3A_1732 : i32 to vector<16xi32>
      %add3A_1734 = arith.addi %iota3A, %add3A_1733 : vector<16xi32>
      %gather3A_1735 = tpu.vector_load_idx %arg8[%add3A_1734, %broadcast_in_dim3A_1722] : memref<64x128xf32, #tpu.memory_space<vmem>>[vector<16xi32>, vector<16xi32>], vector<16xf32>,
      %swap3A_1736 = arith.constant 0 : index
      %swap3A_1737 = tpu.vector_load %arg10[%swap3A_1736] {strides = array<i32>} : memref<64xf32, #tpu.memory_space<vmem>>, vector<16xf32>,
      tpu.vector_store %arg10[%swap3A_1736], %gather3A_1735 {strides = array<i32>} : memref<64xf32, #tpu.memory_space<vmem>>, vector<16xf32>,
      %add3A_1738 = arith.constant 16 : i32
      %add3A_1739 = vector.broadcast %add3A_1738 : i32 to vector<16xi32>
      %add3A_1740 = arith.addi %iota3A, %add3A_1739 : vector<16xi32>
      %gather3A_1741 = tpu.vector_load_idx %arg8[%add3A_1740, %broadcast_in_dim3A_1722] : memref<64x128xf32, #tpu.memory_space<vmem>>[vector<16xi32>, vector<16xi32>], vector<16xf32>,
      %swap3A_1742 = arith.constant 16 : index
      %swap3A_1743 = tpu.vector_load %arg10[%swap3A_1742] {strides = array<i32>} : memref<64xf32, #tpu.memory_space<vmem>>, vector<16xf32>,
      tpu.vector_store %arg10[%swap3A_1742], %gather3A_1741 {strides = array<i32>} : memref<64xf32, #tpu.memory_space<vmem>>, vector<16xf32>,
      %add3A_1744 = arith.constant 32 : i32
      %add3A_1745 = vector.broadcast %add3A_1744 : i32 to vector<16xi32>
      %add3A_1746 = arith.addi %iota3A, %add3A_1745 : vector<16xi32>
      %gather3A_1747 = tpu.vector_load_idx %arg8[%add3A_1746, %broadcast_in_dim3A_1722] : memref<64x128xf32, #tpu.memory_space<vmem>>[vector<16xi32>, vector<16xi32>], vector<16xf32>,
      %swap3A_1748 = arith.constant 32 : index
      %swap3A_1749 = tpu.vector_load %arg10[%swap3A_1748] {strides = array<i32>} : memref<64xf32, #tpu.memory_space<vmem>>, vector<16xf32>,
      tpu.vector_store %arg10[%swap3A_1748], %gather3A_1747 {strides = array<i32>} : memref<64xf32, #tpu.memory_space<vmem>>, vector<16xf32>,
      %add3A_1750 = arith.constant 48 : i32
      %add3A_1751 = vector.broadcast %add3A_1750 : i32 to vector<16xi32>
      %add3A_1752 = arith.addi %iota3A, %add3A_1751 : vector<16xi32>
      %gather3A_1753 = tpu.vector_load_idx %arg8[%add3A_1752, %broadcast_in_dim3A_1722] : memref<64x128xf32, #tpu.memory_space<vmem>>[vector<16xi32>, vector<16xi32>], vector<16xf32>,
      %swap3A_1754 = arith.constant 48 : index
      %swap3A_1755 = tpu.vector_load %arg10[%swap3A_1754] {strides = array<i32>} : memref<64xf32, #tpu.memory_space<vmem>>, vector<16xf32>,
      tpu.vector_store %arg10[%swap3A_1754], %gather3A_1753 {strides = array<i32>} : memref<64xf32, #tpu.memory_space<vmem>>, vector<16xf32>,
      %mul3A_1756 = arith.constant 64 : i32
      %mul3A_1757 = arith.muli %add3A_1727, %mul3A_1756 : i32
      "tpu.region"() ({
        %run_scoped3A = tpu.sem_alloc : memref<!tpu.dma_semaphore, #tpu.memory_space<semaphore_mem>>
        %dma_start3A_1788 = tpu.memref_slice %arg5[%mul3A_1757] : memref<262144xf32, #tpu.memory_space<hbm>> -> memref<64xf32, #tpu.memory_space<hbm>>
        %dma_start3A_1789 = tpu.memref_slice %arg5[%mul3A_1757] : memref<262144xf32, #tpu.memory_space<hbm>> -> memref<64xf32, #tpu.memory_space<hbm>>
        tpu.enqueue_dma source(%arg10 : memref<64xf32, #tpu.memory_space<vmem>>) target(%dma_start3A_1789 : memref<64xf32, #tpu.memory_space<hbm>>) target_semaphore(%run_scoped3A : memref<!tpu.dma_semaphore, #tpu.memory_space<semaphore_mem>>)
        %dma_wait3A_1790 = tpu.memref_slice %arg5[%mul3A_1757] : memref<262144xf32, #tpu.memory_space<hbm>> -> memref<64xf32, #tpu.memory_space<hbm>>
        %dma_wait3A_1791 = tpu.memref_slice %arg5[%mul3A_1757] : memref<262144xf32, #tpu.memory_space<hbm>> -> memref<64xf32, #tpu.memory_space<hbm>>
        tpu.wait_dma2 semaphore(%run_scoped3A : memref<!tpu.dma_semaphore, #tpu.memory_space<semaphore_mem>>) src(%arg10 : memref<64xf32, #tpu.memory_space<vmem>>) dst(%dma_wait3A_1791 : memref<64xf32, #tpu.memory_space<hbm>>)
        tpu.yield
      }) : () -> ()
      %dma_wait3A_1758 = arith.constant 0 : i32
      %dma_wait3A_1759 = tpu.memref_slice %arg4[%dma_wait3A_1758, %multiple_of3A_1712] : memref<64x1000000xf32, #tpu.memory_space<hbm>> -> memref<64x128xf32, #tpu.memory_space<hbm>>
      %dma_wait3A_1760 = arith.constant 0 : i32
      %dma_wait3A_1761 = tpu.memref_slice %arg4[%dma_wait3A_1760, %multiple_of3A_1712] : memref<64x1000000xf32, #tpu.memory_space<hbm>> -> memref<64x128xf32, #tpu.memory_space<hbm>>
      tpu.wait_dma2 semaphore(%arg12 : memref<!tpu.dma_semaphore, #tpu.memory_space<semaphore_mem>>) src(%dma_wait3A_1761 : memref<64x128xf32, #tpu.memory_space<hbm>>) dst(%arg9 : memref<64x128xf32, #tpu.memory_space<vmem>>)
      %add3A_1762 = arith.constant 0 : i32
      %add3A_1763 = vector.broadcast %add3A_1762 : i32 to vector<16xi32>
      %add3A_1764 = arith.addi %iota3A, %add3A_1763 : vector<16xi32>
      %gather3A_1765 = tpu.vector_load_idx %arg9[%add3A_1764, %broadcast_in_dim3A_1722] : memref<64x128xf32, #tpu.memory_space<vmem>>[vector<16xi32>, vector<16xi32>], vector<16xf32>,
      %swap3A_1766 = arith.constant 0 : index
      %swap3A_1767 = tpu.vector_load %arg10[%swap3A_1766] {strides = array<i32>} : memref<64xf32, #tpu.memory_space<vmem>>, vector<16xf32>,
      tpu.vector_store %arg10[%swap3A_1766], %gather3A_1765 {strides = array<i32>} : memref<64xf32, #tpu.memory_space<vmem>>, vector<16xf32>,
      %add3A_1768 = arith.constant 16 : i32
      %add3A_1769 = vector.broadcast %add3A_1768 : i32 to vector<16xi32>
      %add3A_1770 = arith.addi %iota3A, %add3A_1769 : vector<16xi32>
      %gather3A_1771 = tpu.vector_load_idx %arg9[%add3A_1770, %broadcast_in_dim3A_1722] : memref<64x128xf32, #tpu.memory_space<vmem>>[vector<16xi32>, vector<16xi32>], vector<16xf32>,
      %swap3A_1772 = arith.constant 16 : index
      %swap3A_1773 = tpu.vector_load %arg10[%swap3A_1772] {strides = array<i32>} : memref<64xf32, #tpu.memory_space<vmem>>, vector<16xf32>,
      tpu.vector_store %arg10[%swap3A_1772], %gather3A_1771 {strides = array<i32>} : memref<64xf32, #tpu.memory_space<vmem>>, vector<16xf32>,
      %add3A_1774 = arith.constant 32 : i32
      %add3A_1775 = vector.broadcast %add3A_1774 : i32 to vector<16xi32>
      %add3A_1776 = arith.addi %iota3A, %add3A_1775 : vector<16xi32>
      %gather3A_1777 = tpu.vector_load_idx %arg9[%add3A_1776, %broadcast_in_dim3A_1722] : memref<64x128xf32, #tpu.memory_space<vmem>>[vector<16xi32>, vector<16xi32>], vector<16xf32>,
      %swap3A_1778 = arith.constant 32 : index
      %swap3A_1779 = tpu.vector_load %arg10[%swap3A_1778] {strides = array<i32>} : memref<64xf32, #tpu.memory_space<vmem>>, vector<16xf32>,
      tpu.vector_store %arg10[%swap3A_1778], %gather3A_1777 {strides = array<i32>} : memref<64xf32, #tpu.memory_space<vmem>>, vector<16xf32>,
      %add3A_1780 = arith.constant 48 : i32
      %add3A_1781 = vector.broadcast %add3A_1780 : i32 to vector<16xi32>
      %add3A_1782 = arith.addi %iota3A, %add3A_1781 : vector<16xi32>
      %gather3A_1783 = tpu.vector_load_idx %arg9[%add3A_1782, %broadcast_in_dim3A_1722] : memref<64x128xf32, #tpu.memory_space<vmem>>[vector<16xi32>, vector<16xi32>], vector<16xf32>,
      %swap3A_1784 = arith.constant 48 : index
      %swap3A_1785 = tpu.vector_load %arg10[%swap3A_1784] {strides = array<i32>} : memref<64xf32, #tpu.memory_space<vmem>>, vector<16xf32>,
      tpu.vector_store %arg10[%swap3A_1784], %gather3A_1783 {strides = array<i32>} : memref<64xf32, #tpu.memory_space<vmem>>, vector<16xf32>,
      %mul3A_1786 = arith.constant 64 : i32
      %mul3A_1787 = arith.muli %add3A_1727, %mul3A_1786 : i32
      "tpu.region"() ({
        %run_scoped3A = tpu.sem_alloc : memref<!tpu.dma_semaphore, #tpu.memory_space<semaphore_mem>>
        %dma_start3A_1788 = tpu.memref_slice %arg6[%mul3A_1787] : memref<262144xf32, #tpu.memory_space<hbm>> -> memref<64xf32, #tpu.memory_space<hbm>>
        %dma_start3A_1789 = tpu.memref_slice %arg6[%mul3A_1787] : memref<262144xf32, #tpu.memory_space<hbm>> -> memref<64xf32, #tpu.memory_space<hbm>>
        tpu.enqueue_dma source(%arg10 : memref<64xf32, #tpu.memory_space<vmem>>) target(%dma_start3A_1789 : memref<64xf32, #tpu.memory_space<hbm>>) target_semaphore(%run_scoped3A : memref<!tpu.dma_semaphore, #tpu.memory_space<semaphore_mem>>)
        %dma_wait3A_1790 = tpu.memref_slice %arg6[%mul3A_1787] : memref<262144xf32, #tpu.memory_space<hbm>> -> memref<64xf32, #tpu.memory_space<hbm>>
        %dma_wait3A_1791 = tpu.memref_slice %arg6[%mul3A_1787] : memref<262144xf32, #tpu.memory_space<hbm>> -> memref<64xf32, #tpu.memory_space<hbm>>
        tpu.wait_dma2 semaphore(%run_scoped3A : memref<!tpu.dma_semaphore, #tpu.memory_space<semaphore_mem>>) src(%arg10 : memref<64xf32, #tpu.memory_space<vmem>>) dst(%dma_wait3A_1791 : memref<64xf32, #tpu.memory_space<hbm>>)
        tpu.yield
      }) : () -> ()
    }
    %scan3A_7 = arith.constant 8 : i32
    return
  }
}

#map = affine_map<(d0, d1) -> (0)>
#map1 = affine_map<(d0, d1) -> (0, 0)>
module attributes {stable_mosaic.version = 14 : i64} {
  func.func @_sc_items_body(%arg0: i32, %arg1: i32, %arg2: memref<204800xi32, #tpu.memory_space<hbm>>, %arg3: memref<1000000x128xf32, #tpu.memory_space<hbm>>, %arg4: memref<204800x128xf32, #tpu.memory_space<hbm>>, %arg5: memref<128xi32, #tpu.memory_space<vmem>>, %arg6: memref<128xi32, #tpu.memory_space<vmem>>, %arg7: memref<128x128xf32, #tpu.memory_space<vmem>>, %arg8: memref<128x128xf32, #tpu.memory_space<vmem>>, %arg9: memref<!tpu.dma_semaphore, #tpu.memory_space<semaphore_mem>>, %arg10: memref<!tpu.dma_semaphore, #tpu.memory_space<semaphore_mem>>) attributes {dimension_semantics = [#tpu.dimension_semantics<core_parallel>, #tpu.dimension_semantics<subcore_parallel>], iteration_bounds = array<i64: 2, 16>, scalar_prefetch = 0 : i64, scratch_operands = 6 : i64, tpu.core_type = #tpu.core_type<sc_vector_subcore>, window_params = [{transform_indices = #map}, {transform_indices = #map1}, {transform_indices = #map1}]} {
    %mul3A = arith.constant 2 : i32
    %mul3A_0 = arith.muli %arg1, %mul3A : i32
    %add3A = arith.addi %mul3A_0, %arg0 : i32
    %mul3A_1 = arith.constant 6400 : i32
    %mul3A_2 = arith.muli %add3A, %mul3A_1 : i32
    %scan3A = arith.constant 0 : i32
    %scan3A_3 = arith.constant 0 : i32
    %scan3A_4 = arith.constant 25 : i32
    %scan3A_5 = arith.addi %scan3A_3, %scan3A_4 : i32
    %scan3A_6 = arith.constant 1 : i32
    scf.for %scan3A_8 = %scan3A_3 to %scan3A_5 step %scan3A_6  : i32 {
      %mul3A_9 = arith.constant 256 : i32
      %mul3A_10 = arith.muli %scan3A_8, %mul3A_9 : i32
      %add3A_11 = arith.addi %mul3A_2, %mul3A_10 : i32
      %add3A_12 = arith.constant 128 : i32
      %add3A_13 = arith.addi %add3A_11, %add3A_12 : i32
      "tpu.region"() ({
        %run_scoped3A = tpu.sem_alloc : memref<!tpu.dma_semaphore, #tpu.memory_space<semaphore_mem>>
        %dma_start3A_24 = tpu.memref_slice %arg2[%add3A_11] : memref<204800xi32, #tpu.memory_space<hbm>> -> memref<128xi32, #tpu.memory_space<hbm>>
        %dma_start3A_25 = tpu.memref_slice %arg2[%add3A_11] : memref<204800xi32, #tpu.memory_space<hbm>> -> memref<128xi32, #tpu.memory_space<hbm>>
        tpu.enqueue_dma source(%dma_start3A_25 : memref<128xi32, #tpu.memory_space<hbm>>) target(%arg5 : memref<128xi32, #tpu.memory_space<vmem>>) target_semaphore(%run_scoped3A : memref<!tpu.dma_semaphore, #tpu.memory_space<semaphore_mem>>)
        %dma_wait3A_26 = tpu.memref_slice %arg2[%add3A_11] : memref<204800xi32, #tpu.memory_space<hbm>> -> memref<128xi32, #tpu.memory_space<hbm>>
        %dma_wait3A_27 = tpu.memref_slice %arg2[%add3A_11] : memref<204800xi32, #tpu.memory_space<hbm>> -> memref<128xi32, #tpu.memory_space<hbm>>
        tpu.wait_dma2 semaphore(%run_scoped3A : memref<!tpu.dma_semaphore, #tpu.memory_space<semaphore_mem>>) src(%dma_wait3A_27 : memref<128xi32, #tpu.memory_space<hbm>>) dst(%arg5 : memref<128xi32, #tpu.memory_space<vmem>>)
        tpu.yield
      }) : () -> ()
      "tpu.region"() ({
        %run_scoped3A = tpu.sem_alloc : memref<!tpu.dma_semaphore, #tpu.memory_space<semaphore_mem>>
        %dma_start3A_24 = tpu.memref_slice %arg2[%add3A_13] : memref<204800xi32, #tpu.memory_space<hbm>> -> memref<128xi32, #tpu.memory_space<hbm>>
        %dma_start3A_25 = tpu.memref_slice %arg2[%add3A_13] : memref<204800xi32, #tpu.memory_space<hbm>> -> memref<128xi32, #tpu.memory_space<hbm>>
        tpu.enqueue_dma source(%dma_start3A_25 : memref<128xi32, #tpu.memory_space<hbm>>) target(%arg6 : memref<128xi32, #tpu.memory_space<vmem>>) target_semaphore(%run_scoped3A : memref<!tpu.dma_semaphore, #tpu.memory_space<semaphore_mem>>)
        %dma_wait3A_26 = tpu.memref_slice %arg2[%add3A_13] : memref<204800xi32, #tpu.memory_space<hbm>> -> memref<128xi32, #tpu.memory_space<hbm>>
        %dma_wait3A_27 = tpu.memref_slice %arg2[%add3A_13] : memref<204800xi32, #tpu.memory_space<hbm>> -> memref<128xi32, #tpu.memory_space<hbm>>
        tpu.wait_dma2 semaphore(%run_scoped3A : memref<!tpu.dma_semaphore, #tpu.memory_space<semaphore_mem>>) src(%dma_wait3A_27 : memref<128xi32, #tpu.memory_space<hbm>>) dst(%arg6 : memref<128xi32, #tpu.memory_space<vmem>>)
        tpu.yield
      }) : () -> ()
      %dma_start3A = arith.constant 0 : i32
      %dma_start3A_14 = arith.constant 0 : i32
      %dma_start3A_15 = tpu.memref_slice %arg3[%dma_start3A, %dma_start3A_14] : memref<1000000x128xf32, #tpu.memory_space<hbm>> -> memref<1000000x128xf32, #tpu.memory_space<hbm>>
      tpu.enqueue_indirect_dma source(%dma_start3A_15 : memref<1000000x128xf32, #tpu.memory_space<hbm>>) target(%arg7 : memref<128x128xf32, #tpu.memory_space<vmem>>) offsets(%arg5 : memref<128xi32, #tpu.memory_space<vmem>>) semaphore(%arg9 : memref<!tpu.dma_semaphore, #tpu.memory_space<semaphore_mem>>)
      %dma_start3A_16 = arith.constant 0 : i32
      %dma_start3A_17 = arith.constant 0 : i32
      %dma_start3A_18 = tpu.memref_slice %arg3[%dma_start3A_16, %dma_start3A_17] : memref<1000000x128xf32, #tpu.memory_space<hbm>> -> memref<1000000x128xf32, #tpu.memory_space<hbm>>
      tpu.enqueue_indirect_dma source(%dma_start3A_18 : memref<1000000x128xf32, #tpu.memory_space<hbm>>) target(%arg8 : memref<128x128xf32, #tpu.memory_space<vmem>>) offsets(%arg6 : memref<128xi32, #tpu.memory_space<vmem>>) semaphore(%arg10 : memref<!tpu.dma_semaphore, #tpu.memory_space<semaphore_mem>>)
      %dma_wait3A = arith.constant 0 : i32
      %dma_wait3A_19 = arith.constant 0 : i32
      %dma_wait3A_20 = tpu.memref_slice %arg3[%dma_wait3A, %dma_wait3A_19] : memref<1000000x128xf32, #tpu.memory_space<hbm>> -> memref<1000000x128xf32, #tpu.memory_space<hbm>>
      tpu.wait_indirect_dma semaphore(%arg9 : memref<!tpu.dma_semaphore, #tpu.memory_space<semaphore_mem>>) src(%dma_wait3A_20 : memref<1000000x128xf32, #tpu.memory_space<hbm>>) dst(%arg7 : memref<128x128xf32, #tpu.memory_space<vmem>>)
      "tpu.region"() ({
        %run_scoped3A = tpu.sem_alloc : memref<!tpu.dma_semaphore, #tpu.memory_space<semaphore_mem>>
        %dma_start3A_24 = arith.constant 0 : i32
        %dma_start3A_25 = tpu.memref_slice %arg4[%add3A_11, %dma_start3A_24] : memref<204800x128xf32, #tpu.memory_space<hbm>> -> memref<128x128xf32, #tpu.memory_space<hbm>>
        %dma_start3A_26 = arith.constant 0 : i32
        %dma_start3A_27 = tpu.memref_slice %arg4[%add3A_11, %dma_start3A_26] : memref<204800x128xf32, #tpu.memory_space<hbm>> -> memref<128x128xf32, #tpu.memory_space<hbm>>
        tpu.enqueue_dma source(%arg7 : memref<128x128xf32, #tpu.memory_space<vmem>>) target(%dma_start3A_27 : memref<128x128xf32, #tpu.memory_space<hbm>>) target_semaphore(%run_scoped3A : memref<!tpu.dma_semaphore, #tpu.memory_space<semaphore_mem>>)
        %dma_wait3A_28 = arith.constant 0 : i32
        %dma_wait3A_29 = tpu.memref_slice %arg4[%add3A_11, %dma_wait3A_28] : memref<204800x128xf32, #tpu.memory_space<hbm>> -> memref<128x128xf32, #tpu.memory_space<hbm>>
        %dma_wait3A_30 = arith.constant 0 : i32
        %dma_wait3A_31 = tpu.memref_slice %arg4[%add3A_11, %dma_wait3A_30] : memref<204800x128xf32, #tpu.memory_space<hbm>> -> memref<128x128xf32, #tpu.memory_space<hbm>>
        tpu.wait_dma2 semaphore(%run_scoped3A : memref<!tpu.dma_semaphore, #tpu.memory_space<semaphore_mem>>) src(%arg7 : memref<128x128xf32, #tpu.memory_space<vmem>>) dst(%dma_wait3A_31 : memref<128x128xf32, #tpu.memory_space<hbm>>)
        tpu.yield
      }) : () -> ()
      %dma_wait3A_21 = arith.constant 0 : i32
      %dma_wait3A_22 = arith.constant 0 : i32
      %dma_wait3A_23 = tpu.memref_slice %arg3[%dma_wait3A_21, %dma_wait3A_22] : memref<1000000x128xf32, #tpu.memory_space<hbm>> -> memref<1000000x128xf32, #tpu.memory_space<hbm>>
      tpu.wait_indirect_dma semaphore(%arg10 : memref<!tpu.dma_semaphore, #tpu.memory_space<semaphore_mem>>) src(%dma_wait3A_23 : memref<1000000x128xf32, #tpu.memory_space<hbm>>) dst(%arg8 : memref<128x128xf32, #tpu.memory_space<vmem>>)
      "tpu.region"() ({
        %run_scoped3A = tpu.sem_alloc : memref<!tpu.dma_semaphore, #tpu.memory_space<semaphore_mem>>
        %dma_start3A_24 = arith.constant 0 : i32
        %dma_start3A_25 = tpu.memref_slice %arg4[%add3A_13, %dma_start3A_24] : memref<204800x128xf32, #tpu.memory_space<hbm>> -> memref<128x128xf32, #tpu.memory_space<hbm>>
        %dma_start3A_26 = arith.constant 0 : i32
        %dma_start3A_27 = tpu.memref_slice %arg4[%add3A_13, %dma_start3A_26] : memref<204800x128xf32, #tpu.memory_space<hbm>> -> memref<128x128xf32, #tpu.memory_space<hbm>>
        tpu.enqueue_dma source(%arg8 : memref<128x128xf32, #tpu.memory_space<vmem>>) target(%dma_start3A_27 : memref<128x128xf32, #tpu.memory_space<hbm>>) target_semaphore(%run_scoped3A : memref<!tpu.dma_semaphore, #tpu.memory_space<semaphore_mem>>)
        %dma_wait3A_28 = arith.constant 0 : i32
        %dma_wait3A_29 = tpu.memref_slice %arg4[%add3A_13, %dma_wait3A_28] : memref<204800x128xf32, #tpu.memory_space<hbm>> -> memref<128x128xf32, #tpu.memory_space<hbm>>
        %dma_wait3A_30 = arith.constant 0 : i32
        %dma_wait3A_31 = tpu.memref_slice %arg4[%add3A_13, %dma_wait3A_30] : memref<204800x128xf32, #tpu.memory_space<hbm>> -> memref<128x128xf32, #tpu.memory_space<hbm>>
        tpu.wait_dma2 semaphore(%run_scoped3A : memref<!tpu.dma_semaphore, #tpu.memory_space<semaphore_mem>>) src(%arg8 : memref<128x128xf32, #tpu.memory_space<vmem>>) dst(%dma_wait3A_31 : memref<128x128xf32, #tpu.memory_space<hbm>>)
        tpu.yield
      }) : () -> ()
    }
    %scan3A_7 = arith.constant 25 : i32
    return
  }
}

module attributes {stable_mosaic.version = 14 : i64} {
  func.func @_pack_body(%arg0: i32, %arg1: memref<64x4096xf32, #tpu.memory_space<vmem>>, %arg2: memref<64x4096xf32, #tpu.memory_space<vmem>>, %arg3: memref<64x64xf32, #tpu.memory_space<vmem>>, %arg4: memref<64x64xf32, #tpu.memory_space<vmem>>, %arg5: memref<4096x128xf32, #tpu.memory_space<vmem>>) attributes {dimension_semantics = [#tpu.dimension_semantics<arbitrary>], iteration_bounds = array<i64: 245>, scalar_prefetch = 0 : i64, scratch_operands = 0 : i64, tpu.core_type = #tpu.core_type<tc>, window_params = [{transform_indices = @transform_0, window_bounds = array<i64: 64, 4096>}, {transform_indices = @transform_1, window_bounds = array<i64: 64, 4096>}, {pipeline_mode = #tpu.pipeline_mode<synchronous>, transform_indices = @transform_2, window_bounds = array<i64: 64, 64>}, {pipeline_mode = #tpu.pipeline_mode<synchronous>, transform_indices = @transform_3, window_bounds = array<i64: 64, 64>}, {transform_indices = @transform_4, window_bounds = array<i64: 4096, 128>}]} {
    %get3A = arith.constant 0 : index
    %get3A_0 = arith.constant 0 : index
    %get3A_1 = vector.load %arg1[%get3A, %get3A_0] : memref<64x4096xf32, #tpu.memory_space<vmem>>, vector<64x4096xf32>
    %get3A_2 = arith.constant 0 : index
    %get3A_3 = arith.constant 0 : index
    %get3A_4 = vector.load %arg3[%get3A_2, %get3A_3] : memref<64x64xf32, #tpu.memory_space<vmem>>, vector<64x64xf32>
    %dot_general3A = arith.constant dense<0.000000e+00> : vector<4096x64xf32>
    %dot_general3A_5 = tpu.matmul %get3A_1, %get3A_4, %dot_general3A {dimension_numbers = #tpu.dot_dimension_numbers<[0], [0], [1], [1], [0, 1, 1, 1], [], []>, transpose_lhs_hint = false} : vector<64x4096xf32>, vector<64x64xf32>, vector<4096x64xf32> -> vector<4096x64xf32>
    %swap3A = arith.constant 0 : index
    %swap3A_6 = arith.constant 0 : index
    %swap3A_7 = vector.load %arg5[%swap3A, %swap3A_6] : memref<4096x128xf32, #tpu.memory_space<vmem>>, vector<4096x64xf32>
    tpu.vector_store %arg5[%swap3A, %swap3A_6], %dot_general3A_5 {strides = array<i32>} : memref<4096x128xf32, #tpu.memory_space<vmem>>, vector<4096x64xf32>,
    %get3A_8 = arith.constant 0 : index
    %get3A_9 = arith.constant 0 : index
    %get3A_10 = vector.load %arg2[%get3A_8, %get3A_9] : memref<64x4096xf32, #tpu.memory_space<vmem>>, vector<64x4096xf32>
    %get3A_11 = arith.constant 0 : index
    %get3A_12 = arith.constant 0 : index
    %get3A_13 = vector.load %arg4[%get3A_11, %get3A_12] : memref<64x64xf32, #tpu.memory_space<vmem>>, vector<64x64xf32>
    %dot_general3A_14 = arith.constant dense<0.000000e+00> : vector<4096x64xf32>
    %dot_general3A_15 = tpu.matmul %get3A_10, %get3A_13, %dot_general3A_14 {dimension_numbers = #tpu.dot_dimension_numbers<[0], [0], [1], [1], [0, 1, 1, 1], [], []>, transpose_lhs_hint = false} : vector<64x4096xf32>, vector<64x64xf32>, vector<4096x64xf32> -> vector<4096x64xf32>
    %swap3A_16 = arith.constant 0 : index
    %swap3A_17 = arith.constant 64 : index
    %swap3A_18 = vector.load %arg5[%swap3A_16, %swap3A_17] : memref<4096x128xf32, #tpu.memory_space<vmem>>, vector<4096x64xf32>
    tpu.vector_store %arg5[%swap3A_16, %swap3A_17], %dot_general3A_15 {strides = array<i32>} : memref<4096x128xf32, #tpu.memory_space<vmem>>, vector<4096x64xf32>,
    return
  }
  func.func @transform_0(%arg0: i32) -> (i32, i32) {
    %c0_i32 = arith.constant 0 : i32
    %c0_i32_0 = arith.constant 0 : i32
    return %c0_i32, %arg0 : i32, i32
  }
  func.func @transform_1(%arg0: i32) -> (i32, i32) {
    %c0_i32 = arith.constant 0 : i32
    %c0_i32_0 = arith.constant 0 : i32
    return %c0_i32, %arg0 : i32, i32
  }
  func.func @transform_2(%arg0: i32) -> (i32, i32) {
    %c0_i32 = arith.constant 0 : i32
    %c0_i32_0 = arith.constant 0 : i32
    %c0_i32_1 = arith.constant 0 : i32
    return %c0_i32, %c0_i32_0 : i32, i32
  }
  func.func @transform_3(%arg0: i32) -> (i32, i32) {
    %c0_i32 = arith.constant 0 : i32
    %c0_i32_0 = arith.constant 0 : i32
    %c0_i32_1 = arith.constant 0 : i32
    return %c0_i32, %c0_i32_0 : i32, i32
  }
  func.func @transform_4(%arg0: i32) -> (i32, i32) {
    %c0_i32 = arith.constant 0 : i32
    %c0_i32_0 = arith.constant 0 : i32
    return %arg0, %c0_i32 : i32, i32
  }
}

module attributes {stable_mosaic.version = 14 : i64} {
  func.func @_tc_body(%arg0: i32, %arg1: memref<3200x128xf32, #tpu.memory_space<vmem>>, %arg2: memref<64x64xf32, #tpu.memory_space<vmem>>, %arg3: memref<64x64xf32, #tpu.memory_space<vmem>>, %arg4: memref<3200x64xf32, #tpu.memory_space<vmem>>, %arg5: memref<64x64xf32, #tpu.memory_space<vmem>>, %arg6: memref<1x64xf32, #tpu.memory_space<vmem>>, %arg7: memref<64x32xf32, #tpu.memory_space<vmem>>, %arg8: memref<1x32xf32, #tpu.memory_space<vmem>>, %arg9: memref<3200x32xf32, #tpu.memory_space<vmem>>, %arg10: memref<3200x64xf32, #tpu.memory_space<vmem>>) attributes {dimension_semantics = [#tpu.dimension_semantics<arbitrary>], iteration_bounds = array<i64: 64>, scalar_prefetch = 0 : i64, scratch_operands = 0 : i64, tpu.core_type = #tpu.core_type<tc>, window_params = [{transform_indices = @transform_0, window_bounds = array<i64: 3200, 128>}, {transform_indices = @transform_1, window_bounds = array<i64: 64, 64>}, {transform_indices = @transform_2, window_bounds = array<i64: 64, 64>}, {pipeline_mode = #tpu.pipeline_mode<synchronous>, transform_indices = @transform_3, window_bounds = array<i64: 3200, 64>}, {pipeline_mode = #tpu.pipeline_mode<synchronous>, transform_indices = @transform_4, window_bounds = array<i64: 64, 64>}, {pipeline_mode = #tpu.pipeline_mode<synchronous>, transform_indices = @transform_5, window_bounds = array<i64: 1, 64>}, {pipeline_mode = #tpu.pipeline_mode<synchronous>, transform_indices = @transform_6, window_bounds = array<i64: 64, 32>}, {pipeline_mode = #tpu.pipeline_mode<synchronous>, transform_indices = @transform_7, window_bounds = array<i64: 1, 32>}, {transform_indices = @transform_8, window_bounds = array<i64: 3200, 32>}, {transform_indices = @transform_9, window_bounds = array<i64: 3200, 64>}]} {
    %get3A = arith.constant 0 : index
    %get3A_0 = arith.constant 0 : index
    %get3A_1 = vector.load %arg1[%get3A, %get3A_0] : memref<3200x128xf32, #tpu.memory_space<vmem>>, vector<3200x128xf32>
    %get3A_2 = arith.constant 0 : index
    %get3A_3 = arith.constant 0 : index
    %get3A_4 = vector.load %arg2[%get3A_2, %get3A_3] : memref<64x64xf32, #tpu.memory_space<vmem>>, vector<64x64xf32>
    %get3A_5 = arith.constant 0 : index
    %get3A_6 = arith.constant 0 : index
    %get3A_7 = vector.load %arg5[%get3A_5, %get3A_6] : memref<64x64xf32, #tpu.memory_space<vmem>>, vector<64x64xf32>
    %dot_general3A = arith.constant dense<0.000000e+00> : vector<64x64xf32>
    %dot_general3A_8 = tpu.matmul %get3A_4, %get3A_7, %dot_general3A {dimension_numbers = #tpu.dot_dimension_numbers<[1], [0], [0], [1], [0, 0, 1, 1], [], []>, transpose_lhs_hint = false} : vector<64x64xf32>, vector<64x64xf32>, vector<64x64xf32> -> vector<64x64xf32>
    %get3A_9 = arith.constant 0 : index
    %get3A_10 = arith.constant 0 : index
    %get3A_11 = vector.load %arg6[%get3A_9, %get3A_10] : memref<1x64xf32, #tpu.memory_space<vmem>>, vector<1x64xf32>
    %add3A = vector.broadcast %get3A_11 : vector<1x64xf32> to vector<64x64xf32>
    %add3A_12 = arith.addf %dot_general3A_8, %add3A : vector<64x64xf32>
    %get3A_13 = arith.constant 0 : index
    %get3A_14 = arith.constant 0 : index
    %get3A_15 = vector.load %arg3[%get3A_13, %get3A_14] : memref<64x64xf32, #tpu.memory_space<vmem>>, vector<64x64xf32>
    %concatenate3A = tpu.concatenate %add3A_12, %get3A_15 in 1 : vector<64x64xf32>, vector<64x64xf32> -> vector<64x128xf32>
    %get3A_16 = arith.constant 0 : index
    %get3A_17 = arith.constant 0 : index
    %get3A_18 = vector.load %arg4[%get3A_16, %get3A_17] : memref<3200x64xf32, #tpu.memory_space<vmem>>, vector<3200x64xf32>
    %dot_general3A_19 = arith.constant dense<0.000000e+00> : vector<3200x128xf32>
    %dot_general3A_20 = tpu.matmul %get3A_18, %concatenate3A, %dot_general3A_19 {dimension_numbers = #tpu.dot_dimension_numbers<[1], [0], [0], [1], [0, 0, 1, 1], [], []>, transpose_lhs_hint = false} : vector<3200x64xf32>, vector<64x128xf32>, vector<3200x128xf32> -> vector<3200x128xf32>
    %add3A_21 = arith.addf %dot_general3A_20, %get3A_1 : vector<3200x128xf32>
    %slice3A = vector.extract_strided_slice %add3A_21 {offsets = [0, 0], sizes = [3200, 64], strides = [1, 1]} : vector<3200x128xf32> to vector<3200x64xf32>
    %max3A = arith.constant 0.000000e+00 : f32
    %max3A_22 = vector.broadcast %max3A : f32 to vector<3200x64xf32>
    %max3A_23 = arith.maximumf %slice3A, %max3A_22 : vector<3200x64xf32>
    %get3A_24 = arith.constant 0 : index
    %get3A_25 = arith.constant 0 : index
    %get3A_26 = vector.load %arg7[%get3A_24, %get3A_25] : memref<64x32xf32, #tpu.memory_space<vmem>>, vector<64x32xf32>
    %dot_general3A_27 = arith.constant dense<0.000000e+00> : vector<3200x32xf32>
    %dot_general3A_28 = tpu.matmul %max3A_23, %get3A_26, %dot_general3A_27 {dimension_numbers = #tpu.dot_dimension_numbers<[1], [0], [0], [1], [0, 0, 1, 1], [], []>, transpose_lhs_hint = false} : vector<3200x64xf32>, vector<64x32xf32>, vector<3200x32xf32> -> vector<3200x32xf32>
    %get3A_29 = arith.constant 0 : index
    %get3A_30 = arith.constant 0 : index
    %get3A_31 = vector.load %arg8[%get3A_29, %get3A_30] : memref<1x32xf32, #tpu.memory_space<vmem>>, vector<1x32xf32>
    %add3A_32 = vector.broadcast %get3A_31 : vector<1x32xf32> to vector<3200x32xf32>
    %add3A_33 = arith.addf %dot_general3A_28, %add3A_32 : vector<3200x32xf32>
    %swap3A = arith.constant 0 : index
    %swap3A_34 = arith.constant 0 : index
    %swap3A_35 = vector.load %arg9[%swap3A, %swap3A_34] : memref<3200x32xf32, #tpu.memory_space<vmem>>, vector<3200x32xf32>
    tpu.vector_store %arg9[%swap3A, %swap3A_34], %add3A_33 {strides = array<i32>} : memref<3200x32xf32, #tpu.memory_space<vmem>>, vector<3200x32xf32>,
    %slice3A_36 = vector.extract_strided_slice %dot_general3A_20 {offsets = [0, 64], sizes = [3200, 64], strides = [1, 1]} : vector<3200x128xf32> to vector<3200x64xf32>
    %slice3A_37 = vector.extract_strided_slice %get3A_1 {offsets = [0, 64], sizes = [3200, 64], strides = [1, 1]} : vector<3200x128xf32> to vector<3200x64xf32>
    %mul3A = arith.mulf %slice3A_36, %slice3A_37 : vector<3200x64xf32>
    %swap3A_38 = arith.constant 0 : index
    %swap3A_39 = arith.constant 0 : index
    %swap3A_40 = vector.load %arg10[%swap3A_38, %swap3A_39] : memref<3200x64xf32, #tpu.memory_space<vmem>>, vector<3200x64xf32>
    tpu.vector_store %arg10[%swap3A_38, %swap3A_39], %mul3A {strides = array<i32>} : memref<3200x64xf32, #tpu.memory_space<vmem>>, vector<3200x64xf32>,
    return
  }
  func.func @transform_0(%arg0: i32) -> (i32, i32) {
    %c0_i32 = arith.constant 0 : i32
    %c0_i32_0 = arith.constant 0 : i32
    return %arg0, %c0_i32 : i32, i32
  }
  func.func @transform_1(%arg0: i32) -> (i32, i32) {
    %c0_i32 = arith.constant 0 : i32
    %c0_i32_0 = arith.constant 0 : i32
    return %arg0, %c0_i32 : i32, i32
  }
  func.func @transform_2(%arg0: i32) -> (i32, i32) {
    %c0_i32 = arith.constant 0 : i32
    %c0_i32_0 = arith.constant 0 : i32
    return %arg0, %c0_i32 : i32, i32
  }
  func.func @transform_3(%arg0: i32) -> (i32, i32) {
    %c0_i32 = arith.constant 0 : i32
    %c0_i32_0 = arith.constant 0 : i32
    %c0_i32_1 = arith.constant 0 : i32
    return %c0_i32, %c0_i32_0 : i32, i32
  }
  func.func @transform_4(%arg0: i32) -> (i32, i32) {
    %c0_i32 = arith.constant 0 : i32
    %c0_i32_0 = arith.constant 0 : i32
    %c0_i32_1 = arith.constant 0 : i32
    return %c0_i32, %c0_i32_0 : i32, i32
  }
  func.func @transform_5(%arg0: i32) -> (i32, i32) {
    %c0_i32 = arith.constant 0 : i32
    %c0_i32_0 = arith.constant 0 : i32
    %c0_i32_1 = arith.constant 0 : i32
    return %c0_i32, %c0_i32_0 : i32, i32
  }
  func.func @transform_6(%arg0: i32) -> (i32, i32) {
    %c0_i32 = arith.constant 0 : i32
    %c0_i32_0 = arith.constant 0 : i32
    %c0_i32_1 = arith.constant 0 : i32
    return %c0_i32, %c0_i32_0 : i32, i32
  }
  func.func @transform_7(%arg0: i32) -> (i32, i32) {
    %c0_i32 = arith.constant 0 : i32
    %c0_i32_0 = arith.constant 0 : i32
    %c0_i32_1 = arith.constant 0 : i32
    return %c0_i32, %c0_i32_0 : i32, i32
  }
  func.func @transform_8(%arg0: i32) -> (i32, i32) {
    %c0_i32 = arith.constant 0 : i32
    %c0_i32_0 = arith.constant 0 : i32
    return %arg0, %c0_i32 : i32, i32
  }
  func.func @transform_9(%arg0: i32) -> (i32, i32) {
    %c0_i32 = arith.constant 0 : i32
    %c0_i32_0 = arith.constant 0 : i32
    return %arg0, %c0_i32 : i32, i32
  }
}

</mosaic_0001>

<sc_bundles>
// kernel: kernel.6.cloned.1.call-start
scs
__scs_entry_jumppad:
0x0: {  	(pc) =	sbr.rel $0x88, $3  }
0x1: {  	(tag) =	ssettag $0x0;
	lr =	simm.s32 $0x1  }
0x2: {  	[smem:$0x3F97] =	sst lr;
	_ =	strace $0xD0000000  }
0x3: {  	_ = 	snop  }
0x4: {  	_ = 	snop  }
0x5: {  	_ = 	snop  }
0x6: {  	_ = 	snop  }
0x7: {  	_ = 	snop  }
__scs_overlays_trampoline_lowered:
0x8: {  	[smem:$0x3FA6] =	sst s0  }
0x9: {  	[smem:$0x3FA7] =	sst s1  }
0xa: {  	[smem:$0x3FA8] =	sst s2  }
0xb: {  	[smem:$0x3FA9] =	sst s3  }
0xc: {  	[smem:$0x3FAA] =	sst s4  }
0xd: {  	[smem:$0x3FAB] =	sst s5  }
0xe: {  	[smem:$0x3FAC] =	sst s6  }
0xf: {  	[smem:$0x3FAD] =	sst s7  }
0x10: {  	[smem:$0x3FAE] =	sst s8  }
0x11: {  	[smem:$0x3FAF] =	sst s9;
	s0 =	simm.s32 @!p0 $0x0  }
0x12: {  	s1 =	sld [smem:$0x3F95];
	s0 =	simm.s32 @p0 $0x1  }
0x13: {  	[smem:$0x3FB0] =	sst s0;
	s0 =	simm.s32 @!p1 $0x0  }
0x14: {  	s2 =	sld [smem:$0x3F94];
	s0 =	simm.s32 @p1 $0x1  }
0x15: {  	[smem:$0x3FB1] =	sst s0;
	s0 =	simm.s32 @!p2 $0x0  }
0x16: {  	s3 =	sld [smem:$0x3FDB];
	s0 =	simm.s32 @p2 $0x1  }
0x17: {  	s4 =	simm.s32 $0x1BF5;
	[smem:$0x3FB3] =	sst s0  }
0x18: {  	s0 =	sld [smem:$0x3F96];
	_ =	swait.ge [sflag:s4], $0x0  }
0x19: {  	s7 =	sld [smem:$0x3F97]  }
0x1a: {  	s8 =	sadd.s32 $0xFFFFE003, lr  }
0x1b: {  	s9 =	sadd.s32 $0xFFFFFEF7, lr;
	s5 =	simm.s32 $0xFFFFFFFF;
	p2 =	slt.u32 s8, $0xFFFFF086  }
0x1c: {  	p1 =	slt.u32 s9, $0xF7A;
	s5 =	simm.s32 @!p2 $0x0  }
0x1d: {  	s5 =	simm.s32 @p1 $0x1;
	p0 =	seq.s32 s7, s2  }
0x1e: {  	s7 =	smul.u32 @!p0 $0xF7A, s2;
	p2 =	seq.s32 @!p0 s5, $0x0  }
0x1f: {  	s9 =	smul.u32 $0xF7A, s1;
	s8 =	simm.s32 @!p0 $0x1BF5;
	p2 =	por !p2, p0  }
0x20: {  	[sflag:s8] =	ssyncset.s32 @!p0 $0xFFFFF086;
	s6 =	sadd.s32 @!p0 s3, s7;
	s7 =	simm.s32 @!p0 $0x108  }
0x21: {  	s3 =	sadd.s32 s3, s9;
	s6 =	sadd.s32 @!p0 $0x88, s6;
	s7 =	simm.s32 @p2 $0x1082  }
0x22: {  	[simem:s7], [sflag:s8] =	dma.local @!p0 [hbm:s6], $0xF7A  }
0x23: {  	s9 =	sor.u32 $0xD0000000, s2;
	s6 =	simm.s32 $0x108;
	_ =	swait.ge @!p0 [sflag:s8], $0x0  }
0x24: {  	s3 =	sadd.s32 $0x88, s3;
	s6 =	simm.s32 @!p1 $0x1082;
	[sflag:s4] =	ssyncset.s32 $0xFFFFF086  }
0x25: {  	[simem:s6], [sflag:s4] =	dma.local [hbm:s3], $0xF7A  }
0x26: {  	[smem:$0x3F97] =	sst s1;
	(tag) =	ssettag s2;
	_ =	strace s9  }
0x27: {  	s1 =	sld [smem:$0x3FA7]  }
0x28: {  	s2 =	sld [smem:$0x3FA8]  }
0x29: {  	s4 =	sld [smem:$0x3FAA]  }
0x2a: {  	p0 =	seq.s32 s5, $0x0;
	s5 =	sld [smem:$0x3FAB]  }
0x2b: {  	s6 =	sld [smem:$0x3FAC]  }
0x2c: {  	s7 =	sld [smem:$0x3FAD]  }
0x2d: {  	s3 =	simm.s32 $0x108;
	s8 =	sld [smem:$0x3FAE]  }
0x2e: {  	s3 =	simm.s32 @!p0 $0x1082;
	s9 =	sld [smem:$0x3FAF]  }
0x2f: {  	lr =	sadd.s32 s0, s3;
	s0 =	sld [smem:$0x3FA6]  }
0x30: {  	s3 =	sld [smem:$0x3FA9]  }
0x31: {  	[smem:$0x3FB2] =	sst s10  }
0x32: {  	s10 =	sld [smem:$0x3FB0];
	_ =	sdelay $0x3  }
0x33: {  	p0 =	seq.s32 s10, $0x1;
	s10 =	sld [smem:$0x3FB2];
	_ =	sdelay $0x3  }
0x34: {  	[smem:$0x3FB2] =	sst s10  }
0x35: {  	s10 =	sld [smem:$0x3FB1];
	_ =	sdelay $0x3  }
0x36: {  	p1 =	seq.s32 s10, $0x1;
	s10 =	sld [smem:$0x3FB2];
	_ =	sdelay $0x3  }
0x37: {  	[smem:$0x3FB2] =	sst s10  }
0x38: {  	s10 =	sld [smem:$0x3FB3]  }
0x39: {  	_ = 	snop;
	(pc) =	sbr.ind lr, $3  }
0x3a: {  	_ = 	snop  }
0x3b: {  	_ = 	snop  }
0x3c: {  	p2 =	seq.s32 s10, $0x1;
	s10 =	sld [smem:$0x3FB2]  }
0x3d: {  	_ =	shalt  }
0x3e: {  	_ =	shalt  }
0x3f: {  	_ =	shalt  }
0x40: {  	_ =	shalt  }
0x41: {  	_ =	shalt  }
0x42: {  	_ =	shalt  }
0x43: {  	_ =	shalt  }
0x44: {  	_ =	shalt  }
0x45: {  	_ =	shalt  }
0x46: {  	_ =	shalt  }
0x47: {  	_ =	shalt  }
0x48: {  	_ =	shalt  }
0x49: {  	_ =	shalt  }
0x4a: {  	_ =	shalt  }
0x4b: {  	_ =	shalt  }
0x4c: {  	_ =	shalt  }
0x4d: {  	_ =	shalt  }
0x4e: {  	_ =	shalt  }
0x4f: {  	_ =	shalt  }
0x50: {  	_ =	shalt  }
0x51: {  	_ =	shalt  }
0x52: {  	_ =	shalt  }
0x53: {  	_ =	shalt  }
0x54: {  	_ =	shalt  }
0x55: {  	_ =	shalt  }
0x56: {  	_ =	shalt  }
0x57: {  	_ =	shalt  }
0x58: {  	_ =	shalt  }
0x59: {  	_ =	shalt  }
0x5a: {  	_ =	shalt  }
0x5b: {  	_ =	shalt  }
0x5c: {  	_ =	shalt  }
0x5d: {  	_ =	shalt  }
0x5e: {  	_ =	shalt  }
0x5f: {  	_ =	shalt  }
0x60: {  	_ =	shalt  }
0x61: {  	_ =	shalt  }
0x62: {  	_ =	shalt  }
0x63: {  	_ =	shalt  }
0x64: {  	_ =	shalt  }
0x65: {  	_ =	shalt  }
0x66: {  	_ =	shalt  }
0x67: {  	_ =	shalt  }
0x68: {  	_ =	shalt  }
0x69: {  	_ =	shalt  }
0x6a: {  	_ =	shalt  }
0x6b: {  	_ =	shalt  }
0x6c: {  	_ =	shalt  }
0x6d: {  	_ =	shalt  }
0x6e: {  	_ =	shalt  }
0x6f: {  	_ =	shalt  }
0x70: {  	_ =	shalt  }
0x71: {  	_ =	shalt  }
0x72: {  	_ =	shalt  }
0x73: {  	_ =	shalt  }
0x74: {  	_ =	shalt  }
0x75: {  	_ =	shalt  }
0x76: {  	_ =	shalt  }
0x77: {  	_ =	shalt  }
0x78: {  	_ =	shalt  }
0x79: {  	_ =	shalt  }
0x7a: {  	_ =	shalt  }
0x7b: {  	_ =	shalt  }
0x7c: {  	_ =	shalt  }
0x7d: {  	_ =	shalt  }
0x7e: {  	_ =	shalt  }
0x7f: {  	_ =	shalt  }
0x80: {  	_ =	shalt  }
0x81: {  	_ =	shalt  }
0x82: {  	_ =	shalt  }
0x83: {  	_ =	shalt  }
0x84: {  	_ =	shalt  }
0x85: {  	_ =	shalt  }
0x86: {  	_ =	shalt  }
0x87: {  	_ =	shalt  }
.Lfunc_end0:
.L_simem_size_0:
called_computation.1_lowered:
.L_overlay_start_0:
0x88: {  	s2 =	sld [smem:$0x3FD9]  }
0x89: {  	s3 =	sld [smem:$0x3FFE];
	_ =	sdelay $0x1  }
0x8a: {  	s1 =	srdreg.scid  }
0x8b: {  	s0 =	sand.u32 $0x1, s1  }
0x8c: {  	s15 =	sshll.u32 s0, $0xA;
	s2 =	sadd.s32 s3, s2  }
0x8d: {  	s2 =	sadd.s32 s2, s15  }
0x8e: {  	[smem:$0x3FBE] =	sst s2  }
0x8f: {  	_ = 	snop  }
0x90: {  	s2 =	sld [smem:$0x3FD0]  }
0x91: {  	s16 =	sld [smem:$0x3FC9]  }
0x92: {  	s4 =	sld [smem:$0x3FC7]  }
0x93: {  	s6 =	simm.s32 $0xB;
	s7 =	simm.s32 $0x10;
	s5 =	sld [smem:$0x3FC6]  }
0x94: {  	[smem:s7], [sflag:s6] =	dma.local [hbm:s2], $0x1  }
0x95: {  	_ =	swait.eq [sflag:s6], $0x1  }
0x96: {  	[sflag:s6] =	ssyncset.done $0x0  }
0x97: {  	s17 =	sld [smem:$0x10];
	[sflag:s6] =	ssyncadd.s32 $0xFFFFFFFF  }
0x98: {  	s18 =	sld [smem:$0x11];
	(tm) =	ssettm $0x1  }
0x99: {  	s19 =	sld [smem:$0x3FFB];
	_ =	sdelay $0x3  }
0x9a: {  	_ =	strace s19  }
0x9b: {  	s7 =	sld [smem:$0x3FFC];
	_ =	sdelay $0x3  }
0x9c: {  	_ =	strace s7  }
0x9d: {  	s7 =	sld [smem:$0x3FFD];
	_ =	sdelay $0x3  }
0x9e: {  	_ =	strace s7  }
0x9f: {  	_ =	strace $0x8FFFFFFF  }
0xa0: {  	s20 =	sld [smem:$0x3FDB];
	_ =	sdelay $0x1  }
0xa1: {  	s8 =	simm.s32 $_scs_section_size  }
0xa2: {  	s9 =	simm.s32 $_size__tile_overlayer_lowered;
	s10 =	simm.s32 $_tile_overlayer_lowered  }
0xa3: {  	s23 =	simm.s32 $0x1BFF;
	s22 =	sshll.u32 s10, $0x1;
	s7 =	sadd.s32 s8, s20  }
0xa4: {  	s11 =	simm.s32 $0x0;
	s21 =	sshll.u32 s9, $0x1;
	s9 =	sadd.s32 s22, s7  }
0xa5: {  	[timem:s11], [sflag:s23] =	dma.local [hbm:s9], s21  }
0xa6: {  	_ =	swait.ge [sflag:s23], s21  }
0xa7: {  	s8 =	ssub.s32 $0x0, s21;
	[sflag:s23] =	ssyncset.done $0x0  }
0xa8: {  	[sflag:s23] =	ssyncadd.s32 s8;
	_ =	sdelay $0x1  }
0xa9: {  	s24 =	simm.s32 $0x1B8B  }
0xaa: {  	_ =	swait.ge [sflag:s24], $0x1  }
0xab: {  	[sflag:s24] =	ssyncset.done $0x0  }
0xac: {  	s25 =	simm.s32 $0x1B8E;
	[sflag:s24] =	ssyncadd.s32 $0xFFFFFFFF  }
0xad: {  	s26 =	simm.s32 $execute0_lowered;
	[smem:$0x3FD2] =	sst s25  }
0xae: {  	s8 =	sshll.u32 s26, $0x1;
	_ =	strace $0x80000046;
	[dreg:$0x1] =	wrdreg $0xFFFFFFFF  }
0xaf: {  	s28 =	simm.s32 $_size_execute0_lowered;
	s7 =	sadd.s32 s7, s8;
	[dreg:$0x0] =	wrdreg $0x0  }
0xb0: {  	s8 =	sshll.u32 s28, $0x1;
	[dreg:$0x2] =	wrdreg s7  }
0xb1: {  	[dreg:$0x3] =	wrdreg s8  }
0xb2: {  	[dreg:$0x4] =	wrdreg $0xC0  }
0xb3: {  	_ =	task [dreg:s11], $0x5FFFF  }
0xb4: {  	[dreg:$0x1] =	wrdreg $0xFFFFFFFF  }
0xb5: {  	[dreg:$0x0] =	wrdreg $0x60  }
0xb6: {  	[dreg:$0x2] =	wrdreg s16  }
0xb7: {  	[dreg:$0x3] =	wrdreg s4  }
0xb8: {  	[dreg:$0x4] =	wrdreg s5  }
0xb9: {  	[dreg:$0x5] =	wrdreg s17  }
0xba: {  	[dreg:$0x6] =	wrdreg s18  }
0xbb: {  	[dreg:$0x7] =	wrdreg $0x9  }
0xbc: {  	_ =	task.clear_ibuf [dreg:s11], $0x8FFFF;
	_ =	strace $0x90000046  }
0xbd: {  	s29 =	simm.s32 $0x9;
	_ =	strace $0x80000048  }
0xbe: {  	_ =	swait.ge [sflag:s29], $0x1  }
0xbf: {  	[sflag:s29] =	ssyncadd.s32 $0xFFFFFFFF  }
0xc0: {  	_ =	strace $0x90000048  }
0xc1: {  	_ =	sfence  }
0xc2: {  	s30 =	sld [smem:$0x0];
	_ =	sdelay $0x2  }
0xc3: {  	s31 =	sshll.u32 s1, $0xD;
	s1 =	sshrl.u32 s1, $0x2  }
0xc4: {  	s3 =	sand.u32 $0x4000, s31;
	s1 =	sadd.s32 s1, s30  }
0xc5: {  	s0 =	sor.u32 s3, s0;
	s1 =	sshll.u32 s1, $0x11  }
0xc6: {  	s0 =	sor.u32 s1, s0  }
0xc7: {  	s0 =	sadd.s32 $0x8F2B, s0  }
0xc8: {  	[sflag:s0] =	ssyncadd.remote.s32 $0x1  }
0xc9: {  	_ =	sfence.sel $0xFFFF  }
0xca: {  	[dreg:$0x0] =	wrdreg $0xFFFFFFFF;
	(pc) =	sbr.abs _section_cstart, $3  }
0xcb: {  	[dreg:$0x1] =	wrdreg $0xFFFFFFFF  }
0xcc: {  	_ =	task.clear_ibuf [dreg:s11], $0x2FFFF;
	_ =	strace $0x9FFFFFFF  }
0xcd: {  	(tm) =	ssettm $0x7FFFFFFF  }
tec
execute0_lowered:
.L_overlay_start_1:
0x0: {  	(tag) =	ssettag $0x1  }
0x1: {  	s5 =	rddreg [dreg:$0x0]  }
0x2: {  	s1 =	rddreg [dreg:$0x1]  }
0x3: {  	s2 =	rddreg [dreg:$0x2]  }
0x4: {  	s6 =	rddreg [dreg:$0x3]  }
0x5: {  	s7 =	rddreg [dreg:$0x4]  }
0x6: {  	s4 =	srdreg.scid;
	s0 =	rddreg [dreg:$0x5];
	s3 =	simm.s32 $0x0  }
0x7: {  	s13 =	simm.s32 $0x4080;
	s14 =	simm.s32 $0x2;
	s15 =	simm.s32 $0x0  }
0x8: {  	s8 =	sand.u32 $0x1, s4;
	[smem:$0x7FF] =	sst s3;
	s4 =	stileid.u32  }
0x9: {  	s9 =	ssub.s32 $0x2, s8;
	_ =	strace $0x80000047;
	s31 =	sshll.u32 s4, $0x8  }
0xa: {  	v0 =	vlaneseq.u32;
	vm0 =	vmmov $0x1;
	vm1 =	vcmask $0x308;
	s11 =	sshll.u32 s4, $0xB;
	s12 =	sshll.u32 s8, $0x7;
	s8 =	sshll.u32 s8, $0xA  }
0xb: {  	vm2 =	vcmask $0x70C;
	vm3 =	vcmask $0xB10;
	vm4 =	vcmask $0xF14;
	s10 =	sshrl.u32 s9, $0x1;
	s6 =	sadd.s32 s11, s6;
	s7 =	sadd.s32 s11, s7  }
0xc: {  	vm5 =	vcmask $0x1318;
	vm6 =	vcmask $0x171C;
	vm7 =	vcmask $0x1B20;
	s11 =	simm.s32 $0x80;
	s9 =	ssub.s32 s9, s10;
	s10 =	sor.u32 s12, s31  }
0xd: {  	vm8 =	vcmask $0x1F24;
	vm9 =	vcmask $0x2328;
	vm10 =	vcmask $0x272C;
	s6 =	sadd.s32 s8, s6;
	s7 =	sadd.s32 s8, s7;
	s8 =	simm.s32 $0x1  }
0xe: {  	vm11 =	vcmask $0x2B30;
	vm12 =	vcmask $0x2F34;
	v0 =	vmul.u32 $0x80, v0;
	s12 =	simm.s32 $0x2080;
	s10 =	sshrl.u32 s10, $0x3;
	[dreg:$0x6] =	wrdreg s6  }
0xf: {  	vm13 =	vcmask $0x3338;
	vm14 =	vcmask $0x373C;
	vm15 =	vmmov $0x7fff;
	s6 =	smax.u32 s9, $0x1;
	[dreg:$0x7] =	wrdreg s7;
	s7 =	simm.s32 $0x3  }
0x10: {  	v1 =	vor.u32 $0x800, v0;
	v2 =	vor.u32 $0x1000, v0;
	v3 =	vor.u32 $0x1800, v0;
	s9 =	simm.s32 $0x400;
	s5 =	sadd.s32 s5, s10;
	s10 =	simm.s32 $0x7A1400  }
.LBB2_1:
0x11: {  	[tilespmem:s3], [sflag:$0x3] =	stream.linear.gather [hbm4b:s5+s3], $0x80, $0x38;
	[tilespmem:$0x4100] =	vst v63  }
0x12: {  	_ =	swait.ge [sflag:s7], $0x80  }
0x13: {  	[sflag:s7] =	ssyncset.done $0x0  }
0x14: {  	s16 =	simm.s32 $0x0;
	s17 =	simm.s32 $0x0;
	[sflag:s7] =	ssyncadd.s32 $0xFFFFFF80  }
.LBB2_2:
0x15: {  	v4 =	vld [tilespmem:s16+$0x0];
	_ =	sdelay $0x4  }
0x16: {  	v5 =	vnsel vm0, $0x0, v4  }
0x17: {  	(xrf0) =	vadd.scan.msk.s32 $0xffff, v5;
	_ =	sdelay $0x5  }
0x18: {  	v5, _, _ =	vpop (xrf0)  }
0x19: {  	(v2sf) =	vpush v5, $0xF;
	_ =	sdelay $0xe  }
0x1a: {  	s18 =	spop (v2sf)  }
0x1b: {  	s19 =	sand.u32 $0x7F, s18  }
0x1c: {  	s20 =	sshra.s32 s18, $0x1F;
	p0 =	slt.s32 s18, $0x1;
	p1 =	sne.s32 s19, $0x0  }
0x1d: {  	s20 =	sshrl.u32 s20, $0x19;
	p0 =	por !p0, !p1  }
0x1e: {  	s19 =	sadd.s32 s20, s18;
	s20 =	simm.s32 $0x1;
	p0 =	por !p0, !p0  }
0x1f: {  	s19 =	sshrl.u32 s19, $0x7;
	s20 =	simm.s32 @!p0 $0x0  }
0x20: {  	s19 =	ssub.s32 s19, s20  }
0x21: {  	s19 =	sshll.u32 s19, $0x7  }
0x22: {  	s21 =	sand.u32 $0x1FFFFF80, s19  }
0x23: {  	s18 =	ssub.s32 s18, s19;
	s22 =	sadd.s32 s1, s21  }
0x24: {  	[tilespmem:s11], [sflag:$0x1] =	stream.strided.gather [hbm4b:s22+s9], $0x2000, s10, s9, $0x38;
	[tilespmem:$0x4100] =	vst v63  }
0x25: {  	s23 =	sadd.s32 s2, s21;
	v5 =	vadd.s32 s18, v0  }
0x26: {  	[tilespmem:s12], [sflag:$0x2] =	stream.strided.gather [hbm4b:s23+s9], $0x2000, s10, s9, $0x38;
	[tilespmem:$0x4100] =	vst v63  }
0x27: {  	_ =	swait.ge [sflag:s8], $0x2000  }
0x28: {  	[sflag:s8] =	ssyncset.done $0x0  }
0x29: {  	[sflag:s8] =	ssyncadd.s32 $0xFFFFE000  }
0x2a: {  	v6 =	vld.idx.msk [tilespmem:v5+s11+$0x0], $0xffff  }
0x2b: {  	v7 =	vadd.s32 s18, v1;
	_ =	sdelay $0x3  }
0x2c: {  	[tilespmem:$0x4080] =	vst v6  }
0x2d: {  	v6 =	vld.idx.msk [tilespmem:v7+s11+$0x0], $0xffff  }
0x2e: {  	v8 =	vadd.s32 s18, v2;
	_ =	sdelay $0x3  }
0x2f: {  	[tilespmem:$0x4090] =	vst v6  }
0x30: {  	v6 =	vld.idx.msk [tilespmem:v8+s11+$0x0], $0xffff  }
0x31: {  	v9 =	vadd.s32 s18, v3;
	_ =	sdelay $0x3  }
0x32: {  	[tilespmem:$0x40A0] =	vst v6  }
0x33: {  	v6 =	vld.idx.msk [tilespmem:v9+s11+$0x0], $0xffff;
	_ =	sdelay $0x3  }
0x34: {  	s24 =	rddreg [dreg:$0x6]  }
0x35: {  	s18 =	sadd.s32 s17, s24;
	[tilespmem:$0x40B0] =	vst v6  }
0x36: {  	[hbm4b:s18+s3] =	stream.linear.scatter [tilespmem:s13], [sflag:$0x3], $0x40, $0x38;
	[tilespmem:$0x4100] =	vst v63  }
0x37: {  	_ =	swait.ge [sflag:s7], $0x40  }
0x38: {  	[sflag:s7] =	ssyncset.done $0x0  }
0x39: {  	[sflag:s7] =	ssyncadd.s32 $0xFFFFFFC0  }
0x3a: {  	_ =	swait.ge [sflag:s14], $0x2000  }
0x3b: {  	[sflag:s14] =	ssyncset.done $0x0  }
0x3c: {  	[sflag:s14] =	ssyncadd.s32 $0xFFFFE000  }
0x3d: {  	v5 =	vld.idx.msk [tilespmem:v5+s12+$0x0], $0xffff;
	_ =	sdelay $0x4  }
0x3e: {  	[tilespmem:$0x4080] =	vst v5  }
0x3f: {  	v5 =	vld.idx.msk [tilespmem:v7+s12+$0x0], $0xffff;
	_ =	sdelay $0x4  }
0x40: {  	[tilespmem:$0x4090] =	vst v5  }
0x41: {  	v5 =	vld.idx.msk [tilespmem:v8+s12+$0x0], $0xffff;
	_ =	sdelay $0x4  }
0x42: {  	[tilespmem:$0x40A0] =	vst v5  }
0x43: {  	v5 =	vld.idx.msk [tilespmem:v9+s12+$0x0], $0xffff;
	_ =	sdelay $0x3  }
0x44: {  	s25 =	rddreg [dreg:$0x7]  }
0x45: {  	s19 =	sadd.s32 s17, s25;
	[tilespmem:$0x40B0] =	vst v5  }
0x46: {  	[hbm4b:s19+s3] =	stream.linear.scatter [tilespmem:s13], [sflag:$0x3], $0x40, $0x38;
	[tilespmem:$0x4100] =	vst v63  }
0x47: {  	v5 =	vsel vm1, $0x0, v4;
	_ =	swait.ge [sflag:s7], $0x40  }
0x48: {  	(xrf0) =	vadd.scan.msk.s32 $0xffff, v5;
	_ =	sdelay $0x5  }
0x49: {  	v5, _, _ =	vpop (xrf0)  }
0x4a: {  	(v2sf) =	vpush v5, $0xF;
	_ =	sdelay $0xe  }
0x4b: {  	s26 =	spop (v2sf)  }
0x4c: {  	s21 =	sand.u32 $0x7F, s26  }
0x4d: {  	s22 =	sshra.s32 s26, $0x1F;
	p1 =	slt.s32 s26, $0x1;
	p2 =	sne.s32 s21, $0x0  }
0x4e: {  	s28 =	sshrl.u32 s22, $0x19;
	p0 =	por !p1, !p2  }
0x4f: {  	s22 =	simm.s32 $0x1;
	s21 =	sadd.s32 s28, s26;
	p0 =	por !p0, !p0  }
0x50: {  	s21 =	sshrl.u32 s21, $0x7;
	s22 =	simm.s32 @!p0 $0x0  }
0x51: {  	s21 =	ssub.s32 s21, s22  }
0x52: {  	s21 =	sshll.u32 s21, $0x7  }
0x53: {  	[sflag:s7] =	ssyncset.done $0x0;
	s29 =	sand.u32 $0x1FFFFF80, s21  }
0x54: {  	[sflag:s7] =	ssyncadd.s32 $0xFFFFFFC0;
	s20 =	ssub.s32 s26, s21;
	s30 =	sadd.s32 s1, s29  }
0x55: {  	[tilespmem:s11], [sflag:$0x1] =	stream.strided.gather [hbm4b:s30+s9], $0x2000, s10, s9, $0x38;
	[tilespmem:$0x4100] =	vst v63  }
0x56: {  	s31 =	sadd.s32 s2, s29;
	v5 =	vadd.s32 s20, v0  }
0x57: {  	[tilespmem:s12], [sflag:$0x2] =	stream.strided.gather [hbm4b:s31+s9], $0x2000, s10, s9, $0x38;
	[tilespmem:$0x4100] =	vst v63  }
0x58: {  	_ =	swait.ge [sflag:s8], $0x2000  }
0x59: {  	[sflag:s8] =	ssyncset.done $0x0  }
0x5a: {  	[sflag:s8] =	ssyncadd.s32 $0xFFFFE000  }
0x5b: {  	v57 =	vld.idx.msk [tilespmem:v5+s11+$0x0], $0xffff  }
0x5c: {  	v58 =	vadd.s32 s20, v1;
	_ =	sdelay $0x3  }
0x5d: {  	[tilespmem:$0x4080] =	vst v57  }
0x5e: {  	v6 =	vld.idx.msk [tilespmem:v58+s11+$0x0], $0xffff  }
0x5f: {  	v59 =	vadd.s32 s20, v2;
	_ =	sdelay $0x3  }
0x60: {  	[tilespmem:$0x4090] =	vst v6  }
0x61: {  	v6 =	vld.idx.msk [tilespmem:v59+s11+$0x0], $0xffff  }
0x62: {  	v60 =	vadd.s32 s20, v3;
	_ =	sdelay $0x3  }
0x63: {  	[tilespmem:$0x40A0] =	vst v6  }
0x64: {  	v6 =	vld.idx.msk [tilespmem:v60+s11+$0x0], $0xffff;
	_ =	sdelay $0x4  }
0x65: {  	s22 =	sadd.s32 $0x8, s18;
	[tilespmem:$0x40B0] =	vst v6  }
0x66: {  	[hbm4b:s22+s3] =	stream.linear.scatter [tilespmem:s13], [sflag:$0x3], $0x40, $0x38;
	[tilespmem:$0x4100] =	vst v63  }
0x67: {  	_ =	swait.ge [sflag:s7], $0x40  }
0x68: {  	[sflag:s7] =	ssyncset.done $0x0  }
0x69: {  	[sflag:s7] =	ssyncadd.s32 $0xFFFFFFC0  }
0x6a: {  	_ =	swait.ge [sflag:s14], $0x2000  }
0x6b: {  	[sflag:s14] =	ssyncset.done $0x0  }
0x6c: {  	[sflag:s14] =	ssyncadd.s32 $0xFFFFE000  }
0x6d: {  	v5 =	vld.idx.msk [tilespmem:v5+s12+$0x0], $0xffff;
	_ =	sdelay $0x4  }
0x6e: {  	[tilespmem:$0x4080] =	vst v5  }
0x6f: {  	v5 =	vld.idx.msk [tilespmem:v58+s12+$0x0], $0xffff;
	_ =	sdelay $0x4  }
0x70: {  	[tilespmem:$0x4090] =	vst v5  }
0x71: {  	v5 =	vld.idx.msk [tilespmem:v59+s12+$0x0], $0xffff;
	_ =	sdelay $0x4  }
0x72: {  	[tilespmem:$0x40A0] =	vst v5  }
0x73: {  	v5 =	vld.idx.msk [tilespmem:v60+s12+$0x0], $0xffff;
	_ =	sdelay $0x4  }
0x74: {  	s23 =	sadd.s32 $0x8, s19;
	[tilespmem:$0x40B0] =	vst v5  }
0x75: {  	[hbm4b:s23+s3] =	stream.linear.scatter [tilespmem:s13], [sflag:$0x3], $0x40, $0x38;
	[tilespmem:$0x4100] =	vst v63  }
0x76: {  	v5 =	vsel vm2, $0x0, v4;
	_ =	swait.ge [sflag:s7], $0x40  }
0x77: {  	(xrf0) =	vadd.scan.msk.s32 $0xffff, v5;
	_ =	sdelay $0x5  }
0x78: {  	v5, _, _ =	vpop (xrf0)  }
0x79: {  	(v2sf) =	vpush v5, $0xF;
	_ =	sdelay $0xe  }
0x7a: {  	s24 =	spop (v2sf)  }
0x7b: {  	s25 =	sand.u32 $0x7F, s24  }
0x7c: {  	s26 =	sshra.s32 s24, $0x1F;
	p3 =	slt.s32 s24, $0x1;
	p4 =	sne.s32 s25, $0x0  }
0x7d: {  	s28 =	sshrl.u32 s26, $0x19;
	p0 =	por !p3, !p4  }
0x7e: {  	s22 =	simm.s32 $0x1;
	s21 =	sadd.s32 s28, s24;
	p0 =	por !p0, !p0  }
0x7f: {  	s21 =	sshrl.u32 s21, $0x7;
	s22 =	simm.s32 @!p0 $0x0  }
0x80: {  	s21 =	ssub.s32 s21, s22  }
0x81: {  	s21 =	sshll.u32 s21, $0x7  }
0x82: {  	[sflag:s7] =	ssyncset.done $0x0;
	s29 =	sand.u32 $0x1FFFFF80, s21  }
0x83: {  	[sflag:s7] =	ssyncadd.s32 $0xFFFFFFC0;
	s20 =	ssub.s32 s24, s21;
	s30 =	sadd.s32 s1, s29  }
0x84: {  	[tilespmem:s11], [sflag:$0x1] =	stream.strided.gather [hbm4b:s30+s9], $0x2000, s10, s9, $0x38;
	[tilespmem:$0x4100] =	vst v63  }
0x85: {  	s31 =	sadd.s32 s2, s29;
	v5 =	vadd.s32 s20, v0  }
0x86: {  	[tilespmem:s12], [sflag:$0x2] =	stream.strided.gather [hbm4b:s31+s9], $0x2000, s10, s9, $0x38;
	[tilespmem:$0x4100] =	vst v63  }
0x87: {  	_ =	swait.ge [sflag:s8], $0x2000  }
0x88: {  	[sflag:s8] =	ssyncset.done $0x0  }
0x89: {  	[sflag:s8] =	ssyncadd.s32 $0xFFFFE000  }
0x8a: {  	v61 =	vld.idx.msk [tilespmem:v5+s11+$0x0], $0xffff  }
0x8b: {  	v62 =	vadd.s32 s20, v1;
	_ =	sdelay $0x3  }
0x8c: {  	[tilespmem:$0x4080] =	vst v61  }
0x8d: {  	v6 =	vld.idx.msk [tilespmem:v62+s11+$0x0], $0xffff  }
0x8e: {  	v63 =	vadd.s32 s20, v2;
	_ =	sdelay $0x3  }
0x8f: {  	[tilespmem:$0x4090] =	vst v6  }
0x90: {  	v6 =	vld.idx.msk [tilespmem:v63+s11+$0x0], $0xffff  }
0x91: {  	v12 =	vadd.s32 s20, v3;
	_ =	sdelay $0x3  }
0x92: {  	[tilespmem:$0x40A0] =	vst v6  }
0x93: {  	v6 =	vld.idx.msk [tilespmem:v12+s11+$0x0], $0xffff;
	_ =	sdelay $0x4  }
0x94: {  	s22 =	sadd.s32 $0x10, s18;
	[tilespmem:$0x40B0] =	vst v6  }
0x95: {  	[hbm4b:s22+s3] =	stream.linear.scatter [tilespmem:s13], [sflag:$0x3], $0x40, $0x38;
	[tilespmem:$0x4100] =	vst v63  }
0x96: {  	_ =	swait.ge [sflag:s7], $0x40  }
0x97: {  	[sflag:s7] =	ssyncset.done $0x0  }
0x98: {  	[sflag:s7] =	ssyncadd.s32 $0xFFFFFFC0  }
0x99: {  	_ =	swait.ge [sflag:s14], $0x2000  }
0x9a: {  	[sflag:s14] =	ssyncset.done $0x0  }
0x9b: {  	[sflag:s14] =	ssyncadd.s32 $0xFFFFE000  }
0x9c: {  	v5 =	vld.idx.msk [tilespmem:v5+s12+$0x0], $0xffff;
	_ =	sdelay $0x4  }
0x9d: {  	[tilespmem:$0x4080] =	vst v5  }
0x9e: {  	v5 =	vld.idx.msk [tilespmem:v62+s12+$0x0], $0xffff;
	_ =	sdelay $0x4  }
0x9f: {  	[tilespmem:$0x4090] =	vst v5  }
0xa0: {  	v5 =	vld.idx.msk [tilespmem:v63+s12+$0x0], $0xffff;
	_ =	sdelay $0x4  }
0xa1: {  	[tilespmem:$0x40A0] =	vst v5  }
0xa2: {  	v5 =	vld.idx.msk [tilespmem:v12+s12+$0x0], $0xffff;
	_ =	sdelay $0x4  }
0xa3: {  	s23 =	sadd.s32 $0x10, s19;
	[tilespmem:$0x40B0] =	vst v5  }
0xa4: {  	[hbm4b:s23+s3] =	stream.linear.scatter [tilespmem:s13], [sflag:$0x3], $0x40, $0x38;
	[tilespmem:$0x4100] =	vst v63  }
0xa5: {  	v5 =	vsel vm3, $0x0, v4;
	_ =	swait.ge [sflag:s7], $0x40  }
0xa6: {  	(xrf0) =	vadd.scan.msk.s32 $0xffff, v5;
	_ =	sdelay $0x5  }
0xa7: {  	v5, _, _ =	vpop (xrf0)  }
0xa8: {  	(v2sf) =	vpush v5, $0xF;
	_ =	sdelay $0xe  }
0xa9: {  	s24 =	spop (v2sf)  }
0xaa: {  	s25 =	sand.u32 $0x7F, s24  }
0xab: {  	s26 =	sshra.s32 s24, $0x1F;
	p5 =	slt.s32 s24, $0x1;
	p6 =	sne.s32 s25, $0x0  }
0xac: {  	s28 =	sshrl.u32 s26, $0x19;
	p0 =	por !p5, !p6  }
0xad: {  	s22 =	simm.s32 $0x1;
	s21 =	sadd.s32 s28, s24;
	p0 =	por !p0, !p0  }
0xae: {  	s21 =	sshrl.u32 s21, $0x7;
	s22 =	simm.s32 @!p0 $0x0  }
0xaf: {  	s21 =	ssub.s32 s21, s22  }
0xb0: {  	s21 =	sshll.u32 s21, $0x7  }
0xb1: {  	[sflag:s7] =	ssyncset.done $0x0;
	s29 =	sand.u32 $0x1FFFFF80, s21  }
0xb2: {  	[sflag:s7] =	ssyncadd.s32 $0xFFFFFFC0;
	s20 =	ssub.s32 s24, s21;
	s30 =	sadd.s32 s1, s29  }
0xb3: {  	[tilespmem:s11], [sflag:$0x1] =	stream.strided.gather [hbm4b:s30+s9], $0x2000, s10, s9, $0x38;
	[tilespmem:$0x4100] =	vst v63  }
0xb4: {  	s31 =	sadd.s32 s2, s29;
	v5 =	vadd.s32 s20, v0  }
0xb5: {  	[tilespmem:s12], [sflag:$0x2] =	stream.strided.gather [hbm4b:s31+s9], $0x2000, s10, s9, $0x38;
	[tilespmem:$0x4100] =	vst v63  }
0xb6: {  	_ =	swait.ge [sflag:s8], $0x2000  }
0xb7: {  	[sflag:s8] =	ssyncset.done $0x0  }
0xb8: {  	[sflag:s8] =	ssyncadd.s32 $0xFFFFE000  }
0xb9: {  	v13 =	vld.idx.msk [tilespmem:v5+s11+$0x0], $0xffff  }
0xba: {  	v14 =	vadd.s32 s20, v1;
	_ =	sdelay $0x3  }
0xbb: {  	[tilespmem:$0x4080] =	vst v13  }
0xbc: {  	v6 =	vld.idx.msk [tilespmem:v14+s11+$0x0], $0xffff  }
0xbd: {  	v15 =	vadd.s32 s20, v2;
	_ =	sdelay $0x3  }
0xbe: {  	[tilespmem:$0x4090] =	vst v6  }
0xbf: {  	v6 =	vld.idx.msk [tilespmem:v15+s11+$0x0], $0xffff  }
0xc0: {  	v16 =	vadd.s32 s20, v3;
	_ =	sdelay $0x3  }
0xc1: {  	[tilespmem:$0x40A0] =	vst v6  }
0xc2: {  	v6 =	vld.idx.msk [tilespmem:v16+s11+$0x0], $0xffff;
	_ =	sdelay $0x4  }
0xc3: {  	s22 =	sadd.s32 $0x18, s18;
	[tilespmem:$0x40B0] =	vst v6  }
0xc4: {  	[hbm4b:s22+s3] =	stream.linear.scatter [tilespmem:s13], [sflag:$0x3], $0x40, $0x38;
	[tilespmem:$0x4100] =	vst v63  }
0xc5: {  	_ =	swait.ge [sflag:s7], $0x40  }
0xc6: {  	[sflag:s7] =	ssyncset.done $0x0  }
0xc7: {  	[sflag:s7] =	ssyncadd.s32 $0xFFFFFFC0  }
0xc8: {  	_ =	swait.ge [sflag:s14], $0x2000  }
0xc9: {  	[sflag:s14] =	ssyncset.done $0x0  }
0xca: {  	[sflag:s14] =	ssyncadd.s32 $0xFFFFE000  }
0xcb: {  	v5 =	vld.idx.msk [tilespmem:v5+s12+$0x0], $0xffff;
	_ =	sdelay $0x4  }
0xcc: {  	[tilespmem:$0x4080] =	vst v5  }
0xcd: {  	v5 =	vld.idx.msk [tilespmem:v14+s12+$0x0], $0xffff;
	_ =	sdelay $0x4  }
0xce: {  	[tilespmem:$0x4090] =	vst v5  }
0xcf: {  	v5 =	vld.idx.msk [tilespmem:v15+s12+$0x0], $0xffff;
	_ =	sdelay $0x4  }
0xd0: {  	[tilespmem:$0x40A0] =	vst v5  }
0xd1: {  	v5 =	vld.idx.msk [tilespmem:v16+s12+$0x0], $0xffff;
	_ =	sdelay $0x4  }
0xd2: {  	s23 =	sadd.s32 $0x18, s19;
	[tilespmem:$0x40B0] =	vst v5  }
0xd3: {  	[hbm4b:s23+s3] =	stream.linear.scatter [tilespmem:s13], [sflag:$0x3], $0x40, $0x38;
	[tilespmem:$0x4100] =	vst v63  }
0xd4: {  	v5 =	vsel vm4, $0x0, v4;
	_ =	swait.ge [sflag:s7], $0x40  }
0xd5: {  	(xrf0) =	vadd.scan.msk.s32 $0xffff, v5;
	_ =	sdelay $0x5  }
0xd6: {  	v5, _, _ =	vpop (xrf0)  }
0xd7: {  	(v2sf) =	vpush v5, $0xF;
	_ =	sdelay $0xe  }
0xd8: {  	s24 =	spop (v2sf)  }
0xd9: {  	s25 =	sand.u32 $0x7F, s24  }
0xda: {  	s26 =	sshra.s32 s24, $0x1F;
	p1 =	slt.s32 s24, $0x1;
	p2 =	sne.s32 s25, $0x0  }
0xdb: {  	s28 =	sshrl.u32 s26, $0x19;
	p0 =	por !p1, !p2  }
0xdc: {  	s22 =	simm.s32 $0x1;
	s21 =	sadd.s32 s28, s24;
	p0 =	por !p0, !p0  }
0xdd: {  	s21 =	sshrl.u32 s21, $0x7;
	s22 =	simm.s32 @!p0 $0x0  }
0xde: {  	s21 =	ssub.s32 s21, s22  }
0xdf: {  	s21 =	sshll.u32 s21, $0x7  }
0xe0: {  	[sflag:s7] =	ssyncset.done $0x0;
	s29 =	sand.u32 $0x1FFFFF80, s21  }
0xe1: {  	[sflag:s7] =	ssyncadd.s32 $0xFFFFFFC0;
	s20 =	ssub.s32 s24, s21;
	s30 =	sadd.s32 s1, s29  }
0xe2: {  	[tilespmem:s11], [sflag:$0x1] =	stream.strided.gather [hbm4b:s30+s9], $0x2000, s10, s9, $0x38;
	[tilespmem:$0x4100] =	vst v63  }
0xe3: {  	s31 =	sadd.s32 s2, s29;
	v5 =	vadd.s32 s20, v0  }
0xe4: {  	[tilespmem:s12], [sflag:$0x2] =	stream.strided.gather [hbm4b:s31+s9], $0x2000, s10, s9, $0x38;
	[tilespmem:$0x4100] =	vst v63  }
0xe5: {  	_ =	swait.ge [sflag:s8], $0x2000  }
0xe6: {  	[sflag:s8] =	ssyncset.done $0x0  }
0xe7: {  	[sflag:s8] =	ssyncadd.s32 $0xFFFFE000  }
0xe8: {  	v17 =	vld.idx.msk [tilespmem:v5+s11+$0x0], $0xffff  }
0xe9: {  	v18 =	vadd.s32 s20, v1;
	_ =	sdelay $0x3  }
0xea: {  	[tilespmem:$0x4080] =	vst v17  }
0xeb: {  	v6 =	vld.idx.msk [tilespmem:v18+s11+$0x0], $0xffff  }
0xec: {  	v19 =	vadd.s32 s20, v2;
	_ =	sdelay $0x3  }
0xed: {  	[tilespmem:$0x4090] =	vst v6  }
0xee: {  	v6 =	vld.idx.msk [tilespmem:v19+s11+$0x0], $0xffff  }
0xef: {  	v20 =	vadd.s32 s20, v3;
	_ =	sdelay $0x3  }
0xf0: {  	[tilespmem:$0x40A0] =	vst v6  }
0xf1: {  	v6 =	vld.idx.msk [tilespmem:v20+s11+$0x0], $0xffff;
	_ =	sdelay $0x4  }
0xf2: {  	s22 =	sadd.s32 $0x20, s18;
	[tilespmem:$0x40B0] =	vst v6  }
0xf3: {  	[hbm4b:s22+s3] =	stream.linear.scatter [tilespmem:s13], [sflag:$0x3], $0x40, $0x38;
	[tilespmem:$0x4100] =	vst v63  }
0xf4: {  	_ =	swait.ge [sflag:s7], $0x40  }
0xf5: {  	[sflag:s7] =	ssyncset.done $0x0  }
0xf6: {  	[sflag:s7] =	ssyncadd.s32 $0xFFFFFFC0  }
0xf7: {  	_ =	swait.ge [sflag:s14], $0x2000  }
0xf8: {  	[sflag:s14] =	ssyncset.done $0x0  }
0xf9: {  	[sflag:s14] =	ssyncadd.s32 $0xFFFFE000  }
0xfa: {  	v5 =	vld.idx.msk [tilespmem:v5+s12+$0x0], $0xffff;
	_ =	sdelay $0x4  }
0xfb: {  	[tilespmem:$0x4080] =	vst v5  }
0xfc: {  	v5 =	vld.idx.msk [tilespmem:v18+s12+$0x0], $0xffff;
	_ =	sdelay $0x4  }
0xfd: {  	[tilespmem:$0x4090] =	vst v5  }
0xfe: {  	v5 =	vld.idx.msk [tilespmem:v19+s12+$0x0], $0xffff;
	_ =	sdelay $0x4  }
0xff: {  	[tilespmem:$0x40A0] =	vst v5  }
0x100: {  	v5 =	vld.idx.msk [tilespmem:v20+s12+$0x0], $0xffff;
	_ =	sdelay $0x4  }
0x101: {  	s23 =	sadd.s32 $0x20, s19;
	[tilespmem:$0x40B0] =	vst v5  }
0x102: {  	[hbm4b:s23+s3] =	stream.linear.scatter [tilespmem:s13], [sflag:$0x3], $0x40, $0x38;
	[tilespmem:$0x4100] =	vst v63  }
0x103: {  	v5 =	vsel vm5, $0x0, v4;
	_ =	swait.ge [sflag:s7], $0x40  }
0x104: {  	(xrf0) =	vadd.scan.msk.s32 $0xffff, v5;
	_ =	sdelay $0x5  }
0x105: {  	v5, _, _ =	vpop (xrf0)  }
0x106: {  	(v2sf) =	vpush v5, $0xF;
	_ =	sdelay $0xe  }
0x107: {  	s24 =	spop (v2sf)  }
0x108: {  	s25 =	sand.u32 $0x7F, s24  }
0x109: {  	s26 =	sshra.s32 s24, $0x1F;
	p3 =	slt.s32 s24, $0x1;
	p4 =	sne.s32 s25, $0x0  }
0x10a: {  	s28 =	sshrl.u32 s26, $0x19;
	p0 =	por !p3, !p4  }
0x10b: {  	s22 =	simm.s32 $0x1;
	s21 =	sadd.s32 s28, s24;
	p0 =	por !p0, !p0  }
0x10c: {  	s21 =	sshrl.u32 s21, $0x7;
	s22 =	simm.s32 @!p0 $0x0  }
0x10d: {  	s21 =	ssub.s32 s21, s22  }
0x10e: {  	s21 =	sshll.u32 s21, $0x7  }
0x10f: {  	[sflag:s7] =	ssyncset.done $0x0;
	s29 =	sand.u32 $0x1FFFFF80, s21  }
0x110: {  	[sflag:s7] =	ssyncadd.s32 $0xFFFFFFC0;
	s20 =	ssub.s32 s24, s21;
	s30 =	sadd.s32 s1, s29  }
0x111: {  	[tilespmem:s11], [sflag:$0x1] =	stream.strided.gather [hbm4b:s30+s9], $0x2000, s10, s9, $0x38;
	[tilespmem:$0x4100] =	vst v63  }
0x112: {  	s31 =	sadd.s32 s2, s29;
	v5 =	vadd.s32 s20, v0  }
0x113: {  	[tilespmem:s12], [sflag:$0x2] =	stream.strided.gather [hbm4b:s31+s9], $0x2000, s10, s9, $0x38;
	[tilespmem:$0x4100] =	vst v63  }
0x114: {  	_ =	swait.ge [sflag:s8], $0x2000  }
0x115: {  	[sflag:s8] =	ssyncset.done $0x0  }
0x116: {  	[sflag:s8] =	ssyncadd.s32 $0xFFFFE000  }
0x117: {  	v21 =	vld.idx.msk [tilespmem:v5+s11+$0x0], $0xffff  }
0x118: {  	v22 =	vadd.s32 s20, v1;
	_ =	sdelay $0x3  }
0x119: {  	[tilespmem:$0x4080] =	vst v21  }
0x11a: {  	v6 =	vld.idx.msk [tilespmem:v22+s11+$0x0], $0xffff  }
0x11b: {  	v23 =	vadd.s32 s20, v2;
	_ =	sdelay $0x3  }
0x11c: {  	[tilespmem:$0x4090] =	vst v6  }
0x11d: {  	v6 =	vld.idx.msk [tilespmem:v23+s11+$0x0], $0xffff  }
0x11e: {  	v24 =	vadd.s32 s20, v3;
	_ =	sdelay $0x3  }
0x11f: {  	[tilespmem:$0x40A0] =	vst v6  }
0x120: {  	v6 =	vld.idx.msk [tilespmem:v24+s11+$0x0], $0xffff;
	_ =	sdelay $0x4  }
0x121: {  	s22 =	sadd.s32 $0x28, s18;
	[tilespmem:$0x40B0] =	vst v6  }
0x122: {  	[hbm4b:s22+s3] =	stream.linear.scatter [tilespmem:s13], [sflag:$0x3], $0x40, $0x38;
	[tilespmem:$0x4100] =	vst v63  }
0x123: {  	_ =	swait.ge [sflag:s7], $0x40  }
0x124: {  	[sflag:s7] =	ssyncset.done $0x0  }
0x125: {  	[sflag:s7] =	ssyncadd.s32 $0xFFFFFFC0  }
0x126: {  	_ =	swait.ge [sflag:s14], $0x2000  }
0x127: {  	[sflag:s14] =	ssyncset.done $0x0  }
0x128: {  	[sflag:s14] =	ssyncadd.s32 $0xFFFFE000  }
0x129: {  	v5 =	vld.idx.msk [tilespmem:v5+s12+$0x0], $0xffff;
	_ =	sdelay $0x4  }
0x12a: {  	[tilespmem:$0x4080] =	vst v5  }
0x12b: {  	v5 =	vld.idx.msk [tilespmem:v22+s12+$0x0], $0xffff;
	_ =	sdelay $0x4  }
0x12c: {  	[tilespmem:$0x4090] =	vst v5  }
0x12d: {  	v5 =	vld.idx.msk [tilespmem:v23+s12+$0x0], $0xffff;
	_ =	sdelay $0x4  }
0x12e: {  	[tilespmem:$0x40A0] =	vst v5  }
0x12f: {  	v5 =	vld.idx.msk [tilespmem:v24+s12+$0x0], $0xffff;
	_ =	sdelay $0x4  }
0x130: {  	s23 =	sadd.s32 $0x28, s19;
	[tilespmem:$0x40B0] =	vst v5  }
0x131: {  	[hbm4b:s23+s3] =	stream.linear.scatter [tilespmem:s13], [sflag:$0x3], $0x40, $0x38;
	[tilespmem:$0x4100] =	vst v63  }
0x132: {  	v5 =	vsel vm6, $0x0, v4;
	_ =	swait.ge [sflag:s7], $0x40  }
0x133: {  	(xrf0) =	vadd.scan.msk.s32 $0xffff, v5;
	_ =	sdelay $0x5  }
0x134: {  	v5, _, _ =	vpop (xrf0)  }
0x135: {  	(v2sf) =	vpush v5, $0xF;
	_ =	sdelay $0xe  }
0x136: {  	s24 =	spop (v2sf)  }
0x137: {  	s25 =	sand.u32 $0x7F, s24  }
0x138: {  	s26 =	sshra.s32 s24, $0x1F;
	p5 =	slt.s32 s24, $0x1;
	p6 =	sne.s32 s25, $0x0  }
0x139: {  	s28 =	sshrl.u32 s26, $0x19;
	p0 =	por !p5, !p6  }
0x13a: {  	s22 =	simm.s32 $0x1;
	s21 =	sadd.s32 s28, s24;
	p0 =	por !p0, !p0  }
0x13b: {  	s21 =	sshrl.u32 s21, $0x7;
	s22 =	simm.s32 @!p0 $0x0  }
0x13c: {  	s21 =	ssub.s32 s21, s22  }
0x13d: {  	s21 =	sshll.u32 s21, $0x7  }
0x13e: {  	[sflag:s7] =	ssyncset.done $0x0;
	s29 =	sand.u32 $0x1FFFFF80, s21  }
0x13f: {  	[sflag:s7] =	ssyncadd.s32 $0xFFFFFFC0;
	s20 =	ssub.s32 s24, s21;
	s30 =	sadd.s32 s1, s29  }
0x140: {  	[tilespmem:s11], [sflag:$0x1] =	stream.strided.gather [hbm4b:s30+s9], $0x2000, s10, s9, $0x38;
	[tilespmem:$0x4100] =	vst v63  }
0x141: {  	s31 =	sadd.s32 s2, s29;
	v5 =	vadd.s32 s20, v0  }
0x142: {  	[tilespmem:s12], [sflag:$0x2] =	stream.strided.gather [hbm4b:s31+s9], $0x2000, s10, s9, $0x38;
	[tilespmem:$0x4100] =	vst v63  }
0x143: {  	_ =	swait.ge [sflag:s8], $0x2000  }
0x144: {  	[sflag:s8] =	ssyncset.done $0x0  }
0x145: {  	[sflag:s8] =	ssyncadd.s32 $0xFFFFE000  }
0x146: {  	v25 =	vld.idx.msk [tilespmem:v5+s11+$0x0], $0xffff  }
0x147: {  	v26 =	vadd.s32 s20, v1;
	_ =	sdelay $0x3  }
0x148: {  	[tilespmem:$0x4080] =	vst v25  }
0x149: {  	v6 =	vld.idx.msk [tilespmem:v26+s11+$0x0], $0xffff  }
0x14a: {  	v27 =	vadd.s32 s20, v2;
	_ =	sdelay $0x3  }
0x14b: {  	[tilespmem:$0x4090] =	vst v6  }
0x14c: {  	v6 =	vld.idx.msk [tilespmem:v27+s11+$0x0], $0xffff  }
0x14d: {  	v28 =	vadd.s32 s20, v3;
	_ =	sdelay $0x3  }
0x14e: {  	[tilespmem:$0x40A0] =	vst v6  }
0x14f: {  	v6 =	vld.idx.msk [tilespmem:v28+s11+$0x0], $0xffff;
	_ =	sdelay $0x4  }
0x150: {  	s22 =	sadd.s32 $0x30, s18;
	[tilespmem:$0x40B0] =	vst v6  }
0x151: {  	[hbm4b:s22+s3] =	stream.linear.scatter [tilespmem:s13], [sflag:$0x3], $0x40, $0x38;
	[tilespmem:$0x4100] =	vst v63  }
0x152: {  	_ =	swait.ge [sflag:s7], $0x40  }
0x153: {  	[sflag:s7] =	ssyncset.done $0x0  }
0x154: {  	[sflag:s7] =	ssyncadd.s32 $0xFFFFFFC0  }
0x155: {  	_ =	swait.ge [sflag:s14], $0x2000  }
0x156: {  	[sflag:s14] =	ssyncset.done $0x0  }
0x157: {  	[sflag:s14] =	ssyncadd.s32 $0xFFFFE000  }
0x158: {  	v5 =	vld.idx.msk [tilespmem:v5+s12+$0x0], $0xffff;
	_ =	sdelay $0x4  }
0x159: {  	[tilespmem:$0x4080] =	vst v5  }
0x15a: {  	v5 =	vld.idx.msk [tilespmem:v26+s12+$0x0], $0xffff;
	_ =	sdelay $0x4  }
0x15b: {  	[tilespmem:$0x4090] =	vst v5  }
0x15c: {  	v5 =	vld.idx.msk [tilespmem:v27+s12+$0x0], $0xffff;
	_ =	sdelay $0x4  }
0x15d: {  	[tilespmem:$0x40A0] =	vst v5  }
0x15e: {  	v5 =	vld.idx.msk [tilespmem:v28+s12+$0x0], $0xffff;
	_ =	sdelay $0x4  }
0x15f: {  	s23 =	sadd.s32 $0x30, s19;
	[tilespmem:$0x40B0] =	vst v5  }
0x160: {  	[hbm4b:s23+s3] =	stream.linear.scatter [tilespmem:s13], [sflag:$0x3], $0x40, $0x38;
	[tilespmem:$0x4100] =	vst v63  }
0x161: {  	v5 =	vsel vm7, $0x0, v4;
	_ =	swait.ge [sflag:s7], $0x40  }
0x162: {  	(xrf0) =	vadd.scan.msk.s32 $0xffff, v5;
	_ =	sdelay $0x5  }
0x163: {  	v5, _, _ =	vpop (xrf0)  }
0x164: {  	(v2sf) =	vpush v5, $0xF;
	_ =	sdelay $0xe  }
0x165: {  	s24 =	spop (v2sf)  }
0x166: {  	s25 =	sand.u32 $0x7F, s24  }
0x167: {  	s26 =	sshra.s32 s24, $0x1F;
	p1 =	slt.s32 s24, $0x1;
	p2 =	sne.s32 s25, $0x0  }
0x168: {  	s28 =	sshrl.u32 s26, $0x19;
	p0 =	por !p1, !p2  }
0x169: {  	s22 =	simm.s32 $0x1;
	s21 =	sadd.s32 s28, s24;
	p0 =	por !p0, !p0  }
0x16a: {  	s21 =	sshrl.u32 s21, $0x7;
	s22 =	simm.s32 @!p0 $0x0  }
0x16b: {  	s21 =	ssub.s32 s21, s22  }
0x16c: {  	s21 =	sshll.u32 s21, $0x7  }
0x16d: {  	[sflag:s7] =	ssyncset.done $0x0;
	s29 =	sand.u32 $0x1FFFFF80, s21  }
0x16e: {  	[sflag:s7] =	ssyncadd.s32 $0xFFFFFFC0;
	s20 =	ssub.s32 s24, s21;
	s30 =	sadd.s32 s1, s29  }
0x16f: {  	[tilespmem:s11], [sflag:$0x1] =	stream.strided.gather [hbm4b:s30+s9], $0x2000, s10, s9, $0x38;
	[tilespmem:$0x4100] =	vst v63  }
0x170: {  	s31 =	sadd.s32 s2, s29;
	v5 =	vadd.s32 s20, v0  }
0x171: {  	[tilespmem:s12], [sflag:$0x2] =	stream.strided.gather [hbm4b:s31+s9], $0x2000, s10, s9, $0x38;
	[tilespmem:$0x4100] =	vst v63  }
0x172: {  	_ =	swait.ge [sflag:s8], $0x2000  }
0x173: {  	[sflag:s8] =	ssyncset.done $0x0  }
0x174: {  	[sflag:s8] =	ssyncadd.s32 $0xFFFFE000  }
0x175: {  	v29 =	vld.idx.msk [tilespmem:v5+s11+$0x0], $0xffff  }
0x176: {  	v30 =	vadd.s32 s20, v1;
	_ =	sdelay $0x3  }
0x177: {  	[tilespmem:$0x4080] =	vst v29  }
0x178: {  	v6 =	vld.idx.msk [tilespmem:v30+s11+$0x0], $0xffff  }
0x179: {  	v31 =	vadd.s32 s20, v2;
	_ =	sdelay $0x3  }
0x17a: {  	[tilespmem:$0x4090] =	vst v6  }
0x17b: {  	v6 =	vld.idx.msk [tilespmem:v31+s11+$0x0], $0xffff  }
0x17c: {  	v32 =	vadd.s32 s20, v3;
	_ =	sdelay $0x3  }
0x17d: {  	[tilespmem:$0x40A0] =	vst v6  }
0x17e: {  	v6 =	vld.idx.msk [tilespmem:v32+s11+$0x0], $0xffff;
	_ =	sdelay $0x4  }
0x17f: {  	s22 =	sadd.s32 $0x38, s18;
	[tilespmem:$0x40B0] =	vst v6  }
0x180: {  	[hbm4b:s22+s3] =	stream.linear.scatter [tilespmem:s13], [sflag:$0x3], $0x40, $0x38;
	[tilespmem:$0x4100] =	vst v63  }
0x181: {  	_ =	swait.ge [sflag:s7], $0x40  }
0x182: {  	[sflag:s7] =	ssyncset.done $0x0  }
0x183: {  	[sflag:s7] =	ssyncadd.s32 $0xFFFFFFC0  }
0x184: {  	_ =	swait.ge [sflag:s14], $0x2000  }
0x185: {  	[sflag:s14] =	ssyncset.done $0x0  }
0x186: {  	[sflag:s14] =	ssyncadd.s32 $0xFFFFE000  }
0x187: {  	v5 =	vld.idx.msk [tilespmem:v5+s12+$0x0], $0xffff;
	_ =	sdelay $0x4  }
0x188: {  	[tilespmem:$0x4080] =	vst v5  }
0x189: {  	v5 =	vld.idx.msk [tilespmem:v30+s12+$0x0], $0xffff;
	_ =	sdelay $0x4  }
0x18a: {  	[tilespmem:$0x4090] =	vst v5  }
0x18b: {  	v5 =	vld.idx.msk [tilespmem:v31+s12+$0x0], $0xffff;
	_ =	sdelay $0x4  }
0x18c: {  	[tilespmem:$0x40A0] =	vst v5  }
0x18d: {  	v5 =	vld.idx.msk [tilespmem:v32+s12+$0x0], $0xffff;
	_ =	sdelay $0x4  }
0x18e: {  	s23 =	sadd.s32 $0x38, s19;
	[tilespmem:$0x40B0] =	vst v5  }
0x18f: {  	[hbm4b:s23+s3] =	stream.linear.scatter [tilespmem:s13], [sflag:$0x3], $0x40, $0x38;
	[tilespmem:$0x4100] =	vst v63  }
0x190: {  	v5 =	vsel vm8, $0x0, v4;
	_ =	swait.ge [sflag:s7], $0x40  }
0x191: {  	(xrf0) =	vadd.scan.msk.s32 $0xffff, v5;
	_ =	sdelay $0x5  }
0x192: {  	v5, _, _ =	vpop (xrf0)  }
0x193: {  	(v2sf) =	vpush v5, $0xF;
	_ =	sdelay $0xe  }
0x194: {  	s24 =	spop (v2sf)  }
0x195: {  	s25 =	sand.u32 $0x7F, s24  }
0x196: {  	s26 =	sshra.s32 s24, $0x1F;
	p3 =	slt.s32 s24, $0x1;
	p4 =	sne.s32 s25, $0x0  }
0x197: {  	s28 =	sshrl.u32 s26, $0x19;
	p0 =	por !p3, !p4  }
0x198: {  	s22 =	simm.s32 $0x1;
	s21 =	sadd.s32 s28, s24;
	p0 =	por !p0, !p0  }
0x199: {  	s21 =	sshrl.u32 s21, $0x7;
	s22 =	simm.s32 @!p0 $0x0  }
0x19a: {  	s21 =	ssub.s32 s21, s22  }
0x19b: {  	s21 =	sshll.u32 s21, $0x7  }
0x19c: {  	[sflag:s7] =	ssyncset.done $0x0;
	s29 =	sand.u32 $0x1FFFFF80, s21  }
0x19d: {  	[sflag:s7] =	ssyncadd.s32 $0xFFFFFFC0;
	s20 =	ssub.s32 s24, s21;
	s30 =	sadd.s32 s1, s29  }
0x19e: {  	[tilespmem:s11], [sflag:$0x1] =	stream.strided.gather [hbm4b:s30+s9], $0x2000, s10, s9, $0x38;
	[tilespmem:$0x4100] =	vst v63  }
0x19f: {  	s31 =	sadd.s32 s2, s29;
	v5 =	vadd.s32 s20, v0  }
0x1a0: {  	[tilespmem:s12], [sflag:$0x2] =	stream.strided.gather [hbm4b:s31+s9], $0x2000, s10, s9, $0x38;
	[tilespmem:$0x4100] =	vst v63  }
0x1a1: {  	_ =	swait.ge [sflag:s8], $0x2000  }
0x1a2: {  	[sflag:s8] =	ssyncset.done $0x0  }
0x1a3: {  	[sflag:s8] =	ssyncadd.s32 $0xFFFFE000  }
0x1a4: {  	v33 =	vld.idx.msk [tilespmem:v5+s11+$0x0], $0xffff  }
0x1a5: {  	v34 =	vadd.s32 s20, v1;
	_ =	sdelay $0x3  }
0x1a6: {  	[tilespmem:$0x4080] =	vst v33  }
0x1a7: {  	v6 =	vld.idx.msk [tilespmem:v34+s11+$0x0], $0xffff  }
0x1a8: {  	v35 =	vadd.s32 s20, v2;
	_ =	sdelay $0x3  }
0x1a9: {  	[tilespmem:$0x4090] =	vst v6  }
0x1aa: {  	v6 =	vld.idx.msk [tilespmem:v35+s11+$0x0], $0xffff  }
0x1ab: {  	v36 =	vadd.s32 s20, v3;
	_ =	sdelay $0x3  }
0x1ac: {  	[tilespmem:$0x40A0] =	vst v6  }
0x1ad: {  	v6 =	vld.idx.msk [tilespmem:v36+s11+$0x0], $0xffff;
	_ =	sdelay $0x4  }
0x1ae: {  	s22 =	sadd.s32 $0x40, s18;
	[tilespmem:$0x40B0] =	vst v6  }
0x1af: {  	[hbm4b:s22+s3] =	stream.linear.scatter [tilespmem:s13], [sflag:$0x3], $0x40, $0x38;
	[tilespmem:$0x4100] =	vst v63  }
0x1b0: {  	_ =	swait.ge [sflag:s7], $0x40  }
0x1b1: {  	[sflag:s7] =	ssyncset.done $0x0  }
0x1b2: {  	[sflag:s7] =	ssyncadd.s32 $0xFFFFFFC0  }
0x1b3: {  	_ =	swait.ge [sflag:s14], $0x2000  }
0x1b4: {  	[sflag:s14] =	ssyncset.done $0x0  }
0x1b5: {  	[sflag:s14] =	ssyncadd.s32 $0xFFFFE000  }
0x1b6: {  	v5 =	vld.idx.msk [tilespmem:v5+s12+$0x0], $0xffff;
	_ =	sdelay $0x4  }
0x1b7: {  	[tilespmem:$0x4080] =	vst v5  }
0x1b8: {  	v5 =	vld.idx.msk [tilespmem:v34+s12+$0x0], $0xffff;
	_ =	sdelay $0x4  }
0x1b9: {  	[tilespmem:$0x4090] =	vst v5  }
0x1ba: {  	v5 =	vld.idx.msk [tilespmem:v35+s12+$0x0], $0xffff;
	_ =	sdelay $0x4  }
0x1bb: {  	[tilespmem:$0x40A0] =	vst v5  }
0x1bc: {  	v5 =	vld.idx.msk [tilespmem:v36+s12+$0x0], $0xffff;
	_ =	sdelay $0x4  }
0x1bd: {  	s23 =	sadd.s32 $0x40, s19;
	[tilespmem:$0x40B0] =	vst v5  }
0x1be: {  	[hbm4b:s23+s3] =	stream.linear.scatter [tilespmem:s13], [sflag:$0x3], $0x40, $0x38;
	[tilespmem:$0x4100] =	vst v63  }
0x1bf: {  	v5 =	vsel vm9, $0x0, v4;
	_ =	swait.ge [sflag:s7], $0x40  }
0x1c0: {  	(xrf0) =	vadd.scan.msk.s32 $0xffff, v5;
	_ =	sdelay $0x5  }
0x1c1: {  	v5, _, _ =	vpop (xrf0)  }
0x1c2: {  	(v2sf) =	vpush v5, $0xF;
	_ =	sdelay $0xe  }
0x1c3: {  	s24 =	spop (v2sf)  }
0x1c4: {  	s25 =	sand.u32 $0x7F, s24  }
0x1c5: {  	s26 =	sshra.s32 s24, $0x1F;
	p5 =	slt.s32 s24, $0x1;
	p6 =	sne.s32 s25, $0x0  }
0x1c6: {  	s28 =	sshrl.u32 s26, $0x19;
	p0 =	por !p5, !p6  }
0x1c7: {  	s22 =	simm.s32 $0x1;
	s21 =	sadd.s32 s28, s24;
	p0 =	por !p0, !p0  }
0x1c8: {  	s21 =	sshrl.u32 s21, $0x7;
	s22 =	simm.s32 @!p0 $0x0  }
0x1c9: {  	s21 =	ssub.s32 s21, s22  }
0x1ca: {  	s21 =	sshll.u32 s21, $0x7  }
0x1cb: {  	[sflag:s7] =	ssyncset.done $0x0;
	s29 =	sand.u32 $0x1FFFFF80, s21  }
0x1cc: {  	[sflag:s7] =	ssyncadd.s32 $0xFFFFFFC0;
	s20 =	ssub.s32 s24, s21;
	s30 =	sadd.s32 s1, s29  }
0x1cd: {  	[tilespmem:s11], [sflag:$0x1] =	stream.strided.gather [hbm4b:s30+s9], $0x2000, s10, s9, $0x38;
	[tilespmem:$0x4100] =	vst v63  }
0x1ce: {  	s31 =	sadd.s32 s2, s29;
	v5 =	vadd.s32 s20, v0  }
0x1cf: {  	[tilespmem:s12], [sflag:$0x2] =	stream.strided.gather [hbm4b:s31+s9], $0x2000, s10, s9, $0x38;
	[tilespmem:$0x4100] =	vst v63  }
0x1d0: {  	_ =	swait.ge [sflag:s8], $0x2000  }
0x1d1: {  	[sflag:s8] =	ssyncset.done $0x0  }
0x1d2: {  	[sflag:s8] =	ssyncadd.s32 $0xFFFFE000  }
0x1d3: {  	v37 =	vld.idx.msk [tilespmem:v5+s11+$0x0], $0xffff  }
0x1d4: {  	v38 =	vadd.s32 s20, v1;
	_ =	sdelay $0x3  }
0x1d5: {  	[tilespmem:$0x4080] =	vst v37  }
0x1d6: {  	v6 =	vld.idx.msk [tilespmem:v38+s11+$0x0], $0xffff  }
0x1d7: {  	v39 =	vadd.s32 s20, v2;
	_ =	sdelay $0x3  }
0x1d8: {  	[tilespmem:$0x4090] =	vst v6  }
0x1d9: {  	v6 =	vld.idx.msk [tilespmem:v39+s11+$0x0], $0xffff  }
0x1da: {  	v40 =	vadd.s32 s20, v3;
	_ =	sdelay $0x3  }
0x1db: {  	[tilespmem:$0x40A0] =	vst v6  }
0x1dc: {  	v6 =	vld.idx.msk [tilespmem:v40+s11+$0x0], $0xffff;
	_ =	sdelay $0x4  }
0x1dd: {  	s22 =	sadd.s32 $0x48, s18;
	[tilespmem:$0x40B0] =	vst v6  }
0x1de: {  	[hbm4b:s22+s3] =	stream.linear.scatter [tilespmem:s13], [sflag:$0x3], $0x40, $0x38;
	[tilespmem:$0x4100] =	vst v63  }
0x1df: {  	_ =	swait.ge [sflag:s7], $0x40  }
0x1e0: {  	[sflag:s7] =	ssyncset.done $0x0  }
0x1e1: {  	[sflag:s7] =	ssyncadd.s32 $0xFFFFFFC0  }
0x1e2: {  	_ =	swait.ge [sflag:s14], $0x2000  }
0x1e3: {  	[sflag:s14] =	ssyncset.done $0x0  }
0x1e4: {  	[sflag:s14] =	ssyncadd.s32 $0xFFFFE000  }
0x1e5: {  	v5 =	vld.idx.msk [tilespmem:v5+s12+$0x0], $0xffff;
	_ =	sdelay $0x4  }
0x1e6: {  	[tilespmem:$0x4080] =	vst v5  }
0x1e7: {  	v5 =	vld.idx.msk [tilespmem:v38+s12+$0x0], $0xffff;
	_ =	sdelay $0x4  }
0x1e8: {  	[tilespmem:$0x4090] =	vst v5  }
0x1e9: {  	v5 =	vld.idx.msk [tilespmem:v39+s12+$0x0], $0xffff;
	_ =	sdelay $0x4  }
0x1ea: {  	[tilespmem:$0x40A0] =	vst v5  }
0x1eb: {  	v5 =	vld.idx.msk [tilespmem:v40+s12+$0x0], $0xffff;
	_ =	sdelay $0x4  }
0x1ec: {  	s23 =	sadd.s32 $0x48, s19;
	[tilespmem:$0x40B0] =	vst v5  }
0x1ed: {  	[hbm4b:s23+s3] =	stream.linear.scatter [tilespmem:s13], [sflag:$0x3], $0x40, $0x38;
	[tilespmem:$0x4100] =	vst v63  }
0x1ee: {  	v5 =	vsel vm10, $0x0, v4;
	_ =	swait.ge [sflag:s7], $0x40  }
0x1ef: {  	(xrf0) =	vadd.scan.msk.s32 $0xffff, v5;
	_ =	sdelay $0x5  }
0x1f0: {  	v5, _, _ =	vpop (xrf0)  }
0x1f1: {  	(v2sf) =	vpush v5, $0xF;
	_ =	sdelay $0xe  }
0x1f2: {  	s24 =	spop (v2sf)  }
0x1f3: {  	s25 =	sand.u32 $0x7F, s24  }
0x1f4: {  	s26 =	sshra.s32 s24, $0x1F;
	p1 =	slt.s32 s24, $0x1;
	p2 =	sne.s32 s25, $0x0  }
0x1f5: {  	s28 =	sshrl.u32 s26, $0x19;
	p0 =	por !p1, !p2  }
0x1f6: {  	s22 =	simm.s32 $0x1;
	s21 =	sadd.s32 s28, s24;
	p0 =	por !p0, !p0  }
0x1f7: {  	s21 =	sshrl.u32 s21, $0x7;
	s22 =	simm.s32 @!p0 $0x0  }
0x1f8: {  	s21 =	ssub.s32 s21, s22  }
0x1f9: {  	s21 =	sshll.u32 s21, $0x7  }
0x1fa: {  	[sflag:s7] =	ssyncset.done $0x0;
	s29 =	sand.u32 $0x1FFFFF80, s21  }
0x1fb: {  	[sflag:s7] =	ssyncadd.s32 $0xFFFFFFC0;
	s20 =	ssub.s32 s24, s21;
	s30 =	sadd.s32 s1, s29  }
0x1fc: {  	[tilespmem:s11], [sflag:$0x1] =	stream.strided.gather [hbm4b:s30+s9], $0x2000, s10, s9, $0x38;
	[tilespmem:$0x4100] =	vst v63  }
0x1fd: {  	s31 =	sadd.s32 s2, s29;
	v5 =	vadd.s32 s20, v0  }
0x1fe: {  	[tilespmem:s12], [sflag:$0x2] =	stream.strided.gather [hbm4b:s31+s9], $0x2000, s10, s9, $0x38;
	[tilespmem:$0x4100] =	vst v63  }
0x1ff: {  	_ =	swait.ge [sflag:s8], $0x2000  }
0x200: {  	[sflag:s8] =	ssyncset.done $0x0  }
0x201: {  	[sflag:s8] =	ssyncadd.s32 $0xFFFFE000  }
0x202: {  	v41 =	vld.idx.msk [tilespmem:v5+s11+$0x0], $0xffff  }
0x203: {  	v42 =	vadd.s32 s20, v1;
	_ =	sdelay $0x3  }
0x204: {  	[tilespmem:$0x4080] =	vst v41  }
0x205: {  	v6 =	vld.idx.msk [tilespmem:v42+s11+$0x0], $0xffff  }
0x206: {  	v43 =	vadd.s32 s20, v2;
	_ =	sdelay $0x3  }
0x207: {  	[tilespmem:$0x4090] =	vst v6  }
0x208: {  	v6 =	vld.idx.msk [tilespmem:v43+s11+$0x0], $0xffff  }
0x209: {  	v44 =	vadd.s32 s20, v3;
	_ =	sdelay $0x3  }
0x20a: {  	[tilespmem:$0x40A0] =	vst v6  }
0x20b: {  	v6 =	vld.idx.msk [tilespmem:v44+s11+$0x0], $0xffff;
	_ =	sdelay $0x4  }
0x20c: {  	s22 =	sadd.s32 $0x50, s18;
	[tilespmem:$0x40B0] =	vst v6  }
0x20d: {  	[hbm4b:s22+s3] =	stream.linear.scatter [tilespmem:s13], [sflag:$0x3], $0x40, $0x38;
	[tilespmem:$0x4100] =	vst v63  }
0x20e: {  	_ =	swait.ge [sflag:s7], $0x40  }
0x20f: {  	[sflag:s7] =	ssyncset.done $0x0  }
0x210: {  	[sflag:s7] =	ssyncadd.s32 $0xFFFFFFC0  }
0x211: {  	_ =	swait.ge [sflag:s14], $0x2000  }
0x212: {  	[sflag:s14] =	ssyncset.done $0x0  }
0x213: {  	[sflag:s14] =	ssyncadd.s32 $0xFFFFE000  }
0x214: {  	v5 =	vld.idx.msk [tilespmem:v5+s12+$0x0], $0xffff;
	_ =	sdelay $0x4  }
0x215: {  	[tilespmem:$0x4080] =	vst v5  }
0x216: {  	v5 =	vld.idx.msk [tilespmem:v42+s12+$0x0], $0xffff;
	_ =	sdelay $0x4  }
0x217: {  	[tilespmem:$0x4090] =	vst v5  }
0x218: {  	v5 =	vld.idx.msk [tilespmem:v43+s12+$0x0], $0xffff;
	_ =	sdelay $0x4  }
0x219: {  	[tilespmem:$0x40A0] =	vst v5  }
0x21a: {  	v5 =	vld.idx.msk [tilespmem:v44+s12+$0x0], $0xffff;
	_ =	sdelay $0x4  }
0x21b: {  	s23 =	sadd.s32 $0x50, s19;
	[tilespmem:$0x40B0] =	vst v5  }
0x21c: {  	[hbm4b:s23+s3] =	stream.linear.scatter [tilespmem:s13], [sflag:$0x3], $0x40, $0x38;
	[tilespmem:$0x4100] =	vst v63  }
0x21d: {  	v5 =	vsel vm11, $0x0, v4;
	_ =	swait.ge [sflag:s7], $0x40  }
0x21e: {  	(xrf0) =	vadd.scan.msk.s32 $0xffff, v5;
	_ =	sdelay $0x5  }
0x21f: {  	v5, _, _ =	vpop (xrf0)  }
0x220: {  	(v2sf) =	vpush v5, $0xF;
	_ =	sdelay $0xe  }
0x221: {  	s24 =	spop (v2sf)  }
0x222: {  	s25 =	sand.u32 $0x7F, s24  }
0x223: {  	s26 =	sshra.s32 s24, $0x1F;
	p3 =	slt.s32 s24, $0x1;
	p4 =	sne.s32 s25, $0x0  }
0x224: {  	s28 =	sshrl.u32 s26, $0x19;
	p0 =	por !p3, !p4  }
0x225: {  	s22 =	simm.s32 $0x1;
	s21 =	sadd.s32 s28, s24;
	p0 =	por !p0, !p0  }
0x226: {  	s21 =	sshrl.u32 s21, $0x7;
	s22 =	simm.s32 @!p0 $0x0  }
0x227: {  	s21 =	ssub.s32 s21, s22  }
0x228: {  	s21 =	sshll.u32 s21, $0x7  }
0x229: {  	[sflag:s7] =	ssyncset.done $0x0;
	s29 =	sand.u32 $0x1FFFFF80, s21  }
0x22a: {  	[sflag:s7] =	ssyncadd.s32 $0xFFFFFFC0;
	s20 =	ssub.s32 s24, s21;
	s30 =	sadd.s32 s1, s29  }
0x22b: {  	[tilespmem:s11], [sflag:$0x1] =	stream.strided.gather [hbm4b:s30+s9], $0x2000, s10, s9, $0x38;
	[tilespmem:$0x4100] =	vst v63  }
0x22c: {  	s31 =	sadd.s32 s2, s29;
	v5 =	vadd.s32 s20, v0  }
0x22d: {  	[tilespmem:s12], [sflag:$0x2] =	stream.strided.gather [hbm4b:s31+s9], $0x2000, s10, s9, $0x38;
	[tilespmem:$0x4100] =	vst v63  }
0x22e: {  	_ =	swait.ge [sflag:s8], $0x2000  }
0x22f: {  	[sflag:s8] =	ssyncset.done $0x0  }
0x230: {  	[sflag:s8] =	ssyncadd.s32 $0xFFFFE000  }
0x231: {  	v45 =	vld.idx.msk [tilespmem:v5+s11+$0x0], $0xffff  }
0x232: {  	v46 =	vadd.s32 s20, v1;
	_ =	sdelay $0x3  }
0x233: {  	[tilespmem:$0x4080] =	vst v45  }
0x234: {  	v6 =	vld.idx.msk [tilespmem:v46+s11+$0x0], $0xffff  }
0x235: {  	v47 =	vadd.s32 s20, v2;
	_ =	sdelay $0x3  }
0x236: {  	[tilespmem:$0x4090] =	vst v6  }
0x237: {  	v6 =	vld.idx.msk [tilespmem:v47+s11+$0x0], $0xffff  }
0x238: {  	v48 =	vadd.s32 s20, v3;
	_ =	sdelay $0x3  }
0x239: {  	[tilespmem:$0x40A0] =	vst v6  }
0x23a: {  	v6 =	vld.idx.msk [tilespmem:v48+s11+$0x0], $0xffff;
	_ =	sdelay $0x4  }
0x23b: {  	s22 =	sadd.s32 $0x58, s18;
	[tilespmem:$0x40B0] =	vst v6  }
0x23c: {  	[hbm4b:s22+s3] =	stream.linear.scatter [tilespmem:s13], [sflag:$0x3], $0x40, $0x38;
	[tilespmem:$0x4100] =	vst v63  }
0x23d: {  	_ =	swait.ge [sflag:s7], $0x40  }
0x23e: {  	[sflag:s7] =	ssyncset.done $0x0  }
0x23f: {  	[sflag:s7] =	ssyncadd.s32 $0xFFFFFFC0  }
0x240: {  	_ =	swait.ge [sflag:s14], $0x2000  }
0x241: {  	[sflag:s14] =	ssyncset.done $0x0  }
0x242: {  	[sflag:s14] =	ssyncadd.s32 $0xFFFFE000  }
0x243: {  	v5 =	vld.idx.msk [tilespmem:v5+s12+$0x0], $0xffff;
	_ =	sdelay $0x4  }
0x244: {  	[tilespmem:$0x4080] =	vst v5  }
0x245: {  	v5 =	vld.idx.msk [tilespmem:v46+s12+$0x0], $0xffff;
	_ =	sdelay $0x4  }
0x246: {  	[tilespmem:$0x4090] =	vst v5  }
0x247: {  	v5 =	vld.idx.msk [tilespmem:v47+s12+$0x0], $0xffff;
	_ =	sdelay $0x4  }
0x248: {  	[tilespmem:$0x40A0] =	vst v5  }
0x249: {  	v5 =	vld.idx.msk [tilespmem:v48+s12+$0x0], $0xffff;
	_ =	sdelay $0x4  }
0x24a: {  	s23 =	sadd.s32 $0x58, s19;
	[tilespmem:$0x40B0] =	vst v5  }
0x24b: {  	[hbm4b:s23+s3] =	stream.linear.scatter [tilespmem:s13], [sflag:$0x3], $0x40, $0x38;
	[tilespmem:$0x4100] =	vst v63  }
0x24c: {  	v5 =	vsel vm12, $0x0, v4;
	_ =	swait.ge [sflag:s7], $0x40  }
0x24d: {  	(xrf0) =	vadd.scan.msk.s32 $0xffff, v5;
	_ =	sdelay $0x5  }
0x24e: {  	v5, _, _ =	vpop (xrf0)  }
0x24f: {  	(v2sf) =	vpush v5, $0xF;
	_ =	sdelay $0xe  }
0x250: {  	s24 =	spop (v2sf)  }
0x251: {  	s25 =	sand.u32 $0x7F, s24  }
0x252: {  	s26 =	sshra.s32 s24, $0x1F;
	p5 =	slt.s32 s24, $0x1;
	p6 =	sne.s32 s25, $0x0  }
0x253: {  	s28 =	sshrl.u32 s26, $0x19;
	p0 =	por !p5, !p6  }
0x254: {  	s22 =	simm.s32 $0x1;
	s21 =	sadd.s32 s28, s24;
	p0 =	por !p0, !p0  }
0x255: {  	s21 =	sshrl.u32 s21, $0x7;
	s22 =	simm.s32 @!p0 $0x0  }
0x256: {  	s21 =	ssub.s32 s21, s22  }
0x257: {  	s21 =	sshll.u32 s21, $0x7  }
0x258: {  	[sflag:s7] =	ssyncset.done $0x0;
	s29 =	sand.u32 $0x1FFFFF80, s21  }
0x259: {  	[sflag:s7] =	ssyncadd.s32 $0xFFFFFFC0;
	s20 =	ssub.s32 s24, s21;
	s30 =	sadd.s32 s1, s29  }
0x25a: {  	[tilespmem:s11], [sflag:$0x1] =	stream.strided.gather [hbm4b:s30+s9], $0x2000, s10, s9, $0x38;
	[tilespmem:$0x4100] =	vst v63  }
0x25b: {  	s31 =	sadd.s32 s2, s29;
	v5 =	vadd.s32 s20, v0  }
0x25c: {  	[tilespmem:s12], [sflag:$0x2] =	stream.strided.gather [hbm4b:s31+s9], $0x2000, s10, s9, $0x38;
	[tilespmem:$0x4100] =	vst v63  }
0x25d: {  	_ =	swait.ge [sflag:s8], $0x2000  }
0x25e: {  	[sflag:s8] =	ssyncset.done $0x0  }
0x25f: {  	[sflag:s8] =	ssyncadd.s32 $0xFFFFE000  }
0x260: {  	v49 =	vld.idx.msk [tilespmem:v5+s11+$0x0], $0xffff  }
0x261: {  	v50 =	vadd.s32 s20, v1;
	_ =	sdelay $0x3  }
0x262: {  	[tilespmem:$0x4080] =	vst v49  }
0x263: {  	v6 =	vld.idx.msk [tilespmem:v50+s11+$0x0], $0xffff  }
0x264: {  	v51 =	vadd.s32 s20, v2;
	_ =	sdelay $0x3  }
0x265: {  	[tilespmem:$0x4090] =	vst v6  }
0x266: {  	v6 =	vld.idx.msk [tilespmem:v51+s11+$0x0], $0xffff  }
0x267: {  	v52 =	vadd.s32 s20, v3;
	_ =	sdelay $0x3  }
0x268: {  	[tilespmem:$0x40A0] =	vst v6  }
0x269: {  	v6 =	vld.idx.msk [tilespmem:v52+s11+$0x0], $0xffff;
	_ =	sdelay $0x4  }
0x26a: {  	s22 =	sadd.s32 $0x60, s18;
	[tilespmem:$0x40B0] =	vst v6  }
0x26b: {  	[hbm4b:s22+s3] =	stream.linear.scatter [tilespmem:s13], [sflag:$0x3], $0x40, $0x38;
	[tilespmem:$0x4100] =	vst v63  }
0x26c: {  	_ =	swait.ge [sflag:s7], $0x40  }
0x26d: {  	[sflag:s7] =	ssyncset.done $0x0  }
0x26e: {  	[sflag:s7] =	ssyncadd.s32 $0xFFFFFFC0  }
0x26f: {  	_ =	swait.ge [sflag:s14], $0x2000  }
0x270: {  	[sflag:s14] =	ssyncset.done $0x0  }
0x271: {  	[sflag:s14] =	ssyncadd.s32 $0xFFFFE000  }
0x272: {  	v5 =	vld.idx.msk [tilespmem:v5+s12+$0x0], $0xffff;
	_ =	sdelay $0x4  }
0x273: {  	[tilespmem:$0x4080] =	vst v5  }
0x274: {  	v5 =	vld.idx.msk [tilespmem:v50+s12+$0x0], $0xffff;
	_ =	sdelay $0x4  }
0x275: {  	[tilespmem:$0x4090] =	vst v5  }
0x276: {  	v5 =	vld.idx.msk [tilespmem:v51+s12+$0x0], $0xffff;
	_ =	sdelay $0x4  }
0x277: {  	[tilespmem:$0x40A0] =	vst v5  }
0x278: {  	v5 =	vld.idx.msk [tilespmem:v52+s12+$0x0], $0xffff;
	_ =	sdelay $0x4  }
0x279: {  	s23 =	sadd.s32 $0x60, s19;
	[tilespmem:$0x40B0] =	vst v5  }
0x27a: {  	[hbm4b:s23+s3] =	stream.linear.scatter [tilespmem:s13], [sflag:$0x3], $0x40, $0x38;
	[tilespmem:$0x4100] =	vst v63  }
0x27b: {  	v5 =	vsel vm13, $0x0, v4;
	_ =	swait.ge [sflag:s7], $0x40  }
0x27c: {  	(xrf0) =	vadd.scan.msk.s32 $0xffff, v5;
	_ =	sdelay $0x5  }
0x27d: {  	v5, _, _ =	vpop (xrf0)  }
0x27e: {  	(v2sf) =	vpush v5, $0xF;
	_ =	sdelay $0xe  }
0x27f: {  	s24 =	spop (v2sf)  }
0x280: {  	s25 =	sand.u32 $0x7F, s24  }
0x281: {  	s26 =	sshra.s32 s24, $0x1F;
	p1 =	slt.s32 s24, $0x1;
	p2 =	sne.s32 s25, $0x0  }
0x282: {  	s28 =	sshrl.u32 s26, $0x19;
	p0 =	por !p1, !p2  }
0x283: {  	s22 =	simm.s32 $0x1;
	s21 =	sadd.s32 s28, s24;
	p0 =	por !p0, !p0  }
0x284: {  	s21 =	sshrl.u32 s21, $0x7;
	s22 =	simm.s32 @!p0 $0x0  }
0x285: {  	s21 =	ssub.s32 s21, s22  }
0x286: {  	s21 =	sshll.u32 s21, $0x7  }
0x287: {  	[sflag:s7] =	ssyncset.done $0x0;
	s29 =	sand.u32 $0x1FFFFF80, s21  }
0x288: {  	[sflag:s7] =	ssyncadd.s32 $0xFFFFFFC0;
	s20 =	ssub.s32 s24, s21;
	s30 =	sadd.s32 s1, s29  }
0x289: {  	[tilespmem:s11], [sflag:$0x1] =	stream.strided.gather [hbm4b:s30+s9], $0x2000, s10, s9, $0x38;
	[tilespmem:$0x4100] =	vst v63  }
0x28a: {  	s31 =	sadd.s32 s2, s29;
	v5 =	vadd.s32 s20, v0  }
0x28b: {  	[tilespmem:s12], [sflag:$0x2] =	stream.strided.gather [hbm4b:s31+s9], $0x2000, s10, s9, $0x38;
	[tilespmem:$0x4100] =	vst v63  }
0x28c: {  	_ =	swait.ge [sflag:s8], $0x2000  }
0x28d: {  	[sflag:s8] =	ssyncset.done $0x0  }
0x28e: {  	[sflag:s8] =	ssyncadd.s32 $0xFFFFE000  }
0x28f: {  	v53 =	vld.idx.msk [tilespmem:v5+s11+$0x0], $0xffff  }
0x290: {  	v54 =	vadd.s32 s20, v1;
	_ =	sdelay $0x3  }
0x291: {  	[tilespmem:$0x4080] =	vst v53  }
0x292: {  	v6 =	vld.idx.msk [tilespmem:v54+s11+$0x0], $0xffff  }
0x293: {  	v55 =	vadd.s32 s20, v2;
	_ =	sdelay $0x3  }
0x294: {  	[tilespmem:$0x4090] =	vst v6  }
0x295: {  	v6 =	vld.idx.msk [tilespmem:v55+s11+$0x0], $0xffff  }
0x296: {  	v56 =	vadd.s32 s20, v3;
	_ =	sdelay $0x3  }
0x297: {  	[tilespmem:$0x40A0] =	vst v6  }
0x298: {  	v6 =	vld.idx.msk [tilespmem:v56+s11+$0x0], $0xffff;
	_ =	sdelay $0x4  }
0x299: {  	s22 =	sadd.s32 $0x68, s18;
	[tilespmem:$0x40B0] =	vst v6  }
0x29a: {  	[hbm4b:s22+s3] =	stream.linear.scatter [tilespmem:s13], [sflag:$0x3], $0x40, $0x38;
	[tilespmem:$0x4100] =	vst v63  }
0x29b: {  	_ =	swait.ge [sflag:s7], $0x40  }
0x29c: {  	[sflag:s7] =	ssyncset.done $0x0  }
0x29d: {  	[sflag:s7] =	ssyncadd.s32 $0xFFFFFFC0  }
0x29e: {  	_ =	swait.ge [sflag:s14], $0x2000  }
0x29f: {  	[sflag:s14] =	ssyncset.done $0x0  }
0x2a0: {  	[sflag:s14] =	ssyncadd.s32 $0xFFFFE000  }
0x2a1: {  	v5 =	vld.idx.msk [tilespmem:v5+s12+$0x0], $0xffff;
	_ =	sdelay $0x4  }
0x2a2: {  	[tilespmem:$0x4080] =	vst v5  }
0x2a3: {  	v5 =	vld.idx.msk [tilespmem:v54+s12+$0x0], $0xffff;
	_ =	sdelay $0x4  }
0x2a4: {  	[tilespmem:$0x4090] =	vst v5  }
0x2a5: {  	v5 =	vld.idx.msk [tilespmem:v55+s12+$0x0], $0xffff;
	_ =	sdelay $0x4  }
0x2a6: {  	[tilespmem:$0x40A0] =	vst v5  }
0x2a7: {  	v5 =	vld.idx.msk [tilespmem:v56+s12+$0x0], $0xffff;
	_ =	sdelay $0x4  }
0x2a8: {  	s23 =	sadd.s32 $0x68, s19;
	[tilespmem:$0x40B0] =	vst v5  }
0x2a9: {  	[hbm4b:s23+s3] =	stream.linear.scatter [tilespmem:s13], [sflag:$0x3], $0x40, $0x38;
	[tilespmem:$0x4100] =	vst v63  }
0x2aa: {  	v5 =	vsel vm14, $0x0, v4;
	_ =	swait.ge [sflag:s7], $0x40  }
0x2ab: {  	(xrf0) =	vadd.scan.msk.s32 $0xffff, v5;
	_ =	sdelay $0x5  }
0x2ac: {  	v5, _, _ =	vpop (xrf0)  }
0x2ad: {  	(v2sf) =	vpush v5, $0xF;
	_ =	sdelay $0xe  }
0x2ae: {  	s24 =	spop (v2sf)  }
0x2af: {  	s25 =	sand.u32 $0x7F, s24  }
0x2b0: {  	s26 =	sshra.s32 s24, $0x1F;
	p3 =	slt.s32 s24, $0x1;
	p4 =	sne.s32 s25, $0x0  }
0x2b1: {  	s28 =	sshrl.u32 s26, $0x19;
	p0 =	por !p3, !p4  }
0x2b2: {  	s22 =	simm.s32 $0x1;
	s21 =	sadd.s32 s28, s24;
	p0 =	por !p0, !p0  }
0x2b3: {  	s21 =	sshrl.u32 s21, $0x7;
	s22 =	simm.s32 @!p0 $0x0  }
0x2b4: {  	s21 =	ssub.s32 s21, s22  }
0x2b5: {  	s21 =	sshll.u32 s21, $0x7  }
0x2b6: {  	[sflag:s7] =	ssyncset.done $0x0;
	s29 =	sand.u32 $0x1FFFFF80, s21  }
0x2b7: {  	[sflag:s7] =	ssyncadd.s32 $0xFFFFFFC0;
	s20 =	ssub.s32 s24, s21;
	s30 =	sadd.s32 s1, s29  }
0x2b8: {  	[tilespmem:s11], [sflag:$0x1] =	stream.strided.gather [hbm4b:s30+s9], $0x2000, s10, s9, $0x38;
	[tilespmem:$0x4100] =	vst v63  }
0x2b9: {  	s31 =	sadd.s32 s2, s29;
	v5 =	vadd.s32 s20, v0  }
0x2ba: {  	[tilespmem:s12], [sflag:$0x2] =	stream.strided.gather [hbm4b:s31+s9], $0x2000, s10, s9, $0x38;
	[tilespmem:$0x4100] =	vst v63  }
0x2bb: {  	_ =	swait.ge [sflag:s8], $0x2000  }
0x2bc: {  	[sflag:s8] =	ssyncset.done $0x0  }
0x2bd: {  	[sflag:s8] =	ssyncadd.s32 $0xFFFFE000  }
0x2be: {  	v57 =	vld.idx.msk [tilespmem:v5+s11+$0x0], $0xffff  }
0x2bf: {  	v58 =	vadd.s32 s20, v1;
	_ =	sdelay $0x3  }
0x2c0: {  	[tilespmem:$0x4080] =	vst v57  }
0x2c1: {  	v6 =	vld.idx.msk [tilespmem:v58+s11+$0x0], $0xffff  }
0x2c2: {  	v59 =	vadd.s32 s20, v2;
	_ =	sdelay $0x3  }
0x2c3: {  	[tilespmem:$0x4090] =	vst v6  }
0x2c4: {  	v6 =	vld.idx.msk [tilespmem:v59+s11+$0x0], $0xffff  }
0x2c5: {  	v60 =	vadd.s32 s20, v3;
	_ =	sdelay $0x3  }
0x2c6: {  	[tilespmem:$0x40A0] =	vst v6  }
0x2c7: {  	v6 =	vld.idx.msk [tilespmem:v60+s11+$0x0], $0xffff;
	_ =	sdelay $0x4  }
0x2c8: {  	s21 =	sadd.s32 $0x70, s18;
	[tilespmem:$0x40B0] =	vst v6  }
0x2c9: {  	[hbm4b:s21+s3] =	stream.linear.scatter [tilespmem:s13], [sflag:$0x3], $0x40, $0x38;
	[tilespmem:$0x4100] =	vst v63  }
0x2ca: {  	_ =	swait.ge [sflag:s7], $0x40  }
0x2cb: {  	[sflag:s7] =	ssyncset.done $0x0  }
0x2cc: {  	[sflag:s7] =	ssyncadd.s32 $0xFFFFFFC0  }
0x2cd: {  	_ =	swait.ge [sflag:s14], $0x2000  }
0x2ce: {  	[sflag:s14] =	ssyncset.done $0x0  }
0x2cf: {  	[sflag:s14] =	ssyncadd.s32 $0xFFFFE000  }
0x2d0: {  	v5 =	vld.idx.msk [tilespmem:v5+s12+$0x0], $0xffff;
	_ =	sdelay $0x4  }
0x2d1: {  	[tilespmem:$0x4080] =	vst v5  }
0x2d2: {  	v5 =	vld.idx.msk [tilespmem:v58+s12+$0x0], $0xffff;
	_ =	sdelay $0x4  }
0x2d3: {  	[tilespmem:$0x4090] =	vst v5  }
0x2d4: {  	v5 =	vld.idx.msk [tilespmem:v59+s12+$0x0], $0xffff;
	_ =	sdelay $0x4  }
0x2d5: {  	[tilespmem:$0x40A0] =	vst v5  }
0x2d6: {  	v5 =	vld.idx.msk [tilespmem:v60+s12+$0x0], $0xffff;
	_ =	sdelay $0x4  }
0x2d7: {  	s22 =	sadd.s32 $0x70, s19;
	[tilespmem:$0x40B0] =	vst v5  }
0x2d8: {  	[hbm4b:s22+s3] =	stream.linear.scatter [tilespmem:s13], [sflag:$0x3], $0x40, $0x38;
	[tilespmem:$0x4100] =	vst v63  }
0x2d9: {  	v4 =	vsel vm15, $0x0, v4;
	_ =	swait.ge [sflag:s7], $0x40  }
0x2da: {  	(xrf0) =	vadd.scan.msk.s32 $0xffff, v4;
	_ =	sdelay $0x5  }
0x2db: {  	v4, _, _ =	vpop (xrf0)  }
0x2dc: {  	(v2sf) =	vpush v4, $0xF;
	_ =	sdelay $0xe  }
0x2dd: {  	s23 =	spop (v2sf)  }
0x2de: {  	s24 =	sand.u32 $0x7F, s23  }
0x2df: {  	s25 =	sshra.s32 s23, $0x1F;
	p5 =	slt.s32 s23, $0x1;
	p6 =	sne.s32 s24, $0x0  }
0x2e0: {  	s26 =	sshrl.u32 s25, $0x19;
	p0 =	por !p5, !p6  }
0x2e1: {  	s22 =	simm.s32 $0x1;
	s21 =	sadd.s32 s26, s23;
	p0 =	por !p0, !p0  }
0x2e2: {  	s21 =	sshrl.u32 s21, $0x7;
	s22 =	simm.s32 @!p0 $0x0  }
0x2e3: {  	s21 =	ssub.s32 s21, s22  }
0x2e4: {  	s21 =	sshll.u32 s21, $0x7  }
0x2e5: {  	[sflag:s7] =	ssyncset.done $0x0;
	s28 =	sand.u32 $0x1FFFFF80, s21  }
0x2e6: {  	[sflag:s7] =	ssyncadd.s32 $0xFFFFFFC0;
	s20 =	ssub.s32 s23, s21;
	s29 =	sadd.s32 s1, s28  }
0x2e7: {  	[tilespmem:s11], [sflag:$0x1] =	stream.strided.gather [hbm4b:s29+s9], $0x2000, s10, s9, $0x38;
	[tilespmem:$0x4100] =	vst v63  }
0x2e8: {  	s30 =	sadd.s32 s2, s28;
	v4 =	vadd.s32 s20, v0  }
0x2e9: {  	[tilespmem:s12], [sflag:$0x2] =	stream.strided.gather [hbm4b:s30+s9], $0x2000, s10, s9, $0x38;
	[tilespmem:$0x4100] =	vst v63  }
0x2ea: {  	_ =	swait.ge [sflag:s8], $0x2000  }
0x2eb: {  	[sflag:s8] =	ssyncset.done $0x0  }
0x2ec: {  	[sflag:s8] =	ssyncadd.s32 $0xFFFFE000  }
0x2ed: {  	v5 =	vld.idx.msk [tilespmem:v4+s11+$0x0], $0xffff  }
0x2ee: {  	v61 =	vadd.s32 s20, v1;
	_ =	sdelay $0x3  }
0x2ef: {  	[tilespmem:$0x4080] =	vst v5  }
0x2f0: {  	v5 =	vld.idx.msk [tilespmem:v61+s11+$0x0], $0xffff  }
0x2f1: {  	v62 =	vadd.s32 s20, v2;
	_ =	sdelay $0x3  }
0x2f2: {  	[tilespmem:$0x4090] =	vst v5  }
0x2f3: {  	v5 =	vld.idx.msk [tilespmem:v62+s11+$0x0], $0xffff  }
0x2f4: {  	v63 =	vadd.s32 s20, v3;
	_ =	sdelay $0x3  }
0x2f5: {  	[tilespmem:$0x40A0] =	vst v5  }
0x2f6: {  	v5 =	vld.idx.msk [tilespmem:v63+s11+$0x0], $0xffff;
	_ =	sdelay $0x4  }
0x2f7: {  	s18 =	sadd.s32 $0x78, s18;
	[tilespmem:$0x40B0] =	vst v5  }
0x2f8: {  	[hbm4b:s18+s3] =	stream.linear.scatter [tilespmem:s13], [sflag:$0x3], $0x40, $0x38;
	[tilespmem:$0x4100] =	vst v63  }
0x2f9: {  	_ =	swait.ge [sflag:s7], $0x40  }
0x2fa: {  	[sflag:s7] =	ssyncset.done $0x0  }
0x2fb: {  	[sflag:s7] =	ssyncadd.s32 $0xFFFFFFC0  }
0x2fc: {  	_ =	swait.ge [sflag:s14], $0x2000  }
0x2fd: {  	[sflag:s14] =	ssyncset.done $0x0  }
0x2fe: {  	[sflag:s14] =	ssyncadd.s32 $0xFFFFE000  }
0x2ff: {  	v4 =	vld.idx.msk [tilespmem:v4+s12+$0x0], $0xffff;
	_ =	sdelay $0x4  }
0x300: {  	[tilespmem:$0x4080] =	vst v4  }
0x301: {  	v4 =	vld.idx.msk [tilespmem:v61+s12+$0x0], $0xffff;
	_ =	sdelay $0x4  }
0x302: {  	[tilespmem:$0x4090] =	vst v4  }
0x303: {  	v4 =	vld.idx.msk [tilespmem:v62+s12+$0x0], $0xffff;
	_ =	sdelay $0x4  }
0x304: {  	[tilespmem:$0x40A0] =	vst v4  }
0x305: {  	v4 =	vld.idx.msk [tilespmem:v63+s12+$0x0], $0xffff;
	_ =	sdelay $0x3  }
0x306: {  	p0 =	sne.s32 s17, $0x380  }
.Ltmp0:
0x307: {  	s31 =	sadd.s32 $0x78, s19;
	[tilespmem:$0x40B0] =	vst v4;
	(pc) =	sbr.rel @p0 .LBB2_2-.Ltmp0, $4  }
0x308: {  	[hbm4b:s31+s3] =	stream.linear.scatter [tilespmem:s13], [sflag:$0x3], $0x40, $0x38;
	[tilespmem:$0x4100] =	vst v63  }
0x309: {  	_ =	swait.ge [sflag:s7], $0x40  }
0x30a: {  	[sflag:s7] =	ssyncset.done $0x0  }
0x30b: {  	s16 =	sadd.s32 $0x10, s16;
	s17 =	sadd.s32 $0x80, s17;
	[sflag:s7] =	ssyncadd.s32 $0xFFFFFFC0  }
0x30c: {  	s15 =	sadd.s32 $0x1, s15  }
0x30d: {  	p0 =	sne.s32 s15, s6  }
.Ltmp1:
0x30e: {  	_ = 	snop;
	(pc) =	sbr.rel @p0 .LBB2_1-.Ltmp1, $1  }
0x30f: {  	_ =	sdelay $0x3  }
0x310: {  	_ =	sfence.sel $0x180000  }
0x311: {  	[bflag:$0x0] =	sbarrier.arrive $0xFFFF  }
0x312: {  	p0 =	sne.s32 s4, $0x0;
	_ =	strace $0x90000047  }
0x313: {  	s0 =	sadd.s32 @!p0 $0x100000, s0;
	[bflag:$0x2] =	sbarrier.arrive $0xFFFF  }
0x314: {  	[sflag:s0] =	ssyncadd.tile.s32 @!p0 $0x1;
	_ =	shalt  }
.Lfunc_end2:
_tile_overlayer_lowered:
.L_overlay_start_2:
0x315: {  	(tag) =	ssettag $0x2  }
0x316: {  	s0 =	rddreg [dreg:$0x0];
	s2 =	stileid.u32  }
0x317: {  	s1 =	rddreg [dreg:$0x1];
	p0 =	sne.s32 s2, $0x0  }
0x318: {  	s3 =	rddreg [dreg:$0x2];
	[bflag:$0x3] =	sbarrier.arrive $0xFFFF;
	s2 =	simm.s32 @!p0 $0x1C03  }
0x319: {  	[timem:s3], [sflag:s2] =	dma.local @!p0 [hbm:s0], s1  }
0x31a: {  	s0 =	simm.s32 @!p0 $0x3  }
0x31b: {  	_ =	swait.ge @!p0 [sflag:s0], s1  }
0x31c: {  	s1 =	ssub.s32 @!p0 $0x0, s1;
	[sflag:s0] =	ssyncset.done @!p0 $0x0  }
0x31d: {  	[sflag:s0] =	ssyncadd.s32 @!p0 s1  }
0x31e: {  	[bflag:$0x3] =	sbarrier.arrive $0xFFFF  }
0x31f: {  	_ =	shalt  }

// kernel: kernel.9.cloned.1.call-start
scs
__scs_entry_jumppad:
0x0: {  	(pc) =	sbr.rel $0x88, $3  }
0x1: {  	(tag) =	ssettag $0x0;
	lr =	simm.s32 $0x1  }
0x2: {  	[smem:$0x3F97] =	sst lr;
	_ =	strace $0xD0000000  }
0x3: {  	_ = 	snop  }
0x4: {  	_ = 	snop  }
0x5: {  	_ = 	snop  }
0x6: {  	_ = 	snop  }
0x7: {  	_ = 	snop  }
__scs_overlays_trampoline_lowered:
0x8: {  	[smem:$0x3FA6] =	sst s0  }
0x9: {  	[smem:$0x3FA7] =	sst s1  }
0xa: {  	[smem:$0x3FA8] =	sst s2  }
0xb: {  	[smem:$0x3FA9] =	sst s3  }
0xc: {  	[smem:$0x3FAA] =	sst s4  }
0xd: {  	[smem:$0x3FAB] =	sst s5  }
0xe: {  	[smem:$0x3FAC] =	sst s6  }
0xf: {  	[smem:$0x3FAD] =	sst s7  }
0x10: {  	[smem:$0x3FAE] =	sst s8  }
0x11: {  	[smem:$0x3FAF] =	sst s9;
	s0 =	simm.s32 @!p0 $0x0  }
0x12: {  	s1 =	sld [smem:$0x3F95];
	s0 =	simm.s32 @p0 $0x1  }
0x13: {  	[smem:$0x3FB0] =	sst s0;
	s0 =	simm.s32 @!p1 $0x0  }
0x14: {  	s2 =	sld [smem:$0x3F94];
	s0 =	simm.s32 @p1 $0x1  }
0x15: {  	[smem:$0x3FB1] =	sst s0;
	s0 =	simm.s32 @!p2 $0x0  }
0x16: {  	s3 =	sld [smem:$0x3FDB];
	s0 =	simm.s32 @p2 $0x1  }
0x17: {  	s4 =	simm.s32 $0x1BF5;
	[smem:$0x3FB3] =	sst s0  }
0x18: {  	s0 =	sld [smem:$0x3F96];
	_ =	swait.ge [sflag:s4], $0x0  }
0x19: {  	s7 =	sld [smem:$0x3F97]  }
0x1a: {  	s8 =	sadd.s32 $0xFFFFE003, lr  }
0x1b: {  	s9 =	sadd.s32 $0xFFFFFEF7, lr;
	s5 =	simm.s32 $0xFFFFFFFF;
	p2 =	slt.u32 s8, $0xFFFFF086  }
0x1c: {  	p1 =	slt.u32 s9, $0xF7A;
	s5 =	simm.s32 @!p2 $0x0  }
0x1d: {  	s5 =	simm.s32 @p1 $0x1;
	p0 =	seq.s32 s7, s2  }
0x1e: {  	s7 =	smul.u32 @!p0 $0xF7A, s2;
	p2 =	seq.s32 @!p0 s5, $0x0  }
0x1f: {  	s9 =	smul.u32 $0xF7A, s1;
	s8 =	simm.s32 @!p0 $0x1BF5;
	p2 =	por !p2, p0  }
0x20: {  	[sflag:s8] =	ssyncset.s32 @!p0 $0xFFFFF086;
	s6 =	sadd.s32 @!p0 s3, s7;
	s7 =	simm.s32 @!p0 $0x108  }
0x21: {  	s3 =	sadd.s32 s3, s9;
	s6 =	sadd.s32 @!p0 $0x88, s6;
	s7 =	simm.s32 @p2 $0x1082  }
0x22: {  	[simem:s7], [sflag:s8] =	dma.local @!p0 [hbm:s6], $0xF7A  }
0x23: {  	s9 =	sor.u32 $0xD0000000, s2;
	s6 =	simm.s32 $0x108;
	_ =	swait.ge @!p0 [sflag:s8], $0x0  }
0x24: {  	s3 =	sadd.s32 $0x88, s3;
	s6 =	simm.s32 @!p1 $0x1082;
	[sflag:s4] =	ssyncset.s32 $0xFFFFF086  }
0x25: {  	[simem:s6], [sflag:s4] =	dma.local [hbm:s3], $0xF7A  }
0x26: {  	[smem:$0x3F97] =	sst s1;
	(tag) =	ssettag s2;
	_ =	strace s9  }
0x27: {  	s1 =	sld [smem:$0x3FA7]  }
0x28: {  	s2 =	sld [smem:$0x3FA8]  }
0x29: {  	s4 =	sld [smem:$0x3FAA]  }
0x2a: {  	p0 =	seq.s32 s5, $0x0;
	s5 =	sld [smem:$0x3FAB]  }
0x2b: {  	s6 =	sld [smem:$0x3FAC]  }
0x2c: {  	s7 =	sld [smem:$0x3FAD]  }
0x2d: {  	s3 =	simm.s32 $0x108;
	s8 =	sld [smem:$0x3FAE]  }
0x2e: {  	s3 =	simm.s32 @!p0 $0x1082;
	s9 =	sld [smem:$0x3FAF]  }
0x2f: {  	lr =	sadd.s32 s0, s3;
	s0 =	sld [smem:$0x3FA6]  }
0x30: {  	s3 =	sld [smem:$0x3FA9]  }
0x31: {  	[smem:$0x3FB2] =	sst s10  }
0x32: {  	s10 =	sld [smem:$0x3FB0];
	_ =	sdelay $0x3  }
0x33: {  	p0 =	seq.s32 s10, $0x1;
	s10 =	sld [smem:$0x3FB2];
	_ =	sdelay $0x3  }
0x34: {  	[smem:$0x3FB2] =	sst s10  }
0x35: {  	s10 =	sld [smem:$0x3FB1];
	_ =	sdelay $0x3  }
0x36: {  	p1 =	seq.s32 s10, $0x1;
	s10 =	sld [smem:$0x3FB2];
	_ =	sdelay $0x3  }
0x37: {  	[smem:$0x3FB2] =	sst s10  }
0x38: {  	s10 =	sld [smem:$0x3FB3]  }
0x39: {  	_ = 	snop;
	(pc) =	sbr.ind lr, $3  }
0x3a: {  	_ = 	snop  }
0x3b: {  	_ = 	snop  }
0x3c: {  	p2 =	seq.s32 s10, $0x1;
	s10 =	sld [smem:$0x3FB2]  }
0x3d: {  	_ =	shalt  }
0x3e: {  	_ =	shalt  }
0x3f: {  	_ =	shalt  }
0x40: {  	_ =	shalt  }
0x41: {  	_ =	shalt  }
0x42: {  	_ =	shalt  }
0x43: {  	_ =	shalt  }
0x44: {  	_ =	shalt  }
0x45: {  	_ =	shalt  }
0x46: {  	_ =	shalt  }
0x47: {  	_ =	shalt  }
0x48: {  	_ =	shalt  }
0x49: {  	_ =	shalt  }
0x4a: {  	_ =	shalt  }
0x4b: {  	_ =	shalt  }
0x4c: {  	_ =	shalt  }
0x4d: {  	_ =	shalt  }
0x4e: {  	_ =	shalt  }
0x4f: {  	_ =	shalt  }
0x50: {  	_ =	shalt  }
0x51: {  	_ =	shalt  }
0x52: {  	_ =	shalt  }
0x53: {  	_ =	shalt  }
0x54: {  	_ =	shalt  }
0x55: {  	_ =	shalt  }
0x56: {  	_ =	shalt  }
0x57: {  	_ =	shalt  }
0x58: {  	_ =	shalt  }
0x59: {  	_ =	shalt  }
0x5a: {  	_ =	shalt  }
0x5b: {  	_ =	shalt  }
0x5c: {  	_ =	shalt  }
0x5d: {  	_ =	shalt  }
0x5e: {  	_ =	shalt  }
0x5f: {  	_ =	shalt  }
0x60: {  	_ =	shalt  }
0x61: {  	_ =	shalt  }
0x62: {  	_ =	shalt  }
0x63: {  	_ =	shalt  }
0x64: {  	_ =	shalt  }
0x65: {  	_ =	shalt  }
0x66: {  	_ =	shalt  }
0x67: {  	_ =	shalt  }
0x68: {  	_ =	shalt  }
0x69: {  	_ =	shalt  }
0x6a: {  	_ =	shalt  }
0x6b: {  	_ =	shalt  }
0x6c: {  	_ =	shalt  }
0x6d: {  	_ =	shalt  }
0x6e: {  	_ =	shalt  }
0x6f: {  	_ =	shalt  }
0x70: {  	_ =	shalt  }
0x71: {  	_ =	shalt  }
0x72: {  	_ =	shalt  }
0x73: {  	_ =	shalt  }
0x74: {  	_ =	shalt  }
0x75: {  	_ =	shalt  }
0x76: {  	_ =	shalt  }
0x77: {  	_ =	shalt  }
0x78: {  	_ =	shalt  }
0x79: {  	_ =	shalt  }
0x7a: {  	_ =	shalt  }
0x7b: {  	_ =	shalt  }
0x7c: {  	_ =	shalt  }
0x7d: {  	_ =	shalt  }
0x7e: {  	_ =	shalt  }
0x7f: {  	_ =	shalt  }
0x80: {  	_ =	shalt  }
0x81: {  	_ =	shalt  }
0x82: {  	_ =	shalt  }
0x83: {  	_ =	shalt  }
0x84: {  	_ =	shalt  }
0x85: {  	_ =	shalt  }
0x86: {  	_ =	shalt  }
0x87: {  	_ =	shalt  }
.Lfunc_end0:
.L_simem_size_0:
called_computation.2_lowered:
.L_overlay_start_0:
0x88: {  	s2 =	sld [smem:$0x3FD9]  }
0x89: {  	s3 =	sld [smem:$0x3FFE];
	_ =	sdelay $0x1  }
0x8a: {  	s1 =	srdreg.scid  }
0x8b: {  	s0 =	sand.u32 $0x1, s1  }
0x8c: {  	s17 =	sshll.u32 s0, $0xA;
	s2 =	sadd.s32 s3, s2  }
0x8d: {  	s2 =	sadd.s32 s2, s17  }
0x8e: {  	[smem:$0x3FBE] =	sst s2  }
0x8f: {  	_ = 	snop  }
0x90: {  	(tm) =	ssettm $0x1  }
0x91: {  	s18 =	sld [smem:$0x3FFB];
	_ =	sdelay $0x3  }
0x92: {  	_ =	strace s18  }
0x93: {  	s2 =	sld [smem:$0x3FFC];
	_ =	sdelay $0x3  }
0x94: {  	_ =	strace s2  }
0x95: {  	s2 =	sld [smem:$0x3FFD];
	_ =	sdelay $0x3  }
0x96: {  	_ =	strace s2  }
0x97: {  	_ =	strace $0x8FFFFFFF  }
0x98: {  	s19 =	sld [smem:$0x3FDB];
	_ =	sdelay $0x1  }
0x99: {  	s20 =	simm.s32 $_scs_section_size  }
0x9a: {  	s4 =	simm.s32 $_size__tile_overlayer_lowered;
	s5 =	simm.s32 $_tile_overlayer_lowered  }
0x9b: {  	s6 =	simm.s32 $0x1BFF;
	s21 =	sshll.u32 s5, $0x1;
	s3 =	sadd.s32 s20, s19  }
0x9c: {  	s22 =	simm.s32 $0x0;
	s4 =	sshll.u32 s4, $0x1;
	s5 =	sadd.s32 s21, s3  }
0x9d: {  	[timem:s22], [sflag:s6] =	dma.local [hbm:s5], s4  }
0x9e: {  	_ =	swait.ge [sflag:s6], s4  }
0x9f: {  	s4 =	ssub.s32 $0x0, s4;
	[sflag:s6] =	ssyncset.done $0x0  }
0xa0: {  	[sflag:s6] =	ssyncadd.s32 s4;
	_ =	sdelay $0x1  }
0xa1: {  	s23 =	simm.s32 $0x1B8B  }
0xa2: {  	_ =	swait.ge [sflag:s23], $0x1  }
0xa3: {  	[sflag:s23] =	ssyncset.done $0x0  }
0xa4: {  	[sflag:s23] =	ssyncadd.s32 $0xFFFFFFFF  }
0xa5: {  	s4 =	sld [smem:$0x0]  }
0xa6: {  	s5 =	sand.u32 $0xFFFFFFFE, s1  }
0xa7: {  	p0 =	sne.s32 s1, s5  }
0xa8: {  	s5 =	sshll.u32 @p0 s5, $0xE  }
0xa9: {  	s5 =	sadd.s32 @p0 $0x11B8D, s5;
	s6 =	sshll.u32 @p0 s4, $0x11  }
0xaa: {  	s5 =	sor.u32 @p0 s6, s5  }
0xab: {  	[sflag:s5] =	ssyncadd.remote.s32 @p0 $0x1;
	_ =	sdelay $0x1  }
0xac: {  	s5 =	simm.s32 @p0 $0x1B8D  }
0xad: {  	_ =	swait.eq @p0 [sflag:s5], $0x1  }
0xae: {  	[sflag:s5] =	ssyncadd.s32 @p0 $0xFFFFFFFF  }
0xaf: {  	s6 =	sshll.u32 @!p0 s1, $0xE  }
0xb0: {  	s6 =	sor.u32 @!p0 $0x4000, s6;
	s5 =	simm.s32 @!p0 $0x1B8D  }
0xb1: {  	s4 =	sshll.u32 @!p0 s4, $0x11;
	s6 =	sadd.s32 @!p0 $0x11B8D, s6;
	_ =	swait.eq @!p0 [sflag:s5], $0x1  }
0xb2: {  	s4 =	sor.u32 @!p0 s4, s6;
	[sflag:s5] =	ssyncadd.s32 @!p0 $0xFFFFFFFF  }
0xb3: {  	s25 =	simm.s32 $0x1B8E;
	s24 =	sld [smem:$0x3FFE];
	[sflag:s4] =	ssyncadd.remote.s32 @!p0 $0x1  }
0xb4: {  	s26 =	simm.s32 $execute0_lowered;
	[smem:$0x3FD2] =	sst s25  }
0xb5: {  	s5 =	sshll.u32 s26, $0x1;
	_ =	strace $0x80000049;
	[dreg:$0x1] =	wrdreg $0xFFFFFFFF  }
0xb6: {  	s28 =	simm.s32 $_size_execute0_lowered;
	s3 =	sadd.s32 s3, s5;
	[dreg:$0x0] =	wrdreg $0x0  }
0xb7: {  	s5 =	sshll.u32 s28, $0x1;
	[dreg:$0x2] =	wrdreg s3  }
0xb8: {  	[dreg:$0x3] =	wrdreg s5  }
0xb9: {  	[dreg:$0x4] =	wrdreg $0xC0  }
0xba: {  	_ =	task [dreg:s22], $0x5FFFF  }
0xbb: {  	[dreg:$0x1] =	wrdreg $0xFFFFFFFF  }
0xbc: {  	[dreg:$0x0] =	wrdreg $0x60  }
0xbd: {  	[dreg:$0x2] =	wrdreg s24  }
0xbe: {  	[dreg:$0x3] =	wrdreg $0xA  }
0xbf: {  	_ =	task.clear_ibuf [dreg:s22], $0x4FFFF;
	_ =	strace $0x90000049  }
0xc0: {  	s29 =	simm.s32 $0xA;
	_ =	strace $0x8000004B  }
0xc1: {  	_ =	swait.ge [sflag:s29], $0x1  }
0xc2: {  	[sflag:s29] =	ssyncadd.s32 $0xFFFFFFFF  }
0xc3: {  	_ =	strace $0x9000004B  }
0xc4: {  	_ =	sfence  }
0xc5: {  	s30 =	sld [smem:$0x0];
	_ =	sdelay $0x2  }
0xc6: {  	s31 =	sshll.u32 s1, $0xD;
	s1 =	sshrl.u32 s1, $0x2  }
0xc7: {  	s4 =	sand.u32 $0x4000, s31;
	s1 =	sadd.s32 s1, s30  }
0xc8: {  	s0 =	sor.u32 s4, s0;
	s1 =	sshll.u32 s1, $0x11  }
0xc9: {  	s0 =	sor.u32 s1, s0  }
0xca: {  	s0 =	sadd.s32 $0x8F2B, s0  }
0xcb: {  	[sflag:s0] =	ssyncadd.remote.s32 $0x1  }
0xcc: {  	_ =	sfence.sel $0xFFFF  }
0xcd: {  	[dreg:$0x0] =	wrdreg $0xFFFFFFFF;
	(pc) =	sbr.abs _section_cstart, $3  }
0xce: {  	[dreg:$0x1] =	wrdreg $0xFFFFFFFF  }
0xcf: {  	_ =	task.clear_ibuf [dreg:s22], $0x2FFFF;
	_ =	strace $0x9FFFFFFF  }
0xd0: {  	(tm) =	ssettm $0x7FFFFFFF  }
0xd1: {  	_ =	shalt  }
tec
execute0_lowered:
.L_overlay_start_1:
0x0: {  	(tag) =	ssettag $0x1  }
0x1: {  	s4 =	rddreg [dreg:$0x0]  }
0x2: {  	s0 =	rddreg [dreg:$0x1];
	s2 =	simm.s32 $0x0;
	s1 =	stileid.u32  }
0x3: {  	s3 =	srdreg.scid;
	s12 =	simm.s32 $0x1;
	s13 =	simm.s32 $0x2  }
0x4: {  	s14 =	simm.s32 $0x0;
	[smem:$0x7FF] =	sst s2;
	s5 =	smul.u32 $0x32000, s1  }
0x5: {  	s6 =	sand.u32 $0x1, s3;
	s7 =	smul.u32 $0x3200, s1;
	s8 =	sadd.s32 $0x2200, s4  }
0x6: {  	s3 =	sadd.s32 $0x8A00, s4;
	s9 =	ssub.s32 $0x2, s6;
	s10 =	smul.u32 $0x1900, s6  }
0x7: {  	_ =	strace $0x8000004A;
	s6 =	smul.u32 $0x19000, s6;
	s11 =	sshrl.u32 s9, $0x1  }
0x8: {  	s5 =	sadd.s32 s5, s4;
	s29 =	ssub.s32 s9, s11;
	s7 =	sadd.s32 s10, s7  }
0x9: {  	s5 =	sadd.s32 s6, s5;
	s9 =	simm.s32 $0x80;
	s10 =	simm.s32 $0x100  }
0xa: {  	s11 =	simm.s32 $0x4100;
	s4 =	smax.u32 s29, $0x1;
	s30 =	sor.u32 $0x80, s7  }
0xb: {  	s5 =	sadd.s32 $0xF4AE00, s5;
	s7 =	sshrl.u32 s7, $0x3;
	s31 =	sshrl.u32 s30, $0x3  }
0xc: {  	s6 =	sadd.s32 s7, s8;
	s7 =	sadd.s32 s31, s8;
	s8 =	simm.s32 $0x3  }
.LBB2_1:
0xd: {  	s15 =	sadd.s32 $0x0, s6  }
0xe: {  	[tilespmem:s2], [sflag:$0x3] =	stream.linear.gather [hbm4b:s15+s2], $0x80, $0x38;
	[tilespmem:$0x8100] =	vst v63  }
0xf: {  	_ =	swait.ge [sflag:s8], $0x80  }
0x10: {  	[sflag:s8] =	ssyncset.done $0x0  }
0x11: {  	s30 =	sadd.s32 $0x0, s7;
	[sflag:s8] =	ssyncadd.s32 $0xFFFFFF80  }
0x12: {  	[tilespmem:s9], [sflag:$0x3] =	stream.linear.gather [hbm4b:s30+s2], $0x80, $0x38;
	[tilespmem:$0x8100] =	vst v63  }
0x13: {  	_ =	swait.ge [sflag:s8], $0x80  }
0x14: {  	[sflag:s8] =	ssyncset.done $0x0  }
0x15: {  	[sflag:s8] =	ssyncadd.s32 $0xFFFFFF80  }
0x16: {  	[tilespmem:s10], [sflag:$0x1] =	stream.indirect.gather [hbm4b:s3+s9], $0x80, s2, s9, $0xb8;
	[tilespmem:$0x8100] =	vst v63  }
0x17: {  	_ = 	snop  }
0x18: {  	[tilespmem:s11], [sflag:$0x2] =	stream.indirect.gather [hbm4b:s3+s9], $0x80, s9, s9, $0xb8;
	[tilespmem:$0x8100] =	vst v63  }
0x19: {  	_ =	swait.ge [sflag:s12], $0x4000  }
0x1a: {  	[sflag:s12] =	ssyncset.done $0x0  }
0x1b: {  	[sflag:s12] =	ssyncadd.s32 $0xFFFFC000  }
0x1c: {  	[hbm4b:s5+s2] =	stream.linear.scatter [tilespmem:s10], [sflag:$0x3], $0x4000, $0x38;
	[tilespmem:$0x8100] =	vst v63  }
0x1d: {  	_ =	swait.ge [sflag:s8], $0x4000  }
0x1e: {  	[sflag:s8] =	ssyncset.done $0x0  }
0x1f: {  	[sflag:s8] =	ssyncadd.s32 $0xFFFFC000  }
0x20: {  	_ =	swait.ge [sflag:s13], $0x4000  }
0x21: {  	[sflag:s13] =	ssyncset.done $0x0  }
0x22: {  	s31 =	sadd.s32 $0x800, s5;
	[sflag:s13] =	ssyncadd.s32 $0xFFFFC000  }
0x23: {  	[hbm4b:s31+s2] =	stream.linear.scatter [tilespmem:s11], [sflag:$0x3], $0x4000, $0x38;
	[tilespmem:$0x8100] =	vst v63  }
0x24: {  	s16 =	simm.s32 $0x20;
	_ =	swait.ge [sflag:s8], $0x4000  }
0x25: {  	s17 =	simm.s32 $0x40;
	s15 =	sadd.s32 $0x1000, s5;
	[sflag:s8] =	ssyncset.done $0x0  }
.LBB2_2:
0x26: {  	s18 =	sadd.s32 s16, s6  }
0x27: {  	[sflag:s8] =	ssyncadd.s32 $0xFFFFC000;
	s19 =	smov.u32 s17;
	s20 =	sadd.s32 $0x20, s17  }
0x28: {  	[tilespmem:s2], [sflag:$0x3] =	stream.linear.gather [hbm4b:s18+s2], $0x80, $0x38;
	[tilespmem:$0x8100] =	vst v63  }
0x29: {  	p0 =	sne.s32 s17, $0x300;
	_ =	swait.ge [sflag:s8], $0x80  }
0x2a: {  	[sflag:s8] =	ssyncset.done $0x0  }
0x2b: {  	s17 =	sadd.s32 s16, s7;
	s16 =	smov.u32 s19;
	[sflag:s8] =	ssyncadd.s32 $0xFFFFFF80  }
0x2c: {  	[tilespmem:s9], [sflag:$0x3] =	stream.linear.gather [hbm4b:s17+s2], $0x80, $0x38;
	[tilespmem:$0x8100] =	vst v63  }
0x2d: {  	_ =	swait.ge [sflag:s8], $0x80  }
0x2e: {  	[sflag:s8] =	ssyncset.done $0x0  }
0x2f: {  	[sflag:s8] =	ssyncadd.s32 $0xFFFFFF80  }
0x30: {  	[tilespmem:s10], [sflag:$0x1] =	stream.indirect.gather [hbm4b:s3+s9], $0x80, s2, s9, $0xb8;
	[tilespmem:$0x8100] =	vst v63  }
0x31: {  	_ = 	snop  }
0x32: {  	[tilespmem:s11], [sflag:$0x2] =	stream.indirect.gather [hbm4b:s3+s9], $0x80, s9, s9, $0xb8;
	[tilespmem:$0x8100] =	vst v63  }
0x33: {  	_ =	swait.ge [sflag:s12], $0x4000  }
0x34: {  	[sflag:s12] =	ssyncset.done $0x0  }
0x35: {  	[sflag:s12] =	ssyncadd.s32 $0xFFFFC000  }
0x36: {  	[hbm4b:s15+s2] =	stream.linear.scatter [tilespmem:s10], [sflag:$0x3], $0x4000, $0x38;
	[tilespmem:$0x8100] =	vst v63  }
0x37: {  	_ =	swait.ge [sflag:s8], $0x4000  }
0x38: {  	[sflag:s8] =	ssyncset.done $0x0  }
0x39: {  	[sflag:s8] =	ssyncadd.s32 $0xFFFFC000  }
0x3a: {  	_ =	swait.ge [sflag:s13], $0x4000  }
.Ltmp0:
0x3b: {  	[sflag:s13] =	ssyncset.done $0x0;
	(pc) =	sbr.rel @p0 .LBB2_2-.Ltmp0, $4  }
0x3c: {  	s17 =	sadd.s32 $0x800, s15;
	[sflag:s13] =	ssyncadd.s32 $0xFFFFC000  }
0x3d: {  	[hbm4b:s17+s2] =	stream.linear.scatter [tilespmem:s11], [sflag:$0x3], $0x4000, $0x38;
	[tilespmem:$0x8100] =	vst v63  }
0x3e: {  	_ =	swait.ge [sflag:s8], $0x4000  }
0x3f: {  	s15 =	sadd.s32 $0x1000, s15;
	s17 =	smov.u32 s20;
	[sflag:s8] =	ssyncset.done $0x0  }
0x40: {  	s17 =	sadd.s32 s16, s6;
	[sflag:s8] =	ssyncadd.s32 $0xFFFFC000  }
0x41: {  	[tilespmem:s2], [sflag:$0x3] =	stream.linear.gather [hbm4b:s17+s2], $0x80, $0x38;
	[tilespmem:$0x8100] =	vst v63  }
0x42: {  	_ =	swait.ge [sflag:s8], $0x80  }
0x43: {  	[sflag:s8] =	ssyncset.done $0x0  }
0x44: {  	s30 =	sadd.s32 s16, s7;
	[sflag:s8] =	ssyncadd.s32 $0xFFFFFF80  }
0x45: {  	[tilespmem:s9], [sflag:$0x3] =	stream.linear.gather [hbm4b:s30+s2], $0x80, $0x38;
	[tilespmem:$0x8100] =	vst v63  }
0x46: {  	_ =	swait.ge [sflag:s8], $0x80  }
0x47: {  	[sflag:s8] =	ssyncset.done $0x0  }
0x48: {  	[sflag:s8] =	ssyncadd.s32 $0xFFFFFF80  }
0x49: {  	[tilespmem:s10], [sflag:$0x1] =	stream.indirect.gather [hbm4b:s3+s9], $0x80, s2, s9, $0xb8;
	[tilespmem:$0x8100] =	vst v63  }
0x4a: {  	_ = 	snop  }
0x4b: {  	[tilespmem:s11], [sflag:$0x2] =	stream.indirect.gather [hbm4b:s3+s9], $0x80, s9, s9, $0xb8;
	[tilespmem:$0x8100] =	vst v63  }
0x4c: {  	_ =	swait.ge [sflag:s12], $0x4000  }
0x4d: {  	[sflag:s12] =	ssyncset.done $0x0  }
0x4e: {  	[sflag:s12] =	ssyncadd.s32 $0xFFFFC000  }
0x4f: {  	[hbm4b:s15+s2] =	stream.linear.scatter [tilespmem:s10], [sflag:$0x3], $0x4000, $0x38;
	[tilespmem:$0x8100] =	vst v63  }
0x50: {  	_ =	swait.ge [sflag:s8], $0x4000  }
0x51: {  	[sflag:s8] =	ssyncset.done $0x0  }
0x52: {  	[sflag:s8] =	ssyncadd.s32 $0xFFFFC000  }
0x53: {  	s14 =	sadd.s32 $0x1, s14;
	_ =	swait.ge [sflag:s13], $0x4000  }
0x54: {  	p0 =	sne.s32 s14, s4;
	[sflag:s13] =	ssyncset.done $0x0  }
.Ltmp1:
0x55: {  	s31 =	sadd.s32 $0x800, s15;
	[sflag:s13] =	ssyncadd.s32 $0xFFFFC000;
	(pc) =	sbr.rel @p0 .LBB2_1-.Ltmp1, $4  }
0x56: {  	[hbm4b:s31+s2] =	stream.linear.scatter [tilespmem:s11], [sflag:$0x3], $0x4000, $0x38;
	[tilespmem:$0x8100] =	vst v63  }
0x57: {  	_ =	swait.ge [sflag:s8], $0x4000  }
0x58: {  	[sflag:s8] =	ssyncset.done $0x0  }
0x59: {  	[sflag:s8] =	ssyncadd.s32 $0xFFFFC000  }
0x5a: {  	_ =	sfence.sel $0x180000  }
0x5b: {  	[bflag:$0x0] =	sbarrier.arrive $0xFFFF  }
0x5c: {  	p0 =	sne.s32 s1, $0x0;
	_ =	strace $0x9000004A  }
0x5d: {  	s0 =	sadd.s32 @!p0 $0x100000, s0;
	[bflag:$0x2] =	sbarrier.arrive $0xFFFF  }
0x5e: {  	[sflag:s0] =	ssyncadd.tile.s32 @!p0 $0x1;
	_ =	shalt  }
.Lfunc_end2:
_tile_overlayer_lowered:
.L_overlay_start_2:
0x5f: {  	(tag) =	ssettag $0x2  }
0x60: {  	s0 =	rddreg [dreg:$0x0];
	s2 =	stileid.u32  }
0x61: {  	s1 =	rddreg [dreg:$0x1];
	p0 =	sne.s32 s2, $0x0  }
0x62: {  	s3 =	rddreg [dreg:$0x2];
	[bflag:$0x3] =	sbarrier.arrive $0xFFFF;
	s2 =	simm.s32 @!p0 $0x1C03  }
0x63: {  	[timem:s3], [sflag:s2] =	dma.local @!p0 [hbm:s0], s1  }
0x64: {  	s0 =	simm.s32 @!p0 $0x3  }
0x65: {  	_ =	swait.ge @!p0 [sflag:s0], s1  }
0x66: {  	s1 =	ssub.s32 @!p0 $0x0, s1;
	[sflag:s0] =	ssyncset.done @!p0 $0x0  }
0x67: {  	[sflag:s0] =	ssyncadd.s32 @!p0 s1  }
0x68: {  	[bflag:$0x3] =	sbarrier.arrive $0xFFFF  }
0x69: {  	_ =	shalt  }

// kernel: sparse-core-data-format-call.cloned.1.call-start
scs
called_computation_lowered:
.L_overlay_start_0:
0x0: {  	s2 =	sld [smem:$0x3FD9]  }
0x1: {  	s3 =	sld [smem:$0x3FFE];
	_ =	sdelay $0x1  }
0x2: {  	s1 =	srdreg.scid  }
0x3: {  	s0 =	sand.u32 $0x1, s1  }
0x4: {  	s15 =	sshll.u32 s0, $0xA;
	s2 =	sadd.s32 s3, s2  }
0x5: {  	s2 =	sadd.s32 s2, s15  }
0x6: {  	[smem:$0x3FBE] =	sst s2  }
0x7: {  	_ = 	snop  }
0x8: {  	s2 =	sld [smem:$0x3FD0];
	_ =	sdelay $0x2  }
0x9: {  	s16 =	simm.s32 $0xB;
	s4 =	simm.s32 $0x10  }
0xa: {  	[smem:s4], [sflag:s16] =	dma.local [hbm:s2], $0x1  }
0xb: {  	_ =	swait.eq [sflag:s16], $0x1  }
0xc: {  	[sflag:s16] =	ssyncset.done $0x0  }
0xd: {  	[sflag:s16] =	ssyncadd.s32 $0xFFFFFFFF  }
0xe: {  	s17 =	sld [smem:$0x11];
	(tm) =	ssettm $0x1  }
0xf: {  	s18 =	sld [smem:$0x3FFB];
	_ =	sdelay $0x3  }
0x10: {  	_ =	strace s18  }
0x11: {  	s3 =	sld [smem:$0x3FFC];
	_ =	sdelay $0x3  }
0x12: {  	_ =	strace s3  }
0x13: {  	s3 =	sld [smem:$0x3FFD];
	_ =	sdelay $0x3  }
0x14: {  	_ =	strace s3  }
0x15: {  	_ =	strace $0x8FFFFFFF  }
0x16: {  	s19 =	sld [smem:$0x3FDB];
	_ =	sdelay $0x1  }
0x17: {  	s20 =	simm.s32 $_scs_section_size  }
0x18: {  	s5 =	simm.s32 $_size__tile_overlayer_lowered;
	s6 =	simm.s32 $_tile_overlayer_lowered  }
0x19: {  	s23 =	simm.s32 $0x1BFF;
	s22 =	sshll.u32 s6, $0x1;
	s3 =	sadd.s32 s20, s19  }
0x1a: {  	s7 =	simm.s32 $0x0;
	s21 =	sshll.u32 s5, $0x1;
	s5 =	sadd.s32 s22, s3  }
0x1b: {  	[timem:s7], [sflag:s23] =	dma.local [hbm:s5], s21  }
0x1c: {  	_ =	swait.ge [sflag:s23], s21  }
0x1d: {  	s4 =	ssub.s32 $0x0, s21;
	[sflag:s23] =	ssyncset.done $0x0  }
0x1e: {  	[sflag:s23] =	ssyncadd.s32 s4;
	_ =	sdelay $0x1  }
0x1f: {  	s24 =	simm.s32 $0x1B8B  }
0x20: {  	_ =	swait.ge [sflag:s24], $0x1  }
0x21: {  	[sflag:s24] =	ssyncset.done $0x0  }
0x22: {  	s26 =	simm.s32 $0x1B8E;
	s25 =	sld [smem:$0x3FFE];
	[sflag:s24] =	ssyncadd.s32 $0xFFFFFFFF  }
0x23: {  	s27 =	simm.s32 $execute0_lowered;
	[smem:$0x3FD2] =	sst s26  }
0x24: {  	s5 =	sshll.u32 s27, $0x1;
	_ =	strace $0x8000004C;
	[dreg:$0x1] =	wrdreg $0xFFFFFFFF  }
0x25: {  	s28 =	simm.s32 $_size_execute0_lowered;
	s3 =	sadd.s32 s3, s5;
	[dreg:$0x0] =	wrdreg $0x0  }
0x26: {  	s5 =	sshll.u32 s28, $0x1;
	[dreg:$0x2] =	wrdreg s3  }
0x27: {  	[dreg:$0x3] =	wrdreg s5  }
0x28: {  	[dreg:$0x4] =	wrdreg $0xC0  }
0x29: {  	_ =	task [dreg:s7], $0x5FFFF  }
0x2a: {  	[dreg:$0x1] =	wrdreg $0xFFFFFFFF  }
0x2b: {  	[dreg:$0x0] =	wrdreg $0x60  }
0x2c: {  	[dreg:$0x2] =	wrdreg s25  }
0x2d: {  	[dreg:$0x3] =	wrdreg s17  }
0x2e: {  	[dreg:$0x4] =	wrdreg $0x9  }
0x2f: {  	_ =	task.clear_ibuf [dreg:s7], $0x5FFFF;
	_ =	strace $0x9000004C  }
0x30: {  	s29 =	simm.s32 $0x9;
	_ =	strace $0x8000004E  }
0x31: {  	_ =	swait.ge [sflag:s29], $0x1  }
0x32: {  	[sflag:s29] =	ssyncadd.s32 $0xFFFFFFFF  }
0x33: {  	_ =	strace $0x9000004E  }
0x34: {  	_ =	sfence  }
0x35: {  	s30 =	sld [smem:$0x0];
	_ =	sdelay $0x2  }
0x36: {  	s31 =	sshll.u32 s1, $0xD;
	s1 =	sshrl.u32 s1, $0x2  }
0x37: {  	s3 =	sand.u32 $0x4000, s31;
	s1 =	sadd.s32 s1, s30  }
0x38: {  	s0 =	sor.u32 s3, s0;
	s1 =	sshll.u32 s1, $0x11  }
0x39: {  	s0 =	sor.u32 s1, s0  }
0x3a: {  	s0 =	sadd.s32 $0x8F2B, s0  }
0x3b: {  	[sflag:s0] =	ssyncadd.remote.s32 $0x1  }
0x3c: {  	_ =	sfence.sel $0xFFFF  }
0x3d: {  	[dreg:$0x0] =	wrdreg $0xFFFFFFFF;
	(pc) =	sbr.abs _section_cstart, $3  }
0x3e: {  	[dreg:$0x1] =	wrdreg $0xFFFFFFFF  }
0x3f: {  	_ =	task.clear_ibuf [dreg:s7], $0x2FFFF;
	_ =	strace $0x9FFFFFFF  }
0x40: {  	(tm) =	ssettm $0x7FFFFFFF  }
0x41: {  	_ =	shalt  }
tec
execute0_lowered:
.L_overlay_start_1:
0x0: {  	(tag) =	ssettag $0x1  }
0x1: {  	s0 =	srdreg.scid  }
0x2: {  	s1 =	sshll.u32 s0, $0x4  }
0x3: {  	s0 =	stileid.u32;
	s1 =	sand.u32 $0x10, s1  }
0x4: {  	s1 =	sor.u32 s0, s1  }
0x5: {  	s6 =	rddreg [dreg:$0x0];
	s4 =	simm.s32 $0x1;
	s2 =	sshll.u32 s1, $0x7  }
0x6: {  	s7 =	simm.s32 $0x2;
	s12 =	simm.s32 $0x0;
	s1 =	ssub.s32 $0x1000, s2  }
0x7: {  	s8 =	simm.s32 $0x8000;
	s13 =	simm.s32 $0x0;
	s3 =	sand.u32 $0xF80, s1  }
0x8: {  	s9 =	simm.s32 $0x0;
	s5 =	sshrl.u32 s1, $0xC;
	p0 =	sne.s32 s3, $0x0  }
.Ltmp0:
0x9: {  	s1 =	rddreg [dreg:$0x2];
	s4 =	simm.s32 @!p0 $0x0;
	(pc) =	sbr.rel .LBB1_1-.Ltmp0, $4  }
0xa: {  	s11 =	simm.s32 $0x0;
	s3 =	rddreg [dreg:$0x1];
	s5 =	sadd.s32 s4, s5  }
0xb: {  	_ =	strace $0x8000004D;
	s4 =	simm.s32 $0x1;
	s5 =	smul.u32 $0x32, s5  }
0xc: {  	s6 =	sadd.s32 $0x642200, s6;
	s10 =	smov.u32 s2;
	[sflag:s4] =	ssyncpa.u1 $0x0  }
0xd: {  	p0 =	por $0x0, $0x0;
	[sflag:s7] =	ssyncpa.u1 $0x0;
	s7 =	sor.u32 $0x1, s5  }
.LBB1_4:
0xe: {  	s16 =	sshll.u32 s13, $0x3;
	s17 =	sand.u32 $0x78, s13  }
0xf: {  	s30 =	sand.u32 $0x7E00, s13;
	s12 =	sshll.u32 s12, $0xF;
	s16 =	sand.u32 $0xC00, s16  }
0x10: {  	[tilespmem:s15+$0x810 ss:$0x81] =	vst.msk $0xffff, v2;
	s31 =	sand.u32 $0x7, s13;
	s16 =	sor.u32 s17, s16;
	s17 =	sadd.s32 s3, s30  }
0x11: {  	[tilespmem:s15+$0x1020 ss:$0x81] =	vst.msk $0xffff, v0;
	s13 =	sshll.u32 s31, $0x12;
	s12 =	sadd.s32 s12, s17;
	s16 =	sshrl.u32 s16, $0x3  }
0x12: {  	[tilespmem:s15+$0x0 ss:$0x81] =	vst.msk $0xffff, v1;
	s13 =	sor.u32 $0x400, s13;
	s12 =	sadd.s32 s16, s12  }
0x13: {  	[hbm4b:s12+s13] =	stream.strided.scatter [tilespmem:s14], [sflag:$0x2], $0x2000, s8, s13, $0x20;
	[tilespmem:$0x8080] =	vst v63  }
.LBB1_5:
0x14: {  	s14 =	sadd.s32 $0x1, s9  }
0x15: {  	s12 =	sadd.s32 $0x1000, s10;
	s16 =	smov.u32 s10;
	p2 =	sgt.s32 s14, $0x31  }
0x16: {  	s16 =	smov.u32 @p2 s12  }
0x17: {  	s14 =	simm.s32 @p2 $0x0;
	p2 =	sgt.s32 s16, $0xFFF  }
0x18: {  	s16 =	smov.u32 @p2 s2;
	p2 =	sne.s32 s11, s7  }
.Ltmp1:
0x19: {  	p1 =	slt.u32 s11, $0x2;
	(pc) =	sbr.rel @!p2 .LBB1_6-.Ltmp1, $4  }
0x1a: {  	s15 =	simm.s32 @!p1 $0x2  }
0x1b: {  	s13 =	smov.u32 s10;
	p0 =	por !p0, !p0;
	_ =	swait.ge @!p1 [sflag:s15], $0x2000  }
0x1c: {  	s12 =	smov.u32 s9;
	[sflag:s15] =	ssyncset.done @!p1 $0x0;
	s9 =	smov.u32 s14  }
0x1d: {  	s11 =	sadd.s32 $0x1, s11;
	[sflag:s15] =	ssyncadd.s32 @!p1 $0xFFFFE000;
	s10 =	smov.u32 s16  }
.LBB1_1:
0x1e: {  	p1 =	sge.u32 s11, s5  }
0x1f: {  	s14 =	sand.u32 @!p1 $0x1FFFFFF, s9  }
0x20: {  	s15 =	smulhi.u32 @!p1 $0x4924925, s14;
	_ =	sdelay $0x1  }
0x21: {  	s15 =	smul.u32 @!p1 $0x38, s15  }
0x22: {  	s16 =	sxor.u32 @!p1 $0xFFFFFFFF, s11;
	s17 =	smul.u32 @!p1 $0x380, s10  }
0x23: {  	s31 =	sadd.s32 $0xFFFFFFFF, s11;
	s16 =	sshll.u32 @!p1 s16, $0xD;
	s14 =	ssub.s32 @!p1 s14, s15  }
0x24: {  	s15 =	sand.u32 @!p1 $0x2000, s16;
	s16 =	sadd.s32 @!p1 s6, s17;
	s14 =	sshll.u32 @!p1 s14, $0x4  }
0x25: {  	s17 =	simm.s32 @!p1 $0x1C00;
	s14 =	sadd.s32 @!p1 s14, s16;
	s16 =	simm.s32 @!p1 $0x40  }
0x26: {  	[tilespmem:s15], [sflag:$0x1] =	stream.strided.gather @!p1 [hbm4b:s14+s16], $0x2000, s17, s16, $0x38;
	[tilespmem:$0x8080] =	vst v63  }
0x27: {  	p1 =	sge.u32 s31, s5  }
.Ltmp2:
0x28: {  	_ = 	snop;
	(pc) =	sbr.rel @p1 .LBB1_5-.Ltmp2, $1  }
0x29: {  	_ =	sdelay $0x3  }
0x2a: {  	s14 =	simm.s32 $0x1  }
0x2b: {  	_ =	swait.ge [sflag:s4], $0x2000;
	s14 =	simm.s32 @!p0 $0x0  }
0x2c: {  	[sflag:s4] =	ssyncset.done $0x0;
	s15 =	sshll.u32 s14, $0xD  }
0x2d: {  	[sflag:s4] =	ssyncadd.s32 $0xFFFFE000;
	s18 =	sor.u32 $0x20, s15  }
0x2e: {  	s14 =	smul.u32 $0x8100, s14;
	v3 =	vld [tilespmem:s18+$0x10]  }
0x2f: {  	s30 =	sand.u32 $0x1, s11;
	v2 =	vld [tilespmem:s18+$0xFFFFFFF0]  }
0x30: {  	s15 =	smul.u32 $0x8100, s30;
	s14 =	sshrl.u32 s14, $0x2;
	v0 =	vld [tilespmem:s18+$0x0]  }
0x31: {  	v1 =	vld [tilespmem:s18+$0xFFFFFFE0];
	s16 =	sor.u32 $0x4000, s14  }
0x32: {  	s31 =	sshrl.u32 s15, $0x2;
	s15 =	sadd.s32 $0x0, s16  }
0x33: {  	s17 =	simm.s32 $0x4;
	s18 =	sadd.s32 $0x40, s18;
	s14 =	sor.u32 $0x4000, s31;
	[tilespmem:s15+$0x1830 ss:$0x81] =	vst.msk $0xffff, v3  }
.LBB1_3:
0x34: {  	v3 =	vld [tilespmem:s18+$0x10];
	p1 =	sne.s32 s17, $0x1FC;
	[tilespmem:s15+$0x810 ss:$0x81] =	vst.msk $0xffff, v2;
	s19 =	smov.u32 s17;
	s17 =	sadd.s32 $0x4, s17  }
.Ltmp3:
0x35: {  	v2 =	vld [tilespmem:s18+$0xFFFFFFF0];
	[tilespmem:s15+$0x1020 ss:$0x81] =	vst.msk $0xffff, v0;
	(pc) =	sbr.rel @p1 .LBB1_3-.Ltmp3, $4  }
0x36: {  	v0 =	vld [tilespmem:s18+$0x0];
	[tilespmem:s15+$0x0 ss:$0x81] =	vst.msk $0xffff, v1  }
0x37: {  	s15 =	sshra.s32 s19, $0x2;
	v1 =	vld [tilespmem:s18+$0xFFFFFFE0]  }
0x38: {  	s15 =	sadd.s32 s15, s16  }
0x39: {  	s18 =	sadd.s32 $0x40, s18;
	[tilespmem:s15+$0x1830 ss:$0x81] =	vst.msk $0xffff, v3  }
.Ltmp4:
0x3a: {  	_ = 	snop;
	(pc) =	sbr.rel .LBB1_4-.Ltmp4, $1  }
0x3b: {  	_ =	sdelay $0x3  }
.LBB1_6:
0x3c: {  	_ =	sfence.sel $0x180000  }
0x3d: {  	s2 =	simm.s32 $0x1;
	[bflag:$0x0] =	sbarrier.arrive $0xFFFF  }
0x3e: {  	s31 =	simm.s32 $0x2;
	[sflag:s2] =	ssyncpa.u1 $0x1  }
0x3f: {  	[sflag:s31] =	ssyncpa.u1 $0x1  }
0x40: {  	p0 =	sne.s32 s0, $0x0;
	_ =	strace $0x9000004D  }
0x41: {  	s0 =	sadd.s32 @!p0 $0x100000, s1;
	[bflag:$0x2] =	sbarrier.arrive $0xFFFF  }
0x42: {  	[sflag:s0] =	ssyncadd.tile.s32 @!p0 $0x1;
	_ =	shalt  }
.Lfunc_end1:
_tile_overlayer_lowered:
.L_overlay_start_2:
0x43: {  	(tag) =	ssettag $0x2  }
0x44: {  	s0 =	rddreg [dreg:$0x0];
	s2 =	stileid.u32  }
0x45: {  	s1 =	rddreg [dreg:$0x1];
	p0 =	sne.s32 s2, $0x0  }
0x46: {  	s3 =	rddreg [dreg:$0x2];
	[bflag:$0x3] =	sbarrier.arrive $0xFFFF;
	s2 =	simm.s32 @!p0 $0x1C01  }
0x47: {  	[timem:s3], [sflag:s2] =	dma.local @!p0 [hbm:s0], s1  }
0x48: {  	s0 =	simm.s32 @!p0 $0x1  }
0x49: {  	_ =	swait.ge @!p0 [sflag:s0], s1  }
0x4a: {  	s1 =	ssub.s32 @!p0 $0x0, s1;
	[sflag:s0] =	ssyncset.done @!p0 $0x0  }
0x4b: {  	[sflag:s0] =	ssyncadd.s32 @!p0 s1  }
0x4c: {  	[bflag:$0x3] =	sbarrier.arrive $0xFFFF  }
0x4d: {  	_ =	shalt  }

</sc_bundles>
